<compile_context>
chip_gen: v7x
topology: tpu7x:2x2x1
jax: 0.10.2.dev20260603
libtpu: 0.0.44.dev20260713+nightly
codegen_flags: <defaults>
</compile_context>

<pallas_src>
import functools

import jax
import jax.numpy as jnp
from jax import lax
from jax.experimental import pallas as pl
from jax.experimental.pallas import tpu as pltpu
from jax.experimental.pallas import tpu_sc as plsc

_NBUF = 2


def _make_gather(B, F, V, D, num_cores, num_subcores):
    NW = num_cores * num_subcores
    b_per_w = B // NW
    NI = b_per_w * F
    NB = 8
    CH = NB * F
    CP = 256
    n_ch = b_per_w // NB
    NG = CH // 16
    D2 = 2 * D
    splits = []
    off = 0
    while off < CH:
        w = min(128, CH - off)
        splits.append((off, w))
        off += w
    assert n_ch % _NBUF == 0
    mesh = plsc.VectorSubcoreMesh(core_axis_name="c", subcore_axis_name="s")

    @functools.partial(
        pl.kernel,
        out_type=jax.ShapeDtypeStruct((B, F * D), jnp.float32),
        mesh=mesh,
        scratch_types=[
            pltpu.VMEM((NI,), jnp.int32),
            pltpu.VMEM((n_ch * CP,), jnp.int32),
            pltpu.VMEM((_NBUF, CH, D2), jnp.float32),
            pltpu.VMEM((NB, F * D), jnp.float32),
            [pltpu.SemaphoreType.DMA] * _NBUF,
        ],
        compiler_params=pltpu.CompilerParams(use_tc_tiling_on_sc=True),
    )
    def gather_kernel(idx_hbm, tbl_hbm, out_hbm, idx_v, pair_v, rows_v,
                      packed_v, gsems):
        wid = lax.axis_index("s") * num_cores + lax.axis_index("c")
        b0 = wid * b_per_w
        one_v = jnp.full((16,), 1, jnp.int32)

        pltpu.sync_copy(idx_hbm.at[pl.ds(wid * NI, NI)], idx_v)

        def shift_body(i, carry):
            def g_body(g, c2):
                iv = idx_v[pl.ds(i * CH + g * 16, 16)]
                pair_v[pl.ds(i * CP + g * 16, 16)] = (
                    jax.lax.shift_right_logical(iv, one_v)
                )
                return c2

            lax.fori_loop(0, NG, g_body, 0)
            return carry

        lax.fori_loop(0, n_ch, shift_body, 0)

        def fire_gather(i, b):
            for (o, w) in splits:
                pltpu.async_copy(
                    tbl_hbm.at[pair_v.at[pl.ds(i * CP + o, w)]],
                    rows_v.at[b].at[pl.ds(o, w)],
                    gsems[b],
                )

        def wait_gather(i, b):
            for (o, w) in splits:
                pltpu.make_async_copy(
                    tbl_hbm.at[pair_v.at[pl.ds(i * CP + o, w)]],
                    rows_v.at[b].at[pl.ds(o, w)],
                    gsems[b],
                ).wait()

        def compact(i, b):
            def group_body(g, carry):
                par16 = jnp.bitwise_and(idx_v[pl.ds(i * CH + g * 16, 16)],
                                        one_v)
                for l in range(16):
                    k = g * 16 + l
                    bb = k // F
                    f = k % F
                    src0 = par16[l] * D
                    dst0 = f * D
                    for c in range(D // 16):
                        packed_v[bb, pl.ds(dst0 + c * 16, 16)] = rows_v[
                            b, k, pl.ds(src0 + c * 16, 16)
                        ]
                return carry

            lax.fori_loop(0, NG, group_body, 0)

        def store_out(i):
            pltpu.sync_copy(packed_v, out_hbm.at[pl.ds(b0 + i * NB, NB)])

        for b in range(_NBUF):
            fire_gather(b, b)

        def body(it, carry):
            i0 = it * _NBUF
            for b in range(_NBUF):
                i = i0 + b
                wait_gather(i, b)
                compact(i, b)
                store_out(i)

                @pl.when(i + _NBUF < n_ch)
                def _():
                    fire_gather(i + _NBUF, b)
            return carry

        lax.fori_loop(0, n_ch // _NBUF, body, 0)

    return gather_kernel


def kernel(x, table):
    B, F = x.shape
    V, D = table.shape
    flat_idx = x.reshape(B * F).astype(jnp.int32)
    tbl2 = table.reshape(V // 2, 2 * D)
    gather = _make_gather(B, F, V, D, 2, 16)
    return gather(flat_idx, tbl2)

# --- scband reference (transcript-rebuilt; emitter-appended) ---
"""Pipeline reference for scband-base-30803505447376 (READ-ONLY COPY).

The authoritative reference and input builder live on the scoring server;
editing this copy changes nothing except your own understanding.
"""

import jax, jax.numpy as jnp
import numpy as np

VOCAB = 1000000
HIDDEN = 64
BATCH = 16384
N_FIELDS = 26


def setup_inputs(seed: int = 0) -> dict:
    key = jax.random.key(seed)
    k1, k2 = jax.random.split(key)
    x = jax.random.randint(k1, (BATCH, N_FIELDS), 0, VOCAB, dtype=jnp.int64 if jax.config.jax_enable_x64 else jnp.int32)
    # single shared embedding table (vocab_size passed as a single int -> one nn.Embedding)
    table = jax.random.normal(k2, (VOCAB, HIDDEN), dtype=jnp.float32)
    return {"x": x, "table": table}


def reference(x, table):
    # Faithful translation of Base.embed_input with a single shared table:
    # embs = [emb(x[:, i]) for i in range(x.shape[1])]; torch.cat(embs, dim=1)
    embs = [jnp.take(table, x[:, i], axis=0) for i in range(x.shape[1])]
    return jnp.concatenate(embs, axis=1)

if __name__ == "__main__":
    import jax
    _d = setup_inputs()
    print(jax.jit(kernel)(*tuple(_d.values())))

</pallas_src>

<mosaic_0001>
#map = affine_map<(d0, d1) -> (0)>
#map1 = affine_map<(d0, d1) -> (0, 0)>
module attributes {stable_mosaic.version = 14 : i64} {
  func.func @gather_kernel(%arg0: i32, %arg1: i32, %arg2: memref<425984xi32, #tpu.memory_space<hbm>>, %arg3: memref<500000x128xf32, #tpu.memory_space<hbm>>, %arg4: memref<16384x1664xf32, #tpu.memory_space<hbm>>, %arg5: memref<13312xi32, #tpu.memory_space<vmem>>, %arg6: memref<16384xi32, #tpu.memory_space<vmem>>, %arg7: memref<2x208x128xf32, #tpu.memory_space<vmem>>, %arg8: memref<8x1664xf32, #tpu.memory_space<vmem>>, %arg9: memref<!tpu.dma_semaphore, #tpu.memory_space<semaphore_mem>>, %arg10: memref<!tpu.dma_semaphore, #tpu.memory_space<semaphore_mem>>) attributes {dimension_semantics = [#tpu.dimension_semantics<core_parallel>, #tpu.dimension_semantics<subcore_parallel>], iteration_bounds = array<i64: 2, 16>, scalar_prefetch = 0 : i64, scratch_operands = 6 : i64, tpu.core_type = #tpu.core_type<sc_vector_subcore>, window_params = [{transform_indices = #map}, {transform_indices = #map1}, {transform_indices = #map1}]} {
    %mul3A = arith.constant 2 : i32
    %mul3A_0 = arith.muli %arg1, %mul3A : i32
    %add3A = arith.addi %mul3A_0, %arg0 : i32
    %mul3A_1 = arith.constant 512 : i32
    %mul3A_2 = arith.muli %add3A, %mul3A_1 : i32
    %broadcast_in_dim3A = arith.constant 1 : i32
    %broadcast_in_dim3A_3 = vector.broadcast %broadcast_in_dim3A : i32 to vector<16xi32>
    %mul3A_4 = arith.constant 13312 : i32
    %mul3A_5 = arith.muli %add3A, %mul3A_4 : i32
    "tpu.region"() ({
      %run_scoped3A = tpu.sem_alloc : memref<!tpu.dma_semaphore, #tpu.memory_space<semaphore_mem>>
      %dma_start3A_68 = tpu.memref_slice %arg2[%mul3A_5] : memref<425984xi32, #tpu.memory_space<hbm>> -> memref<13312xi32, #tpu.memory_space<hbm>>
      %dma_start3A_69 = tpu.memref_slice %arg2[%mul3A_5] : memref<425984xi32, #tpu.memory_space<hbm>> -> memref<13312xi32, #tpu.memory_space<hbm>>
      tpu.enqueue_dma source(%dma_start3A_69 : memref<13312xi32, #tpu.memory_space<hbm>>) target(%arg5 : memref<13312xi32, #tpu.memory_space<vmem>>) target_semaphore(%run_scoped3A : memref<!tpu.dma_semaphore, #tpu.memory_space<semaphore_mem>>)
      %dma_wait3A = tpu.memref_slice %arg2[%mul3A_5] : memref<425984xi32, #tpu.memory_space<hbm>> -> memref<13312xi32, #tpu.memory_space<hbm>>
      %dma_wait3A_70 = tpu.memref_slice %arg2[%mul3A_5] : memref<425984xi32, #tpu.memory_space<hbm>> -> memref<13312xi32, #tpu.memory_space<hbm>>
      tpu.wait_dma2 semaphore(%run_scoped3A : memref<!tpu.dma_semaphore, #tpu.memory_space<semaphore_mem>>) src(%dma_wait3A_70 : memref<13312xi32, #tpu.memory_space<hbm>>) dst(%arg5 : memref<13312xi32, #tpu.memory_space<vmem>>)
      tpu.yield
    }) : () -> ()
    %scan3A = arith.constant 0 : i32
    %scan3A_6 = arith.constant 0 : i32
    %scan3A_7 = arith.constant 64 : i32
    %scan3A_8 = arith.addi %scan3A_6, %scan3A_7 : i32
    %scan3A_9 = arith.constant 1 : i32
    scf.for %scan3A_68 = %scan3A_6 to %scan3A_8 step %scan3A_9  : i32 {
      %scan3A_69 = arith.constant 0 : i32
      %scan3A_70 = arith.constant 0 : i32
      %scan3A_71 = arith.constant 13 : i32
      %scan3A_72 = arith.addi %scan3A_70, %scan3A_71 : i32
      %scan3A_73 = arith.constant 1 : i32
      scf.for %scan3A_75 = %scan3A_70 to %scan3A_72 step %scan3A_73  : i32 {
        %mul3A_76 = arith.constant 208 : i32
        %mul3A_77 = arith.muli %scan3A_68, %mul3A_76 : i32
        %mul3A_78 = arith.constant 16 : i32
        %mul3A_79 = arith.muli %scan3A_75, %mul3A_78 : i32
        %add3A_80 = arith.addi %mul3A_77, %mul3A_79 : i32
        %get3A = arith.index_cast %add3A_80 : i32 to index
        %get3A_81 = tpu.vector_load %arg5[%get3A] {strides = array<i32>} : memref<13312xi32, #tpu.memory_space<vmem>>, vector<16xi32>,
        %get3A_82 = vector.shape_cast %get3A_81 : vector<16xi32> to vector<16xi32>
        %shift_right_logical3A = arith.shrui %get3A_82, %broadcast_in_dim3A_3 : vector<16xi32>
        %mul3A_83 = arith.constant 256 : i32
        %mul3A_84 = arith.muli %scan3A_68, %mul3A_83 : i32
        %mul3A_85 = arith.constant 16 : i32
        %mul3A_86 = arith.muli %scan3A_75, %mul3A_85 : i32
        %add3A_87 = arith.addi %mul3A_84, %mul3A_86 : i32
        %swap3A = arith.index_cast %add3A_87 : i32 to index
        %swap3A_88 = tpu.vector_load %arg6[%swap3A] {strides = array<i32>} : memref<16384xi32, #tpu.memory_space<vmem>>, vector<16xi32>,
        %swap3A_89 = vector.shape_cast %swap3A_88 : vector<16xi32> to vector<16xi32>
        %swap3A_90 = vector.shape_cast %shift_right_logical3A : vector<16xi32> to vector<16xi32>
        tpu.vector_store %arg6[%swap3A], %swap3A_90 {strides = array<i32>} : memref<16384xi32, #tpu.memory_space<vmem>>, vector<16xi32>,
      }
      %scan3A_74 = arith.constant 13 : i32
    }
    %scan3A_10 = arith.constant 64 : i32
    %dma_start3A = arith.constant 0 : i32
    %dma_start3A_11 = arith.constant 0 : i32
    %dma_start3A_12 = arith.constant 0 : i32
    %dma_start3A_13 = tpu.memref_slice %arg7[%dma_start3A, %dma_start3A_11, %dma_start3A_12] : memref<2x208x128xf32, #tpu.memory_space<vmem>> -> memref<1x208x128xf32, #tpu.memory_space<vmem>>
    %dma_start3A_14 = tpu.memref_squeeze %dma_start3A_13 : memref<1x208x128xf32, #tpu.memory_space<vmem>> -> memref<208x128xf32, #tpu.memory_space<vmem>>
    %dma_start3A_15 = arith.constant 0 : i32
    %dma_start3A_16 = arith.constant 0 : i32
    %dma_start3A_17 = tpu.memref_slice %dma_start3A_14[%dma_start3A_15, %dma_start3A_16] : memref<208x128xf32, #tpu.memory_space<vmem>> -> memref<128x128xf32, #tpu.memory_space<vmem>>
    %dma_start3A_18 = arith.constant 0 : i32
    %dma_start3A_19 = tpu.memref_slice %arg6[%dma_start3A_18] : memref<16384xi32, #tpu.memory_space<vmem>> -> memref<128xi32, #tpu.memory_space<vmem>>
    %dma_start3A_20 = arith.constant 0 : i32
    %dma_start3A_21 = arith.constant 0 : i32
    %dma_start3A_22 = tpu.memref_slice %arg3[%dma_start3A_20, %dma_start3A_21] : memref<500000x128xf32, #tpu.memory_space<hbm>> -> memref<500000x128xf32, #tpu.memory_space<hbm>>
    tpu.enqueue_indirect_dma source(%dma_start3A_22 : memref<500000x128xf32, #tpu.memory_space<hbm>>) target(%dma_start3A_17 : memref<128x128xf32, #tpu.memory_space<vmem>>) offsets(%dma_start3A_19 : memref<128xi32, #tpu.memory_space<vmem>>) semaphore(%arg9 : memref<!tpu.dma_semaphore, #tpu.memory_space<semaphore_mem>>)
    %dma_start3A_23 = arith.constant 0 : i32
    %dma_start3A_24 = arith.constant 0 : i32
    %dma_start3A_25 = arith.constant 0 : i32
    %dma_start3A_26 = tpu.memref_slice %arg7[%dma_start3A_23, %dma_start3A_24, %dma_start3A_25] : memref<2x208x128xf32, #tpu.memory_space<vmem>> -> memref<1x208x128xf32, #tpu.memory_space<vmem>>
    %dma_start3A_27 = tpu.memref_squeeze %dma_start3A_26 : memref<1x208x128xf32, #tpu.memory_space<vmem>> -> memref<208x128xf32, #tpu.memory_space<vmem>>
    %dma_start3A_28 = arith.constant 128 : i32
    %dma_start3A_29 = arith.constant 0 : i32
    %dma_start3A_30 = tpu.memref_slice %dma_start3A_27[%dma_start3A_28, %dma_start3A_29] : memref<208x128xf32, #tpu.memory_space<vmem>> -> memref<80x128xf32, #tpu.memory_space<vmem>>
    %dma_start3A_31 = arith.constant 128 : i32
    %dma_start3A_32 = tpu.memref_slice %arg6[%dma_start3A_31] : memref<16384xi32, #tpu.memory_space<vmem>> -> memref<80xi32, #tpu.memory_space<vmem>>
    %dma_start3A_33 = arith.constant 0 : i32
    %dma_start3A_34 = arith.constant 0 : i32
    %dma_start3A_35 = tpu.memref_slice %arg3[%dma_start3A_33, %dma_start3A_34] : memref<500000x128xf32, #tpu.memory_space<hbm>> -> memref<500000x128xf32, #tpu.memory_space<hbm>>
    tpu.enqueue_indirect_dma source(%dma_start3A_35 : memref<500000x128xf32, #tpu.memory_space<hbm>>) target(%dma_start3A_30 : memref<80x128xf32, #tpu.memory_space<vmem>>) offsets(%dma_start3A_32 : memref<80xi32, #tpu.memory_space<vmem>>) semaphore(%arg9 : memref<!tpu.dma_semaphore, #tpu.memory_space<semaphore_mem>>)
    %dma_start3A_36 = arith.constant 1 : i32
    %dma_start3A_37 = arith.constant 0 : i32
    %dma_start3A_38 = arith.constant 0 : i32
    %dma_start3A_39 = tpu.memref_slice %arg7[%dma_start3A_36, %dma_start3A_37, %dma_start3A_38] : memref<2x208x128xf32, #tpu.memory_space<vmem>> -> memref<1x208x128xf32, #tpu.memory_space<vmem>>
    %dma_start3A_40 = tpu.memref_squeeze %dma_start3A_39 : memref<1x208x128xf32, #tpu.memory_space<vmem>> -> memref<208x128xf32, #tpu.memory_space<vmem>>
    %dma_start3A_41 = arith.constant 0 : i32
    %dma_start3A_42 = arith.constant 0 : i32
    %dma_start3A_43 = tpu.memref_slice %dma_start3A_40[%dma_start3A_41, %dma_start3A_42] : memref<208x128xf32, #tpu.memory_space<vmem>> -> memref<128x128xf32, #tpu.memory_space<vmem>>
    %dma_start3A_44 = arith.constant 256 : i32
    %dma_start3A_45 = tpu.memref_slice %arg6[%dma_start3A_44] : memref<16384xi32, #tpu.memory_space<vmem>> -> memref<128xi32, #tpu.memory_space<vmem>>
    %dma_start3A_46 = arith.constant 0 : i32
    %dma_start3A_47 = arith.constant 0 : i32
    %dma_start3A_48 = tpu.memref_slice %arg3[%dma_start3A_46, %dma_start3A_47] : memref<500000x128xf32, #tpu.memory_space<hbm>> -> memref<500000x128xf32, #tpu.memory_space<hbm>>
    tpu.enqueue_indirect_dma source(%dma_start3A_48 : memref<500000x128xf32, #tpu.memory_space<hbm>>) target(%dma_start3A_43 : memref<128x128xf32, #tpu.memory_space<vmem>>) offsets(%dma_start3A_45 : memref<128xi32, #tpu.memory_space<vmem>>) semaphore(%arg10 : memref<!tpu.dma_semaphore, #tpu.memory_space<semaphore_mem>>)
    %dma_start3A_49 = arith.constant 1 : i32
    %dma_start3A_50 = arith.constant 0 : i32
    %dma_start3A_51 = arith.constant 0 : i32
    %dma_start3A_52 = tpu.memref_slice %arg7[%dma_start3A_49, %dma_start3A_50, %dma_start3A_51] : memref<2x208x128xf32, #tpu.memory_space<vmem>> -> memref<1x208x128xf32, #tpu.memory_space<vmem>>
    %dma_start3A_53 = tpu.memref_squeeze %dma_start3A_52 : memref<1x208x128xf32, #tpu.memory_space<vmem>> -> memref<208x128xf32, #tpu.memory_space<vmem>>
    %dma_start3A_54 = arith.constant 128 : i32
    %dma_start3A_55 = arith.constant 0 : i32
    %dma_start3A_56 = tpu.memref_slice %dma_start3A_53[%dma_start3A_54, %dma_start3A_55] : memref<208x128xf32, #tpu.memory_space<vmem>> -> memref<80x128xf32, #tpu.memory_space<vmem>>
    %dma_start3A_57 = arith.constant 384 : i32
    %dma_start3A_58 = tpu.memref_slice %arg6[%dma_start3A_57] : memref<16384xi32, #tpu.memory_space<vmem>> -> memref<80xi32, #tpu.memory_space<vmem>>
    %dma_start3A_59 = arith.constant 0 : i32
    %dma_start3A_60 = arith.constant 0 : i32
    %dma_start3A_61 = tpu.memref_slice %arg3[%dma_start3A_59, %dma_start3A_60] : memref<500000x128xf32, #tpu.memory_space<hbm>> -> memref<500000x128xf32, #tpu.memory_space<hbm>>
    tpu.enqueue_indirect_dma source(%dma_start3A_61 : memref<500000x128xf32, #tpu.memory_space<hbm>>) target(%dma_start3A_56 : memref<80x128xf32, #tpu.memory_space<vmem>>) offsets(%dma_start3A_58 : memref<80xi32, #tpu.memory_space<vmem>>) semaphore(%arg10 : memref<!tpu.dma_semaphore, #tpu.memory_space<semaphore_mem>>)
    %scan3A_62 = arith.constant 0 : i32
    %scan3A_63 = arith.constant 0 : i32
    %scan3A_64 = arith.constant 32 : i32
    %scan3A_65 = arith.addi %scan3A_63, %scan3A_64 : i32
    %scan3A_66 = arith.constant 1 : i32
    scf.for %scan3A_68 = %scan3A_63 to %scan3A_65 step %scan3A_66  : i32 {
      %mul3A_69 = arith.constant 2 : i32
      %mul3A_70 = arith.muli %scan3A_68, %mul3A_69 : i32
      %add3A_71 = arith.constant 0 : i32
      %add3A_72 = arith.addi %mul3A_70, %add3A_71 : i32
      %mul3A_73 = arith.constant 256 : i32
      %mul3A_74 = arith.muli %add3A_72, %mul3A_73 : i32
      %add3A_75 = arith.constant 0 : i32
      %add3A_76 = arith.addi %mul3A_74, %add3A_75 : i32
      %dma_wait3A = arith.constant 0 : i32
      %dma_wait3A_77 = arith.constant 0 : i32
      %dma_wait3A_78 = arith.constant 0 : i32
      %dma_wait3A_79 = tpu.memref_slice %arg7[%dma_wait3A, %dma_wait3A_77, %dma_wait3A_78] : memref<2x208x128xf32, #tpu.memory_space<vmem>> -> memref<1x208x128xf32, #tpu.memory_space<vmem>>
      %dma_wait3A_80 = tpu.memref_squeeze %dma_wait3A_79 : memref<1x208x128xf32, #tpu.memory_space<vmem>> -> memref<208x128xf32, #tpu.memory_space<vmem>>
      %dma_wait3A_81 = arith.constant 0 : i32
      %dma_wait3A_82 = arith.constant 0 : i32
      %dma_wait3A_83 = tpu.memref_slice %dma_wait3A_80[%dma_wait3A_81, %dma_wait3A_82] : memref<208x128xf32, #tpu.memory_space<vmem>> -> memref<128x128xf32, #tpu.memory_space<vmem>>
      %dma_wait3A_84 = tpu.memref_slice %arg6[%add3A_76] : memref<16384xi32, #tpu.memory_space<vmem>> -> memref<128xi32, #tpu.memory_space<vmem>>
      %dma_wait3A_85 = arith.constant 0 : i32
      %dma_wait3A_86 = arith.constant 0 : i32
      %dma_wait3A_87 = tpu.memref_slice %arg3[%dma_wait3A_85, %dma_wait3A_86] : memref<500000x128xf32, #tpu.memory_space<hbm>> -> memref<500000x128xf32, #tpu.memory_space<hbm>>
      tpu.wait_indirect_dma semaphore(%arg9 : memref<!tpu.dma_semaphore, #tpu.memory_space<semaphore_mem>>) src(%dma_wait3A_87 : memref<500000x128xf32, #tpu.memory_space<hbm>>) dst(%dma_wait3A_83 : memref<128x128xf32, #tpu.memory_space<vmem>>)
      %mul3A_88 = arith.constant 256 : i32
      %mul3A_89 = arith.muli %add3A_72, %mul3A_88 : i32
      %add3A_90 = arith.constant 128 : i32
      %add3A_91 = arith.addi %mul3A_89, %add3A_90 : i32
      %dma_wait3A_92 = arith.constant 0 : i32
      %dma_wait3A_93 = arith.constant 0 : i32
      %dma_wait3A_94 = arith.constant 0 : i32
      %dma_wait3A_95 = tpu.memref_slice %arg7[%dma_wait3A_92, %dma_wait3A_93, %dma_wait3A_94] : memref<2x208x128xf32, #tpu.memory_space<vmem>> -> memref<1x208x128xf32, #tpu.memory_space<vmem>>
      %dma_wait3A_96 = tpu.memref_squeeze %dma_wait3A_95 : memref<1x208x128xf32, #tpu.memory_space<vmem>> -> memref<208x128xf32, #tpu.memory_space<vmem>>
      %dma_wait3A_97 = arith.constant 128 : i32
      %dma_wait3A_98 = arith.constant 0 : i32
      %dma_wait3A_99 = tpu.memref_slice %dma_wait3A_96[%dma_wait3A_97, %dma_wait3A_98] : memref<208x128xf32, #tpu.memory_space<vmem>> -> memref<80x128xf32, #tpu.memory_space<vmem>>
      %dma_wait3A_100 = tpu.memref_slice %arg6[%add3A_91] : memref<16384xi32, #tpu.memory_space<vmem>> -> memref<80xi32, #tpu.memory_space<vmem>>
      %dma_wait3A_101 = arith.constant 0 : i32
      %dma_wait3A_102 = arith.constant 0 : i32
      %dma_wait3A_103 = tpu.memref_slice %arg3[%dma_wait3A_101, %dma_wait3A_102] : memref<500000x128xf32, #tpu.memory_space<hbm>> -> memref<500000x128xf32, #tpu.memory_space<hbm>>
      tpu.wait_indirect_dma semaphore(%arg9 : memref<!tpu.dma_semaphore, #tpu.memory_space<semaphore_mem>>) src(%dma_wait3A_103 : memref<500000x128xf32, #tpu.memory_space<hbm>>) dst(%dma_wait3A_99 : memref<80x128xf32, #tpu.memory_space<vmem>>)
      %scan3A_104 = arith.constant 0 : i32
      %scan3A_105 = arith.constant 0 : i32
      %scan3A_106 = arith.constant 13 : i32
      %scan3A_107 = arith.addi %scan3A_105, %scan3A_106 : i32
      %scan3A_108 = arith.constant 1 : i32
      scf.for %scan3A_167 = %scan3A_105 to %scan3A_107 step %scan3A_108  : i32 {
        %mul3A_168 = arith.constant 208 : i32
        %mul3A_169 = arith.muli %add3A_72, %mul3A_168 : i32
        %mul3A_170 = arith.constant 16 : i32
        %mul3A_171 = arith.muli %scan3A_167, %mul3A_170 : i32
        %add3A_172 = arith.addi %mul3A_169, %mul3A_171 : i32
        %get3A = arith.index_cast %add3A_172 : i32 to index
        %get3A_173 = tpu.vector_load %arg5[%get3A] {strides = array<i32>} : memref<13312xi32, #tpu.memory_space<vmem>>, vector<16xi32>,
        %get3A_174 = vector.shape_cast %get3A_173 : vector<16xi32> to vector<16xi32>
        %and3A = arith.andi %get3A_174, %broadcast_in_dim3A_3 : vector<16xi32>
        %mul3A_175 = arith.constant 16 : i32
        %mul3A_176 = arith.muli %scan3A_167, %mul3A_175 : i32
        %add3A_177 = arith.constant 0 : i32
        %add3A_178 = arith.addi %mul3A_176, %add3A_177 : i32
        %jit3A = arith.constant 26 : i32
        %div3A = arith.divsi %add3A_178, %jit3A : i32
        %sign3A = arith.constant 0 : i32
        %sign3A_179 = arith.cmpi sgt, %add3A_178, %sign3A : i32
        %sign3A_180 = arith.extui %sign3A_179 : i1 to i32
        %sign3A_181 = arith.constant 0 : i32
        %sign3A_182 = arith.cmpi slt, %add3A_178, %sign3A_181 : i32
        %sign3A_183 = arith.extui %sign3A_182 : i1 to i32
        %sign3A_184 = arith.subi %sign3A_180, %sign3A_183 : i32
        %sign3A_185 = arith.constant 0 : i32
        %sign3A_186 = arith.cmpi sgt, %jit3A, %sign3A_185 : i32
        %sign3A_187 = arith.extui %sign3A_186 : i1 to i32
        %sign3A_188 = arith.constant 0 : i32
        %sign3A_189 = arith.cmpi slt, %jit3A, %sign3A_188 : i32
        %sign3A_190 = arith.extui %sign3A_189 : i1 to i32
        %sign3A_191 = arith.subi %sign3A_187, %sign3A_190 : i32
        %ne3A = arith.cmpi ne, %sign3A_184, %sign3A_191 : i32
        %rem3A = arith.remsi %add3A_178, %jit3A : i32
        %ne3A_192 = arith.constant 0 : i32
        %ne3A_193 = arith.cmpi ne, %rem3A, %ne3A_192 : i32
        %and3A_194 = arith.andi %ne3A, %ne3A_193 : i1
        %sub3A = arith.constant 1 : i32
        %sub3A_195 = arith.subi %div3A, %sub3A : i32
        %select_n3A = arith.select %and3A_194, %sub3A_195, %div3A : i32
        %jit3A_196 = arith.constant 26 : i32
        %eq3A = arith.constant 0 : i32
        %eq3A_197 = arith.cmpi eq, %jit3A_196, %eq3A : i32
        %jit3A_198 = arith.constant 1 : i32
        %select_n3A_199 = arith.select %eq3A_197, %jit3A_198, %jit3A_196 : i32
        %rem3A_200 = arith.remsi %add3A_178, %select_n3A_199 : i32
        %ne3A_201 = arith.constant 0 : i32
        %ne3A_202 = arith.cmpi ne, %rem3A_200, %ne3A_201 : i32
        %lt3A_203 = arith.constant 0 : i32
        %lt3A_204 = arith.cmpi slt, %rem3A_200, %lt3A_203 : i32
        %lt3A_205 = arith.constant 0 : i32
        %lt3A_206 = arith.cmpi slt, %select_n3A_199, %lt3A_205 : i32
        %ne3A_207 = arith.xori %lt3A_204, %lt3A_206 : i1
        %and3A_208 = arith.andi %ne3A_207, %ne3A_202 : i1
        %add3A_209 = arith.addi %rem3A_200, %select_n3A_199 : i32
        %select_n3A_210 = arith.select %and3A_208, %add3A_209, %rem3A_200 : i32
        %slice3A = vector.extract_strided_slice %and3A {offsets = [0], sizes = [1], strides = [1]} : vector<16xi32> to vector<1xi32>
        %squeeze3A = vector.extract %slice3A[0] : i32 from vector<1xi32>
        %mul3A_211 = arith.constant 64 : i32
        %mul3A_212 = arith.muli %squeeze3A, %mul3A_211 : i32
        %mul3A_213 = arith.constant 64 : i32
        %mul3A_214 = arith.muli %select_n3A_210, %mul3A_213 : i32
        %add3A_215 = arith.constant 0 : i32
        %add3A_216 = arith.addi %mul3A_212, %add3A_215 : i32
        %get3A_217 = arith.constant 0 : i32
        %get3A_218 = arith.index_cast %get3A_217 : i32 to index
        %get3A_219 = arith.index_cast %add3A_178 : i32 to index
        %get3A_220 = arith.index_cast %add3A_216 : i32 to index
        %get3A_221 = tpu.vector_load %arg7[%get3A_218, %get3A_219, %get3A_220] {strides = array<i32>} : memref<2x208x128xf32, #tpu.memory_space<vmem>>, vector<1x1x16xf32>,
        %get3A_222 = vector.shape_cast %get3A_221 : vector<1x1x16xf32> to vector<16xf32>
        %add3A_223 = arith.constant 0 : i32
        %add3A_224 = arith.addi %mul3A_214, %add3A_223 : i32
        %swap3A = arith.index_cast %select_n3A : i32 to index
        %swap3A_225 = arith.index_cast %add3A_224 : i32 to index
        %swap3A_226 = tpu.vector_load %arg8[%swap3A, %swap3A_225] {strides = array<i32>} : memref<8x1664xf32, #tpu.memory_space<vmem>>, vector<1x16xf32>,
        %swap3A_227 = vector.shape_cast %swap3A_226 : vector<1x16xf32> to vector<16xf32>
        %swap3A_228 = vector.shape_cast %get3A_222 : vector<16xf32> to vector<1x16xf32>
        tpu.vector_store %arg8[%swap3A, %swap3A_225], %swap3A_228 {strides = array<i32>} : memref<8x1664xf32, #tpu.memory_space<vmem>>, vector<1x16xf32>,
        %add3A_229 = arith.constant 16 : i32
        %add3A_230 = arith.addi %mul3A_212, %add3A_229 : i32
        %get3A_231 = arith.constant 0 : i32
        %get3A_232 = arith.index_cast %get3A_231 : i32 to index
        %get3A_233 = arith.index_cast %add3A_178 : i32 to index
        %get3A_234 = arith.index_cast %add3A_230 : i32 to index
        %get3A_235 = tpu.vector_load %arg7[%get3A_232, %get3A_233, %get3A_234] {strides = array<i32>} : memref<2x208x128xf32, #tpu.memory_space<vmem>>, vector<1x1x16xf32>,
        %get3A_236 = vector.shape_cast %get3A_235 : vector<1x1x16xf32> to vector<16xf32>
        %add3A_237 = arith.constant 16 : i32
        %add3A_238 = arith.addi %mul3A_214, %add3A_237 : i32
        %swap3A_239 = arith.index_cast %select_n3A : i32 to index
        %swap3A_240 = arith.index_cast %add3A_238 : i32 to index
        %swap3A_241 = tpu.vector_load %arg8[%swap3A_239, %swap3A_240] {strides = array<i32>} : memref<8x1664xf32, #tpu.memory_space<vmem>>, vector<1x16xf32>,
        %swap3A_242 = vector.shape_cast %swap3A_241 : vector<1x16xf32> to vector<16xf32>
        %swap3A_243 = vector.shape_cast %get3A_236 : vector<16xf32> to vector<1x16xf32>
        tpu.vector_store %arg8[%swap3A_239, %swap3A_240], %swap3A_243 {strides = array<i32>} : memref<8x1664xf32, #tpu.memory_space<vmem>>, vector<1x16xf32>,
        %add3A_244 = arith.constant 32 : i32
        %add3A_245 = arith.addi %mul3A_212, %add3A_244 : i32
        %get3A_246 = arith.constant 0 : i32
        %get3A_247 = arith.index_cast %get3A_246 : i32 to index
        %get3A_248 = arith.index_cast %add3A_178 : i32 to index
        %get3A_249 = arith.index_cast %add3A_245 : i32 to index
        %get3A_250 = tpu.vector_load %arg7[%get3A_247, %get3A_248, %get3A_249] {strides = array<i32>} : memref<2x208x128xf32, #tpu.memory_space<vmem>>, vector<1x1x16xf32>,
        %get3A_251 = vector.shape_cast %get3A_250 : vector<1x1x16xf32> to vector<16xf32>
        %add3A_252 = arith.constant 32 : i32
        %add3A_253 = arith.addi %mul3A_214, %add3A_252 : i32
        %swap3A_254 = arith.index_cast %select_n3A : i32 to index
        %swap3A_255 = arith.index_cast %add3A_253 : i32 to index
        %swap3A_256 = tpu.vector_load %arg8[%swap3A_254, %swap3A_255] {strides = array<i32>} : memref<8x1664xf32, #tpu.memory_space<vmem>>, vector<1x16xf32>,
        %swap3A_257 = vector.shape_cast %swap3A_256 : vector<1x16xf32> to vector<16xf32>
        %swap3A_258 = vector.shape_cast %get3A_251 : vector<16xf32> to vector<1x16xf32>
        tpu.vector_store %arg8[%swap3A_254, %swap3A_255], %swap3A_258 {strides = array<i32>} : memref<8x1664xf32, #tpu.memory_space<vmem>>, vector<1x16xf32>,
        %add3A_259 = arith.constant 48 : i32
        %add3A_260 = arith.addi %mul3A_212, %add3A_259 : i32
        %get3A_261 = arith.constant 0 : i32
        %get3A_262 = arith.index_cast %get3A_261 : i32 to index
        %get3A_263 = arith.index_cast %add3A_178 : i32 to index
        %get3A_264 = arith.index_cast %add3A_260 : i32 to index
        %get3A_265 = tpu.vector_load %arg7[%get3A_262, %get3A_263, %get3A_264] {strides = array<i32>} : memref<2x208x128xf32, #tpu.memory_space<vmem>>, vector<1x1x16xf32>,
        %get3A_266 = vector.shape_cast %get3A_265 : vector<1x1x16xf32> to vector<16xf32>
        %add3A_267 = arith.constant 48 : i32
        %add3A_268 = arith.addi %mul3A_214, %add3A_267 : i32
        %swap3A_269 = arith.index_cast %select_n3A : i32 to index
        %swap3A_270 = arith.index_cast %add3A_268 : i32 to index
        %swap3A_271 = tpu.vector_load %arg8[%swap3A_269, %swap3A_270] {strides = array<i32>} : memref<8x1664xf32, #tpu.memory_space<vmem>>, vector<1x16xf32>,
        %swap3A_272 = vector.shape_cast %swap3A_271 : vector<1x16xf32> to vector<16xf32>
        %swap3A_273 = vector.shape_cast %get3A_266 : vector<16xf32> to vector<1x16xf32>
        tpu.vector_store %arg8[%swap3A_269, %swap3A_270], %swap3A_273 {strides = array<i32>} : memref<8x1664xf32, #tpu.memory_space<vmem>>, vector<1x16xf32>,
        %mul3A_274 = arith.constant 16 : i32
        %mul3A_275 = arith.muli %scan3A_167, %mul3A_274 : i32
        %add3A_276 = arith.constant 1 : i32
        %add3A_277 = arith.addi %mul3A_275, %add3A_276 : i32
        %jit3A_278 = arith.constant 26 : i32
        %div3A_279 = arith.divsi %add3A_277, %jit3A_278 : i32
        %sign3A_280 = arith.constant 0 : i32
        %sign3A_281 = arith.cmpi sgt, %add3A_277, %sign3A_280 : i32
        %sign3A_282 = arith.extui %sign3A_281 : i1 to i32
        %sign3A_283 = arith.constant 0 : i32
        %sign3A_284 = arith.cmpi slt, %add3A_277, %sign3A_283 : i32
        %sign3A_285 = arith.extui %sign3A_284 : i1 to i32
        %sign3A_286 = arith.subi %sign3A_282, %sign3A_285 : i32
        %sign3A_287 = arith.constant 0 : i32
        %sign3A_288 = arith.cmpi sgt, %jit3A_278, %sign3A_287 : i32
        %sign3A_289 = arith.extui %sign3A_288 : i1 to i32
        %sign3A_290 = arith.constant 0 : i32
        %sign3A_291 = arith.cmpi slt, %jit3A_278, %sign3A_290 : i32
        %sign3A_292 = arith.extui %sign3A_291 : i1 to i32
        %sign3A_293 = arith.subi %sign3A_289, %sign3A_292 : i32
        %ne3A_294 = arith.cmpi ne, %sign3A_286, %sign3A_293 : i32
        %rem3A_295 = arith.remsi %add3A_277, %jit3A_278 : i32
        %ne3A_296 = arith.constant 0 : i32
        %ne3A_297 = arith.cmpi ne, %rem3A_295, %ne3A_296 : i32
        %and3A_298 = arith.andi %ne3A_294, %ne3A_297 : i1
        %sub3A_299 = arith.constant 1 : i32
        %sub3A_300 = arith.subi %div3A_279, %sub3A_299 : i32
        %select_n3A_301 = arith.select %and3A_298, %sub3A_300, %div3A_279 : i32
        %jit3A_302 = arith.constant 26 : i32
        %eq3A_303 = arith.constant 0 : i32
        %eq3A_304 = arith.cmpi eq, %jit3A_302, %eq3A_303 : i32
        %jit3A_305 = arith.constant 1 : i32
        %select_n3A_306 = arith.select %eq3A_304, %jit3A_305, %jit3A_302 : i32
        %rem3A_307 = arith.remsi %add3A_277, %select_n3A_306 : i32
        %ne3A_308 = arith.constant 0 : i32
        %ne3A_309 = arith.cmpi ne, %rem3A_307, %ne3A_308 : i32
        %lt3A_310 = arith.constant 0 : i32
        %lt3A_311 = arith.cmpi slt, %rem3A_307, %lt3A_310 : i32
        %lt3A_312 = arith.constant 0 : i32
        %lt3A_313 = arith.cmpi slt, %select_n3A_306, %lt3A_312 : i32
        %ne3A_314 = arith.xori %lt3A_311, %lt3A_313 : i1
        %and3A_315 = arith.andi %ne3A_314, %ne3A_309 : i1
        %add3A_316 = arith.addi %rem3A_307, %select_n3A_306 : i32
        %select_n3A_317 = arith.select %and3A_315, %add3A_316, %rem3A_307 : i32
        %slice3A_318 = vector.extract_strided_slice %and3A {offsets = [1], sizes = [1], strides = [1]} : vector<16xi32> to vector<1xi32>
        %squeeze3A_319 = vector.extract %slice3A_318[0] : i32 from vector<1xi32>
        %mul3A_320 = arith.constant 64 : i32
        %mul3A_321 = arith.muli %squeeze3A_319, %mul3A_320 : i32
        %mul3A_322 = arith.constant 64 : i32
        %mul3A_323 = arith.muli %select_n3A_317, %mul3A_322 : i32
        %add3A_324 = arith.constant 0 : i32
        %add3A_325 = arith.addi %mul3A_321, %add3A_324 : i32
        %get3A_326 = arith.constant 0 : i32
        %get3A_327 = arith.index_cast %get3A_326 : i32 to index
        %get3A_328 = arith.index_cast %add3A_277 : i32 to index
        %get3A_329 = arith.index_cast %add3A_325 : i32 to index
        %get3A_330 = tpu.vector_load %arg7[%get3A_327, %get3A_328, %get3A_329] {strides = array<i32>} : memref<2x208x128xf32, #tpu.memory_space<vmem>>, vector<1x1x16xf32>,
        %get3A_331 = vector.shape_cast %get3A_330 : vector<1x1x16xf32> to vector<16xf32>
        %add3A_332 = arith.constant 0 : i32
        %add3A_333 = arith.addi %mul3A_323, %add3A_332 : i32
        %swap3A_334 = arith.index_cast %select_n3A_301 : i32 to index
        %swap3A_335 = arith.index_cast %add3A_333 : i32 to index
        %swap3A_336 = tpu.vector_load %arg8[%swap3A_334, %swap3A_335] {strides = array<i32>} : memref<8x1664xf32, #tpu.memory_space<vmem>>, vector<1x16xf32>,
        %swap3A_337 = vector.shape_cast %swap3A_336 : vector<1x16xf32> to vector<16xf32>
        %swap3A_338 = vector.shape_cast %get3A_331 : vector<16xf32> to vector<1x16xf32>
        tpu.vector_store %arg8[%swap3A_334, %swap3A_335], %swap3A_338 {strides = array<i32>} : memref<8x1664xf32, #tpu.memory_space<vmem>>, vector<1x16xf32>,
        %add3A_339 = arith.constant 16 : i32
        %add3A_340 = arith.addi %mul3A_321, %add3A_339 : i32
        %get3A_341 = arith.constant 0 : i32
        %get3A_342 = arith.index_cast %get3A_341 : i32 to index
        %get3A_343 = arith.index_cast %add3A_277 : i32 to index
        %get3A_344 = arith.index_cast %add3A_340 : i32 to index
        %get3A_345 = tpu.vector_load %arg7[%get3A_342, %get3A_343, %get3A_344] {strides = array<i32>} : memref<2x208x128xf32, #tpu.memory_space<vmem>>, vector<1x1x16xf32>,
        %get3A_346 = vector.shape_cast %get3A_345 : vector<1x1x16xf32> to vector<16xf32>
        %add3A_347 = arith.constant 16 : i32
        %add3A_348 = arith.addi %mul3A_323, %add3A_347 : i32
        %swap3A_349 = arith.index_cast %select_n3A_301 : i32 to index
        %swap3A_350 = arith.index_cast %add3A_348 : i32 to index
        %swap3A_351 = tpu.vector_load %arg8[%swap3A_349, %swap3A_350] {strides = array<i32>} : memref<8x1664xf32, #tpu.memory_space<vmem>>, vector<1x16xf32>,
        %swap3A_352 = vector.shape_cast %swap3A_351 : vector<1x16xf32> to vector<16xf32>
        %swap3A_353 = vector.shape_cast %get3A_346 : vector<16xf32> to vector<1x16xf32>
        tpu.vector_store %arg8[%swap3A_349, %swap3A_350], %swap3A_353 {strides = array<i32>} : memref<8x1664xf32, #tpu.memory_space<vmem>>, vector<1x16xf32>,
        %add3A_354 = arith.constant 32 : i32
        %add3A_355 = arith.addi %mul3A_321, %add3A_354 : i32
        %get3A_356 = arith.constant 0 : i32
        %get3A_357 = arith.index_cast %get3A_356 : i32 to index
        %get3A_358 = arith.index_cast %add3A_277 : i32 to index
        %get3A_359 = arith.index_cast %add3A_355 : i32 to index
        %get3A_360 = tpu.vector_load %arg7[%get3A_357, %get3A_358, %get3A_359] {strides = array<i32>} : memref<2x208x128xf32, #tpu.memory_space<vmem>>, vector<1x1x16xf32>,
        %get3A_361 = vector.shape_cast %get3A_360 : vector<1x1x16xf32> to vector<16xf32>
        %add3A_362 = arith.constant 32 : i32
        %add3A_363 = arith.addi %mul3A_323, %add3A_362 : i32
        %swap3A_364 = arith.index_cast %select_n3A_301 : i32 to index
        %swap3A_365 = arith.index_cast %add3A_363 : i32 to index
        %swap3A_366 = tpu.vector_load %arg8[%swap3A_364, %swap3A_365] {strides = array<i32>} : memref<8x1664xf32, #tpu.memory_space<vmem>>, vector<1x16xf32>,
        %swap3A_367 = vector.shape_cast %swap3A_366 : vector<1x16xf32> to vector<16xf32>
        %swap3A_368 = vector.shape_cast %get3A_361 : vector<16xf32> to vector<1x16xf32>
        tpu.vector_store %arg8[%swap3A_364, %swap3A_365], %swap3A_368 {strides = array<i32>} : memref<8x1664xf32, #tpu.memory_space<vmem>>, vector<1x16xf32>,
        %add3A_369 = arith.constant 48 : i32
        %add3A_370 = arith.addi %mul3A_321, %add3A_369 : i32
        %get3A_371 = arith.constant 0 : i32
        %get3A_372 = arith.index_cast %get3A_371 : i32 to index
        %get3A_373 = arith.index_cast %add3A_277 : i32 to index
        %get3A_374 = arith.index_cast %add3A_370 : i32 to index
        %get3A_375 = tpu.vector_load %arg7[%get3A_372, %get3A_373, %get3A_374] {strides = array<i32>} : memref<2x208x128xf32, #tpu.memory_space<vmem>>, vector<1x1x16xf32>,
        %get3A_376 = vector.shape_cast %get3A_375 : vector<1x1x16xf32> to vector<16xf32>
        %add3A_377 = arith.constant 48 : i32
        %add3A_378 = arith.addi %mul3A_323, %add3A_377 : i32
        %swap3A_379 = arith.index_cast %select_n3A_301 : i32 to index
        %swap3A_380 = arith.index_cast %add3A_378 : i32 to index
        %swap3A_381 = tpu.vector_load %arg8[%swap3A_379, %swap3A_380] {strides = array<i32>} : memref<8x1664xf32, #tpu.memory_space<vmem>>, vector<1x16xf32>,
        %swap3A_382 = vector.shape_cast %swap3A_381 : vector<1x16xf32> to vector<16xf32>
        %swap3A_383 = vector.shape_cast %get3A_376 : vector<16xf32> to vector<1x16xf32>
        tpu.vector_store %arg8[%swap3A_379, %swap3A_380], %swap3A_383 {strides = array<i32>} : memref<8x1664xf32, #tpu.memory_space<vmem>>, vector<1x16xf32>,
        %mul3A_384 = arith.constant 16 : i32
        %mul3A_385 = arith.muli %scan3A_167, %mul3A_384 : i32
        %add3A_386 = arith.constant 2 : i32
        %add3A_387 = arith.addi %mul3A_385, %add3A_386 : i32
        %jit3A_388 = arith.constant 26 : i32
        %div3A_389 = arith.divsi %add3A_387, %jit3A_388 : i32
        %sign3A_390 = arith.constant 0 : i32
        %sign3A_391 = arith.cmpi sgt, %add3A_387, %sign3A_390 : i32
        %sign3A_392 = arith.extui %sign3A_391 : i1 to i32
        %sign3A_393 = arith.constant 0 : i32
        %sign3A_394 = arith.cmpi slt, %add3A_387, %sign3A_393 : i32
        %sign3A_395 = arith.extui %sign3A_394 : i1 to i32
        %sign3A_396 = arith.subi %sign3A_392, %sign3A_395 : i32
        %sign3A_397 = arith.constant 0 : i32
        %sign3A_398 = arith.cmpi sgt, %jit3A_388, %sign3A_397 : i32
        %sign3A_399 = arith.extui %sign3A_398 : i1 to i32
        %sign3A_400 = arith.constant 0 : i32
        %sign3A_401 = arith.cmpi slt, %jit3A_388, %sign3A_400 : i32
        %sign3A_402 = arith.extui %sign3A_401 : i1 to i32
        %sign3A_403 = arith.subi %sign3A_399, %sign3A_402 : i32
        %ne3A_404 = arith.cmpi ne, %sign3A_396, %sign3A_403 : i32
        %rem3A_405 = arith.remsi %add3A_387, %jit3A_388 : i32
        %ne3A_406 = arith.constant 0 : i32
        %ne3A_407 = arith.cmpi ne, %rem3A_405, %ne3A_406 : i32
        %and3A_408 = arith.andi %ne3A_404, %ne3A_407 : i1
        %sub3A_409 = arith.constant 1 : i32
        %sub3A_410 = arith.subi %div3A_389, %sub3A_409 : i32
        %select_n3A_411 = arith.select %and3A_408, %sub3A_410, %div3A_389 : i32
        %jit3A_412 = arith.constant 26 : i32
        %eq3A_413 = arith.constant 0 : i32
        %eq3A_414 = arith.cmpi eq, %jit3A_412, %eq3A_413 : i32
        %jit3A_415 = arith.constant 1 : i32
        %select_n3A_416 = arith.select %eq3A_414, %jit3A_415, %jit3A_412 : i32
        %rem3A_417 = arith.remsi %add3A_387, %select_n3A_416 : i32
        %ne3A_418 = arith.constant 0 : i32
        %ne3A_419 = arith.cmpi ne, %rem3A_417, %ne3A_418 : i32
        %lt3A_420 = arith.constant 0 : i32
        %lt3A_421 = arith.cmpi slt, %rem3A_417, %lt3A_420 : i32
        %lt3A_422 = arith.constant 0 : i32
        %lt3A_423 = arith.cmpi slt, %select_n3A_416, %lt3A_422 : i32
        %ne3A_424 = arith.xori %lt3A_421, %lt3A_423 : i1
        %and3A_425 = arith.andi %ne3A_424, %ne3A_419 : i1
        %add3A_426 = arith.addi %rem3A_417, %select_n3A_416 : i32
        %select_n3A_427 = arith.select %and3A_425, %add3A_426, %rem3A_417 : i32
        %slice3A_428 = vector.extract_strided_slice %and3A {offsets = [2], sizes = [1], strides = [1]} : vector<16xi32> to vector<1xi32>
        %squeeze3A_429 = vector.extract %slice3A_428[0] : i32 from vector<1xi32>
        %mul3A_430 = arith.constant 64 : i32
        %mul3A_431 = arith.muli %squeeze3A_429, %mul3A_430 : i32
        %mul3A_432 = arith.constant 64 : i32
        %mul3A_433 = arith.muli %select_n3A_427, %mul3A_432 : i32
        %add3A_434 = arith.constant 0 : i32
        %add3A_435 = arith.addi %mul3A_431, %add3A_434 : i32
        %get3A_436 = arith.constant 0 : i32
        %get3A_437 = arith.index_cast %get3A_436 : i32 to index
        %get3A_438 = arith.index_cast %add3A_387 : i32 to index
        %get3A_439 = arith.index_cast %add3A_435 : i32 to index
        %get3A_440 = tpu.vector_load %arg7[%get3A_437, %get3A_438, %get3A_439] {strides = array<i32>} : memref<2x208x128xf32, #tpu.memory_space<vmem>>, vector<1x1x16xf32>,
        %get3A_441 = vector.shape_cast %get3A_440 : vector<1x1x16xf32> to vector<16xf32>
        %add3A_442 = arith.constant 0 : i32
        %add3A_443 = arith.addi %mul3A_433, %add3A_442 : i32
        %swap3A_444 = arith.index_cast %select_n3A_411 : i32 to index
        %swap3A_445 = arith.index_cast %add3A_443 : i32 to index
        %swap3A_446 = tpu.vector_load %arg8[%swap3A_444, %swap3A_445] {strides = array<i32>} : memref<8x1664xf32, #tpu.memory_space<vmem>>, vector<1x16xf32>,
        %swap3A_447 = vector.shape_cast %swap3A_446 : vector<1x16xf32> to vector<16xf32>
        %swap3A_448 = vector.shape_cast %get3A_441 : vector<16xf32> to vector<1x16xf32>
        tpu.vector_store %arg8[%swap3A_444, %swap3A_445], %swap3A_448 {strides = array<i32>} : memref<8x1664xf32, #tpu.memory_space<vmem>>, vector<1x16xf32>,
        %add3A_449 = arith.constant 16 : i32
        %add3A_450 = arith.addi %mul3A_431, %add3A_449 : i32
        %get3A_451 = arith.constant 0 : i32
        %get3A_452 = arith.index_cast %get3A_451 : i32 to index
        %get3A_453 = arith.index_cast %add3A_387 : i32 to index
        %get3A_454 = arith.index_cast %add3A_450 : i32 to index
        %get3A_455 = tpu.vector_load %arg7[%get3A_452, %get3A_453, %get3A_454] {strides = array<i32>} : memref<2x208x128xf32, #tpu.memory_space<vmem>>, vector<1x1x16xf32>,
        %get3A_456 = vector.shape_cast %get3A_455 : vector<1x1x16xf32> to vector<16xf32>
        %add3A_457 = arith.constant 16 : i32
        %add3A_458 = arith.addi %mul3A_433, %add3A_457 : i32
        %swap3A_459 = arith.index_cast %select_n3A_411 : i32 to index
        %swap3A_460 = arith.index_cast %add3A_458 : i32 to index
        %swap3A_461 = tpu.vector_load %arg8[%swap3A_459, %swap3A_460] {strides = array<i32>} : memref<8x1664xf32, #tpu.memory_space<vmem>>, vector<1x16xf32>,
        %swap3A_462 = vector.shape_cast %swap3A_461 : vector<1x16xf32> to vector<16xf32>
        %swap3A_463 = vector.shape_cast %get3A_456 : vector<16xf32> to vector<1x16xf32>
        tpu.vector_store %arg8[%swap3A_459, %swap3A_460], %swap3A_463 {strides = array<i32>} : memref<8x1664xf32, #tpu.memory_space<vmem>>, vector<1x16xf32>,
        %add3A_464 = arith.constant 32 : i32
        %add3A_465 = arith.addi %mul3A_431, %add3A_464 : i32
        %get3A_466 = arith.constant 0 : i32
        %get3A_467 = arith.index_cast %get3A_466 : i32 to index
        %get3A_468 = arith.index_cast %add3A_387 : i32 to index
        %get3A_469 = arith.index_cast %add3A_465 : i32 to index
        %get3A_470 = tpu.vector_load %arg7[%get3A_467, %get3A_468, %get3A_469] {strides = array<i32>} : memref<2x208x128xf32, #tpu.memory_space<vmem>>, vector<1x1x16xf32>,
        %get3A_471 = vector.shape_cast %get3A_470 : vector<1x1x16xf32> to vector<16xf32>
        %add3A_472 = arith.constant 32 : i32
        %add3A_473 = arith.addi %mul3A_433, %add3A_472 : i32
        %swap3A_474 = arith.index_cast %select_n3A_411 : i32 to index
        %swap3A_475 = arith.index_cast %add3A_473 : i32 to index
        %swap3A_476 = tpu.vector_load %arg8[%swap3A_474, %swap3A_475] {strides = array<i32>} : memref<8x1664xf32, #tpu.memory_space<vmem>>, vector<1x16xf32>,
        %swap3A_477 = vector.shape_cast %swap3A_476 : vector<1x16xf32> to vector<16xf32>
        %swap3A_478 = vector.shape_cast %get3A_471 : vector<16xf32> to vector<1x16xf32>
        tpu.vector_store %arg8[%swap3A_474, %swap3A_475], %swap3A_478 {strides = array<i32>} : memref<8x1664xf32, #tpu.memory_space<vmem>>, vector<1x16xf32>,
        %add3A_479 = arith.constant 48 : i32
        %add3A_480 = arith.addi %mul3A_431, %add3A_479 : i32
        %get3A_481 = arith.constant 0 : i32
        %get3A_482 = arith.index_cast %get3A_481 : i32 to index
        %get3A_483 = arith.index_cast %add3A_387 : i32 to index
        %get3A_484 = arith.index_cast %add3A_480 : i32 to index
        %get3A_485 = tpu.vector_load %arg7[%get3A_482, %get3A_483, %get3A_484] {strides = array<i32>} : memref<2x208x128xf32, #tpu.memory_space<vmem>>, vector<1x1x16xf32>,
        %get3A_486 = vector.shape_cast %get3A_485 : vector<1x1x16xf32> to vector<16xf32>
        %add3A_487 = arith.constant 48 : i32
        %add3A_488 = arith.addi %mul3A_433, %add3A_487 : i32
        %swap3A_489 = arith.index_cast %select_n3A_411 : i32 to index
        %swap3A_490 = arith.index_cast %add3A_488 : i32 to index
        %swap3A_491 = tpu.vector_load %arg8[%swap3A_489, %swap3A_490] {strides = array<i32>} : memref<8x1664xf32, #tpu.memory_space<vmem>>, vector<1x16xf32>,
        %swap3A_492 = vector.shape_cast %swap3A_491 : vector<1x16xf32> to vector<16xf32>
        %swap3A_493 = vector.shape_cast %get3A_486 : vector<16xf32> to vector<1x16xf32>
        tpu.vector_store %arg8[%swap3A_489, %swap3A_490], %swap3A_493 {strides = array<i32>} : memref<8x1664xf32, #tpu.memory_space<vmem>>, vector<1x16xf32>,
        %mul3A_494 = arith.constant 16 : i32
        %mul3A_495 = arith.muli %scan3A_167, %mul3A_494 : i32
        %add3A_496 = arith.constant 3 : i32
        %add3A_497 = arith.addi %mul3A_495, %add3A_496 : i32
        %jit3A_498 = arith.constant 26 : i32
        %div3A_499 = arith.divsi %add3A_497, %jit3A_498 : i32
        %sign3A_500 = arith.constant 0 : i32
        %sign3A_501 = arith.cmpi sgt, %add3A_497, %sign3A_500 : i32
        %sign3A_502 = arith.extui %sign3A_501 : i1 to i32
        %sign3A_503 = arith.constant 0 : i32
        %sign3A_504 = arith.cmpi slt, %add3A_497, %sign3A_503 : i32
        %sign3A_505 = arith.extui %sign3A_504 : i1 to i32
        %sign3A_506 = arith.subi %sign3A_502, %sign3A_505 : i32
        %sign3A_507 = arith.constant 0 : i32
        %sign3A_508 = arith.cmpi sgt, %jit3A_498, %sign3A_507 : i32
        %sign3A_509 = arith.extui %sign3A_508 : i1 to i32
        %sign3A_510 = arith.constant 0 : i32
        %sign3A_511 = arith.cmpi slt, %jit3A_498, %sign3A_510 : i32
        %sign3A_512 = arith.extui %sign3A_511 : i1 to i32
        %sign3A_513 = arith.subi %sign3A_509, %sign3A_512 : i32
        %ne3A_514 = arith.cmpi ne, %sign3A_506, %sign3A_513 : i32
        %rem3A_515 = arith.remsi %add3A_497, %jit3A_498 : i32
        %ne3A_516 = arith.constant 0 : i32
        %ne3A_517 = arith.cmpi ne, %rem3A_515, %ne3A_516 : i32
        %and3A_518 = arith.andi %ne3A_514, %ne3A_517 : i1
        %sub3A_519 = arith.constant 1 : i32
        %sub3A_520 = arith.subi %div3A_499, %sub3A_519 : i32
        %select_n3A_521 = arith.select %and3A_518, %sub3A_520, %div3A_499 : i32
        %jit3A_522 = arith.constant 26 : i32
        %eq3A_523 = arith.constant 0 : i32
        %eq3A_524 = arith.cmpi eq, %jit3A_522, %eq3A_523 : i32
        %jit3A_525 = arith.constant 1 : i32
        %select_n3A_526 = arith.select %eq3A_524, %jit3A_525, %jit3A_522 : i32
        %rem3A_527 = arith.remsi %add3A_497, %select_n3A_526 : i32
        %ne3A_528 = arith.constant 0 : i32
        %ne3A_529 = arith.cmpi ne, %rem3A_527, %ne3A_528 : i32
        %lt3A_530 = arith.constant 0 : i32
        %lt3A_531 = arith.cmpi slt, %rem3A_527, %lt3A_530 : i32
        %lt3A_532 = arith.constant 0 : i32
        %lt3A_533 = arith.cmpi slt, %select_n3A_526, %lt3A_532 : i32
        %ne3A_534 = arith.xori %lt3A_531, %lt3A_533 : i1
        %and3A_535 = arith.andi %ne3A_534, %ne3A_529 : i1
        %add3A_536 = arith.addi %rem3A_527, %select_n3A_526 : i32
        %select_n3A_537 = arith.select %and3A_535, %add3A_536, %rem3A_527 : i32
        %slice3A_538 = vector.extract_strided_slice %and3A {offsets = [3], sizes = [1], strides = [1]} : vector<16xi32> to vector<1xi32>
        %squeeze3A_539 = vector.extract %slice3A_538[0] : i32 from vector<1xi32>
        %mul3A_540 = arith.constant 64 : i32
        %mul3A_541 = arith.muli %squeeze3A_539, %mul3A_540 : i32
        %mul3A_542 = arith.constant 64 : i32
        %mul3A_543 = arith.muli %select_n3A_537, %mul3A_542 : i32
        %add3A_544 = arith.constant 0 : i32
        %add3A_545 = arith.addi %mul3A_541, %add3A_544 : i32
        %get3A_546 = arith.constant 0 : i32
        %get3A_547 = arith.index_cast %get3A_546 : i32 to index
        %get3A_548 = arith.index_cast %add3A_497 : i32 to index
        %get3A_549 = arith.index_cast %add3A_545 : i32 to index
        %get3A_550 = tpu.vector_load %arg7[%get3A_547, %get3A_548, %get3A_549] {strides = array<i32>} : memref<2x208x128xf32, #tpu.memory_space<vmem>>, vector<1x1x16xf32>,
        %get3A_551 = vector.shape_cast %get3A_550 : vector<1x1x16xf32> to vector<16xf32>
        %add3A_552 = arith.constant 0 : i32
        %add3A_553 = arith.addi %mul3A_543, %add3A_552 : i32
        %swap3A_554 = arith.index_cast %select_n3A_521 : i32 to index
        %swap3A_555 = arith.index_cast %add3A_553 : i32 to index
        %swap3A_556 = tpu.vector_load %arg8[%swap3A_554, %swap3A_555] {strides = array<i32>} : memref<8x1664xf32, #tpu.memory_space<vmem>>, vector<1x16xf32>,
        %swap3A_557 = vector.shape_cast %swap3A_556 : vector<1x16xf32> to vector<16xf32>
        %swap3A_558 = vector.shape_cast %get3A_551 : vector<16xf32> to vector<1x16xf32>
        tpu.vector_store %arg8[%swap3A_554, %swap3A_555], %swap3A_558 {strides = array<i32>} : memref<8x1664xf32, #tpu.memory_space<vmem>>, vector<1x16xf32>,
        %add3A_559 = arith.constant 16 : i32
        %add3A_560 = arith.addi %mul3A_541, %add3A_559 : i32
        %get3A_561 = arith.constant 0 : i32
        %get3A_562 = arith.index_cast %get3A_561 : i32 to index
        %get3A_563 = arith.index_cast %add3A_497 : i32 to index
        %get3A_564 = arith.index_cast %add3A_560 : i32 to index
        %get3A_565 = tpu.vector_load %arg7[%get3A_562, %get3A_563, %get3A_564] {strides = array<i32>} : memref<2x208x128xf32, #tpu.memory_space<vmem>>, vector<1x1x16xf32>,
        %get3A_566 = vector.shape_cast %get3A_565 : vector<1x1x16xf32> to vector<16xf32>
        %add3A_567 = arith.constant 16 : i32
        %add3A_568 = arith.addi %mul3A_543, %add3A_567 : i32
        %swap3A_569 = arith.index_cast %select_n3A_521 : i32 to index
        %swap3A_570 = arith.index_cast %add3A_568 : i32 to index
        %swap3A_571 = tpu.vector_load %arg8[%swap3A_569, %swap3A_570] {strides = array<i32>} : memref<8x1664xf32, #tpu.memory_space<vmem>>, vector<1x16xf32>,
        %swap3A_572 = vector.shape_cast %swap3A_571 : vector<1x16xf32> to vector<16xf32>
        %swap3A_573 = vector.shape_cast %get3A_566 : vector<16xf32> to vector<1x16xf32>
        tpu.vector_store %arg8[%swap3A_569, %swap3A_570], %swap3A_573 {strides = array<i32>} : memref<8x1664xf32, #tpu.memory_space<vmem>>, vector<1x16xf32>,
        %add3A_574 = arith.constant 32 : i32
        %add3A_575 = arith.addi %mul3A_541, %add3A_574 : i32
        %get3A_576 = arith.constant 0 : i32
        %get3A_577 = arith.index_cast %get3A_576 : i32 to index
        %get3A_578 = arith.index_cast %add3A_497 : i32 to index
        %get3A_579 = arith.index_cast %add3A_575 : i32 to index
        %get3A_580 = tpu.vector_load %arg7[%get3A_577, %get3A_578, %get3A_579] {strides = array<i32>} : memref<2x208x128xf32, #tpu.memory_space<vmem>>, vector<1x1x16xf32>,
        %get3A_581 = vector.shape_cast %get3A_580 : vector<1x1x16xf32> to vector<16xf32>
        %add3A_582 = arith.constant 32 : i32
        %add3A_583 = arith.addi %mul3A_543, %add3A_582 : i32
        %swap3A_584 = arith.index_cast %select_n3A_521 : i32 to index
        %swap3A_585 = arith.index_cast %add3A_583 : i32 to index
        %swap3A_586 = tpu.vector_load %arg8[%swap3A_584, %swap3A_585] {strides = array<i32>} : memref<8x1664xf32, #tpu.memory_space<vmem>>, vector<1x16xf32>,
        %swap3A_587 = vector.shape_cast %swap3A_586 : vector<1x16xf32> to vector<16xf32>
        %swap3A_588 = vector.shape_cast %get3A_581 : vector<16xf32> to vector<1x16xf32>
        tpu.vector_store %arg8[%swap3A_584, %swap3A_585], %swap3A_588 {strides = array<i32>} : memref<8x1664xf32, #tpu.memory_space<vmem>>, vector<1x16xf32>,
        %add3A_589 = arith.constant 48 : i32
        %add3A_590 = arith.addi %mul3A_541, %add3A_589 : i32
        %get3A_591 = arith.constant 0 : i32
        %get3A_592 = arith.index_cast %get3A_591 : i32 to index
        %get3A_593 = arith.index_cast %add3A_497 : i32 to index
        %get3A_594 = arith.index_cast %add3A_590 : i32 to index
        %get3A_595 = tpu.vector_load %arg7[%get3A_592, %get3A_593, %get3A_594] {strides = array<i32>} : memref<2x208x128xf32, #tpu.memory_space<vmem>>, vector<1x1x16xf32>,
        %get3A_596 = vector.shape_cast %get3A_595 : vector<1x1x16xf32> to vector<16xf32>
        %add3A_597 = arith.constant 48 : i32
        %add3A_598 = arith.addi %mul3A_543, %add3A_597 : i32
        %swap3A_599 = arith.index_cast %select_n3A_521 : i32 to index
        %swap3A_600 = arith.index_cast %add3A_598 : i32 to index
        %swap3A_601 = tpu.vector_load %arg8[%swap3A_599, %swap3A_600] {strides = array<i32>} : memref<8x1664xf32, #tpu.memory_space<vmem>>, vector<1x16xf32>,
        %swap3A_602 = vector.shape_cast %swap3A_601 : vector<1x16xf32> to vector<16xf32>
        %swap3A_603 = vector.shape_cast %get3A_596 : vector<16xf32> to vector<1x16xf32>
        tpu.vector_store %arg8[%swap3A_599, %swap3A_600], %swap3A_603 {strides = array<i32>} : memref<8x1664xf32, #tpu.memory_space<vmem>>, vector<1x16xf32>,
        %mul3A_604 = arith.constant 16 : i32
        %mul3A_605 = arith.muli %scan3A_167, %mul3A_604 : i32
        %add3A_606 = arith.constant 4 : i32
        %add3A_607 = arith.addi %mul3A_605, %add3A_606 : i32
        %jit3A_608 = arith.constant 26 : i32
        %div3A_609 = arith.divsi %add3A_607, %jit3A_608 : i32
        %sign3A_610 = arith.constant 0 : i32
        %sign3A_611 = arith.cmpi sgt, %add3A_607, %sign3A_610 : i32
        %sign3A_612 = arith.extui %sign3A_611 : i1 to i32
        %sign3A_613 = arith.constant 0 : i32
        %sign3A_614 = arith.cmpi slt, %add3A_607, %sign3A_613 : i32
        %sign3A_615 = arith.extui %sign3A_614 : i1 to i32
        %sign3A_616 = arith.subi %sign3A_612, %sign3A_615 : i32
        %sign3A_617 = arith.constant 0 : i32
        %sign3A_618 = arith.cmpi sgt, %jit3A_608, %sign3A_617 : i32
        %sign3A_619 = arith.extui %sign3A_618 : i1 to i32
        %sign3A_620 = arith.constant 0 : i32
        %sign3A_621 = arith.cmpi slt, %jit3A_608, %sign3A_620 : i32
        %sign3A_622 = arith.extui %sign3A_621 : i1 to i32
        %sign3A_623 = arith.subi %sign3A_619, %sign3A_622 : i32
        %ne3A_624 = arith.cmpi ne, %sign3A_616, %sign3A_623 : i32
        %rem3A_625 = arith.remsi %add3A_607, %jit3A_608 : i32
        %ne3A_626 = arith.constant 0 : i32
        %ne3A_627 = arith.cmpi ne, %rem3A_625, %ne3A_626 : i32
        %and3A_628 = arith.andi %ne3A_624, %ne3A_627 : i1
        %sub3A_629 = arith.constant 1 : i32
        %sub3A_630 = arith.subi %div3A_609, %sub3A_629 : i32
        %select_n3A_631 = arith.select %and3A_628, %sub3A_630, %div3A_609 : i32
        %jit3A_632 = arith.constant 26 : i32
        %eq3A_633 = arith.constant 0 : i32
        %eq3A_634 = arith.cmpi eq, %jit3A_632, %eq3A_633 : i32
        %jit3A_635 = arith.constant 1 : i32
        %select_n3A_636 = arith.select %eq3A_634, %jit3A_635, %jit3A_632 : i32
        %rem3A_637 = arith.remsi %add3A_607, %select_n3A_636 : i32
        %ne3A_638 = arith.constant 0 : i32
        %ne3A_639 = arith.cmpi ne, %rem3A_637, %ne3A_638 : i32
        %lt3A_640 = arith.constant 0 : i32
        %lt3A_641 = arith.cmpi slt, %rem3A_637, %lt3A_640 : i32
        %lt3A_642 = arith.constant 0 : i32
        %lt3A_643 = arith.cmpi slt, %select_n3A_636, %lt3A_642 : i32
        %ne3A_644 = arith.xori %lt3A_641, %lt3A_643 : i1
        %and3A_645 = arith.andi %ne3A_644, %ne3A_639 : i1
        %add3A_646 = arith.addi %rem3A_637, %select_n3A_636 : i32
        %select_n3A_647 = arith.select %and3A_645, %add3A_646, %rem3A_637 : i32
        %slice3A_648 = vector.extract_strided_slice %and3A {offsets = [4], sizes = [1], strides = [1]} : vector<16xi32> to vector<1xi32>
        %squeeze3A_649 = vector.extract %slice3A_648[0] : i32 from vector<1xi32>
        %mul3A_650 = arith.constant 64 : i32
        %mul3A_651 = arith.muli %squeeze3A_649, %mul3A_650 : i32
        %mul3A_652 = arith.constant 64 : i32
        %mul3A_653 = arith.muli %select_n3A_647, %mul3A_652 : i32
        %add3A_654 = arith.constant 0 : i32
        %add3A_655 = arith.addi %mul3A_651, %add3A_654 : i32
        %get3A_656 = arith.constant 0 : i32
        %get3A_657 = arith.index_cast %get3A_656 : i32 to index
        %get3A_658 = arith.index_cast %add3A_607 : i32 to index
        %get3A_659 = arith.index_cast %add3A_655 : i32 to index
        %get3A_660 = tpu.vector_load %arg7[%get3A_657, %get3A_658, %get3A_659] {strides = array<i32>} : memref<2x208x128xf32, #tpu.memory_space<vmem>>, vector<1x1x16xf32>,
        %get3A_661 = vector.shape_cast %get3A_660 : vector<1x1x16xf32> to vector<16xf32>
        %add3A_662 = arith.constant 0 : i32
        %add3A_663 = arith.addi %mul3A_653, %add3A_662 : i32
        %swap3A_664 = arith.index_cast %select_n3A_631 : i32 to index
        %swap3A_665 = arith.index_cast %add3A_663 : i32 to index
        %swap3A_666 = tpu.vector_load %arg8[%swap3A_664, %swap3A_665] {strides = array<i32>} : memref<8x1664xf32, #tpu.memory_space<vmem>>, vector<1x16xf32>,
        %swap3A_667 = vector.shape_cast %swap3A_666 : vector<1x16xf32> to vector<16xf32>
        %swap3A_668 = vector.shape_cast %get3A_661 : vector<16xf32> to vector<1x16xf32>
        tpu.vector_store %arg8[%swap3A_664, %swap3A_665], %swap3A_668 {strides = array<i32>} : memref<8x1664xf32, #tpu.memory_space<vmem>>, vector<1x16xf32>,
        %add3A_669 = arith.constant 16 : i32
        %add3A_670 = arith.addi %mul3A_651, %add3A_669 : i32
        %get3A_671 = arith.constant 0 : i32
        %get3A_672 = arith.index_cast %get3A_671 : i32 to index
        %get3A_673 = arith.index_cast %add3A_607 : i32 to index
        %get3A_674 = arith.index_cast %add3A_670 : i32 to index
        %get3A_675 = tpu.vector_load %arg7[%get3A_672, %get3A_673, %get3A_674] {strides = array<i32>} : memref<2x208x128xf32, #tpu.memory_space<vmem>>, vector<1x1x16xf32>,
        %get3A_676 = vector.shape_cast %get3A_675 : vector<1x1x16xf32> to vector<16xf32>
        %add3A_677 = arith.constant 16 : i32
        %add3A_678 = arith.addi %mul3A_653, %add3A_677 : i32
        %swap3A_679 = arith.index_cast %select_n3A_631 : i32 to index
        %swap3A_680 = arith.index_cast %add3A_678 : i32 to index
        %swap3A_681 = tpu.vector_load %arg8[%swap3A_679, %swap3A_680] {strides = array<i32>} : memref<8x1664xf32, #tpu.memory_space<vmem>>, vector<1x16xf32>,
        %swap3A_682 = vector.shape_cast %swap3A_681 : vector<1x16xf32> to vector<16xf32>
        %swap3A_683 = vector.shape_cast %get3A_676 : vector<16xf32> to vector<1x16xf32>
        tpu.vector_store %arg8[%swap3A_679, %swap3A_680], %swap3A_683 {strides = array<i32>} : memref<8x1664xf32, #tpu.memory_space<vmem>>, vector<1x16xf32>,
        %add3A_684 = arith.constant 32 : i32
        %add3A_685 = arith.addi %mul3A_651, %add3A_684 : i32
        %get3A_686 = arith.constant 0 : i32
        %get3A_687 = arith.index_cast %get3A_686 : i32 to index
        %get3A_688 = arith.index_cast %add3A_607 : i32 to index
        %get3A_689 = arith.index_cast %add3A_685 : i32 to index
        %get3A_690 = tpu.vector_load %arg7[%get3A_687, %get3A_688, %get3A_689] {strides = array<i32>} : memref<2x208x128xf32, #tpu.memory_space<vmem>>, vector<1x1x16xf32>,
        %get3A_691 = vector.shape_cast %get3A_690 : vector<1x1x16xf32> to vector<16xf32>
        %add3A_692 = arith.constant 32 : i32
        %add3A_693 = arith.addi %mul3A_653, %add3A_692 : i32
        %swap3A_694 = arith.index_cast %select_n3A_631 : i32 to index
        %swap3A_695 = arith.index_cast %add3A_693 : i32 to index
        %swap3A_696 = tpu.vector_load %arg8[%swap3A_694, %swap3A_695] {strides = array<i32>} : memref<8x1664xf32, #tpu.memory_space<vmem>>, vector<1x16xf32>,
        %swap3A_697 = vector.shape_cast %swap3A_696 : vector<1x16xf32> to vector<16xf32>
        %swap3A_698 = vector.shape_cast %get3A_691 : vector<16xf32> to vector<1x16xf32>
        tpu.vector_store %arg8[%swap3A_694, %swap3A_695], %swap3A_698 {strides = array<i32>} : memref<8x1664xf32, #tpu.memory_space<vmem>>, vector<1x16xf32>,
        %add3A_699 = arith.constant 48 : i32
        %add3A_700 = arith.addi %mul3A_651, %add3A_699 : i32
        %get3A_701 = arith.constant 0 : i32
        %get3A_702 = arith.index_cast %get3A_701 : i32 to index
        %get3A_703 = arith.index_cast %add3A_607 : i32 to index
        %get3A_704 = arith.index_cast %add3A_700 : i32 to index
        %get3A_705 = tpu.vector_load %arg7[%get3A_702, %get3A_703, %get3A_704] {strides = array<i32>} : memref<2x208x128xf32, #tpu.memory_space<vmem>>, vector<1x1x16xf32>,
        %get3A_706 = vector.shape_cast %get3A_705 : vector<1x1x16xf32> to vector<16xf32>
        %add3A_707 = arith.constant 48 : i32
        %add3A_708 = arith.addi %mul3A_653, %add3A_707 : i32
        %swap3A_709 = arith.index_cast %select_n3A_631 : i32 to index
        %swap3A_710 = arith.index_cast %add3A_708 : i32 to index
        %swap3A_711 = tpu.vector_load %arg8[%swap3A_709, %swap3A_710] {strides = array<i32>} : memref<8x1664xf32, #tpu.memory_space<vmem>>, vector<1x16xf32>,
        %swap3A_712 = vector.shape_cast %swap3A_711 : vector<1x16xf32> to vector<16xf32>
        %swap3A_713 = vector.shape_cast %get3A_706 : vector<16xf32> to vector<1x16xf32>
        tpu.vector_store %arg8[%swap3A_709, %swap3A_710], %swap3A_713 {strides = array<i32>} : memref<8x1664xf32, #tpu.memory_space<vmem>>, vector<1x16xf32>,
        %mul3A_714 = arith.constant 16 : i32
        %mul3A_715 = arith.muli %scan3A_167, %mul3A_714 : i32
        %add3A_716 = arith.constant 5 : i32
        %add3A_717 = arith.addi %mul3A_715, %add3A_716 : i32
        %jit3A_718 = arith.constant 26 : i32
        %div3A_719 = arith.divsi %add3A_717, %jit3A_718 : i32
        %sign3A_720 = arith.constant 0 : i32
        %sign3A_721 = arith.cmpi sgt, %add3A_717, %sign3A_720 : i32
        %sign3A_722 = arith.extui %sign3A_721 : i1 to i32
        %sign3A_723 = arith.constant 0 : i32
        %sign3A_724 = arith.cmpi slt, %add3A_717, %sign3A_723 : i32
        %sign3A_725 = arith.extui %sign3A_724 : i1 to i32
        %sign3A_726 = arith.subi %sign3A_722, %sign3A_725 : i32
        %sign3A_727 = arith.constant 0 : i32
        %sign3A_728 = arith.cmpi sgt, %jit3A_718, %sign3A_727 : i32
        %sign3A_729 = arith.extui %sign3A_728 : i1 to i32
        %sign3A_730 = arith.constant 0 : i32
        %sign3A_731 = arith.cmpi slt, %jit3A_718, %sign3A_730 : i32
        %sign3A_732 = arith.extui %sign3A_731 : i1 to i32
        %sign3A_733 = arith.subi %sign3A_729, %sign3A_732 : i32
        %ne3A_734 = arith.cmpi ne, %sign3A_726, %sign3A_733 : i32
        %rem3A_735 = arith.remsi %add3A_717, %jit3A_718 : i32
        %ne3A_736 = arith.constant 0 : i32
        %ne3A_737 = arith.cmpi ne, %rem3A_735, %ne3A_736 : i32
        %and3A_738 = arith.andi %ne3A_734, %ne3A_737 : i1
        %sub3A_739 = arith.constant 1 : i32
        %sub3A_740 = arith.subi %div3A_719, %sub3A_739 : i32
        %select_n3A_741 = arith.select %and3A_738, %sub3A_740, %div3A_719 : i32
        %jit3A_742 = arith.constant 26 : i32
        %eq3A_743 = arith.constant 0 : i32
        %eq3A_744 = arith.cmpi eq, %jit3A_742, %eq3A_743 : i32
        %jit3A_745 = arith.constant 1 : i32
        %select_n3A_746 = arith.select %eq3A_744, %jit3A_745, %jit3A_742 : i32
        %rem3A_747 = arith.remsi %add3A_717, %select_n3A_746 : i32
        %ne3A_748 = arith.constant 0 : i32
        %ne3A_749 = arith.cmpi ne, %rem3A_747, %ne3A_748 : i32
        %lt3A_750 = arith.constant 0 : i32
        %lt3A_751 = arith.cmpi slt, %rem3A_747, %lt3A_750 : i32
        %lt3A_752 = arith.constant 0 : i32
        %lt3A_753 = arith.cmpi slt, %select_n3A_746, %lt3A_752 : i32
        %ne3A_754 = arith.xori %lt3A_751, %lt3A_753 : i1
        %and3A_755 = arith.andi %ne3A_754, %ne3A_749 : i1
        %add3A_756 = arith.addi %rem3A_747, %select_n3A_746 : i32
        %select_n3A_757 = arith.select %and3A_755, %add3A_756, %rem3A_747 : i32
        %slice3A_758 = vector.extract_strided_slice %and3A {offsets = [5], sizes = [1], strides = [1]} : vector<16xi32> to vector<1xi32>
        %squeeze3A_759 = vector.extract %slice3A_758[0] : i32 from vector<1xi32>
        %mul3A_760 = arith.constant 64 : i32
        %mul3A_761 = arith.muli %squeeze3A_759, %mul3A_760 : i32
        %mul3A_762 = arith.constant 64 : i32
        %mul3A_763 = arith.muli %select_n3A_757, %mul3A_762 : i32
        %add3A_764 = arith.constant 0 : i32
        %add3A_765 = arith.addi %mul3A_761, %add3A_764 : i32
        %get3A_766 = arith.constant 0 : i32
        %get3A_767 = arith.index_cast %get3A_766 : i32 to index
        %get3A_768 = arith.index_cast %add3A_717 : i32 to index
        %get3A_769 = arith.index_cast %add3A_765 : i32 to index
        %get3A_770 = tpu.vector_load %arg7[%get3A_767, %get3A_768, %get3A_769] {strides = array<i32>} : memref<2x208x128xf32, #tpu.memory_space<vmem>>, vector<1x1x16xf32>,
        %get3A_771 = vector.shape_cast %get3A_770 : vector<1x1x16xf32> to vector<16xf32>
        %add3A_772 = arith.constant 0 : i32
        %add3A_773 = arith.addi %mul3A_763, %add3A_772 : i32
        %swap3A_774 = arith.index_cast %select_n3A_741 : i32 to index
        %swap3A_775 = arith.index_cast %add3A_773 : i32 to index
        %swap3A_776 = tpu.vector_load %arg8[%swap3A_774, %swap3A_775] {strides = array<i32>} : memref<8x1664xf32, #tpu.memory_space<vmem>>, vector<1x16xf32>,
        %swap3A_777 = vector.shape_cast %swap3A_776 : vector<1x16xf32> to vector<16xf32>
        %swap3A_778 = vector.shape_cast %get3A_771 : vector<16xf32> to vector<1x16xf32>
        tpu.vector_store %arg8[%swap3A_774, %swap3A_775], %swap3A_778 {strides = array<i32>} : memref<8x1664xf32, #tpu.memory_space<vmem>>, vector<1x16xf32>,
        %add3A_779 = arith.constant 16 : i32
        %add3A_780 = arith.addi %mul3A_761, %add3A_779 : i32
        %get3A_781 = arith.constant 0 : i32
        %get3A_782 = arith.index_cast %get3A_781 : i32 to index
        %get3A_783 = arith.index_cast %add3A_717 : i32 to index
        %get3A_784 = arith.index_cast %add3A_780 : i32 to index
        %get3A_785 = tpu.vector_load %arg7[%get3A_782, %get3A_783, %get3A_784] {strides = array<i32>} : memref<2x208x128xf32, #tpu.memory_space<vmem>>, vector<1x1x16xf32>,
        %get3A_786 = vector.shape_cast %get3A_785 : vector<1x1x16xf32> to vector<16xf32>
        %add3A_787 = arith.constant 16 : i32
        %add3A_788 = arith.addi %mul3A_763, %add3A_787 : i32
        %swap3A_789 = arith.index_cast %select_n3A_741 : i32 to index
        %swap3A_790 = arith.index_cast %add3A_788 : i32 to index
        %swap3A_791 = tpu.vector_load %arg8[%swap3A_789, %swap3A_790] {strides = array<i32>} : memref<8x1664xf32, #tpu.memory_space<vmem>>, vector<1x16xf32>,
        %swap3A_792 = vector.shape_cast %swap3A_791 : vector<1x16xf32> to vector<16xf32>
        %swap3A_793 = vector.shape_cast %get3A_786 : vector<16xf32> to vector<1x16xf32>
        tpu.vector_store %arg8[%swap3A_789, %swap3A_790], %swap3A_793 {strides = array<i32>} : memref<8x1664xf32, #tpu.memory_space<vmem>>, vector<1x16xf32>,
        %add3A_794 = arith.constant 32 : i32
        %add3A_795 = arith.addi %mul3A_761, %add3A_794 : i32
        %get3A_796 = arith.constant 0 : i32
        %get3A_797 = arith.index_cast %get3A_796 : i32 to index
        %get3A_798 = arith.index_cast %add3A_717 : i32 to index
        %get3A_799 = arith.index_cast %add3A_795 : i32 to index
        %get3A_800 = tpu.vector_load %arg7[%get3A_797, %get3A_798, %get3A_799] {strides = array<i32>} : memref<2x208x128xf32, #tpu.memory_space<vmem>>, vector<1x1x16xf32>,
        %get3A_801 = vector.shape_cast %get3A_800 : vector<1x1x16xf32> to vector<16xf32>
        %add3A_802 = arith.constant 32 : i32
        %add3A_803 = arith.addi %mul3A_763, %add3A_802 : i32
        %swap3A_804 = arith.index_cast %select_n3A_741 : i32 to index
        %swap3A_805 = arith.index_cast %add3A_803 : i32 to index
        %swap3A_806 = tpu.vector_load %arg8[%swap3A_804, %swap3A_805] {strides = array<i32>} : memref<8x1664xf32, #tpu.memory_space<vmem>>, vector<1x16xf32>,
        %swap3A_807 = vector.shape_cast %swap3A_806 : vector<1x16xf32> to vector<16xf32>
        %swap3A_808 = vector.shape_cast %get3A_801 : vector<16xf32> to vector<1x16xf32>
        tpu.vector_store %arg8[%swap3A_804, %swap3A_805], %swap3A_808 {strides = array<i32>} : memref<8x1664xf32, #tpu.memory_space<vmem>>, vector<1x16xf32>,
        %add3A_809 = arith.constant 48 : i32
        %add3A_810 = arith.addi %mul3A_761, %add3A_809 : i32
        %get3A_811 = arith.constant 0 : i32
        %get3A_812 = arith.index_cast %get3A_811 : i32 to index
        %get3A_813 = arith.index_cast %add3A_717 : i32 to index
        %get3A_814 = arith.index_cast %add3A_810 : i32 to index
        %get3A_815 = tpu.vector_load %arg7[%get3A_812, %get3A_813, %get3A_814] {strides = array<i32>} : memref<2x208x128xf32, #tpu.memory_space<vmem>>, vector<1x1x16xf32>,
        %get3A_816 = vector.shape_cast %get3A_815 : vector<1x1x16xf32> to vector<16xf32>
        %add3A_817 = arith.constant 48 : i32
        %add3A_818 = arith.addi %mul3A_763, %add3A_817 : i32
        %swap3A_819 = arith.index_cast %select_n3A_741 : i32 to index
        %swap3A_820 = arith.index_cast %add3A_818 : i32 to index
        %swap3A_821 = tpu.vector_load %arg8[%swap3A_819, %swap3A_820] {strides = array<i32>} : memref<8x1664xf32, #tpu.memory_space<vmem>>, vector<1x16xf32>,
        %swap3A_822 = vector.shape_cast %swap3A_821 : vector<1x16xf32> to vector<16xf32>
        %swap3A_823 = vector.shape_cast %get3A_816 : vector<16xf32> to vector<1x16xf32>
        tpu.vector_store %arg8[%swap3A_819, %swap3A_820], %swap3A_823 {strides = array<i32>} : memref<8x1664xf32, #tpu.memory_space<vmem>>, vector<1x16xf32>,
        %mul3A_824 = arith.constant 16 : i32
        %mul3A_825 = arith.muli %scan3A_167, %mul3A_824 : i32
        %add3A_826 = arith.constant 6 : i32
        %add3A_827 = arith.addi %mul3A_825, %add3A_826 : i32
        %jit3A_828 = arith.constant 26 : i32
        %div3A_829 = arith.divsi %add3A_827, %jit3A_828 : i32
        %sign3A_830 = arith.constant 0 : i32
        %sign3A_831 = arith.cmpi sgt, %add3A_827, %sign3A_830 : i32
        %sign3A_832 = arith.extui %sign3A_831 : i1 to i32
        %sign3A_833 = arith.constant 0 : i32
        %sign3A_834 = arith.cmpi slt, %add3A_827, %sign3A_833 : i32
        %sign3A_835 = arith.extui %sign3A_834 : i1 to i32
        %sign3A_836 = arith.subi %sign3A_832, %sign3A_835 : i32
        %sign3A_837 = arith.constant 0 : i32
        %sign3A_838 = arith.cmpi sgt, %jit3A_828, %sign3A_837 : i32
        %sign3A_839 = arith.extui %sign3A_838 : i1 to i32
        %sign3A_840 = arith.constant 0 : i32
        %sign3A_841 = arith.cmpi slt, %jit3A_828, %sign3A_840 : i32
        %sign3A_842 = arith.extui %sign3A_841 : i1 to i32
        %sign3A_843 = arith.subi %sign3A_839, %sign3A_842 : i32
        %ne3A_844 = arith.cmpi ne, %sign3A_836, %sign3A_843 : i32
        %rem3A_845 = arith.remsi %add3A_827, %jit3A_828 : i32
        %ne3A_846 = arith.constant 0 : i32
        %ne3A_847 = arith.cmpi ne, %rem3A_845, %ne3A_846 : i32
        %and3A_848 = arith.andi %ne3A_844, %ne3A_847 : i1
        %sub3A_849 = arith.constant 1 : i32
        %sub3A_850 = arith.subi %div3A_829, %sub3A_849 : i32
        %select_n3A_851 = arith.select %and3A_848, %sub3A_850, %div3A_829 : i32
        %jit3A_852 = arith.constant 26 : i32
        %eq3A_853 = arith.constant 0 : i32
        %eq3A_854 = arith.cmpi eq, %jit3A_852, %eq3A_853 : i32
        %jit3A_855 = arith.constant 1 : i32
        %select_n3A_856 = arith.select %eq3A_854, %jit3A_855, %jit3A_852 : i32
        %rem3A_857 = arith.remsi %add3A_827, %select_n3A_856 : i32
        %ne3A_858 = arith.constant 0 : i32
        %ne3A_859 = arith.cmpi ne, %rem3A_857, %ne3A_858 : i32
        %lt3A_860 = arith.constant 0 : i32
        %lt3A_861 = arith.cmpi slt, %rem3A_857, %lt3A_860 : i32
        %lt3A_862 = arith.constant 0 : i32
        %lt3A_863 = arith.cmpi slt, %select_n3A_856, %lt3A_862 : i32
        %ne3A_864 = arith.xori %lt3A_861, %lt3A_863 : i1
        %and3A_865 = arith.andi %ne3A_864, %ne3A_859 : i1
        %add3A_866 = arith.addi %rem3A_857, %select_n3A_856 : i32
        %select_n3A_867 = arith.select %and3A_865, %add3A_866, %rem3A_857 : i32
        %slice3A_868 = vector.extract_strided_slice %and3A {offsets = [6], sizes = [1], strides = [1]} : vector<16xi32> to vector<1xi32>
        %squeeze3A_869 = vector.extract %slice3A_868[0] : i32 from vector<1xi32>
        %mul3A_870 = arith.constant 64 : i32
        %mul3A_871 = arith.muli %squeeze3A_869, %mul3A_870 : i32
        %mul3A_872 = arith.constant 64 : i32
        %mul3A_873 = arith.muli %select_n3A_867, %mul3A_872 : i32
        %add3A_874 = arith.constant 0 : i32
        %add3A_875 = arith.addi %mul3A_871, %add3A_874 : i32
        %get3A_876 = arith.constant 0 : i32
        %get3A_877 = arith.index_cast %get3A_876 : i32 to index
        %get3A_878 = arith.index_cast %add3A_827 : i32 to index
        %get3A_879 = arith.index_cast %add3A_875 : i32 to index
        %get3A_880 = tpu.vector_load %arg7[%get3A_877, %get3A_878, %get3A_879] {strides = array<i32>} : memref<2x208x128xf32, #tpu.memory_space<vmem>>, vector<1x1x16xf32>,
        %get3A_881 = vector.shape_cast %get3A_880 : vector<1x1x16xf32> to vector<16xf32>
        %add3A_882 = arith.constant 0 : i32
        %add3A_883 = arith.addi %mul3A_873, %add3A_882 : i32
        %swap3A_884 = arith.index_cast %select_n3A_851 : i32 to index
        %swap3A_885 = arith.index_cast %add3A_883 : i32 to index
        %swap3A_886 = tpu.vector_load %arg8[%swap3A_884, %swap3A_885] {strides = array<i32>} : memref<8x1664xf32, #tpu.memory_space<vmem>>, vector<1x16xf32>,
        %swap3A_887 = vector.shape_cast %swap3A_886 : vector<1x16xf32> to vector<16xf32>
        %swap3A_888 = vector.shape_cast %get3A_881 : vector<16xf32> to vector<1x16xf32>
        tpu.vector_store %arg8[%swap3A_884, %swap3A_885], %swap3A_888 {strides = array<i32>} : memref<8x1664xf32, #tpu.memory_space<vmem>>, vector<1x16xf32>,
        %add3A_889 = arith.constant 16 : i32
        %add3A_890 = arith.addi %mul3A_871, %add3A_889 : i32
        %get3A_891 = arith.constant 0 : i32
        %get3A_892 = arith.index_cast %get3A_891 : i32 to index
        %get3A_893 = arith.index_cast %add3A_827 : i32 to index
        %get3A_894 = arith.index_cast %add3A_890 : i32 to index
        %get3A_895 = tpu.vector_load %arg7[%get3A_892, %get3A_893, %get3A_894] {strides = array<i32>} : memref<2x208x128xf32, #tpu.memory_space<vmem>>, vector<1x1x16xf32>,
        %get3A_896 = vector.shape_cast %get3A_895 : vector<1x1x16xf32> to vector<16xf32>
        %add3A_897 = arith.constant 16 : i32
        %add3A_898 = arith.addi %mul3A_873, %add3A_897 : i32
        %swap3A_899 = arith.index_cast %select_n3A_851 : i32 to index
        %swap3A_900 = arith.index_cast %add3A_898 : i32 to index
        %swap3A_901 = tpu.vector_load %arg8[%swap3A_899, %swap3A_900] {strides = array<i32>} : memref<8x1664xf32, #tpu.memory_space<vmem>>, vector<1x16xf32>,
        %swap3A_902 = vector.shape_cast %swap3A_901 : vector<1x16xf32> to vector<16xf32>
        %swap3A_903 = vector.shape_cast %get3A_896 : vector<16xf32> to vector<1x16xf32>
        tpu.vector_store %arg8[%swap3A_899, %swap3A_900], %swap3A_903 {strides = array<i32>} : memref<8x1664xf32, #tpu.memory_space<vmem>>, vector<1x16xf32>,
        %add3A_904 = arith.constant 32 : i32
        %add3A_905 = arith.addi %mul3A_871, %add3A_904 : i32
        %get3A_906 = arith.constant 0 : i32
        %get3A_907 = arith.index_cast %get3A_906 : i32 to index
        %get3A_908 = arith.index_cast %add3A_827 : i32 to index
        %get3A_909 = arith.index_cast %add3A_905 : i32 to index
        %get3A_910 = tpu.vector_load %arg7[%get3A_907, %get3A_908, %get3A_909] {strides = array<i32>} : memref<2x208x128xf32, #tpu.memory_space<vmem>>, vector<1x1x16xf32>,
        %get3A_911 = vector.shape_cast %get3A_910 : vector<1x1x16xf32> to vector<16xf32>
        %add3A_912 = arith.constant 32 : i32
        %add3A_913 = arith.addi %mul3A_873, %add3A_912 : i32
        %swap3A_914 = arith.index_cast %select_n3A_851 : i32 to index
        %swap3A_915 = arith.index_cast %add3A_913 : i32 to index
        %swap3A_916 = tpu.vector_load %arg8[%swap3A_914, %swap3A_915] {strides = array<i32>} : memref<8x1664xf32, #tpu.memory_space<vmem>>, vector<1x16xf32>,
        %swap3A_917 = vector.shape_cast %swap3A_916 : vector<1x16xf32> to vector<16xf32>
        %swap3A_918 = vector.shape_cast %get3A_911 : vector<16xf32> to vector<1x16xf32>
        tpu.vector_store %arg8[%swap3A_914, %swap3A_915], %swap3A_918 {strides = array<i32>} : memref<8x1664xf32, #tpu.memory_space<vmem>>, vector<1x16xf32>,
        %add3A_919 = arith.constant 48 : i32
        %add3A_920 = arith.addi %mul3A_871, %add3A_919 : i32
        %get3A_921 = arith.constant 0 : i32
        %get3A_922 = arith.index_cast %get3A_921 : i32 to index
        %get3A_923 = arith.index_cast %add3A_827 : i32 to index
        %get3A_924 = arith.index_cast %add3A_920 : i32 to index
        %get3A_925 = tpu.vector_load %arg7[%get3A_922, %get3A_923, %get3A_924] {strides = array<i32>} : memref<2x208x128xf32, #tpu.memory_space<vmem>>, vector<1x1x16xf32>,
        %get3A_926 = vector.shape_cast %get3A_925 : vector<1x1x16xf32> to vector<16xf32>
        %add3A_927 = arith.constant 48 : i32
        %add3A_928 = arith.addi %mul3A_873, %add3A_927 : i32
        %swap3A_929 = arith.index_cast %select_n3A_851 : i32 to index
        %swap3A_930 = arith.index_cast %add3A_928 : i32 to index
        %swap3A_931 = tpu.vector_load %arg8[%swap3A_929, %swap3A_930] {strides = array<i32>} : memref<8x1664xf32, #tpu.memory_space<vmem>>, vector<1x16xf32>,
        %swap3A_932 = vector.shape_cast %swap3A_931 : vector<1x16xf32> to vector<16xf32>
        %swap3A_933 = vector.shape_cast %get3A_926 : vector<16xf32> to vector<1x16xf32>
        tpu.vector_store %arg8[%swap3A_929, %swap3A_930], %swap3A_933 {strides = array<i32>} : memref<8x1664xf32, #tpu.memory_space<vmem>>, vector<1x16xf32>,
        %mul3A_934 = arith.constant 16 : i32
        %mul3A_935 = arith.muli %scan3A_167, %mul3A_934 : i32
        %add3A_936 = arith.constant 7 : i32
        %add3A_937 = arith.addi %mul3A_935, %add3A_936 : i32
        %jit3A_938 = arith.constant 26 : i32
        %div3A_939 = arith.divsi %add3A_937, %jit3A_938 : i32
        %sign3A_940 = arith.constant 0 : i32
        %sign3A_941 = arith.cmpi sgt, %add3A_937, %sign3A_940 : i32
        %sign3A_942 = arith.extui %sign3A_941 : i1 to i32
        %sign3A_943 = arith.constant 0 : i32
        %sign3A_944 = arith.cmpi slt, %add3A_937, %sign3A_943 : i32
        %sign3A_945 = arith.extui %sign3A_944 : i1 to i32
        %sign3A_946 = arith.subi %sign3A_942, %sign3A_945 : i32
        %sign3A_947 = arith.constant 0 : i32
        %sign3A_948 = arith.cmpi sgt, %jit3A_938, %sign3A_947 : i32
        %sign3A_949 = arith.extui %sign3A_948 : i1 to i32
        %sign3A_950 = arith.constant 0 : i32
        %sign3A_951 = arith.cmpi slt, %jit3A_938, %sign3A_950 : i32
        %sign3A_952 = arith.extui %sign3A_951 : i1 to i32
        %sign3A_953 = arith.subi %sign3A_949, %sign3A_952 : i32
        %ne3A_954 = arith.cmpi ne, %sign3A_946, %sign3A_953 : i32
        %rem3A_955 = arith.remsi %add3A_937, %jit3A_938 : i32
        %ne3A_956 = arith.constant 0 : i32
        %ne3A_957 = arith.cmpi ne, %rem3A_955, %ne3A_956 : i32
        %and3A_958 = arith.andi %ne3A_954, %ne3A_957 : i1
        %sub3A_959 = arith.constant 1 : i32
        %sub3A_960 = arith.subi %div3A_939, %sub3A_959 : i32
        %select_n3A_961 = arith.select %and3A_958, %sub3A_960, %div3A_939 : i32
        %jit3A_962 = arith.constant 26 : i32
        %eq3A_963 = arith.constant 0 : i32
        %eq3A_964 = arith.cmpi eq, %jit3A_962, %eq3A_963 : i32
        %jit3A_965 = arith.constant 1 : i32
        %select_n3A_966 = arith.select %eq3A_964, %jit3A_965, %jit3A_962 : i32
        %rem3A_967 = arith.remsi %add3A_937, %select_n3A_966 : i32
        %ne3A_968 = arith.constant 0 : i32
        %ne3A_969 = arith.cmpi ne, %rem3A_967, %ne3A_968 : i32
        %lt3A_970 = arith.constant 0 : i32
        %lt3A_971 = arith.cmpi slt, %rem3A_967, %lt3A_970 : i32
        %lt3A_972 = arith.constant 0 : i32
        %lt3A_973 = arith.cmpi slt, %select_n3A_966, %lt3A_972 : i32
        %ne3A_974 = arith.xori %lt3A_971, %lt3A_973 : i1
        %and3A_975 = arith.andi %ne3A_974, %ne3A_969 : i1
        %add3A_976 = arith.addi %rem3A_967, %select_n3A_966 : i32
        %select_n3A_977 = arith.select %and3A_975, %add3A_976, %rem3A_967 : i32
        %slice3A_978 = vector.extract_strided_slice %and3A {offsets = [7], sizes = [1], strides = [1]} : vector<16xi32> to vector<1xi32>
        %squeeze3A_979 = vector.extract %slice3A_978[0] : i32 from vector<1xi32>
        %mul3A_980 = arith.constant 64 : i32
        %mul3A_981 = arith.muli %squeeze3A_979, %mul3A_980 : i32
        %mul3A_982 = arith.constant 64 : i32
        %mul3A_983 = arith.muli %select_n3A_977, %mul3A_982 : i32
        %add3A_984 = arith.constant 0 : i32
        %add3A_985 = arith.addi %mul3A_981, %add3A_984 : i32
        %get3A_986 = arith.constant 0 : i32
        %get3A_987 = arith.index_cast %get3A_986 : i32 to index
        %get3A_988 = arith.index_cast %add3A_937 : i32 to index
        %get3A_989 = arith.index_cast %add3A_985 : i32 to index
        %get3A_990 = tpu.vector_load %arg7[%get3A_987, %get3A_988, %get3A_989] {strides = array<i32>} : memref<2x208x128xf32, #tpu.memory_space<vmem>>, vector<1x1x16xf32>,
        %get3A_991 = vector.shape_cast %get3A_990 : vector<1x1x16xf32> to vector<16xf32>
        %add3A_992 = arith.constant 0 : i32
        %add3A_993 = arith.addi %mul3A_983, %add3A_992 : i32
        %swap3A_994 = arith.index_cast %select_n3A_961 : i32 to index
        %swap3A_995 = arith.index_cast %add3A_993 : i32 to index
        %swap3A_996 = tpu.vector_load %arg8[%swap3A_994, %swap3A_995] {strides = array<i32>} : memref<8x1664xf32, #tpu.memory_space<vmem>>, vector<1x16xf32>,
        %swap3A_997 = vector.shape_cast %swap3A_996 : vector<1x16xf32> to vector<16xf32>
        %swap3A_998 = vector.shape_cast %get3A_991 : vector<16xf32> to vector<1x16xf32>
        tpu.vector_store %arg8[%swap3A_994, %swap3A_995], %swap3A_998 {strides = array<i32>} : memref<8x1664xf32, #tpu.memory_space<vmem>>, vector<1x16xf32>,
        %add3A_999 = arith.constant 16 : i32
        %add3A_1000 = arith.addi %mul3A_981, %add3A_999 : i32
        %get3A_1001 = arith.constant 0 : i32
        %get3A_1002 = arith.index_cast %get3A_1001 : i32 to index
        %get3A_1003 = arith.index_cast %add3A_937 : i32 to index
        %get3A_1004 = arith.index_cast %add3A_1000 : i32 to index
        %get3A_1005 = tpu.vector_load %arg7[%get3A_1002, %get3A_1003, %get3A_1004] {strides = array<i32>} : memref<2x208x128xf32, #tpu.memory_space<vmem>>, vector<1x1x16xf32>,
        %get3A_1006 = vector.shape_cast %get3A_1005 : vector<1x1x16xf32> to vector<16xf32>
        %add3A_1007 = arith.constant 16 : i32
        %add3A_1008 = arith.addi %mul3A_983, %add3A_1007 : i32
        %swap3A_1009 = arith.index_cast %select_n3A_961 : i32 to index
        %swap3A_1010 = arith.index_cast %add3A_1008 : i32 to index
        %swap3A_1011 = tpu.vector_load %arg8[%swap3A_1009, %swap3A_1010] {strides = array<i32>} : memref<8x1664xf32, #tpu.memory_space<vmem>>, vector<1x16xf32>,
        %swap3A_1012 = vector.shape_cast %swap3A_1011 : vector<1x16xf32> to vector<16xf32>
        %swap3A_1013 = vector.shape_cast %get3A_1006 : vector<16xf32> to vector<1x16xf32>
        tpu.vector_store %arg8[%swap3A_1009, %swap3A_1010], %swap3A_1013 {strides = array<i32>} : memref<8x1664xf32, #tpu.memory_space<vmem>>, vector<1x16xf32>,
        %add3A_1014 = arith.constant 32 : i32
        %add3A_1015 = arith.addi %mul3A_981, %add3A_1014 : i32
        %get3A_1016 = arith.constant 0 : i32
        %get3A_1017 = arith.index_cast %get3A_1016 : i32 to index
        %get3A_1018 = arith.index_cast %add3A_937 : i32 to index
        %get3A_1019 = arith.index_cast %add3A_1015 : i32 to index
        %get3A_1020 = tpu.vector_load %arg7[%get3A_1017, %get3A_1018, %get3A_1019] {strides = array<i32>} : memref<2x208x128xf32, #tpu.memory_space<vmem>>, vector<1x1x16xf32>,
        %get3A_1021 = vector.shape_cast %get3A_1020 : vector<1x1x16xf32> to vector<16xf32>
        %add3A_1022 = arith.constant 32 : i32
        %add3A_1023 = arith.addi %mul3A_983, %add3A_1022 : i32
        %swap3A_1024 = arith.index_cast %select_n3A_961 : i32 to index
        %swap3A_1025 = arith.index_cast %add3A_1023 : i32 to index
        %swap3A_1026 = tpu.vector_load %arg8[%swap3A_1024, %swap3A_1025] {strides = array<i32>} : memref<8x1664xf32, #tpu.memory_space<vmem>>, vector<1x16xf32>,
        %swap3A_1027 = vector.shape_cast %swap3A_1026 : vector<1x16xf32> to vector<16xf32>
        %swap3A_1028 = vector.shape_cast %get3A_1021 : vector<16xf32> to vector<1x16xf32>
        tpu.vector_store %arg8[%swap3A_1024, %swap3A_1025], %swap3A_1028 {strides = array<i32>} : memref<8x1664xf32, #tpu.memory_space<vmem>>, vector<1x16xf32>,
        %add3A_1029 = arith.constant 48 : i32
        %add3A_1030 = arith.addi %mul3A_981, %add3A_1029 : i32
        %get3A_1031 = arith.constant 0 : i32
        %get3A_1032 = arith.index_cast %get3A_1031 : i32 to index
        %get3A_1033 = arith.index_cast %add3A_937 : i32 to index
        %get3A_1034 = arith.index_cast %add3A_1030 : i32 to index
        %get3A_1035 = tpu.vector_load %arg7[%get3A_1032, %get3A_1033, %get3A_1034] {strides = array<i32>} : memref<2x208x128xf32, #tpu.memory_space<vmem>>, vector<1x1x16xf32>,
        %get3A_1036 = vector.shape_cast %get3A_1035 : vector<1x1x16xf32> to vector<16xf32>
        %add3A_1037 = arith.constant 48 : i32
        %add3A_1038 = arith.addi %mul3A_983, %add3A_1037 : i32
        %swap3A_1039 = arith.index_cast %select_n3A_961 : i32 to index
        %swap3A_1040 = arith.index_cast %add3A_1038 : i32 to index
        %swap3A_1041 = tpu.vector_load %arg8[%swap3A_1039, %swap3A_1040] {strides = array<i32>} : memref<8x1664xf32, #tpu.memory_space<vmem>>, vector<1x16xf32>,
        %swap3A_1042 = vector.shape_cast %swap3A_1041 : vector<1x16xf32> to vector<16xf32>
        %swap3A_1043 = vector.shape_cast %get3A_1036 : vector<16xf32> to vector<1x16xf32>
        tpu.vector_store %arg8[%swap3A_1039, %swap3A_1040], %swap3A_1043 {strides = array<i32>} : memref<8x1664xf32, #tpu.memory_space<vmem>>, vector<1x16xf32>,
        %mul3A_1044 = arith.constant 16 : i32
        %mul3A_1045 = arith.muli %scan3A_167, %mul3A_1044 : i32
        %add3A_1046 = arith.constant 8 : i32
        %add3A_1047 = arith.addi %mul3A_1045, %add3A_1046 : i32
        %jit3A_1048 = arith.constant 26 : i32
        %div3A_1049 = arith.divsi %add3A_1047, %jit3A_1048 : i32
        %sign3A_1050 = arith.constant 0 : i32
        %sign3A_1051 = arith.cmpi sgt, %add3A_1047, %sign3A_1050 : i32
        %sign3A_1052 = arith.extui %sign3A_1051 : i1 to i32
        %sign3A_1053 = arith.constant 0 : i32
        %sign3A_1054 = arith.cmpi slt, %add3A_1047, %sign3A_1053 : i32
        %sign3A_1055 = arith.extui %sign3A_1054 : i1 to i32
        %sign3A_1056 = arith.subi %sign3A_1052, %sign3A_1055 : i32
        %sign3A_1057 = arith.constant 0 : i32
        %sign3A_1058 = arith.cmpi sgt, %jit3A_1048, %sign3A_1057 : i32
        %sign3A_1059 = arith.extui %sign3A_1058 : i1 to i32
        %sign3A_1060 = arith.constant 0 : i32
        %sign3A_1061 = arith.cmpi slt, %jit3A_1048, %sign3A_1060 : i32
        %sign3A_1062 = arith.extui %sign3A_1061 : i1 to i32
        %sign3A_1063 = arith.subi %sign3A_1059, %sign3A_1062 : i32
        %ne3A_1064 = arith.cmpi ne, %sign3A_1056, %sign3A_1063 : i32
        %rem3A_1065 = arith.remsi %add3A_1047, %jit3A_1048 : i32
        %ne3A_1066 = arith.constant 0 : i32
        %ne3A_1067 = arith.cmpi ne, %rem3A_1065, %ne3A_1066 : i32
        %and3A_1068 = arith.andi %ne3A_1064, %ne3A_1067 : i1
        %sub3A_1069 = arith.constant 1 : i32
        %sub3A_1070 = arith.subi %div3A_1049, %sub3A_1069 : i32
        %select_n3A_1071 = arith.select %and3A_1068, %sub3A_1070, %div3A_1049 : i32
        %jit3A_1072 = arith.constant 26 : i32
        %eq3A_1073 = arith.constant 0 : i32
        %eq3A_1074 = arith.cmpi eq, %jit3A_1072, %eq3A_1073 : i32
        %jit3A_1075 = arith.constant 1 : i32
        %select_n3A_1076 = arith.select %eq3A_1074, %jit3A_1075, %jit3A_1072 : i32
        %rem3A_1077 = arith.remsi %add3A_1047, %select_n3A_1076 : i32
        %ne3A_1078 = arith.constant 0 : i32
        %ne3A_1079 = arith.cmpi ne, %rem3A_1077, %ne3A_1078 : i32
        %lt3A_1080 = arith.constant 0 : i32
        %lt3A_1081 = arith.cmpi slt, %rem3A_1077, %lt3A_1080 : i32
        %lt3A_1082 = arith.constant 0 : i32
        %lt3A_1083 = arith.cmpi slt, %select_n3A_1076, %lt3A_1082 : i32
        %ne3A_1084 = arith.xori %lt3A_1081, %lt3A_1083 : i1
        %and3A_1085 = arith.andi %ne3A_1084, %ne3A_1079 : i1
        %add3A_1086 = arith.addi %rem3A_1077, %select_n3A_1076 : i32
        %select_n3A_1087 = arith.select %and3A_1085, %add3A_1086, %rem3A_1077 : i32
        %slice3A_1088 = vector.extract_strided_slice %and3A {offsets = [8], sizes = [1], strides = [1]} : vector<16xi32> to vector<1xi32>
        %squeeze3A_1089 = vector.extract %slice3A_1088[0] : i32 from vector<1xi32>
        %mul3A_1090 = arith.constant 64 : i32
        %mul3A_1091 = arith.muli %squeeze3A_1089, %mul3A_1090 : i32
        %mul3A_1092 = arith.constant 64 : i32
        %mul3A_1093 = arith.muli %select_n3A_1087, %mul3A_1092 : i32
        %add3A_1094 = arith.constant 0 : i32
        %add3A_1095 = arith.addi %mul3A_1091, %add3A_1094 : i32
        %get3A_1096 = arith.constant 0 : i32
        %get3A_1097 = arith.index_cast %get3A_1096 : i32 to index
        %get3A_1098 = arith.index_cast %add3A_1047 : i32 to index
        %get3A_1099 = arith.index_cast %add3A_1095 : i32 to index
        %get3A_1100 = tpu.vector_load %arg7[%get3A_1097, %get3A_1098, %get3A_1099] {strides = array<i32>} : memref<2x208x128xf32, #tpu.memory_space<vmem>>, vector<1x1x16xf32>,
        %get3A_1101 = vector.shape_cast %get3A_1100 : vector<1x1x16xf32> to vector<16xf32>
        %add3A_1102 = arith.constant 0 : i32
        %add3A_1103 = arith.addi %mul3A_1093, %add3A_1102 : i32
        %swap3A_1104 = arith.index_cast %select_n3A_1071 : i32 to index
        %swap3A_1105 = arith.index_cast %add3A_1103 : i32 to index
        %swap3A_1106 = tpu.vector_load %arg8[%swap3A_1104, %swap3A_1105] {strides = array<i32>} : memref<8x1664xf32, #tpu.memory_space<vmem>>, vector<1x16xf32>,
        %swap3A_1107 = vector.shape_cast %swap3A_1106 : vector<1x16xf32> to vector<16xf32>
        %swap3A_1108 = vector.shape_cast %get3A_1101 : vector<16xf32> to vector<1x16xf32>
        tpu.vector_store %arg8[%swap3A_1104, %swap3A_1105], %swap3A_1108 {strides = array<i32>} : memref<8x1664xf32, #tpu.memory_space<vmem>>, vector<1x16xf32>,
        %add3A_1109 = arith.constant 16 : i32
        %add3A_1110 = arith.addi %mul3A_1091, %add3A_1109 : i32
        %get3A_1111 = arith.constant 0 : i32
        %get3A_1112 = arith.index_cast %get3A_1111 : i32 to index
        %get3A_1113 = arith.index_cast %add3A_1047 : i32 to index
        %get3A_1114 = arith.index_cast %add3A_1110 : i32 to index
        %get3A_1115 = tpu.vector_load %arg7[%get3A_1112, %get3A_1113, %get3A_1114] {strides = array<i32>} : memref<2x208x128xf32, #tpu.memory_space<vmem>>, vector<1x1x16xf32>,
        %get3A_1116 = vector.shape_cast %get3A_1115 : vector<1x1x16xf32> to vector<16xf32>
        %add3A_1117 = arith.constant 16 : i32
        %add3A_1118 = arith.addi %mul3A_1093, %add3A_1117 : i32
        %swap3A_1119 = arith.index_cast %select_n3A_1071 : i32 to index
        %swap3A_1120 = arith.index_cast %add3A_1118 : i32 to index
        %swap3A_1121 = tpu.vector_load %arg8[%swap3A_1119, %swap3A_1120] {strides = array<i32>} : memref<8x1664xf32, #tpu.memory_space<vmem>>, vector<1x16xf32>,
        %swap3A_1122 = vector.shape_cast %swap3A_1121 : vector<1x16xf32> to vector<16xf32>
        %swap3A_1123 = vector.shape_cast %get3A_1116 : vector<16xf32> to vector<1x16xf32>
        tpu.vector_store %arg8[%swap3A_1119, %swap3A_1120], %swap3A_1123 {strides = array<i32>} : memref<8x1664xf32, #tpu.memory_space<vmem>>, vector<1x16xf32>,
        %add3A_1124 = arith.constant 32 : i32
        %add3A_1125 = arith.addi %mul3A_1091, %add3A_1124 : i32
        %get3A_1126 = arith.constant 0 : i32
        %get3A_1127 = arith.index_cast %get3A_1126 : i32 to index
        %get3A_1128 = arith.index_cast %add3A_1047 : i32 to index
        %get3A_1129 = arith.index_cast %add3A_1125 : i32 to index
        %get3A_1130 = tpu.vector_load %arg7[%get3A_1127, %get3A_1128, %get3A_1129] {strides = array<i32>} : memref<2x208x128xf32, #tpu.memory_space<vmem>>, vector<1x1x16xf32>,
        %get3A_1131 = vector.shape_cast %get3A_1130 : vector<1x1x16xf32> to vector<16xf32>
        %add3A_1132 = arith.constant 32 : i32
        %add3A_1133 = arith.addi %mul3A_1093, %add3A_1132 : i32
        %swap3A_1134 = arith.index_cast %select_n3A_1071 : i32 to index
        %swap3A_1135 = arith.index_cast %add3A_1133 : i32 to index
        %swap3A_1136 = tpu.vector_load %arg8[%swap3A_1134, %swap3A_1135] {strides = array<i32>} : memref<8x1664xf32, #tpu.memory_space<vmem>>, vector<1x16xf32>,
        %swap3A_1137 = vector.shape_cast %swap3A_1136 : vector<1x16xf32> to vector<16xf32>
        %swap3A_1138 = vector.shape_cast %get3A_1131 : vector<16xf32> to vector<1x16xf32>
        tpu.vector_store %arg8[%swap3A_1134, %swap3A_1135], %swap3A_1138 {strides = array<i32>} : memref<8x1664xf32, #tpu.memory_space<vmem>>, vector<1x16xf32>,
        %add3A_1139 = arith.constant 48 : i32
        %add3A_1140 = arith.addi %mul3A_1091, %add3A_1139 : i32
        %get3A_1141 = arith.constant 0 : i32
        %get3A_1142 = arith.index_cast %get3A_1141 : i32 to index
        %get3A_1143 = arith.index_cast %add3A_1047 : i32 to index
        %get3A_1144 = arith.index_cast %add3A_1140 : i32 to index
        %get3A_1145 = tpu.vector_load %arg7[%get3A_1142, %get3A_1143, %get3A_1144] {strides = array<i32>} : memref<2x208x128xf32, #tpu.memory_space<vmem>>, vector<1x1x16xf32>,
        %get3A_1146 = vector.shape_cast %get3A_1145 : vector<1x1x16xf32> to vector<16xf32>
        %add3A_1147 = arith.constant 48 : i32
        %add3A_1148 = arith.addi %mul3A_1093, %add3A_1147 : i32
        %swap3A_1149 = arith.index_cast %select_n3A_1071 : i32 to index
        %swap3A_1150 = arith.index_cast %add3A_1148 : i32 to index
        %swap3A_1151 = tpu.vector_load %arg8[%swap3A_1149, %swap3A_1150] {strides = array<i32>} : memref<8x1664xf32, #tpu.memory_space<vmem>>, vector<1x16xf32>,
        %swap3A_1152 = vector.shape_cast %swap3A_1151 : vector<1x16xf32> to vector<16xf32>
        %swap3A_1153 = vector.shape_cast %get3A_1146 : vector<16xf32> to vector<1x16xf32>
        tpu.vector_store %arg8[%swap3A_1149, %swap3A_1150], %swap3A_1153 {strides = array<i32>} : memref<8x1664xf32, #tpu.memory_space<vmem>>, vector<1x16xf32>,
        %mul3A_1154 = arith.constant 16 : i32
        %mul3A_1155 = arith.muli %scan3A_167, %mul3A_1154 : i32
        %add3A_1156 = arith.constant 9 : i32
        %add3A_1157 = arith.addi %mul3A_1155, %add3A_1156 : i32
        %jit3A_1158 = arith.constant 26 : i32
        %div3A_1159 = arith.divsi %add3A_1157, %jit3A_1158 : i32
        %sign3A_1160 = arith.constant 0 : i32
        %sign3A_1161 = arith.cmpi sgt, %add3A_1157, %sign3A_1160 : i32
        %sign3A_1162 = arith.extui %sign3A_1161 : i1 to i32
        %sign3A_1163 = arith.constant 0 : i32
        %sign3A_1164 = arith.cmpi slt, %add3A_1157, %sign3A_1163 : i32
        %sign3A_1165 = arith.extui %sign3A_1164 : i1 to i32
        %sign3A_1166 = arith.subi %sign3A_1162, %sign3A_1165 : i32
        %sign3A_1167 = arith.constant 0 : i32
        %sign3A_1168 = arith.cmpi sgt, %jit3A_1158, %sign3A_1167 : i32
        %sign3A_1169 = arith.extui %sign3A_1168 : i1 to i32
        %sign3A_1170 = arith.constant 0 : i32
        %sign3A_1171 = arith.cmpi slt, %jit3A_1158, %sign3A_1170 : i32
        %sign3A_1172 = arith.extui %sign3A_1171 : i1 to i32
        %sign3A_1173 = arith.subi %sign3A_1169, %sign3A_1172 : i32
        %ne3A_1174 = arith.cmpi ne, %sign3A_1166, %sign3A_1173 : i32
        %rem3A_1175 = arith.remsi %add3A_1157, %jit3A_1158 : i32
        %ne3A_1176 = arith.constant 0 : i32
        %ne3A_1177 = arith.cmpi ne, %rem3A_1175, %ne3A_1176 : i32
        %and3A_1178 = arith.andi %ne3A_1174, %ne3A_1177 : i1
        %sub3A_1179 = arith.constant 1 : i32
        %sub3A_1180 = arith.subi %div3A_1159, %sub3A_1179 : i32
        %select_n3A_1181 = arith.select %and3A_1178, %sub3A_1180, %div3A_1159 : i32
        %jit3A_1182 = arith.constant 26 : i32
        %eq3A_1183 = arith.constant 0 : i32
        %eq3A_1184 = arith.cmpi eq, %jit3A_1182, %eq3A_1183 : i32
        %jit3A_1185 = arith.constant 1 : i32
        %select_n3A_1186 = arith.select %eq3A_1184, %jit3A_1185, %jit3A_1182 : i32
        %rem3A_1187 = arith.remsi %add3A_1157, %select_n3A_1186 : i32
        %ne3A_1188 = arith.constant 0 : i32
        %ne3A_1189 = arith.cmpi ne, %rem3A_1187, %ne3A_1188 : i32
        %lt3A_1190 = arith.constant 0 : i32
        %lt3A_1191 = arith.cmpi slt, %rem3A_1187, %lt3A_1190 : i32
        %lt3A_1192 = arith.constant 0 : i32
        %lt3A_1193 = arith.cmpi slt, %select_n3A_1186, %lt3A_1192 : i32
        %ne3A_1194 = arith.xori %lt3A_1191, %lt3A_1193 : i1
        %and3A_1195 = arith.andi %ne3A_1194, %ne3A_1189 : i1
        %add3A_1196 = arith.addi %rem3A_1187, %select_n3A_1186 : i32
        %select_n3A_1197 = arith.select %and3A_1195, %add3A_1196, %rem3A_1187 : i32
        %slice3A_1198 = vector.extract_strided_slice %and3A {offsets = [9], sizes = [1], strides = [1]} : vector<16xi32> to vector<1xi32>
        %squeeze3A_1199 = vector.extract %slice3A_1198[0] : i32 from vector<1xi32>
        %mul3A_1200 = arith.constant 64 : i32
        %mul3A_1201 = arith.muli %squeeze3A_1199, %mul3A_1200 : i32
        %mul3A_1202 = arith.constant 64 : i32
        %mul3A_1203 = arith.muli %select_n3A_1197, %mul3A_1202 : i32
        %add3A_1204 = arith.constant 0 : i32
        %add3A_1205 = arith.addi %mul3A_1201, %add3A_1204 : i32
        %get3A_1206 = arith.constant 0 : i32
        %get3A_1207 = arith.index_cast %get3A_1206 : i32 to index
        %get3A_1208 = arith.index_cast %add3A_1157 : i32 to index
        %get3A_1209 = arith.index_cast %add3A_1205 : i32 to index
        %get3A_1210 = tpu.vector_load %arg7[%get3A_1207, %get3A_1208, %get3A_1209] {strides = array<i32>} : memref<2x208x128xf32, #tpu.memory_space<vmem>>, vector<1x1x16xf32>,
        %get3A_1211 = vector.shape_cast %get3A_1210 : vector<1x1x16xf32> to vector<16xf32>
        %add3A_1212 = arith.constant 0 : i32
        %add3A_1213 = arith.addi %mul3A_1203, %add3A_1212 : i32
        %swap3A_1214 = arith.index_cast %select_n3A_1181 : i32 to index
        %swap3A_1215 = arith.index_cast %add3A_1213 : i32 to index
        %swap3A_1216 = tpu.vector_load %arg8[%swap3A_1214, %swap3A_1215] {strides = array<i32>} : memref<8x1664xf32, #tpu.memory_space<vmem>>, vector<1x16xf32>,
        %swap3A_1217 = vector.shape_cast %swap3A_1216 : vector<1x16xf32> to vector<16xf32>
        %swap3A_1218 = vector.shape_cast %get3A_1211 : vector<16xf32> to vector<1x16xf32>
        tpu.vector_store %arg8[%swap3A_1214, %swap3A_1215], %swap3A_1218 {strides = array<i32>} : memref<8x1664xf32, #tpu.memory_space<vmem>>, vector<1x16xf32>,
        %add3A_1219 = arith.constant 16 : i32
        %add3A_1220 = arith.addi %mul3A_1201, %add3A_1219 : i32
        %get3A_1221 = arith.constant 0 : i32
        %get3A_1222 = arith.index_cast %get3A_1221 : i32 to index
        %get3A_1223 = arith.index_cast %add3A_1157 : i32 to index
        %get3A_1224 = arith.index_cast %add3A_1220 : i32 to index
        %get3A_1225 = tpu.vector_load %arg7[%get3A_1222, %get3A_1223, %get3A_1224] {strides = array<i32>} : memref<2x208x128xf32, #tpu.memory_space<vmem>>, vector<1x1x16xf32>,
        %get3A_1226 = vector.shape_cast %get3A_1225 : vector<1x1x16xf32> to vector<16xf32>
        %add3A_1227 = arith.constant 16 : i32
        %add3A_1228 = arith.addi %mul3A_1203, %add3A_1227 : i32
        %swap3A_1229 = arith.index_cast %select_n3A_1181 : i32 to index
        %swap3A_1230 = arith.index_cast %add3A_1228 : i32 to index
        %swap3A_1231 = tpu.vector_load %arg8[%swap3A_1229, %swap3A_1230] {strides = array<i32>} : memref<8x1664xf32, #tpu.memory_space<vmem>>, vector<1x16xf32>,
        %swap3A_1232 = vector.shape_cast %swap3A_1231 : vector<1x16xf32> to vector<16xf32>
        %swap3A_1233 = vector.shape_cast %get3A_1226 : vector<16xf32> to vector<1x16xf32>
        tpu.vector_store %arg8[%swap3A_1229, %swap3A_1230], %swap3A_1233 {strides = array<i32>} : memref<8x1664xf32, #tpu.memory_space<vmem>>, vector<1x16xf32>,
        %add3A_1234 = arith.constant 32 : i32
        %add3A_1235 = arith.addi %mul3A_1201, %add3A_1234 : i32
        %get3A_1236 = arith.constant 0 : i32
        %get3A_1237 = arith.index_cast %get3A_1236 : i32 to index
        %get3A_1238 = arith.index_cast %add3A_1157 : i32 to index
        %get3A_1239 = arith.index_cast %add3A_1235 : i32 to index
        %get3A_1240 = tpu.vector_load %arg7[%get3A_1237, %get3A_1238, %get3A_1239] {strides = array<i32>} : memref<2x208x128xf32, #tpu.memory_space<vmem>>, vector<1x1x16xf32>,
        %get3A_1241 = vector.shape_cast %get3A_1240 : vector<1x1x16xf32> to vector<16xf32>
        %add3A_1242 = arith.constant 32 : i32
        %add3A_1243 = arith.addi %mul3A_1203, %add3A_1242 : i32
        %swap3A_1244 = arith.index_cast %select_n3A_1181 : i32 to index
        %swap3A_1245 = arith.index_cast %add3A_1243 : i32 to index
        %swap3A_1246 = tpu.vector_load %arg8[%swap3A_1244, %swap3A_1245] {strides = array<i32>} : memref<8x1664xf32, #tpu.memory_space<vmem>>, vector<1x16xf32>,
        %swap3A_1247 = vector.shape_cast %swap3A_1246 : vector<1x16xf32> to vector<16xf32>
        %swap3A_1248 = vector.shape_cast %get3A_1241 : vector<16xf32> to vector<1x16xf32>
        tpu.vector_store %arg8[%swap3A_1244, %swap3A_1245], %swap3A_1248 {strides = array<i32>} : memref<8x1664xf32, #tpu.memory_space<vmem>>, vector<1x16xf32>,
        %add3A_1249 = arith.constant 48 : i32
        %add3A_1250 = arith.addi %mul3A_1201, %add3A_1249 : i32
        %get3A_1251 = arith.constant 0 : i32
        %get3A_1252 = arith.index_cast %get3A_1251 : i32 to index
        %get3A_1253 = arith.index_cast %add3A_1157 : i32 to index
        %get3A_1254 = arith.index_cast %add3A_1250 : i32 to index
        %get3A_1255 = tpu.vector_load %arg7[%get3A_1252, %get3A_1253, %get3A_1254] {strides = array<i32>} : memref<2x208x128xf32, #tpu.memory_space<vmem>>, vector<1x1x16xf32>,
        %get3A_1256 = vector.shape_cast %get3A_1255 : vector<1x1x16xf32> to vector<16xf32>
        %add3A_1257 = arith.constant 48 : i32
        %add3A_1258 = arith.addi %mul3A_1203, %add3A_1257 : i32
        %swap3A_1259 = arith.index_cast %select_n3A_1181 : i32 to index
        %swap3A_1260 = arith.index_cast %add3A_1258 : i32 to index
        %swap3A_1261 = tpu.vector_load %arg8[%swap3A_1259, %swap3A_1260] {strides = array<i32>} : memref<8x1664xf32, #tpu.memory_space<vmem>>, vector<1x16xf32>,
        %swap3A_1262 = vector.shape_cast %swap3A_1261 : vector<1x16xf32> to vector<16xf32>
        %swap3A_1263 = vector.shape_cast %get3A_1256 : vector<16xf32> to vector<1x16xf32>
        tpu.vector_store %arg8[%swap3A_1259, %swap3A_1260], %swap3A_1263 {strides = array<i32>} : memref<8x1664xf32, #tpu.memory_space<vmem>>, vector<1x16xf32>,
        %mul3A_1264 = arith.constant 16 : i32
        %mul3A_1265 = arith.muli %scan3A_167, %mul3A_1264 : i32
        %add3A_1266 = arith.constant 10 : i32
        %add3A_1267 = arith.addi %mul3A_1265, %add3A_1266 : i32
        %jit3A_1268 = arith.constant 26 : i32
        %div3A_1269 = arith.divsi %add3A_1267, %jit3A_1268 : i32
        %sign3A_1270 = arith.constant 0 : i32
        %sign3A_1271 = arith.cmpi sgt, %add3A_1267, %sign3A_1270 : i32
        %sign3A_1272 = arith.extui %sign3A_1271 : i1 to i32
        %sign3A_1273 = arith.constant 0 : i32
        %sign3A_1274 = arith.cmpi slt, %add3A_1267, %sign3A_1273 : i32
        %sign3A_1275 = arith.extui %sign3A_1274 : i1 to i32
        %sign3A_1276 = arith.subi %sign3A_1272, %sign3A_1275 : i32
        %sign3A_1277 = arith.constant 0 : i32
        %sign3A_1278 = arith.cmpi sgt, %jit3A_1268, %sign3A_1277 : i32
        %sign3A_1279 = arith.extui %sign3A_1278 : i1 to i32
        %sign3A_1280 = arith.constant 0 : i32
        %sign3A_1281 = arith.cmpi slt, %jit3A_1268, %sign3A_1280 : i32
        %sign3A_1282 = arith.extui %sign3A_1281 : i1 to i32
        %sign3A_1283 = arith.subi %sign3A_1279, %sign3A_1282 : i32
        %ne3A_1284 = arith.cmpi ne, %sign3A_1276, %sign3A_1283 : i32
        %rem3A_1285 = arith.remsi %add3A_1267, %jit3A_1268 : i32
        %ne3A_1286 = arith.constant 0 : i32
        %ne3A_1287 = arith.cmpi ne, %rem3A_1285, %ne3A_1286 : i32
        %and3A_1288 = arith.andi %ne3A_1284, %ne3A_1287 : i1
        %sub3A_1289 = arith.constant 1 : i32
        %sub3A_1290 = arith.subi %div3A_1269, %sub3A_1289 : i32
        %select_n3A_1291 = arith.select %and3A_1288, %sub3A_1290, %div3A_1269 : i32
        %jit3A_1292 = arith.constant 26 : i32
        %eq3A_1293 = arith.constant 0 : i32
        %eq3A_1294 = arith.cmpi eq, %jit3A_1292, %eq3A_1293 : i32
        %jit3A_1295 = arith.constant 1 : i32
        %select_n3A_1296 = arith.select %eq3A_1294, %jit3A_1295, %jit3A_1292 : i32
        %rem3A_1297 = arith.remsi %add3A_1267, %select_n3A_1296 : i32
        %ne3A_1298 = arith.constant 0 : i32
        %ne3A_1299 = arith.cmpi ne, %rem3A_1297, %ne3A_1298 : i32
        %lt3A_1300 = arith.constant 0 : i32
        %lt3A_1301 = arith.cmpi slt, %rem3A_1297, %lt3A_1300 : i32
        %lt3A_1302 = arith.constant 0 : i32
        %lt3A_1303 = arith.cmpi slt, %select_n3A_1296, %lt3A_1302 : i32
        %ne3A_1304 = arith.xori %lt3A_1301, %lt3A_1303 : i1
        %and3A_1305 = arith.andi %ne3A_1304, %ne3A_1299 : i1
        %add3A_1306 = arith.addi %rem3A_1297, %select_n3A_1296 : i32
        %select_n3A_1307 = arith.select %and3A_1305, %add3A_1306, %rem3A_1297 : i32
        %slice3A_1308 = vector.extract_strided_slice %and3A {offsets = [10], sizes = [1], strides = [1]} : vector<16xi32> to vector<1xi32>
        %squeeze3A_1309 = vector.extract %slice3A_1308[0] : i32 from vector<1xi32>
        %mul3A_1310 = arith.constant 64 : i32
        %mul3A_1311 = arith.muli %squeeze3A_1309, %mul3A_1310 : i32
        %mul3A_1312 = arith.constant 64 : i32
        %mul3A_1313 = arith.muli %select_n3A_1307, %mul3A_1312 : i32
        %add3A_1314 = arith.constant 0 : i32
        %add3A_1315 = arith.addi %mul3A_1311, %add3A_1314 : i32
        %get3A_1316 = arith.constant 0 : i32
        %get3A_1317 = arith.index_cast %get3A_1316 : i32 to index
        %get3A_1318 = arith.index_cast %add3A_1267 : i32 to index
        %get3A_1319 = arith.index_cast %add3A_1315 : i32 to index
        %get3A_1320 = tpu.vector_load %arg7[%get3A_1317, %get3A_1318, %get3A_1319] {strides = array<i32>} : memref<2x208x128xf32, #tpu.memory_space<vmem>>, vector<1x1x16xf32>,
        %get3A_1321 = vector.shape_cast %get3A_1320 : vector<1x1x16xf32> to vector<16xf32>
        %add3A_1322 = arith.constant 0 : i32
        %add3A_1323 = arith.addi %mul3A_1313, %add3A_1322 : i32
        %swap3A_1324 = arith.index_cast %select_n3A_1291 : i32 to index
        %swap3A_1325 = arith.index_cast %add3A_1323 : i32 to index
        %swap3A_1326 = tpu.vector_load %arg8[%swap3A_1324, %swap3A_1325] {strides = array<i32>} : memref<8x1664xf32, #tpu.memory_space<vmem>>, vector<1x16xf32>,
        %swap3A_1327 = vector.shape_cast %swap3A_1326 : vector<1x16xf32> to vector<16xf32>
        %swap3A_1328 = vector.shape_cast %get3A_1321 : vector<16xf32> to vector<1x16xf32>
        tpu.vector_store %arg8[%swap3A_1324, %swap3A_1325], %swap3A_1328 {strides = array<i32>} : memref<8x1664xf32, #tpu.memory_space<vmem>>, vector<1x16xf32>,
        %add3A_1329 = arith.constant 16 : i32
        %add3A_1330 = arith.addi %mul3A_1311, %add3A_1329 : i32
        %get3A_1331 = arith.constant 0 : i32
        %get3A_1332 = arith.index_cast %get3A_1331 : i32 to index
        %get3A_1333 = arith.index_cast %add3A_1267 : i32 to index
        %get3A_1334 = arith.index_cast %add3A_1330 : i32 to index
        %get3A_1335 = tpu.vector_load %arg7[%get3A_1332, %get3A_1333, %get3A_1334] {strides = array<i32>} : memref<2x208x128xf32, #tpu.memory_space<vmem>>, vector<1x1x16xf32>,
        %get3A_1336 = vector.shape_cast %get3A_1335 : vector<1x1x16xf32> to vector<16xf32>
        %add3A_1337 = arith.constant 16 : i32
        %add3A_1338 = arith.addi %mul3A_1313, %add3A_1337 : i32
        %swap3A_1339 = arith.index_cast %select_n3A_1291 : i32 to index
        %swap3A_1340 = arith.index_cast %add3A_1338 : i32 to index
        %swap3A_1341 = tpu.vector_load %arg8[%swap3A_1339, %swap3A_1340] {strides = array<i32>} : memref<8x1664xf32, #tpu.memory_space<vmem>>, vector<1x16xf32>,
        %swap3A_1342 = vector.shape_cast %swap3A_1341 : vector<1x16xf32> to vector<16xf32>
        %swap3A_1343 = vector.shape_cast %get3A_1336 : vector<16xf32> to vector<1x16xf32>
        tpu.vector_store %arg8[%swap3A_1339, %swap3A_1340], %swap3A_1343 {strides = array<i32>} : memref<8x1664xf32, #tpu.memory_space<vmem>>, vector<1x16xf32>,
        %add3A_1344 = arith.constant 32 : i32
        %add3A_1345 = arith.addi %mul3A_1311, %add3A_1344 : i32
        %get3A_1346 = arith.constant 0 : i32
        %get3A_1347 = arith.index_cast %get3A_1346 : i32 to index
        %get3A_1348 = arith.index_cast %add3A_1267 : i32 to index
        %get3A_1349 = arith.index_cast %add3A_1345 : i32 to index
        %get3A_1350 = tpu.vector_load %arg7[%get3A_1347, %get3A_1348, %get3A_1349] {strides = array<i32>} : memref<2x208x128xf32, #tpu.memory_space<vmem>>, vector<1x1x16xf32>,
        %get3A_1351 = vector.shape_cast %get3A_1350 : vector<1x1x16xf32> to vector<16xf32>
        %add3A_1352 = arith.constant 32 : i32
        %add3A_1353 = arith.addi %mul3A_1313, %add3A_1352 : i32
        %swap3A_1354 = arith.index_cast %select_n3A_1291 : i32 to index
        %swap3A_1355 = arith.index_cast %add3A_1353 : i32 to index
        %swap3A_1356 = tpu.vector_load %arg8[%swap3A_1354, %swap3A_1355] {strides = array<i32>} : memref<8x1664xf32, #tpu.memory_space<vmem>>, vector<1x16xf32>,
        %swap3A_1357 = vector.shape_cast %swap3A_1356 : vector<1x16xf32> to vector<16xf32>
        %swap3A_1358 = vector.shape_cast %get3A_1351 : vector<16xf32> to vector<1x16xf32>
        tpu.vector_store %arg8[%swap3A_1354, %swap3A_1355], %swap3A_1358 {strides = array<i32>} : memref<8x1664xf32, #tpu.memory_space<vmem>>, vector<1x16xf32>,
        %add3A_1359 = arith.constant 48 : i32
        %add3A_1360 = arith.addi %mul3A_1311, %add3A_1359 : i32
        %get3A_1361 = arith.constant 0 : i32
        %get3A_1362 = arith.index_cast %get3A_1361 : i32 to index
        %get3A_1363 = arith.index_cast %add3A_1267 : i32 to index
        %get3A_1364 = arith.index_cast %add3A_1360 : i32 to index
        %get3A_1365 = tpu.vector_load %arg7[%get3A_1362, %get3A_1363, %get3A_1364] {strides = array<i32>} : memref<2x208x128xf32, #tpu.memory_space<vmem>>, vector<1x1x16xf32>,
        %get3A_1366 = vector.shape_cast %get3A_1365 : vector<1x1x16xf32> to vector<16xf32>
        %add3A_1367 = arith.constant 48 : i32
        %add3A_1368 = arith.addi %mul3A_1313, %add3A_1367 : i32
        %swap3A_1369 = arith.index_cast %select_n3A_1291 : i32 to index
        %swap3A_1370 = arith.index_cast %add3A_1368 : i32 to index
        %swap3A_1371 = tpu.vector_load %arg8[%swap3A_1369, %swap3A_1370] {strides = array<i32>} : memref<8x1664xf32, #tpu.memory_space<vmem>>, vector<1x16xf32>,
        %swap3A_1372 = vector.shape_cast %swap3A_1371 : vector<1x16xf32> to vector<16xf32>
        %swap3A_1373 = vector.shape_cast %get3A_1366 : vector<16xf32> to vector<1x16xf32>
        tpu.vector_store %arg8[%swap3A_1369, %swap3A_1370], %swap3A_1373 {strides = array<i32>} : memref<8x1664xf32, #tpu.memory_space<vmem>>, vector<1x16xf32>,
        %mul3A_1374 = arith.constant 16 : i32
        %mul3A_1375 = arith.muli %scan3A_167, %mul3A_1374 : i32
        %add3A_1376 = arith.constant 11 : i32
        %add3A_1377 = arith.addi %mul3A_1375, %add3A_1376 : i32
        %jit3A_1378 = arith.constant 26 : i32
        %div3A_1379 = arith.divsi %add3A_1377, %jit3A_1378 : i32
        %sign3A_1380 = arith.constant 0 : i32
        %sign3A_1381 = arith.cmpi sgt, %add3A_1377, %sign3A_1380 : i32
        %sign3A_1382 = arith.extui %sign3A_1381 : i1 to i32
        %sign3A_1383 = arith.constant 0 : i32
        %sign3A_1384 = arith.cmpi slt, %add3A_1377, %sign3A_1383 : i32
        %sign3A_1385 = arith.extui %sign3A_1384 : i1 to i32
        %sign3A_1386 = arith.subi %sign3A_1382, %sign3A_1385 : i32
        %sign3A_1387 = arith.constant 0 : i32
        %sign3A_1388 = arith.cmpi sgt, %jit3A_1378, %sign3A_1387 : i32
        %sign3A_1389 = arith.extui %sign3A_1388 : i1 to i32
        %sign3A_1390 = arith.constant 0 : i32
        %sign3A_1391 = arith.cmpi slt, %jit3A_1378, %sign3A_1390 : i32
        %sign3A_1392 = arith.extui %sign3A_1391 : i1 to i32
        %sign3A_1393 = arith.subi %sign3A_1389, %sign3A_1392 : i32
        %ne3A_1394 = arith.cmpi ne, %sign3A_1386, %sign3A_1393 : i32
        %rem3A_1395 = arith.remsi %add3A_1377, %jit3A_1378 : i32
        %ne3A_1396 = arith.constant 0 : i32
        %ne3A_1397 = arith.cmpi ne, %rem3A_1395, %ne3A_1396 : i32
        %and3A_1398 = arith.andi %ne3A_1394, %ne3A_1397 : i1
        %sub3A_1399 = arith.constant 1 : i32
        %sub3A_1400 = arith.subi %div3A_1379, %sub3A_1399 : i32
        %select_n3A_1401 = arith.select %and3A_1398, %sub3A_1400, %div3A_1379 : i32
        %jit3A_1402 = arith.constant 26 : i32
        %eq3A_1403 = arith.constant 0 : i32
        %eq3A_1404 = arith.cmpi eq, %jit3A_1402, %eq3A_1403 : i32
        %jit3A_1405 = arith.constant 1 : i32
        %select_n3A_1406 = arith.select %eq3A_1404, %jit3A_1405, %jit3A_1402 : i32
        %rem3A_1407 = arith.remsi %add3A_1377, %select_n3A_1406 : i32
        %ne3A_1408 = arith.constant 0 : i32
        %ne3A_1409 = arith.cmpi ne, %rem3A_1407, %ne3A_1408 : i32
        %lt3A_1410 = arith.constant 0 : i32
        %lt3A_1411 = arith.cmpi slt, %rem3A_1407, %lt3A_1410 : i32
        %lt3A_1412 = arith.constant 0 : i32
        %lt3A_1413 = arith.cmpi slt, %select_n3A_1406, %lt3A_1412 : i32
        %ne3A_1414 = arith.xori %lt3A_1411, %lt3A_1413 : i1
        %and3A_1415 = arith.andi %ne3A_1414, %ne3A_1409 : i1
        %add3A_1416 = arith.addi %rem3A_1407, %select_n3A_1406 : i32
        %select_n3A_1417 = arith.select %and3A_1415, %add3A_1416, %rem3A_1407 : i32
        %slice3A_1418 = vector.extract_strided_slice %and3A {offsets = [11], sizes = [1], strides = [1]} : vector<16xi32> to vector<1xi32>
        %squeeze3A_1419 = vector.extract %slice3A_1418[0] : i32 from vector<1xi32>
        %mul3A_1420 = arith.constant 64 : i32
        %mul3A_1421 = arith.muli %squeeze3A_1419, %mul3A_1420 : i32
        %mul3A_1422 = arith.constant 64 : i32
        %mul3A_1423 = arith.muli %select_n3A_1417, %mul3A_1422 : i32
        %add3A_1424 = arith.constant 0 : i32
        %add3A_1425 = arith.addi %mul3A_1421, %add3A_1424 : i32
        %get3A_1426 = arith.constant 0 : i32
        %get3A_1427 = arith.index_cast %get3A_1426 : i32 to index
        %get3A_1428 = arith.index_cast %add3A_1377 : i32 to index
        %get3A_1429 = arith.index_cast %add3A_1425 : i32 to index
        %get3A_1430 = tpu.vector_load %arg7[%get3A_1427, %get3A_1428, %get3A_1429] {strides = array<i32>} : memref<2x208x128xf32, #tpu.memory_space<vmem>>, vector<1x1x16xf32>,
        %get3A_1431 = vector.shape_cast %get3A_1430 : vector<1x1x16xf32> to vector<16xf32>
        %add3A_1432 = arith.constant 0 : i32
        %add3A_1433 = arith.addi %mul3A_1423, %add3A_1432 : i32
        %swap3A_1434 = arith.index_cast %select_n3A_1401 : i32 to index
        %swap3A_1435 = arith.index_cast %add3A_1433 : i32 to index
        %swap3A_1436 = tpu.vector_load %arg8[%swap3A_1434, %swap3A_1435] {strides = array<i32>} : memref<8x1664xf32, #tpu.memory_space<vmem>>, vector<1x16xf32>,
        %swap3A_1437 = vector.shape_cast %swap3A_1436 : vector<1x16xf32> to vector<16xf32>
        %swap3A_1438 = vector.shape_cast %get3A_1431 : vector<16xf32> to vector<1x16xf32>
        tpu.vector_store %arg8[%swap3A_1434, %swap3A_1435], %swap3A_1438 {strides = array<i32>} : memref<8x1664xf32, #tpu.memory_space<vmem>>, vector<1x16xf32>,
        %add3A_1439 = arith.constant 16 : i32
        %add3A_1440 = arith.addi %mul3A_1421, %add3A_1439 : i32
        %get3A_1441 = arith.constant 0 : i32
        %get3A_1442 = arith.index_cast %get3A_1441 : i32 to index
        %get3A_1443 = arith.index_cast %add3A_1377 : i32 to index
        %get3A_1444 = arith.index_cast %add3A_1440 : i32 to index
        %get3A_1445 = tpu.vector_load %arg7[%get3A_1442, %get3A_1443, %get3A_1444] {strides = array<i32>} : memref<2x208x128xf32, #tpu.memory_space<vmem>>, vector<1x1x16xf32>,
        %get3A_1446 = vector.shape_cast %get3A_1445 : vector<1x1x16xf32> to vector<16xf32>
        %add3A_1447 = arith.constant 16 : i32
        %add3A_1448 = arith.addi %mul3A_1423, %add3A_1447 : i32
        %swap3A_1449 = arith.index_cast %select_n3A_1401 : i32 to index
        %swap3A_1450 = arith.index_cast %add3A_1448 : i32 to index
        %swap3A_1451 = tpu.vector_load %arg8[%swap3A_1449, %swap3A_1450] {strides = array<i32>} : memref<8x1664xf32, #tpu.memory_space<vmem>>, vector<1x16xf32>,
        %swap3A_1452 = vector.shape_cast %swap3A_1451 : vector<1x16xf32> to vector<16xf32>
        %swap3A_1453 = vector.shape_cast %get3A_1446 : vector<16xf32> to vector<1x16xf32>
        tpu.vector_store %arg8[%swap3A_1449, %swap3A_1450], %swap3A_1453 {strides = array<i32>} : memref<8x1664xf32, #tpu.memory_space<vmem>>, vector<1x16xf32>,
        %add3A_1454 = arith.constant 32 : i32
        %add3A_1455 = arith.addi %mul3A_1421, %add3A_1454 : i32
        %get3A_1456 = arith.constant 0 : i32
        %get3A_1457 = arith.index_cast %get3A_1456 : i32 to index
        %get3A_1458 = arith.index_cast %add3A_1377 : i32 to index
        %get3A_1459 = arith.index_cast %add3A_1455 : i32 to index
        %get3A_1460 = tpu.vector_load %arg7[%get3A_1457, %get3A_1458, %get3A_1459] {strides = array<i32>} : memref<2x208x128xf32, #tpu.memory_space<vmem>>, vector<1x1x16xf32>,
        %get3A_1461 = vector.shape_cast %get3A_1460 : vector<1x1x16xf32> to vector<16xf32>
        %add3A_1462 = arith.constant 32 : i32
        %add3A_1463 = arith.addi %mul3A_1423, %add3A_1462 : i32
        %swap3A_1464 = arith.index_cast %select_n3A_1401 : i32 to index
        %swap3A_1465 = arith.index_cast %add3A_1463 : i32 to index
        %swap3A_1466 = tpu.vector_load %arg8[%swap3A_1464, %swap3A_1465] {strides = array<i32>} : memref<8x1664xf32, #tpu.memory_space<vmem>>, vector<1x16xf32>,
        %swap3A_1467 = vector.shape_cast %swap3A_1466 : vector<1x16xf32> to vector<16xf32>
        %swap3A_1468 = vector.shape_cast %get3A_1461 : vector<16xf32> to vector<1x16xf32>
        tpu.vector_store %arg8[%swap3A_1464, %swap3A_1465], %swap3A_1468 {strides = array<i32>} : memref<8x1664xf32, #tpu.memory_space<vmem>>, vector<1x16xf32>,
        %add3A_1469 = arith.constant 48 : i32
        %add3A_1470 = arith.addi %mul3A_1421, %add3A_1469 : i32
        %get3A_1471 = arith.constant 0 : i32
        %get3A_1472 = arith.index_cast %get3A_1471 : i32 to index
        %get3A_1473 = arith.index_cast %add3A_1377 : i32 to index
        %get3A_1474 = arith.index_cast %add3A_1470 : i32 to index
        %get3A_1475 = tpu.vector_load %arg7[%get3A_1472, %get3A_1473, %get3A_1474] {strides = array<i32>} : memref<2x208x128xf32, #tpu.memory_space<vmem>>, vector<1x1x16xf32>,
        %get3A_1476 = vector.shape_cast %get3A_1475 : vector<1x1x16xf32> to vector<16xf32>
        %add3A_1477 = arith.constant 48 : i32
        %add3A_1478 = arith.addi %mul3A_1423, %add3A_1477 : i32
        %swap3A_1479 = arith.index_cast %select_n3A_1401 : i32 to index
        %swap3A_1480 = arith.index_cast %add3A_1478 : i32 to index
        %swap3A_1481 = tpu.vector_load %arg8[%swap3A_1479, %swap3A_1480] {strides = array<i32>} : memref<8x1664xf32, #tpu.memory_space<vmem>>, vector<1x16xf32>,
        %swap3A_1482 = vector.shape_cast %swap3A_1481 : vector<1x16xf32> to vector<16xf32>
        %swap3A_1483 = vector.shape_cast %get3A_1476 : vector<16xf32> to vector<1x16xf32>
        tpu.vector_store %arg8[%swap3A_1479, %swap3A_1480], %swap3A_1483 {strides = array<i32>} : memref<8x1664xf32, #tpu.memory_space<vmem>>, vector<1x16xf32>,
        %mul3A_1484 = arith.constant 16 : i32
        %mul3A_1485 = arith.muli %scan3A_167, %mul3A_1484 : i32
        %add3A_1486 = arith.constant 12 : i32
        %add3A_1487 = arith.addi %mul3A_1485, %add3A_1486 : i32
        %jit3A_1488 = arith.constant 26 : i32
        %div3A_1489 = arith.divsi %add3A_1487, %jit3A_1488 : i32
        %sign3A_1490 = arith.constant 0 : i32
        %sign3A_1491 = arith.cmpi sgt, %add3A_1487, %sign3A_1490 : i32
        %sign3A_1492 = arith.extui %sign3A_1491 : i1 to i32
        %sign3A_1493 = arith.constant 0 : i32
        %sign3A_1494 = arith.cmpi slt, %add3A_1487, %sign3A_1493 : i32
        %sign3A_1495 = arith.extui %sign3A_1494 : i1 to i32
        %sign3A_1496 = arith.subi %sign3A_1492, %sign3A_1495 : i32
        %sign3A_1497 = arith.constant 0 : i32
        %sign3A_1498 = arith.cmpi sgt, %jit3A_1488, %sign3A_1497 : i32
        %sign3A_1499 = arith.extui %sign3A_1498 : i1 to i32
        %sign3A_1500 = arith.constant 0 : i32
        %sign3A_1501 = arith.cmpi slt, %jit3A_1488, %sign3A_1500 : i32
        %sign3A_1502 = arith.extui %sign3A_1501 : i1 to i32
        %sign3A_1503 = arith.subi %sign3A_1499, %sign3A_1502 : i32
        %ne3A_1504 = arith.cmpi ne, %sign3A_1496, %sign3A_1503 : i32
        %rem3A_1505 = arith.remsi %add3A_1487, %jit3A_1488 : i32
        %ne3A_1506 = arith.constant 0 : i32
        %ne3A_1507 = arith.cmpi ne, %rem3A_1505, %ne3A_1506 : i32
        %and3A_1508 = arith.andi %ne3A_1504, %ne3A_1507 : i1
        %sub3A_1509 = arith.constant 1 : i32
        %sub3A_1510 = arith.subi %div3A_1489, %sub3A_1509 : i32
        %select_n3A_1511 = arith.select %and3A_1508, %sub3A_1510, %div3A_1489 : i32
        %jit3A_1512 = arith.constant 26 : i32
        %eq3A_1513 = arith.constant 0 : i32
        %eq3A_1514 = arith.cmpi eq, %jit3A_1512, %eq3A_1513 : i32
        %jit3A_1515 = arith.constant 1 : i32
        %select_n3A_1516 = arith.select %eq3A_1514, %jit3A_1515, %jit3A_1512 : i32
        %rem3A_1517 = arith.remsi %add3A_1487, %select_n3A_1516 : i32
        %ne3A_1518 = arith.constant 0 : i32
        %ne3A_1519 = arith.cmpi ne, %rem3A_1517, %ne3A_1518 : i32
        %lt3A_1520 = arith.constant 0 : i32
        %lt3A_1521 = arith.cmpi slt, %rem3A_1517, %lt3A_1520 : i32
        %lt3A_1522 = arith.constant 0 : i32
        %lt3A_1523 = arith.cmpi slt, %select_n3A_1516, %lt3A_1522 : i32
        %ne3A_1524 = arith.xori %lt3A_1521, %lt3A_1523 : i1
        %and3A_1525 = arith.andi %ne3A_1524, %ne3A_1519 : i1
        %add3A_1526 = arith.addi %rem3A_1517, %select_n3A_1516 : i32
        %select_n3A_1527 = arith.select %and3A_1525, %add3A_1526, %rem3A_1517 : i32
        %slice3A_1528 = vector.extract_strided_slice %and3A {offsets = [12], sizes = [1], strides = [1]} : vector<16xi32> to vector<1xi32>
        %squeeze3A_1529 = vector.extract %slice3A_1528[0] : i32 from vector<1xi32>
        %mul3A_1530 = arith.constant 64 : i32
        %mul3A_1531 = arith.muli %squeeze3A_1529, %mul3A_1530 : i32
        %mul3A_1532 = arith.constant 64 : i32
        %mul3A_1533 = arith.muli %select_n3A_1527, %mul3A_1532 : i32
        %add3A_1534 = arith.constant 0 : i32
        %add3A_1535 = arith.addi %mul3A_1531, %add3A_1534 : i32
        %get3A_1536 = arith.constant 0 : i32
        %get3A_1537 = arith.index_cast %get3A_1536 : i32 to index
        %get3A_1538 = arith.index_cast %add3A_1487 : i32 to index
        %get3A_1539 = arith.index_cast %add3A_1535 : i32 to index
        %get3A_1540 = tpu.vector_load %arg7[%get3A_1537, %get3A_1538, %get3A_1539] {strides = array<i32>} : memref<2x208x128xf32, #tpu.memory_space<vmem>>, vector<1x1x16xf32>,
        %get3A_1541 = vector.shape_cast %get3A_1540 : vector<1x1x16xf32> to vector<16xf32>
        %add3A_1542 = arith.constant 0 : i32
        %add3A_1543 = arith.addi %mul3A_1533, %add3A_1542 : i32
        %swap3A_1544 = arith.index_cast %select_n3A_1511 : i32 to index
        %swap3A_1545 = arith.index_cast %add3A_1543 : i32 to index
        %swap3A_1546 = tpu.vector_load %arg8[%swap3A_1544, %swap3A_1545] {strides = array<i32>} : memref<8x1664xf32, #tpu.memory_space<vmem>>, vector<1x16xf32>,
        %swap3A_1547 = vector.shape_cast %swap3A_1546 : vector<1x16xf32> to vector<16xf32>
        %swap3A_1548 = vector.shape_cast %get3A_1541 : vector<16xf32> to vector<1x16xf32>
        tpu.vector_store %arg8[%swap3A_1544, %swap3A_1545], %swap3A_1548 {strides = array<i32>} : memref<8x1664xf32, #tpu.memory_space<vmem>>, vector<1x16xf32>,
        %add3A_1549 = arith.constant 16 : i32
        %add3A_1550 = arith.addi %mul3A_1531, %add3A_1549 : i32
        %get3A_1551 = arith.constant 0 : i32
        %get3A_1552 = arith.index_cast %get3A_1551 : i32 to index
        %get3A_1553 = arith.index_cast %add3A_1487 : i32 to index
        %get3A_1554 = arith.index_cast %add3A_1550 : i32 to index
        %get3A_1555 = tpu.vector_load %arg7[%get3A_1552, %get3A_1553, %get3A_1554] {strides = array<i32>} : memref<2x208x128xf32, #tpu.memory_space<vmem>>, vector<1x1x16xf32>,
        %get3A_1556 = vector.shape_cast %get3A_1555 : vector<1x1x16xf32> to vector<16xf32>
        %add3A_1557 = arith.constant 16 : i32
        %add3A_1558 = arith.addi %mul3A_1533, %add3A_1557 : i32
        %swap3A_1559 = arith.index_cast %select_n3A_1511 : i32 to index
        %swap3A_1560 = arith.index_cast %add3A_1558 : i32 to index
        %swap3A_1561 = tpu.vector_load %arg8[%swap3A_1559, %swap3A_1560] {strides = array<i32>} : memref<8x1664xf32, #tpu.memory_space<vmem>>, vector<1x16xf32>,
        %swap3A_1562 = vector.shape_cast %swap3A_1561 : vector<1x16xf32> to vector<16xf32>
        %swap3A_1563 = vector.shape_cast %get3A_1556 : vector<16xf32> to vector<1x16xf32>
        tpu.vector_store %arg8[%swap3A_1559, %swap3A_1560], %swap3A_1563 {strides = array<i32>} : memref<8x1664xf32, #tpu.memory_space<vmem>>, vector<1x16xf32>,
        %add3A_1564 = arith.constant 32 : i32
        %add3A_1565 = arith.addi %mul3A_1531, %add3A_1564 : i32
        %get3A_1566 = arith.constant 0 : i32
        %get3A_1567 = arith.index_cast %get3A_1566 : i32 to index
        %get3A_1568 = arith.index_cast %add3A_1487 : i32 to index
        %get3A_1569 = arith.index_cast %add3A_1565 : i32 to index
        %get3A_1570 = tpu.vector_load %arg7[%get3A_1567, %get3A_1568, %get3A_1569] {strides = array<i32>} : memref<2x208x128xf32, #tpu.memory_space<vmem>>, vector<1x1x16xf32>,
        %get3A_1571 = vector.shape_cast %get3A_1570 : vector<1x1x16xf32> to vector<16xf32>
        %add3A_1572 = arith.constant 32 : i32
        %add3A_1573 = arith.addi %mul3A_1533, %add3A_1572 : i32
        %swap3A_1574 = arith.index_cast %select_n3A_1511 : i32 to index
        %swap3A_1575 = arith.index_cast %add3A_1573 : i32 to index
        %swap3A_1576 = tpu.vector_load %arg8[%swap3A_1574, %swap3A_1575] {strides = array<i32>} : memref<8x1664xf32, #tpu.memory_space<vmem>>, vector<1x16xf32>,
        %swap3A_1577 = vector.shape_cast %swap3A_1576 : vector<1x16xf32> to vector<16xf32>
        %swap3A_1578 = vector.shape_cast %get3A_1571 : vector<16xf32> to vector<1x16xf32>
        tpu.vector_store %arg8[%swap3A_1574, %swap3A_1575], %swap3A_1578 {strides = array<i32>} : memref<8x1664xf32, #tpu.memory_space<vmem>>, vector<1x16xf32>,
        %add3A_1579 = arith.constant 48 : i32
        %add3A_1580 = arith.addi %mul3A_1531, %add3A_1579 : i32
        %get3A_1581 = arith.constant 0 : i32
        %get3A_1582 = arith.index_cast %get3A_1581 : i32 to index
        %get3A_1583 = arith.index_cast %add3A_1487 : i32 to index
        %get3A_1584 = arith.index_cast %add3A_1580 : i32 to index
        %get3A_1585 = tpu.vector_load %arg7[%get3A_1582, %get3A_1583, %get3A_1584] {strides = array<i32>} : memref<2x208x128xf32, #tpu.memory_space<vmem>>, vector<1x1x16xf32>,
        %get3A_1586 = vector.shape_cast %get3A_1585 : vector<1x1x16xf32> to vector<16xf32>
        %add3A_1587 = arith.constant 48 : i32
        %add3A_1588 = arith.addi %mul3A_1533, %add3A_1587 : i32
        %swap3A_1589 = arith.index_cast %select_n3A_1511 : i32 to index
        %swap3A_1590 = arith.index_cast %add3A_1588 : i32 to index
        %swap3A_1591 = tpu.vector_load %arg8[%swap3A_1589, %swap3A_1590] {strides = array<i32>} : memref<8x1664xf32, #tpu.memory_space<vmem>>, vector<1x16xf32>,
        %swap3A_1592 = vector.shape_cast %swap3A_1591 : vector<1x16xf32> to vector<16xf32>
        %swap3A_1593 = vector.shape_cast %get3A_1586 : vector<16xf32> to vector<1x16xf32>
        tpu.vector_store %arg8[%swap3A_1589, %swap3A_1590], %swap3A_1593 {strides = array<i32>} : memref<8x1664xf32, #tpu.memory_space<vmem>>, vector<1x16xf32>,
        %mul3A_1594 = arith.constant 16 : i32
        %mul3A_1595 = arith.muli %scan3A_167, %mul3A_1594 : i32
        %add3A_1596 = arith.constant 13 : i32
        %add3A_1597 = arith.addi %mul3A_1595, %add3A_1596 : i32
        %jit3A_1598 = arith.constant 26 : i32
        %div3A_1599 = arith.divsi %add3A_1597, %jit3A_1598 : i32
        %sign3A_1600 = arith.constant 0 : i32
        %sign3A_1601 = arith.cmpi sgt, %add3A_1597, %sign3A_1600 : i32
        %sign3A_1602 = arith.extui %sign3A_1601 : i1 to i32
        %sign3A_1603 = arith.constant 0 : i32
        %sign3A_1604 = arith.cmpi slt, %add3A_1597, %sign3A_1603 : i32
        %sign3A_1605 = arith.extui %sign3A_1604 : i1 to i32
        %sign3A_1606 = arith.subi %sign3A_1602, %sign3A_1605 : i32
        %sign3A_1607 = arith.constant 0 : i32
        %sign3A_1608 = arith.cmpi sgt, %jit3A_1598, %sign3A_1607 : i32
        %sign3A_1609 = arith.extui %sign3A_1608 : i1 to i32
        %sign3A_1610 = arith.constant 0 : i32
        %sign3A_1611 = arith.cmpi slt, %jit3A_1598, %sign3A_1610 : i32
        %sign3A_1612 = arith.extui %sign3A_1611 : i1 to i32
        %sign3A_1613 = arith.subi %sign3A_1609, %sign3A_1612 : i32
        %ne3A_1614 = arith.cmpi ne, %sign3A_1606, %sign3A_1613 : i32
        %rem3A_1615 = arith.remsi %add3A_1597, %jit3A_1598 : i32
        %ne3A_1616 = arith.constant 0 : i32
        %ne3A_1617 = arith.cmpi ne, %rem3A_1615, %ne3A_1616 : i32
        %and3A_1618 = arith.andi %ne3A_1614, %ne3A_1617 : i1
        %sub3A_1619 = arith.constant 1 : i32
        %sub3A_1620 = arith.subi %div3A_1599, %sub3A_1619 : i32
        %select_n3A_1621 = arith.select %and3A_1618, %sub3A_1620, %div3A_1599 : i32
        %jit3A_1622 = arith.constant 26 : i32
        %eq3A_1623 = arith.constant 0 : i32
        %eq3A_1624 = arith.cmpi eq, %jit3A_1622, %eq3A_1623 : i32
        %jit3A_1625 = arith.constant 1 : i32
        %select_n3A_1626 = arith.select %eq3A_1624, %jit3A_1625, %jit3A_1622 : i32
        %rem3A_1627 = arith.remsi %add3A_1597, %select_n3A_1626 : i32
        %ne3A_1628 = arith.constant 0 : i32
        %ne3A_1629 = arith.cmpi ne, %rem3A_1627, %ne3A_1628 : i32
        %lt3A_1630 = arith.constant 0 : i32
        %lt3A_1631 = arith.cmpi slt, %rem3A_1627, %lt3A_1630 : i32
        %lt3A_1632 = arith.constant 0 : i32
        %lt3A_1633 = arith.cmpi slt, %select_n3A_1626, %lt3A_1632 : i32
        %ne3A_1634 = arith.xori %lt3A_1631, %lt3A_1633 : i1
        %and3A_1635 = arith.andi %ne3A_1634, %ne3A_1629 : i1
        %add3A_1636 = arith.addi %rem3A_1627, %select_n3A_1626 : i32
        %select_n3A_1637 = arith.select %and3A_1635, %add3A_1636, %rem3A_1627 : i32
        %slice3A_1638 = vector.extract_strided_slice %and3A {offsets = [13], sizes = [1], strides = [1]} : vector<16xi32> to vector<1xi32>
        %squeeze3A_1639 = vector.extract %slice3A_1638[0] : i32 from vector<1xi32>
        %mul3A_1640 = arith.constant 64 : i32
        %mul3A_1641 = arith.muli %squeeze3A_1639, %mul3A_1640 : i32
        %mul3A_1642 = arith.constant 64 : i32
        %mul3A_1643 = arith.muli %select_n3A_1637, %mul3A_1642 : i32
        %add3A_1644 = arith.constant 0 : i32
        %add3A_1645 = arith.addi %mul3A_1641, %add3A_1644 : i32
        %get3A_1646 = arith.constant 0 : i32
        %get3A_1647 = arith.index_cast %get3A_1646 : i32 to index
        %get3A_1648 = arith.index_cast %add3A_1597 : i32 to index
        %get3A_1649 = arith.index_cast %add3A_1645 : i32 to index
        %get3A_1650 = tpu.vector_load %arg7[%get3A_1647, %get3A_1648, %get3A_1649] {strides = array<i32>} : memref<2x208x128xf32, #tpu.memory_space<vmem>>, vector<1x1x16xf32>,
        %get3A_1651 = vector.shape_cast %get3A_1650 : vector<1x1x16xf32> to vector<16xf32>
        %add3A_1652 = arith.constant 0 : i32
        %add3A_1653 = arith.addi %mul3A_1643, %add3A_1652 : i32
        %swap3A_1654 = arith.index_cast %select_n3A_1621 : i32 to index
        %swap3A_1655 = arith.index_cast %add3A_1653 : i32 to index
        %swap3A_1656 = tpu.vector_load %arg8[%swap3A_1654, %swap3A_1655] {strides = array<i32>} : memref<8x1664xf32, #tpu.memory_space<vmem>>, vector<1x16xf32>,
        %swap3A_1657 = vector.shape_cast %swap3A_1656 : vector<1x16xf32> to vector<16xf32>
        %swap3A_1658 = vector.shape_cast %get3A_1651 : vector<16xf32> to vector<1x16xf32>
        tpu.vector_store %arg8[%swap3A_1654, %swap3A_1655], %swap3A_1658 {strides = array<i32>} : memref<8x1664xf32, #tpu.memory_space<vmem>>, vector<1x16xf32>,
        %add3A_1659 = arith.constant 16 : i32
        %add3A_1660 = arith.addi %mul3A_1641, %add3A_1659 : i32
        %get3A_1661 = arith.constant 0 : i32
        %get3A_1662 = arith.index_cast %get3A_1661 : i32 to index
        %get3A_1663 = arith.index_cast %add3A_1597 : i32 to index
        %get3A_1664 = arith.index_cast %add3A_1660 : i32 to index
        %get3A_1665 = tpu.vector_load %arg7[%get3A_1662, %get3A_1663, %get3A_1664] {strides = array<i32>} : memref<2x208x128xf32, #tpu.memory_space<vmem>>, vector<1x1x16xf32>,
        %get3A_1666 = vector.shape_cast %get3A_1665 : vector<1x1x16xf32> to vector<16xf32>
        %add3A_1667 = arith.constant 16 : i32
        %add3A_1668 = arith.addi %mul3A_1643, %add3A_1667 : i32
        %swap3A_1669 = arith.index_cast %select_n3A_1621 : i32 to index
        %swap3A_1670 = arith.index_cast %add3A_1668 : i32 to index
        %swap3A_1671 = tpu.vector_load %arg8[%swap3A_1669, %swap3A_1670] {strides = array<i32>} : memref<8x1664xf32, #tpu.memory_space<vmem>>, vector<1x16xf32>,
        %swap3A_1672 = vector.shape_cast %swap3A_1671 : vector<1x16xf32> to vector<16xf32>
        %swap3A_1673 = vector.shape_cast %get3A_1666 : vector<16xf32> to vector<1x16xf32>
        tpu.vector_store %arg8[%swap3A_1669, %swap3A_1670], %swap3A_1673 {strides = array<i32>} : memref<8x1664xf32, #tpu.memory_space<vmem>>, vector<1x16xf32>,
        %add3A_1674 = arith.constant 32 : i32
        %add3A_1675 = arith.addi %mul3A_1641, %add3A_1674 : i32
        %get3A_1676 = arith.constant 0 : i32
        %get3A_1677 = arith.index_cast %get3A_1676 : i32 to index
        %get3A_1678 = arith.index_cast %add3A_1597 : i32 to index
        %get3A_1679 = arith.index_cast %add3A_1675 : i32 to index
        %get3A_1680 = tpu.vector_load %arg7[%get3A_1677, %get3A_1678, %get3A_1679] {strides = array<i32>} : memref<2x208x128xf32, #tpu.memory_space<vmem>>, vector<1x1x16xf32>,
        %get3A_1681 = vector.shape_cast %get3A_1680 : vector<1x1x16xf32> to vector<16xf32>
        %add3A_1682 = arith.constant 32 : i32
        %add3A_1683 = arith.addi %mul3A_1643, %add3A_1682 : i32
        %swap3A_1684 = arith.index_cast %select_n3A_1621 : i32 to index
        %swap3A_1685 = arith.index_cast %add3A_1683 : i32 to index
        %swap3A_1686 = tpu.vector_load %arg8[%swap3A_1684, %swap3A_1685] {strides = array<i32>} : memref<8x1664xf32, #tpu.memory_space<vmem>>, vector<1x16xf32>,
        %swap3A_1687 = vector.shape_cast %swap3A_1686 : vector<1x16xf32> to vector<16xf32>
        %swap3A_1688 = vector.shape_cast %get3A_1681 : vector<16xf32> to vector<1x16xf32>
        tpu.vector_store %arg8[%swap3A_1684, %swap3A_1685], %swap3A_1688 {strides = array<i32>} : memref<8x1664xf32, #tpu.memory_space<vmem>>, vector<1x16xf32>,
        %add3A_1689 = arith.constant 48 : i32
        %add3A_1690 = arith.addi %mul3A_1641, %add3A_1689 : i32
        %get3A_1691 = arith.constant 0 : i32
        %get3A_1692 = arith.index_cast %get3A_1691 : i32 to index
        %get3A_1693 = arith.index_cast %add3A_1597 : i32 to index
        %get3A_1694 = arith.index_cast %add3A_1690 : i32 to index
        %get3A_1695 = tpu.vector_load %arg7[%get3A_1692, %get3A_1693, %get3A_1694] {strides = array<i32>} : memref<2x208x128xf32, #tpu.memory_space<vmem>>, vector<1x1x16xf32>,
        %get3A_1696 = vector.shape_cast %get3A_1695 : vector<1x1x16xf32> to vector<16xf32>
        %add3A_1697 = arith.constant 48 : i32
        %add3A_1698 = arith.addi %mul3A_1643, %add3A_1697 : i32
        %swap3A_1699 = arith.index_cast %select_n3A_1621 : i32 to index
        %swap3A_1700 = arith.index_cast %add3A_1698 : i32 to index
        %swap3A_1701 = tpu.vector_load %arg8[%swap3A_1699, %swap3A_1700] {strides = array<i32>} : memref<8x1664xf32, #tpu.memory_space<vmem>>, vector<1x16xf32>,
        %swap3A_1702 = vector.shape_cast %swap3A_1701 : vector<1x16xf32> to vector<16xf32>
        %swap3A_1703 = vector.shape_cast %get3A_1696 : vector<16xf32> to vector<1x16xf32>
        tpu.vector_store %arg8[%swap3A_1699, %swap3A_1700], %swap3A_1703 {strides = array<i32>} : memref<8x1664xf32, #tpu.memory_space<vmem>>, vector<1x16xf32>,
        %mul3A_1704 = arith.constant 16 : i32
        %mul3A_1705 = arith.muli %scan3A_167, %mul3A_1704 : i32
        %add3A_1706 = arith.constant 14 : i32
        %add3A_1707 = arith.addi %mul3A_1705, %add3A_1706 : i32
        %jit3A_1708 = arith.constant 26 : i32
        %div3A_1709 = arith.divsi %add3A_1707, %jit3A_1708 : i32
        %sign3A_1710 = arith.constant 0 : i32
        %sign3A_1711 = arith.cmpi sgt, %add3A_1707, %sign3A_1710 : i32
        %sign3A_1712 = arith.extui %sign3A_1711 : i1 to i32
        %sign3A_1713 = arith.constant 0 : i32
        %sign3A_1714 = arith.cmpi slt, %add3A_1707, %sign3A_1713 : i32
        %sign3A_1715 = arith.extui %sign3A_1714 : i1 to i32
        %sign3A_1716 = arith.subi %sign3A_1712, %sign3A_1715 : i32
        %sign3A_1717 = arith.constant 0 : i32
        %sign3A_1718 = arith.cmpi sgt, %jit3A_1708, %sign3A_1717 : i32
        %sign3A_1719 = arith.extui %sign3A_1718 : i1 to i32
        %sign3A_1720 = arith.constant 0 : i32
        %sign3A_1721 = arith.cmpi slt, %jit3A_1708, %sign3A_1720 : i32
        %sign3A_1722 = arith.extui %sign3A_1721 : i1 to i32
        %sign3A_1723 = arith.subi %sign3A_1719, %sign3A_1722 : i32
        %ne3A_1724 = arith.cmpi ne, %sign3A_1716, %sign3A_1723 : i32
        %rem3A_1725 = arith.remsi %add3A_1707, %jit3A_1708 : i32
        %ne3A_1726 = arith.constant 0 : i32
        %ne3A_1727 = arith.cmpi ne, %rem3A_1725, %ne3A_1726 : i32
        %and3A_1728 = arith.andi %ne3A_1724, %ne3A_1727 : i1
        %sub3A_1729 = arith.constant 1 : i32
        %sub3A_1730 = arith.subi %div3A_1709, %sub3A_1729 : i32
        %select_n3A_1731 = arith.select %and3A_1728, %sub3A_1730, %div3A_1709 : i32
        %jit3A_1732 = arith.constant 26 : i32
        %eq3A_1733 = arith.constant 0 : i32
        %eq3A_1734 = arith.cmpi eq, %jit3A_1732, %eq3A_1733 : i32
        %jit3A_1735 = arith.constant 1 : i32
        %select_n3A_1736 = arith.select %eq3A_1734, %jit3A_1735, %jit3A_1732 : i32
        %rem3A_1737 = arith.remsi %add3A_1707, %select_n3A_1736 : i32
        %ne3A_1738 = arith.constant 0 : i32
        %ne3A_1739 = arith.cmpi ne, %rem3A_1737, %ne3A_1738 : i32
        %lt3A_1740 = arith.constant 0 : i32
        %lt3A_1741 = arith.cmpi slt, %rem3A_1737, %lt3A_1740 : i32
        %lt3A_1742 = arith.constant 0 : i32
        %lt3A_1743 = arith.cmpi slt, %select_n3A_1736, %lt3A_1742 : i32
        %ne3A_1744 = arith.xori %lt3A_1741, %lt3A_1743 : i1
        %and3A_1745 = arith.andi %ne3A_1744, %ne3A_1739 : i1
        %add3A_1746 = arith.addi %rem3A_1737, %select_n3A_1736 : i32
        %select_n3A_1747 = arith.select %and3A_1745, %add3A_1746, %rem3A_1737 : i32
        %slice3A_1748 = vector.extract_strided_slice %and3A {offsets = [14], sizes = [1], strides = [1]} : vector<16xi32> to vector<1xi32>
        %squeeze3A_1749 = vector.extract %slice3A_1748[0] : i32 from vector<1xi32>
        %mul3A_1750 = arith.constant 64 : i32
        %mul3A_1751 = arith.muli %squeeze3A_1749, %mul3A_1750 : i32
        %mul3A_1752 = arith.constant 64 : i32
        %mul3A_1753 = arith.muli %select_n3A_1747, %mul3A_1752 : i32
        %add3A_1754 = arith.constant 0 : i32
        %add3A_1755 = arith.addi %mul3A_1751, %add3A_1754 : i32
        %get3A_1756 = arith.constant 0 : i32
        %get3A_1757 = arith.index_cast %get3A_1756 : i32 to index
        %get3A_1758 = arith.index_cast %add3A_1707 : i32 to index
        %get3A_1759 = arith.index_cast %add3A_1755 : i32 to index
        %get3A_1760 = tpu.vector_load %arg7[%get3A_1757, %get3A_1758, %get3A_1759] {strides = array<i32>} : memref<2x208x128xf32, #tpu.memory_space<vmem>>, vector<1x1x16xf32>,
        %get3A_1761 = vector.shape_cast %get3A_1760 : vector<1x1x16xf32> to vector<16xf32>
        %add3A_1762 = arith.constant 0 : i32
        %add3A_1763 = arith.addi %mul3A_1753, %add3A_1762 : i32
        %swap3A_1764 = arith.index_cast %select_n3A_1731 : i32 to index
        %swap3A_1765 = arith.index_cast %add3A_1763 : i32 to index
        %swap3A_1766 = tpu.vector_load %arg8[%swap3A_1764, %swap3A_1765] {strides = array<i32>} : memref<8x1664xf32, #tpu.memory_space<vmem>>, vector<1x16xf32>,
        %swap3A_1767 = vector.shape_cast %swap3A_1766 : vector<1x16xf32> to vector<16xf32>
        %swap3A_1768 = vector.shape_cast %get3A_1761 : vector<16xf32> to vector<1x16xf32>
        tpu.vector_store %arg8[%swap3A_1764, %swap3A_1765], %swap3A_1768 {strides = array<i32>} : memref<8x1664xf32, #tpu.memory_space<vmem>>, vector<1x16xf32>,
        %add3A_1769 = arith.constant 16 : i32
        %add3A_1770 = arith.addi %mul3A_1751, %add3A_1769 : i32
        %get3A_1771 = arith.constant 0 : i32
        %get3A_1772 = arith.index_cast %get3A_1771 : i32 to index
        %get3A_1773 = arith.index_cast %add3A_1707 : i32 to index
        %get3A_1774 = arith.index_cast %add3A_1770 : i32 to index
        %get3A_1775 = tpu.vector_load %arg7[%get3A_1772, %get3A_1773, %get3A_1774] {strides = array<i32>} : memref<2x208x128xf32, #tpu.memory_space<vmem>>, vector<1x1x16xf32>,
        %get3A_1776 = vector.shape_cast %get3A_1775 : vector<1x1x16xf32> to vector<16xf32>
        %add3A_1777 = arith.constant 16 : i32
        %add3A_1778 = arith.addi %mul3A_1753, %add3A_1777 : i32
        %swap3A_1779 = arith.index_cast %select_n3A_1731 : i32 to index
        %swap3A_1780 = arith.index_cast %add3A_1778 : i32 to index
        %swap3A_1781 = tpu.vector_load %arg8[%swap3A_1779, %swap3A_1780] {strides = array<i32>} : memref<8x1664xf32, #tpu.memory_space<vmem>>, vector<1x16xf32>,
        %swap3A_1782 = vector.shape_cast %swap3A_1781 : vector<1x16xf32> to vector<16xf32>
        %swap3A_1783 = vector.shape_cast %get3A_1776 : vector<16xf32> to vector<1x16xf32>
        tpu.vector_store %arg8[%swap3A_1779, %swap3A_1780], %swap3A_1783 {strides = array<i32>} : memref<8x1664xf32, #tpu.memory_space<vmem>>, vector<1x16xf32>,
        %add3A_1784 = arith.constant 32 : i32
        %add3A_1785 = arith.addi %mul3A_1751, %add3A_1784 : i32
        %get3A_1786 = arith.constant 0 : i32
        %get3A_1787 = arith.index_cast %get3A_1786 : i32 to index
        %get3A_1788 = arith.index_cast %add3A_1707 : i32 to index
        %get3A_1789 = arith.index_cast %add3A_1785 : i32 to index
        %get3A_1790 = tpu.vector_load %arg7[%get3A_1787, %get3A_1788, %get3A_1789] {strides = array<i32>} : memref<2x208x128xf32, #tpu.memory_space<vmem>>, vector<1x1x16xf32>,
        %get3A_1791 = vector.shape_cast %get3A_1790 : vector<1x1x16xf32> to vector<16xf32>
        %add3A_1792 = arith.constant 32 : i32
        %add3A_1793 = arith.addi %mul3A_1753, %add3A_1792 : i32
        %swap3A_1794 = arith.index_cast %select_n3A_1731 : i32 to index
        %swap3A_1795 = arith.index_cast %add3A_1793 : i32 to index
        %swap3A_1796 = tpu.vector_load %arg8[%swap3A_1794, %swap3A_1795] {strides = array<i32>} : memref<8x1664xf32, #tpu.memory_space<vmem>>, vector<1x16xf32>,
        %swap3A_1797 = vector.shape_cast %swap3A_1796 : vector<1x16xf32> to vector<16xf32>
        %swap3A_1798 = vector.shape_cast %get3A_1791 : vector<16xf32> to vector<1x16xf32>
        tpu.vector_store %arg8[%swap3A_1794, %swap3A_1795], %swap3A_1798 {strides = array<i32>} : memref<8x1664xf32, #tpu.memory_space<vmem>>, vector<1x16xf32>,
        %add3A_1799 = arith.constant 48 : i32
        %add3A_1800 = arith.addi %mul3A_1751, %add3A_1799 : i32
        %get3A_1801 = arith.constant 0 : i32
        %get3A_1802 = arith.index_cast %get3A_1801 : i32 to index
        %get3A_1803 = arith.index_cast %add3A_1707 : i32 to index
        %get3A_1804 = arith.index_cast %add3A_1800 : i32 to index
        %get3A_1805 = tpu.vector_load %arg7[%get3A_1802, %get3A_1803, %get3A_1804] {strides = array<i32>} : memref<2x208x128xf32, #tpu.memory_space<vmem>>, vector<1x1x16xf32>,
        %get3A_1806 = vector.shape_cast %get3A_1805 : vector<1x1x16xf32> to vector<16xf32>
        %add3A_1807 = arith.constant 48 : i32
        %add3A_1808 = arith.addi %mul3A_1753, %add3A_1807 : i32
        %swap3A_1809 = arith.index_cast %select_n3A_1731 : i32 to index
        %swap3A_1810 = arith.index_cast %add3A_1808 : i32 to index
        %swap3A_1811 = tpu.vector_load %arg8[%swap3A_1809, %swap3A_1810] {strides = array<i32>} : memref<8x1664xf32, #tpu.memory_space<vmem>>, vector<1x16xf32>,
        %swap3A_1812 = vector.shape_cast %swap3A_1811 : vector<1x16xf32> to vector<16xf32>
        %swap3A_1813 = vector.shape_cast %get3A_1806 : vector<16xf32> to vector<1x16xf32>
        tpu.vector_store %arg8[%swap3A_1809, %swap3A_1810], %swap3A_1813 {strides = array<i32>} : memref<8x1664xf32, #tpu.memory_space<vmem>>, vector<1x16xf32>,
        %mul3A_1814 = arith.constant 16 : i32
        %mul3A_1815 = arith.muli %scan3A_167, %mul3A_1814 : i32
        %add3A_1816 = arith.constant 15 : i32
        %add3A_1817 = arith.addi %mul3A_1815, %add3A_1816 : i32
        %jit3A_1818 = arith.constant 26 : i32
        %div3A_1819 = arith.divsi %add3A_1817, %jit3A_1818 : i32
        %sign3A_1820 = arith.constant 0 : i32
        %sign3A_1821 = arith.cmpi sgt, %add3A_1817, %sign3A_1820 : i32
        %sign3A_1822 = arith.extui %sign3A_1821 : i1 to i32
        %sign3A_1823 = arith.constant 0 : i32
        %sign3A_1824 = arith.cmpi slt, %add3A_1817, %sign3A_1823 : i32
        %sign3A_1825 = arith.extui %sign3A_1824 : i1 to i32
        %sign3A_1826 = arith.subi %sign3A_1822, %sign3A_1825 : i32
        %sign3A_1827 = arith.constant 0 : i32
        %sign3A_1828 = arith.cmpi sgt, %jit3A_1818, %sign3A_1827 : i32
        %sign3A_1829 = arith.extui %sign3A_1828 : i1 to i32
        %sign3A_1830 = arith.constant 0 : i32
        %sign3A_1831 = arith.cmpi slt, %jit3A_1818, %sign3A_1830 : i32
        %sign3A_1832 = arith.extui %sign3A_1831 : i1 to i32
        %sign3A_1833 = arith.subi %sign3A_1829, %sign3A_1832 : i32
        %ne3A_1834 = arith.cmpi ne, %sign3A_1826, %sign3A_1833 : i32
        %rem3A_1835 = arith.remsi %add3A_1817, %jit3A_1818 : i32
        %ne3A_1836 = arith.constant 0 : i32
        %ne3A_1837 = arith.cmpi ne, %rem3A_1835, %ne3A_1836 : i32
        %and3A_1838 = arith.andi %ne3A_1834, %ne3A_1837 : i1
        %sub3A_1839 = arith.constant 1 : i32
        %sub3A_1840 = arith.subi %div3A_1819, %sub3A_1839 : i32
        %select_n3A_1841 = arith.select %and3A_1838, %sub3A_1840, %div3A_1819 : i32
        %jit3A_1842 = arith.constant 26 : i32
        %eq3A_1843 = arith.constant 0 : i32
        %eq3A_1844 = arith.cmpi eq, %jit3A_1842, %eq3A_1843 : i32
        %jit3A_1845 = arith.constant 1 : i32
        %select_n3A_1846 = arith.select %eq3A_1844, %jit3A_1845, %jit3A_1842 : i32
        %rem3A_1847 = arith.remsi %add3A_1817, %select_n3A_1846 : i32
        %ne3A_1848 = arith.constant 0 : i32
        %ne3A_1849 = arith.cmpi ne, %rem3A_1847, %ne3A_1848 : i32
        %lt3A_1850 = arith.constant 0 : i32
        %lt3A_1851 = arith.cmpi slt, %rem3A_1847, %lt3A_1850 : i32
        %lt3A_1852 = arith.constant 0 : i32
        %lt3A_1853 = arith.cmpi slt, %select_n3A_1846, %lt3A_1852 : i32
        %ne3A_1854 = arith.xori %lt3A_1851, %lt3A_1853 : i1
        %and3A_1855 = arith.andi %ne3A_1854, %ne3A_1849 : i1
        %add3A_1856 = arith.addi %rem3A_1847, %select_n3A_1846 : i32
        %select_n3A_1857 = arith.select %and3A_1855, %add3A_1856, %rem3A_1847 : i32
        %slice3A_1858 = vector.extract_strided_slice %and3A {offsets = [15], sizes = [1], strides = [1]} : vector<16xi32> to vector<1xi32>
        %squeeze3A_1859 = vector.extract %slice3A_1858[0] : i32 from vector<1xi32>
        %mul3A_1860 = arith.constant 64 : i32
        %mul3A_1861 = arith.muli %squeeze3A_1859, %mul3A_1860 : i32
        %mul3A_1862 = arith.constant 64 : i32
        %mul3A_1863 = arith.muli %select_n3A_1857, %mul3A_1862 : i32
        %add3A_1864 = arith.constant 0 : i32
        %add3A_1865 = arith.addi %mul3A_1861, %add3A_1864 : i32
        %get3A_1866 = arith.constant 0 : i32
        %get3A_1867 = arith.index_cast %get3A_1866 : i32 to index
        %get3A_1868 = arith.index_cast %add3A_1817 : i32 to index
        %get3A_1869 = arith.index_cast %add3A_1865 : i32 to index
        %get3A_1870 = tpu.vector_load %arg7[%get3A_1867, %get3A_1868, %get3A_1869] {strides = array<i32>} : memref<2x208x128xf32, #tpu.memory_space<vmem>>, vector<1x1x16xf32>,
        %get3A_1871 = vector.shape_cast %get3A_1870 : vector<1x1x16xf32> to vector<16xf32>
        %add3A_1872 = arith.constant 0 : i32
        %add3A_1873 = arith.addi %mul3A_1863, %add3A_1872 : i32
        %swap3A_1874 = arith.index_cast %select_n3A_1841 : i32 to index
        %swap3A_1875 = arith.index_cast %add3A_1873 : i32 to index
        %swap3A_1876 = tpu.vector_load %arg8[%swap3A_1874, %swap3A_1875] {strides = array<i32>} : memref<8x1664xf32, #tpu.memory_space<vmem>>, vector<1x16xf32>,
        %swap3A_1877 = vector.shape_cast %swap3A_1876 : vector<1x16xf32> to vector<16xf32>
        %swap3A_1878 = vector.shape_cast %get3A_1871 : vector<16xf32> to vector<1x16xf32>
        tpu.vector_store %arg8[%swap3A_1874, %swap3A_1875], %swap3A_1878 {strides = array<i32>} : memref<8x1664xf32, #tpu.memory_space<vmem>>, vector<1x16xf32>,
        %add3A_1879 = arith.constant 16 : i32
        %add3A_1880 = arith.addi %mul3A_1861, %add3A_1879 : i32
        %get3A_1881 = arith.constant 0 : i32
        %get3A_1882 = arith.index_cast %get3A_1881 : i32 to index
        %get3A_1883 = arith.index_cast %add3A_1817 : i32 to index
        %get3A_1884 = arith.index_cast %add3A_1880 : i32 to index
        %get3A_1885 = tpu.vector_load %arg7[%get3A_1882, %get3A_1883, %get3A_1884] {strides = array<i32>} : memref<2x208x128xf32, #tpu.memory_space<vmem>>, vector<1x1x16xf32>,
        %get3A_1886 = vector.shape_cast %get3A_1885 : vector<1x1x16xf32> to vector<16xf32>
        %add3A_1887 = arith.constant 16 : i32
        %add3A_1888 = arith.addi %mul3A_1863, %add3A_1887 : i32
        %swap3A_1889 = arith.index_cast %select_n3A_1841 : i32 to index
        %swap3A_1890 = arith.index_cast %add3A_1888 : i32 to index
        %swap3A_1891 = tpu.vector_load %arg8[%swap3A_1889, %swap3A_1890] {strides = array<i32>} : memref<8x1664xf32, #tpu.memory_space<vmem>>, vector<1x16xf32>,
        %swap3A_1892 = vector.shape_cast %swap3A_1891 : vector<1x16xf32> to vector<16xf32>
        %swap3A_1893 = vector.shape_cast %get3A_1886 : vector<16xf32> to vector<1x16xf32>
        tpu.vector_store %arg8[%swap3A_1889, %swap3A_1890], %swap3A_1893 {strides = array<i32>} : memref<8x1664xf32, #tpu.memory_space<vmem>>, vector<1x16xf32>,
        %add3A_1894 = arith.constant 32 : i32
        %add3A_1895 = arith.addi %mul3A_1861, %add3A_1894 : i32
        %get3A_1896 = arith.constant 0 : i32
        %get3A_1897 = arith.index_cast %get3A_1896 : i32 to index
        %get3A_1898 = arith.index_cast %add3A_1817 : i32 to index
        %get3A_1899 = arith.index_cast %add3A_1895 : i32 to index
        %get3A_1900 = tpu.vector_load %arg7[%get3A_1897, %get3A_1898, %get3A_1899] {strides = array<i32>} : memref<2x208x128xf32, #tpu.memory_space<vmem>>, vector<1x1x16xf32>,
        %get3A_1901 = vector.shape_cast %get3A_1900 : vector<1x1x16xf32> to vector<16xf32>
        %add3A_1902 = arith.constant 32 : i32
        %add3A_1903 = arith.addi %mul3A_1863, %add3A_1902 : i32
        %swap3A_1904 = arith.index_cast %select_n3A_1841 : i32 to index
        %swap3A_1905 = arith.index_cast %add3A_1903 : i32 to index
        %swap3A_1906 = tpu.vector_load %arg8[%swap3A_1904, %swap3A_1905] {strides = array<i32>} : memref<8x1664xf32, #tpu.memory_space<vmem>>, vector<1x16xf32>,
        %swap3A_1907 = vector.shape_cast %swap3A_1906 : vector<1x16xf32> to vector<16xf32>
        %swap3A_1908 = vector.shape_cast %get3A_1901 : vector<16xf32> to vector<1x16xf32>
        tpu.vector_store %arg8[%swap3A_1904, %swap3A_1905], %swap3A_1908 {strides = array<i32>} : memref<8x1664xf32, #tpu.memory_space<vmem>>, vector<1x16xf32>,
        %add3A_1909 = arith.constant 48 : i32
        %add3A_1910 = arith.addi %mul3A_1861, %add3A_1909 : i32
        %get3A_1911 = arith.constant 0 : i32
        %get3A_1912 = arith.index_cast %get3A_1911 : i32 to index
        %get3A_1913 = arith.index_cast %add3A_1817 : i32 to index
        %get3A_1914 = arith.index_cast %add3A_1910 : i32 to index
        %get3A_1915 = tpu.vector_load %arg7[%get3A_1912, %get3A_1913, %get3A_1914] {strides = array<i32>} : memref<2x208x128xf32, #tpu.memory_space<vmem>>, vector<1x1x16xf32>,
        %get3A_1916 = vector.shape_cast %get3A_1915 : vector<1x1x16xf32> to vector<16xf32>
        %add3A_1917 = arith.constant 48 : i32
        %add3A_1918 = arith.addi %mul3A_1863, %add3A_1917 : i32
        %swap3A_1919 = arith.index_cast %select_n3A_1841 : i32 to index
        %swap3A_1920 = arith.index_cast %add3A_1918 : i32 to index
        %swap3A_1921 = tpu.vector_load %arg8[%swap3A_1919, %swap3A_1920] {strides = array<i32>} : memref<8x1664xf32, #tpu.memory_space<vmem>>, vector<1x16xf32>,
        %swap3A_1922 = vector.shape_cast %swap3A_1921 : vector<1x16xf32> to vector<16xf32>
        %swap3A_1923 = vector.shape_cast %get3A_1916 : vector<16xf32> to vector<1x16xf32>
        tpu.vector_store %arg8[%swap3A_1919, %swap3A_1920], %swap3A_1923 {strides = array<i32>} : memref<8x1664xf32, #tpu.memory_space<vmem>>, vector<1x16xf32>,
      }
      %scan3A_109 = arith.constant 13 : i32
      %mul3A_110 = arith.constant 8 : i32
      %mul3A_111 = arith.muli %add3A_72, %mul3A_110 : i32
      %add3A_112 = arith.addi %mul3A_2, %mul3A_111 : i32
      "tpu.region"() ({
        %run_scoped3A = tpu.sem_alloc : memref<!tpu.dma_semaphore, #tpu.memory_space<semaphore_mem>>
        %dma_start3A_167 = arith.constant 0 : i32
        %dma_start3A_168 = tpu.memref_slice %arg4[%add3A_112, %dma_start3A_167] : memref<16384x1664xf32, #tpu.memory_space<hbm>> -> memref<8x1664xf32, #tpu.memory_space<hbm>>
        %dma_start3A_169 = arith.constant 0 : i32
        %dma_start3A_170 = tpu.memref_slice %arg4[%add3A_112, %dma_start3A_169] : memref<16384x1664xf32, #tpu.memory_space<hbm>> -> memref<8x1664xf32, #tpu.memory_space<hbm>>
        tpu.enqueue_dma source(%arg8 : memref<8x1664xf32, #tpu.memory_space<vmem>>) target(%dma_start3A_170 : memref<8x1664xf32, #tpu.memory_space<hbm>>) target_semaphore(%run_scoped3A : memref<!tpu.dma_semaphore, #tpu.memory_space<semaphore_mem>>)
        %dma_wait3A_171 = arith.constant 0 : i32
        %dma_wait3A_172 = tpu.memref_slice %arg4[%add3A_112, %dma_wait3A_171] : memref<16384x1664xf32, #tpu.memory_space<hbm>> -> memref<8x1664xf32, #tpu.memory_space<hbm>>
        %dma_wait3A_173 = arith.constant 0 : i32
        %dma_wait3A_174 = tpu.memref_slice %arg4[%add3A_112, %dma_wait3A_173] : memref<16384x1664xf32, #tpu.memory_space<hbm>> -> memref<8x1664xf32, #tpu.memory_space<hbm>>
        tpu.wait_dma2 semaphore(%run_scoped3A : memref<!tpu.dma_semaphore, #tpu.memory_space<semaphore_mem>>) src(%arg8 : memref<8x1664xf32, #tpu.memory_space<vmem>>) dst(%dma_wait3A_174 : memref<8x1664xf32, #tpu.memory_space<hbm>>)
        tpu.yield
      }) : () -> ()
      %add3A_113 = arith.constant 2 : i32
      %add3A_114 = arith.addi %add3A_72, %add3A_113 : i32
      %lt3A = arith.constant 64 : i32
      %lt3A_115 = arith.cmpi slt, %add3A_114, %lt3A : i32
      %convert_element_type3A = arith.extui %lt3A_115 : i1 to i32
      %cond3A = arith.constant 0 : i32
      %cond3A_116 = arith.cmpi ne, %convert_element_type3A, %cond3A : i32
      scf.if %cond3A_116 {
        %add3A_167 = arith.constant 2 : i32
        %add3A_168 = arith.addi %add3A_72, %add3A_167 : i32
        %mul3A_169 = arith.constant 256 : i32
        %mul3A_170 = arith.muli %add3A_168, %mul3A_169 : i32
        %add3A_171 = arith.constant 0 : i32
        %add3A_172 = arith.addi %mul3A_170, %add3A_171 : i32
        %dma_start3A_173 = arith.constant 0 : i32
        %dma_start3A_174 = arith.constant 0 : i32
        %dma_start3A_175 = arith.constant 0 : i32
        %dma_start3A_176 = tpu.memref_slice %arg7[%dma_start3A_173, %dma_start3A_174, %dma_start3A_175] : memref<2x208x128xf32, #tpu.memory_space<vmem>> -> memref<1x208x128xf32, #tpu.memory_space<vmem>>
        %dma_start3A_177 = tpu.memref_squeeze %dma_start3A_176 : memref<1x208x128xf32, #tpu.memory_space<vmem>> -> memref<208x128xf32, #tpu.memory_space<vmem>>
        %dma_start3A_178 = arith.constant 0 : i32
        %dma_start3A_179 = arith.constant 0 : i32
        %dma_start3A_180 = tpu.memref_slice %dma_start3A_177[%dma_start3A_178, %dma_start3A_179] : memref<208x128xf32, #tpu.memory_space<vmem>> -> memref<128x128xf32, #tpu.memory_space<vmem>>
        %dma_start3A_181 = tpu.memref_slice %arg6[%add3A_172] : memref<16384xi32, #tpu.memory_space<vmem>> -> memref<128xi32, #tpu.memory_space<vmem>>
        %dma_start3A_182 = arith.constant 0 : i32
        %dma_start3A_183 = arith.constant 0 : i32
        %dma_start3A_184 = tpu.memref_slice %arg3[%dma_start3A_182, %dma_start3A_183] : memref<500000x128xf32, #tpu.memory_space<hbm>> -> memref<500000x128xf32, #tpu.memory_space<hbm>>
        tpu.enqueue_indirect_dma source(%dma_start3A_184 : memref<500000x128xf32, #tpu.memory_space<hbm>>) target(%dma_start3A_180 : memref<128x128xf32, #tpu.memory_space<vmem>>) offsets(%dma_start3A_181 : memref<128xi32, #tpu.memory_space<vmem>>) semaphore(%arg9 : memref<!tpu.dma_semaphore, #tpu.memory_space<semaphore_mem>>)
        %mul3A_185 = arith.constant 256 : i32
        %mul3A_186 = arith.muli %add3A_168, %mul3A_185 : i32
        %add3A_187 = arith.constant 128 : i32
        %add3A_188 = arith.addi %mul3A_186, %add3A_187 : i32
        %dma_start3A_189 = arith.constant 0 : i32
        %dma_start3A_190 = arith.constant 0 : i32
        %dma_start3A_191 = arith.constant 0 : i32
        %dma_start3A_192 = tpu.memref_slice %arg7[%dma_start3A_189, %dma_start3A_190, %dma_start3A_191] : memref<2x208x128xf32, #tpu.memory_space<vmem>> -> memref<1x208x128xf32, #tpu.memory_space<vmem>>
        %dma_start3A_193 = tpu.memref_squeeze %dma_start3A_192 : memref<1x208x128xf32, #tpu.memory_space<vmem>> -> memref<208x128xf32, #tpu.memory_space<vmem>>
        %dma_start3A_194 = arith.constant 128 : i32
        %dma_start3A_195 = arith.constant 0 : i32
        %dma_start3A_196 = tpu.memref_slice %dma_start3A_193[%dma_start3A_194, %dma_start3A_195] : memref<208x128xf32, #tpu.memory_space<vmem>> -> memref<80x128xf32, #tpu.memory_space<vmem>>
        %dma_start3A_197 = tpu.memref_slice %arg6[%add3A_188] : memref<16384xi32, #tpu.memory_space<vmem>> -> memref<80xi32, #tpu.memory_space<vmem>>
        %dma_start3A_198 = arith.constant 0 : i32
        %dma_start3A_199 = arith.constant 0 : i32
        %dma_start3A_200 = tpu.memref_slice %arg3[%dma_start3A_198, %dma_start3A_199] : memref<500000x128xf32, #tpu.memory_space<hbm>> -> memref<500000x128xf32, #tpu.memory_space<hbm>>
        tpu.enqueue_indirect_dma source(%dma_start3A_200 : memref<500000x128xf32, #tpu.memory_space<hbm>>) target(%dma_start3A_196 : memref<80x128xf32, #tpu.memory_space<vmem>>) offsets(%dma_start3A_197 : memref<80xi32, #tpu.memory_space<vmem>>) semaphore(%arg9 : memref<!tpu.dma_semaphore, #tpu.memory_space<semaphore_mem>>)
      } else {
      }
      %add3A_117 = arith.constant 1 : i32
      %add3A_118 = arith.addi %mul3A_70, %add3A_117 : i32
      %mul3A_119 = arith.constant 256 : i32
      %mul3A_120 = arith.muli %add3A_118, %mul3A_119 : i32
      %add3A_121 = arith.constant 0 : i32
      %add3A_122 = arith.addi %mul3A_120, %add3A_121 : i32
      %dma_wait3A_123 = arith.constant 1 : i32
      %dma_wait3A_124 = arith.constant 0 : i32
      %dma_wait3A_125 = arith.constant 0 : i32
      %dma_wait3A_126 = tpu.memref_slice %arg7[%dma_wait3A_123, %dma_wait3A_124, %dma_wait3A_125] : memref<2x208x128xf32, #tpu.memory_space<vmem>> -> memref<1x208x128xf32, #tpu.memory_space<vmem>>
      %dma_wait3A_127 = tpu.memref_squeeze %dma_wait3A_126 : memref<1x208x128xf32, #tpu.memory_space<vmem>> -> memref<208x128xf32, #tpu.memory_space<vmem>>
      %dma_wait3A_128 = arith.constant 0 : i32
      %dma_wait3A_129 = arith.constant 0 : i32
      %dma_wait3A_130 = tpu.memref_slice %dma_wait3A_127[%dma_wait3A_128, %dma_wait3A_129] : memref<208x128xf32, #tpu.memory_space<vmem>> -> memref<128x128xf32, #tpu.memory_space<vmem>>
      %dma_wait3A_131 = tpu.memref_slice %arg6[%add3A_122] : memref<16384xi32, #tpu.memory_space<vmem>> -> memref<128xi32, #tpu.memory_space<vmem>>
      %dma_wait3A_132 = arith.constant 0 : i32
      %dma_wait3A_133 = arith.constant 0 : i32
      %dma_wait3A_134 = tpu.memref_slice %arg3[%dma_wait3A_132, %dma_wait3A_133] : memref<500000x128xf32, #tpu.memory_space<hbm>> -> memref<500000x128xf32, #tpu.memory_space<hbm>>
      tpu.wait_indirect_dma semaphore(%arg10 : memref<!tpu.dma_semaphore, #tpu.memory_space<semaphore_mem>>) src(%dma_wait3A_134 : memref<500000x128xf32, #tpu.memory_space<hbm>>) dst(%dma_wait3A_130 : memref<128x128xf32, #tpu.memory_space<vmem>>)
      %mul3A_135 = arith.constant 256 : i32
      %mul3A_136 = arith.muli %add3A_118, %mul3A_135 : i32
      %add3A_137 = arith.constant 128 : i32
      %add3A_138 = arith.addi %mul3A_136, %add3A_137 : i32
      %dma_wait3A_139 = arith.constant 1 : i32
      %dma_wait3A_140 = arith.constant 0 : i32
      %dma_wait3A_141 = arith.constant 0 : i32
      %dma_wait3A_142 = tpu.memref_slice %arg7[%dma_wait3A_139, %dma_wait3A_140, %dma_wait3A_141] : memref<2x208x128xf32, #tpu.memory_space<vmem>> -> memref<1x208x128xf32, #tpu.memory_space<vmem>>
      %dma_wait3A_143 = tpu.memref_squeeze %dma_wait3A_142 : memref<1x208x128xf32, #tpu.memory_space<vmem>> -> memref<208x128xf32, #tpu.memory_space<vmem>>
      %dma_wait3A_144 = arith.constant 128 : i32
      %dma_wait3A_145 = arith.constant 0 : i32
      %dma_wait3A_146 = tpu.memref_slice %dma_wait3A_143[%dma_wait3A_144, %dma_wait3A_145] : memref<208x128xf32, #tpu.memory_space<vmem>> -> memref<80x128xf32, #tpu.memory_space<vmem>>
      %dma_wait3A_147 = tpu.memref_slice %arg6[%add3A_138] : memref<16384xi32, #tpu.memory_space<vmem>> -> memref<80xi32, #tpu.memory_space<vmem>>
      %dma_wait3A_148 = arith.constant 0 : i32
      %dma_wait3A_149 = arith.constant 0 : i32
      %dma_wait3A_150 = tpu.memref_slice %arg3[%dma_wait3A_148, %dma_wait3A_149] : memref<500000x128xf32, #tpu.memory_space<hbm>> -> memref<500000x128xf32, #tpu.memory_space<hbm>>
      tpu.wait_indirect_dma semaphore(%arg10 : memref<!tpu.dma_semaphore, #tpu.memory_space<semaphore_mem>>) src(%dma_wait3A_150 : memref<500000x128xf32, #tpu.memory_space<hbm>>) dst(%dma_wait3A_146 : memref<80x128xf32, #tpu.memory_space<vmem>>)
      %scan3A_151 = arith.constant 0 : i32
      %scan3A_152 = arith.constant 0 : i32
      %scan3A_153 = arith.constant 13 : i32
      %scan3A_154 = arith.addi %scan3A_152, %scan3A_153 : i32
      %scan3A_155 = arith.constant 1 : i32
      scf.for %scan3A_167 = %scan3A_152 to %scan3A_154 step %scan3A_155  : i32 {
        %mul3A_168 = arith.constant 208 : i32
        %mul3A_169 = arith.muli %add3A_118, %mul3A_168 : i32
        %mul3A_170 = arith.constant 16 : i32
        %mul3A_171 = arith.muli %scan3A_167, %mul3A_170 : i32
        %add3A_172 = arith.addi %mul3A_169, %mul3A_171 : i32
        %get3A = arith.index_cast %add3A_172 : i32 to index
        %get3A_173 = tpu.vector_load %arg5[%get3A] {strides = array<i32>} : memref<13312xi32, #tpu.memory_space<vmem>>, vector<16xi32>,
        %get3A_174 = vector.shape_cast %get3A_173 : vector<16xi32> to vector<16xi32>
        %and3A = arith.andi %get3A_174, %broadcast_in_dim3A_3 : vector<16xi32>
        %mul3A_175 = arith.constant 16 : i32
        %mul3A_176 = arith.muli %scan3A_167, %mul3A_175 : i32
        %add3A_177 = arith.constant 0 : i32
        %add3A_178 = arith.addi %mul3A_176, %add3A_177 : i32
        %jit3A = arith.constant 26 : i32
        %div3A = arith.divsi %add3A_178, %jit3A : i32
        %sign3A = arith.constant 0 : i32
        %sign3A_179 = arith.cmpi sgt, %add3A_178, %sign3A : i32
        %sign3A_180 = arith.extui %sign3A_179 : i1 to i32
        %sign3A_181 = arith.constant 0 : i32
        %sign3A_182 = arith.cmpi slt, %add3A_178, %sign3A_181 : i32
        %sign3A_183 = arith.extui %sign3A_182 : i1 to i32
        %sign3A_184 = arith.subi %sign3A_180, %sign3A_183 : i32
        %sign3A_185 = arith.constant 0 : i32
        %sign3A_186 = arith.cmpi sgt, %jit3A, %sign3A_185 : i32
        %sign3A_187 = arith.extui %sign3A_186 : i1 to i32
        %sign3A_188 = arith.constant 0 : i32
        %sign3A_189 = arith.cmpi slt, %jit3A, %sign3A_188 : i32
        %sign3A_190 = arith.extui %sign3A_189 : i1 to i32
        %sign3A_191 = arith.subi %sign3A_187, %sign3A_190 : i32
        %ne3A = arith.cmpi ne, %sign3A_184, %sign3A_191 : i32
        %rem3A = arith.remsi %add3A_178, %jit3A : i32
        %ne3A_192 = arith.constant 0 : i32
        %ne3A_193 = arith.cmpi ne, %rem3A, %ne3A_192 : i32
        %and3A_194 = arith.andi %ne3A, %ne3A_193 : i1
        %sub3A = arith.constant 1 : i32
        %sub3A_195 = arith.subi %div3A, %sub3A : i32
        %select_n3A = arith.select %and3A_194, %sub3A_195, %div3A : i32
        %jit3A_196 = arith.constant 26 : i32
        %eq3A = arith.constant 0 : i32
        %eq3A_197 = arith.cmpi eq, %jit3A_196, %eq3A : i32
        %jit3A_198 = arith.constant 1 : i32
        %select_n3A_199 = arith.select %eq3A_197, %jit3A_198, %jit3A_196 : i32
        %rem3A_200 = arith.remsi %add3A_178, %select_n3A_199 : i32
        %ne3A_201 = arith.constant 0 : i32
        %ne3A_202 = arith.cmpi ne, %rem3A_200, %ne3A_201 : i32
        %lt3A_203 = arith.constant 0 : i32
        %lt3A_204 = arith.cmpi slt, %rem3A_200, %lt3A_203 : i32
        %lt3A_205 = arith.constant 0 : i32
        %lt3A_206 = arith.cmpi slt, %select_n3A_199, %lt3A_205 : i32
        %ne3A_207 = arith.xori %lt3A_204, %lt3A_206 : i1
        %and3A_208 = arith.andi %ne3A_207, %ne3A_202 : i1
        %add3A_209 = arith.addi %rem3A_200, %select_n3A_199 : i32
        %select_n3A_210 = arith.select %and3A_208, %add3A_209, %rem3A_200 : i32
        %slice3A = vector.extract_strided_slice %and3A {offsets = [0], sizes = [1], strides = [1]} : vector<16xi32> to vector<1xi32>
        %squeeze3A = vector.extract %slice3A[0] : i32 from vector<1xi32>
        %mul3A_211 = arith.constant 64 : i32
        %mul3A_212 = arith.muli %squeeze3A, %mul3A_211 : i32
        %mul3A_213 = arith.constant 64 : i32
        %mul3A_214 = arith.muli %select_n3A_210, %mul3A_213 : i32
        %add3A_215 = arith.constant 0 : i32
        %add3A_216 = arith.addi %mul3A_212, %add3A_215 : i32
        %get3A_217 = arith.constant 1 : i32
        %get3A_218 = arith.index_cast %get3A_217 : i32 to index
        %get3A_219 = arith.index_cast %add3A_178 : i32 to index
        %get3A_220 = arith.index_cast %add3A_216 : i32 to index
        %get3A_221 = tpu.vector_load %arg7[%get3A_218, %get3A_219, %get3A_220] {strides = array<i32>} : memref<2x208x128xf32, #tpu.memory_space<vmem>>, vector<1x1x16xf32>,
        %get3A_222 = vector.shape_cast %get3A_221 : vector<1x1x16xf32> to vector<16xf32>
        %add3A_223 = arith.constant 0 : i32
        %add3A_224 = arith.addi %mul3A_214, %add3A_223 : i32
        %swap3A = arith.index_cast %select_n3A : i32 to index
        %swap3A_225 = arith.index_cast %add3A_224 : i32 to index
        %swap3A_226 = tpu.vector_load %arg8[%swap3A, %swap3A_225] {strides = array<i32>} : memref<8x1664xf32, #tpu.memory_space<vmem>>, vector<1x16xf32>,
        %swap3A_227 = vector.shape_cast %swap3A_226 : vector<1x16xf32> to vector<16xf32>
        %swap3A_228 = vector.shape_cast %get3A_222 : vector<16xf32> to vector<1x16xf32>
        tpu.vector_store %arg8[%swap3A, %swap3A_225], %swap3A_228 {strides = array<i32>} : memref<8x1664xf32, #tpu.memory_space<vmem>>, vector<1x16xf32>,
        %add3A_229 = arith.constant 16 : i32
        %add3A_230 = arith.addi %mul3A_212, %add3A_229 : i32
        %get3A_231 = arith.constant 1 : i32
        %get3A_232 = arith.index_cast %get3A_231 : i32 to index
        %get3A_233 = arith.index_cast %add3A_178 : i32 to index
        %get3A_234 = arith.index_cast %add3A_230 : i32 to index
        %get3A_235 = tpu.vector_load %arg7[%get3A_232, %get3A_233, %get3A_234] {strides = array<i32>} : memref<2x208x128xf32, #tpu.memory_space<vmem>>, vector<1x1x16xf32>,
        %get3A_236 = vector.shape_cast %get3A_235 : vector<1x1x16xf32> to vector<16xf32>
        %add3A_237 = arith.constant 16 : i32
        %add3A_238 = arith.addi %mul3A_214, %add3A_237 : i32
        %swap3A_239 = arith.index_cast %select_n3A : i32 to index
        %swap3A_240 = arith.index_cast %add3A_238 : i32 to index
        %swap3A_241 = tpu.vector_load %arg8[%swap3A_239, %swap3A_240] {strides = array<i32>} : memref<8x1664xf32, #tpu.memory_space<vmem>>, vector<1x16xf32>,
        %swap3A_242 = vector.shape_cast %swap3A_241 : vector<1x16xf32> to vector<16xf32>
        %swap3A_243 = vector.shape_cast %get3A_236 : vector<16xf32> to vector<1x16xf32>
        tpu.vector_store %arg8[%swap3A_239, %swap3A_240], %swap3A_243 {strides = array<i32>} : memref<8x1664xf32, #tpu.memory_space<vmem>>, vector<1x16xf32>,
        %add3A_244 = arith.constant 32 : i32
        %add3A_245 = arith.addi %mul3A_212, %add3A_244 : i32
        %get3A_246 = arith.constant 1 : i32
        %get3A_247 = arith.index_cast %get3A_246 : i32 to index
        %get3A_248 = arith.index_cast %add3A_178 : i32 to index
        %get3A_249 = arith.index_cast %add3A_245 : i32 to index
        %get3A_250 = tpu.vector_load %arg7[%get3A_247, %get3A_248, %get3A_249] {strides = array<i32>} : memref<2x208x128xf32, #tpu.memory_space<vmem>>, vector<1x1x16xf32>,
        %get3A_251 = vector.shape_cast %get3A_250 : vector<1x1x16xf32> to vector<16xf32>
        %add3A_252 = arith.constant 32 : i32
        %add3A_253 = arith.addi %mul3A_214, %add3A_252 : i32
        %swap3A_254 = arith.index_cast %select_n3A : i32 to index
        %swap3A_255 = arith.index_cast %add3A_253 : i32 to index
        %swap3A_256 = tpu.vector_load %arg8[%swap3A_254, %swap3A_255] {strides = array<i32>} : memref<8x1664xf32, #tpu.memory_space<vmem>>, vector<1x16xf32>,
        %swap3A_257 = vector.shape_cast %swap3A_256 : vector<1x16xf32> to vector<16xf32>
        %swap3A_258 = vector.shape_cast %get3A_251 : vector<16xf32> to vector<1x16xf32>
        tpu.vector_store %arg8[%swap3A_254, %swap3A_255], %swap3A_258 {strides = array<i32>} : memref<8x1664xf32, #tpu.memory_space<vmem>>, vector<1x16xf32>,
        %add3A_259 = arith.constant 48 : i32
        %add3A_260 = arith.addi %mul3A_212, %add3A_259 : i32
        %get3A_261 = arith.constant 1 : i32
        %get3A_262 = arith.index_cast %get3A_261 : i32 to index
        %get3A_263 = arith.index_cast %add3A_178 : i32 to index
        %get3A_264 = arith.index_cast %add3A_260 : i32 to index
        %get3A_265 = tpu.vector_load %arg7[%get3A_262, %get3A_263, %get3A_264] {strides = array<i32>} : memref<2x208x128xf32, #tpu.memory_space<vmem>>, vector<1x1x16xf32>,
        %get3A_266 = vector.shape_cast %get3A_265 : vector<1x1x16xf32> to vector<16xf32>
        %add3A_267 = arith.constant 48 : i32
        %add3A_268 = arith.addi %mul3A_214, %add3A_267 : i32
        %swap3A_269 = arith.index_cast %select_n3A : i32 to index
        %swap3A_270 = arith.index_cast %add3A_268 : i32 to index
        %swap3A_271 = tpu.vector_load %arg8[%swap3A_269, %swap3A_270] {strides = array<i32>} : memref<8x1664xf32, #tpu.memory_space<vmem>>, vector<1x16xf32>,
        %swap3A_272 = vector.shape_cast %swap3A_271 : vector<1x16xf32> to vector<16xf32>
        %swap3A_273 = vector.shape_cast %get3A_266 : vector<16xf32> to vector<1x16xf32>
        tpu.vector_store %arg8[%swap3A_269, %swap3A_270], %swap3A_273 {strides = array<i32>} : memref<8x1664xf32, #tpu.memory_space<vmem>>, vector<1x16xf32>,
        %mul3A_274 = arith.constant 16 : i32
        %mul3A_275 = arith.muli %scan3A_167, %mul3A_274 : i32
        %add3A_276 = arith.constant 1 : i32
        %add3A_277 = arith.addi %mul3A_275, %add3A_276 : i32
        %jit3A_278 = arith.constant 26 : i32
        %div3A_279 = arith.divsi %add3A_277, %jit3A_278 : i32
        %sign3A_280 = arith.constant 0 : i32
        %sign3A_281 = arith.cmpi sgt, %add3A_277, %sign3A_280 : i32
        %sign3A_282 = arith.extui %sign3A_281 : i1 to i32
        %sign3A_283 = arith.constant 0 : i32
        %sign3A_284 = arith.cmpi slt, %add3A_277, %sign3A_283 : i32
        %sign3A_285 = arith.extui %sign3A_284 : i1 to i32
        %sign3A_286 = arith.subi %sign3A_282, %sign3A_285 : i32
        %sign3A_287 = arith.constant 0 : i32
        %sign3A_288 = arith.cmpi sgt, %jit3A_278, %sign3A_287 : i32
        %sign3A_289 = arith.extui %sign3A_288 : i1 to i32
        %sign3A_290 = arith.constant 0 : i32
        %sign3A_291 = arith.cmpi slt, %jit3A_278, %sign3A_290 : i32
        %sign3A_292 = arith.extui %sign3A_291 : i1 to i32
        %sign3A_293 = arith.subi %sign3A_289, %sign3A_292 : i32
        %ne3A_294 = arith.cmpi ne, %sign3A_286, %sign3A_293 : i32
        %rem3A_295 = arith.remsi %add3A_277, %jit3A_278 : i32
        %ne3A_296 = arith.constant 0 : i32
        %ne3A_297 = arith.cmpi ne, %rem3A_295, %ne3A_296 : i32
        %and3A_298 = arith.andi %ne3A_294, %ne3A_297 : i1
        %sub3A_299 = arith.constant 1 : i32
        %sub3A_300 = arith.subi %div3A_279, %sub3A_299 : i32
        %select_n3A_301 = arith.select %and3A_298, %sub3A_300, %div3A_279 : i32
        %jit3A_302 = arith.constant 26 : i32
        %eq3A_303 = arith.constant 0 : i32
        %eq3A_304 = arith.cmpi eq, %jit3A_302, %eq3A_303 : i32
        %jit3A_305 = arith.constant 1 : i32
        %select_n3A_306 = arith.select %eq3A_304, %jit3A_305, %jit3A_302 : i32
        %rem3A_307 = arith.remsi %add3A_277, %select_n3A_306 : i32
        %ne3A_308 = arith.constant 0 : i32
        %ne3A_309 = arith.cmpi ne, %rem3A_307, %ne3A_308 : i32
        %lt3A_310 = arith.constant 0 : i32
        %lt3A_311 = arith.cmpi slt, %rem3A_307, %lt3A_310 : i32
        %lt3A_312 = arith.constant 0 : i32
        %lt3A_313 = arith.cmpi slt, %select_n3A_306, %lt3A_312 : i32
        %ne3A_314 = arith.xori %lt3A_311, %lt3A_313 : i1
        %and3A_315 = arith.andi %ne3A_314, %ne3A_309 : i1
        %add3A_316 = arith.addi %rem3A_307, %select_n3A_306 : i32
        %select_n3A_317 = arith.select %and3A_315, %add3A_316, %rem3A_307 : i32
        %slice3A_318 = vector.extract_strided_slice %and3A {offsets = [1], sizes = [1], strides = [1]} : vector<16xi32> to vector<1xi32>
        %squeeze3A_319 = vector.extract %slice3A_318[0] : i32 from vector<1xi32>
        %mul3A_320 = arith.constant 64 : i32
        %mul3A_321 = arith.muli %squeeze3A_319, %mul3A_320 : i32
        %mul3A_322 = arith.constant 64 : i32
        %mul3A_323 = arith.muli %select_n3A_317, %mul3A_322 : i32
        %add3A_324 = arith.constant 0 : i32
        %add3A_325 = arith.addi %mul3A_321, %add3A_324 : i32
        %get3A_326 = arith.constant 1 : i32
        %get3A_327 = arith.index_cast %get3A_326 : i32 to index
        %get3A_328 = arith.index_cast %add3A_277 : i32 to index
        %get3A_329 = arith.index_cast %add3A_325 : i32 to index
        %get3A_330 = tpu.vector_load %arg7[%get3A_327, %get3A_328, %get3A_329] {strides = array<i32>} : memref<2x208x128xf32, #tpu.memory_space<vmem>>, vector<1x1x16xf32>,
        %get3A_331 = vector.shape_cast %get3A_330 : vector<1x1x16xf32> to vector<16xf32>
        %add3A_332 = arith.constant 0 : i32
        %add3A_333 = arith.addi %mul3A_323, %add3A_332 : i32
        %swap3A_334 = arith.index_cast %select_n3A_301 : i32 to index
        %swap3A_335 = arith.index_cast %add3A_333 : i32 to index
        %swap3A_336 = tpu.vector_load %arg8[%swap3A_334, %swap3A_335] {strides = array<i32>} : memref<8x1664xf32, #tpu.memory_space<vmem>>, vector<1x16xf32>,
        %swap3A_337 = vector.shape_cast %swap3A_336 : vector<1x16xf32> to vector<16xf32>
        %swap3A_338 = vector.shape_cast %get3A_331 : vector<16xf32> to vector<1x16xf32>
        tpu.vector_store %arg8[%swap3A_334, %swap3A_335], %swap3A_338 {strides = array<i32>} : memref<8x1664xf32, #tpu.memory_space<vmem>>, vector<1x16xf32>,
        %add3A_339 = arith.constant 16 : i32
        %add3A_340 = arith.addi %mul3A_321, %add3A_339 : i32
        %get3A_341 = arith.constant 1 : i32
        %get3A_342 = arith.index_cast %get3A_341 : i32 to index
        %get3A_343 = arith.index_cast %add3A_277 : i32 to index
        %get3A_344 = arith.index_cast %add3A_340 : i32 to index
        %get3A_345 = tpu.vector_load %arg7[%get3A_342, %get3A_343, %get3A_344] {strides = array<i32>} : memref<2x208x128xf32, #tpu.memory_space<vmem>>, vector<1x1x16xf32>,
        %get3A_346 = vector.shape_cast %get3A_345 : vector<1x1x16xf32> to vector<16xf32>
        %add3A_347 = arith.constant 16 : i32
        %add3A_348 = arith.addi %mul3A_323, %add3A_347 : i32
        %swap3A_349 = arith.index_cast %select_n3A_301 : i32 to index
        %swap3A_350 = arith.index_cast %add3A_348 : i32 to index
        %swap3A_351 = tpu.vector_load %arg8[%swap3A_349, %swap3A_350] {strides = array<i32>} : memref<8x1664xf32, #tpu.memory_space<vmem>>, vector<1x16xf32>,
        %swap3A_352 = vector.shape_cast %swap3A_351 : vector<1x16xf32> to vector<16xf32>
        %swap3A_353 = vector.shape_cast %get3A_346 : vector<16xf32> to vector<1x16xf32>
        tpu.vector_store %arg8[%swap3A_349, %swap3A_350], %swap3A_353 {strides = array<i32>} : memref<8x1664xf32, #tpu.memory_space<vmem>>, vector<1x16xf32>,
        %add3A_354 = arith.constant 32 : i32
        %add3A_355 = arith.addi %mul3A_321, %add3A_354 : i32
        %get3A_356 = arith.constant 1 : i32
        %get3A_357 = arith.index_cast %get3A_356 : i32 to index
        %get3A_358 = arith.index_cast %add3A_277 : i32 to index
        %get3A_359 = arith.index_cast %add3A_355 : i32 to index
        %get3A_360 = tpu.vector_load %arg7[%get3A_357, %get3A_358, %get3A_359] {strides = array<i32>} : memref<2x208x128xf32, #tpu.memory_space<vmem>>, vector<1x1x16xf32>,
        %get3A_361 = vector.shape_cast %get3A_360 : vector<1x1x16xf32> to vector<16xf32>
        %add3A_362 = arith.constant 32 : i32
        %add3A_363 = arith.addi %mul3A_323, %add3A_362 : i32
        %swap3A_364 = arith.index_cast %select_n3A_301 : i32 to index
        %swap3A_365 = arith.index_cast %add3A_363 : i32 to index
        %swap3A_366 = tpu.vector_load %arg8[%swap3A_364, %swap3A_365] {strides = array<i32>} : memref<8x1664xf32, #tpu.memory_space<vmem>>, vector<1x16xf32>,
        %swap3A_367 = vector.shape_cast %swap3A_366 : vector<1x16xf32> to vector<16xf32>
        %swap3A_368 = vector.shape_cast %get3A_361 : vector<16xf32> to vector<1x16xf32>
        tpu.vector_store %arg8[%swap3A_364, %swap3A_365], %swap3A_368 {strides = array<i32>} : memref<8x1664xf32, #tpu.memory_space<vmem>>, vector<1x16xf32>,
        %add3A_369 = arith.constant 48 : i32
        %add3A_370 = arith.addi %mul3A_321, %add3A_369 : i32
        %get3A_371 = arith.constant 1 : i32
        %get3A_372 = arith.index_cast %get3A_371 : i32 to index
        %get3A_373 = arith.index_cast %add3A_277 : i32 to index
        %get3A_374 = arith.index_cast %add3A_370 : i32 to index
        %get3A_375 = tpu.vector_load %arg7[%get3A_372, %get3A_373, %get3A_374] {strides = array<i32>} : memref<2x208x128xf32, #tpu.memory_space<vmem>>, vector<1x1x16xf32>,
        %get3A_376 = vector.shape_cast %get3A_375 : vector<1x1x16xf32> to vector<16xf32>
        %add3A_377 = arith.constant 48 : i32
        %add3A_378 = arith.addi %mul3A_323, %add3A_377 : i32
        %swap3A_379 = arith.index_cast %select_n3A_301 : i32 to index
        %swap3A_380 = arith.index_cast %add3A_378 : i32 to index
        %swap3A_381 = tpu.vector_load %arg8[%swap3A_379, %swap3A_380] {strides = array<i32>} : memref<8x1664xf32, #tpu.memory_space<vmem>>, vector<1x16xf32>,
        %swap3A_382 = vector.shape_cast %swap3A_381 : vector<1x16xf32> to vector<16xf32>
        %swap3A_383 = vector.shape_cast %get3A_376 : vector<16xf32> to vector<1x16xf32>
        tpu.vector_store %arg8[%swap3A_379, %swap3A_380], %swap3A_383 {strides = array<i32>} : memref<8x1664xf32, #tpu.memory_space<vmem>>, vector<1x16xf32>,
        %mul3A_384 = arith.constant 16 : i32
        %mul3A_385 = arith.muli %scan3A_167, %mul3A_384 : i32
        %add3A_386 = arith.constant 2 : i32
        %add3A_387 = arith.addi %mul3A_385, %add3A_386 : i32
        %jit3A_388 = arith.constant 26 : i32
        %div3A_389 = arith.divsi %add3A_387, %jit3A_388 : i32
        %sign3A_390 = arith.constant 0 : i32
        %sign3A_391 = arith.cmpi sgt, %add3A_387, %sign3A_390 : i32
        %sign3A_392 = arith.extui %sign3A_391 : i1 to i32
        %sign3A_393 = arith.constant 0 : i32
        %sign3A_394 = arith.cmpi slt, %add3A_387, %sign3A_393 : i32
        %sign3A_395 = arith.extui %sign3A_394 : i1 to i32
        %sign3A_396 = arith.subi %sign3A_392, %sign3A_395 : i32
        %sign3A_397 = arith.constant 0 : i32
        %sign3A_398 = arith.cmpi sgt, %jit3A_388, %sign3A_397 : i32
        %sign3A_399 = arith.extui %sign3A_398 : i1 to i32
        %sign3A_400 = arith.constant 0 : i32
        %sign3A_401 = arith.cmpi slt, %jit3A_388, %sign3A_400 : i32
        %sign3A_402 = arith.extui %sign3A_401 : i1 to i32
        %sign3A_403 = arith.subi %sign3A_399, %sign3A_402 : i32
        %ne3A_404 = arith.cmpi ne, %sign3A_396, %sign3A_403 : i32
        %rem3A_405 = arith.remsi %add3A_387, %jit3A_388 : i32
        %ne3A_406 = arith.constant 0 : i32
        %ne3A_407 = arith.cmpi ne, %rem3A_405, %ne3A_406 : i32
        %and3A_408 = arith.andi %ne3A_404, %ne3A_407 : i1
        %sub3A_409 = arith.constant 1 : i32
        %sub3A_410 = arith.subi %div3A_389, %sub3A_409 : i32
        %select_n3A_411 = arith.select %and3A_408, %sub3A_410, %div3A_389 : i32
        %jit3A_412 = arith.constant 26 : i32
        %eq3A_413 = arith.constant 0 : i32
        %eq3A_414 = arith.cmpi eq, %jit3A_412, %eq3A_413 : i32
        %jit3A_415 = arith.constant 1 : i32
        %select_n3A_416 = arith.select %eq3A_414, %jit3A_415, %jit3A_412 : i32
        %rem3A_417 = arith.remsi %add3A_387, %select_n3A_416 : i32
        %ne3A_418 = arith.constant 0 : i32
        %ne3A_419 = arith.cmpi ne, %rem3A_417, %ne3A_418 : i32
        %lt3A_420 = arith.constant 0 : i32
        %lt3A_421 = arith.cmpi slt, %rem3A_417, %lt3A_420 : i32
        %lt3A_422 = arith.constant 0 : i32
        %lt3A_423 = arith.cmpi slt, %select_n3A_416, %lt3A_422 : i32
        %ne3A_424 = arith.xori %lt3A_421, %lt3A_423 : i1
        %and3A_425 = arith.andi %ne3A_424, %ne3A_419 : i1
        %add3A_426 = arith.addi %rem3A_417, %select_n3A_416 : i32
        %select_n3A_427 = arith.select %and3A_425, %add3A_426, %rem3A_417 : i32
        %slice3A_428 = vector.extract_strided_slice %and3A {offsets = [2], sizes = [1], strides = [1]} : vector<16xi32> to vector<1xi32>
        %squeeze3A_429 = vector.extract %slice3A_428[0] : i32 from vector<1xi32>
        %mul3A_430 = arith.constant 64 : i32
        %mul3A_431 = arith.muli %squeeze3A_429, %mul3A_430 : i32
        %mul3A_432 = arith.constant 64 : i32
        %mul3A_433 = arith.muli %select_n3A_427, %mul3A_432 : i32
        %add3A_434 = arith.constant 0 : i32
        %add3A_435 = arith.addi %mul3A_431, %add3A_434 : i32
        %get3A_436 = arith.constant 1 : i32
        %get3A_437 = arith.index_cast %get3A_436 : i32 to index
        %get3A_438 = arith.index_cast %add3A_387 : i32 to index
        %get3A_439 = arith.index_cast %add3A_435 : i32 to index
        %get3A_440 = tpu.vector_load %arg7[%get3A_437, %get3A_438, %get3A_439] {strides = array<i32>} : memref<2x208x128xf32, #tpu.memory_space<vmem>>, vector<1x1x16xf32>,
        %get3A_441 = vector.shape_cast %get3A_440 : vector<1x1x16xf32> to vector<16xf32>
        %add3A_442 = arith.constant 0 : i32
        %add3A_443 = arith.addi %mul3A_433, %add3A_442 : i32
        %swap3A_444 = arith.index_cast %select_n3A_411 : i32 to index
        %swap3A_445 = arith.index_cast %add3A_443 : i32 to index
        %swap3A_446 = tpu.vector_load %arg8[%swap3A_444, %swap3A_445] {strides = array<i32>} : memref<8x1664xf32, #tpu.memory_space<vmem>>, vector<1x16xf32>,
        %swap3A_447 = vector.shape_cast %swap3A_446 : vector<1x16xf32> to vector<16xf32>
        %swap3A_448 = vector.shape_cast %get3A_441 : vector<16xf32> to vector<1x16xf32>
        tpu.vector_store %arg8[%swap3A_444, %swap3A_445], %swap3A_448 {strides = array<i32>} : memref<8x1664xf32, #tpu.memory_space<vmem>>, vector<1x16xf32>,
        %add3A_449 = arith.constant 16 : i32
        %add3A_450 = arith.addi %mul3A_431, %add3A_449 : i32
        %get3A_451 = arith.constant 1 : i32
        %get3A_452 = arith.index_cast %get3A_451 : i32 to index
        %get3A_453 = arith.index_cast %add3A_387 : i32 to index
        %get3A_454 = arith.index_cast %add3A_450 : i32 to index
        %get3A_455 = tpu.vector_load %arg7[%get3A_452, %get3A_453, %get3A_454] {strides = array<i32>} : memref<2x208x128xf32, #tpu.memory_space<vmem>>, vector<1x1x16xf32>,
        %get3A_456 = vector.shape_cast %get3A_455 : vector<1x1x16xf32> to vector<16xf32>
        %add3A_457 = arith.constant 16 : i32
        %add3A_458 = arith.addi %mul3A_433, %add3A_457 : i32
        %swap3A_459 = arith.index_cast %select_n3A_411 : i32 to index
        %swap3A_460 = arith.index_cast %add3A_458 : i32 to index
        %swap3A_461 = tpu.vector_load %arg8[%swap3A_459, %swap3A_460] {strides = array<i32>} : memref<8x1664xf32, #tpu.memory_space<vmem>>, vector<1x16xf32>,
        %swap3A_462 = vector.shape_cast %swap3A_461 : vector<1x16xf32> to vector<16xf32>
        %swap3A_463 = vector.shape_cast %get3A_456 : vector<16xf32> to vector<1x16xf32>
        tpu.vector_store %arg8[%swap3A_459, %swap3A_460], %swap3A_463 {strides = array<i32>} : memref<8x1664xf32, #tpu.memory_space<vmem>>, vector<1x16xf32>,
        %add3A_464 = arith.constant 32 : i32
        %add3A_465 = arith.addi %mul3A_431, %add3A_464 : i32
        %get3A_466 = arith.constant 1 : i32
        %get3A_467 = arith.index_cast %get3A_466 : i32 to index
        %get3A_468 = arith.index_cast %add3A_387 : i32 to index
        %get3A_469 = arith.index_cast %add3A_465 : i32 to index
        %get3A_470 = tpu.vector_load %arg7[%get3A_467, %get3A_468, %get3A_469] {strides = array<i32>} : memref<2x208x128xf32, #tpu.memory_space<vmem>>, vector<1x1x16xf32>,
        %get3A_471 = vector.shape_cast %get3A_470 : vector<1x1x16xf32> to vector<16xf32>
        %add3A_472 = arith.constant 32 : i32
        %add3A_473 = arith.addi %mul3A_433, %add3A_472 : i32
        %swap3A_474 = arith.index_cast %select_n3A_411 : i32 to index
        %swap3A_475 = arith.index_cast %add3A_473 : i32 to index
        %swap3A_476 = tpu.vector_load %arg8[%swap3A_474, %swap3A_475] {strides = array<i32>} : memref<8x1664xf32, #tpu.memory_space<vmem>>, vector<1x16xf32>,
        %swap3A_477 = vector.shape_cast %swap3A_476 : vector<1x16xf32> to vector<16xf32>
        %swap3A_478 = vector.shape_cast %get3A_471 : vector<16xf32> to vector<1x16xf32>
        tpu.vector_store %arg8[%swap3A_474, %swap3A_475], %swap3A_478 {strides = array<i32>} : memref<8x1664xf32, #tpu.memory_space<vmem>>, vector<1x16xf32>,
        %add3A_479 = arith.constant 48 : i32
        %add3A_480 = arith.addi %mul3A_431, %add3A_479 : i32
        %get3A_481 = arith.constant 1 : i32
        %get3A_482 = arith.index_cast %get3A_481 : i32 to index
        %get3A_483 = arith.index_cast %add3A_387 : i32 to index
        %get3A_484 = arith.index_cast %add3A_480 : i32 to index
        %get3A_485 = tpu.vector_load %arg7[%get3A_482, %get3A_483, %get3A_484] {strides = array<i32>} : memref<2x208x128xf32, #tpu.memory_space<vmem>>, vector<1x1x16xf32>,
        %get3A_486 = vector.shape_cast %get3A_485 : vector<1x1x16xf32> to vector<16xf32>
        %add3A_487 = arith.constant 48 : i32
        %add3A_488 = arith.addi %mul3A_433, %add3A_487 : i32
        %swap3A_489 = arith.index_cast %select_n3A_411 : i32 to index
        %swap3A_490 = arith.index_cast %add3A_488 : i32 to index
        %swap3A_491 = tpu.vector_load %arg8[%swap3A_489, %swap3A_490] {strides = array<i32>} : memref<8x1664xf32, #tpu.memory_space<vmem>>, vector<1x16xf32>,
        %swap3A_492 = vector.shape_cast %swap3A_491 : vector<1x16xf32> to vector<16xf32>
        %swap3A_493 = vector.shape_cast %get3A_486 : vector<16xf32> to vector<1x16xf32>
        tpu.vector_store %arg8[%swap3A_489, %swap3A_490], %swap3A_493 {strides = array<i32>} : memref<8x1664xf32, #tpu.memory_space<vmem>>, vector<1x16xf32>,
        %mul3A_494 = arith.constant 16 : i32
        %mul3A_495 = arith.muli %scan3A_167, %mul3A_494 : i32
        %add3A_496 = arith.constant 3 : i32
        %add3A_497 = arith.addi %mul3A_495, %add3A_496 : i32
        %jit3A_498 = arith.constant 26 : i32
        %div3A_499 = arith.divsi %add3A_497, %jit3A_498 : i32
        %sign3A_500 = arith.constant 0 : i32
        %sign3A_501 = arith.cmpi sgt, %add3A_497, %sign3A_500 : i32
        %sign3A_502 = arith.extui %sign3A_501 : i1 to i32
        %sign3A_503 = arith.constant 0 : i32
        %sign3A_504 = arith.cmpi slt, %add3A_497, %sign3A_503 : i32
        %sign3A_505 = arith.extui %sign3A_504 : i1 to i32
        %sign3A_506 = arith.subi %sign3A_502, %sign3A_505 : i32
        %sign3A_507 = arith.constant 0 : i32
        %sign3A_508 = arith.cmpi sgt, %jit3A_498, %sign3A_507 : i32
        %sign3A_509 = arith.extui %sign3A_508 : i1 to i32
        %sign3A_510 = arith.constant 0 : i32
        %sign3A_511 = arith.cmpi slt, %jit3A_498, %sign3A_510 : i32
        %sign3A_512 = arith.extui %sign3A_511 : i1 to i32
        %sign3A_513 = arith.subi %sign3A_509, %sign3A_512 : i32
        %ne3A_514 = arith.cmpi ne, %sign3A_506, %sign3A_513 : i32
        %rem3A_515 = arith.remsi %add3A_497, %jit3A_498 : i32
        %ne3A_516 = arith.constant 0 : i32
        %ne3A_517 = arith.cmpi ne, %rem3A_515, %ne3A_516 : i32
        %and3A_518 = arith.andi %ne3A_514, %ne3A_517 : i1
        %sub3A_519 = arith.constant 1 : i32
        %sub3A_520 = arith.subi %div3A_499, %sub3A_519 : i32
        %select_n3A_521 = arith.select %and3A_518, %sub3A_520, %div3A_499 : i32
        %jit3A_522 = arith.constant 26 : i32
        %eq3A_523 = arith.constant 0 : i32
        %eq3A_524 = arith.cmpi eq, %jit3A_522, %eq3A_523 : i32
        %jit3A_525 = arith.constant 1 : i32
        %select_n3A_526 = arith.select %eq3A_524, %jit3A_525, %jit3A_522 : i32
        %rem3A_527 = arith.remsi %add3A_497, %select_n3A_526 : i32
        %ne3A_528 = arith.constant 0 : i32
        %ne3A_529 = arith.cmpi ne, %rem3A_527, %ne3A_528 : i32
        %lt3A_530 = arith.constant 0 : i32
        %lt3A_531 = arith.cmpi slt, %rem3A_527, %lt3A_530 : i32
        %lt3A_532 = arith.constant 0 : i32
        %lt3A_533 = arith.cmpi slt, %select_n3A_526, %lt3A_532 : i32
        %ne3A_534 = arith.xori %lt3A_531, %lt3A_533 : i1
        %and3A_535 = arith.andi %ne3A_534, %ne3A_529 : i1
        %add3A_536 = arith.addi %rem3A_527, %select_n3A_526 : i32
        %select_n3A_537 = arith.select %and3A_535, %add3A_536, %rem3A_527 : i32
        %slice3A_538 = vector.extract_strided_slice %and3A {offsets = [3], sizes = [1], strides = [1]} : vector<16xi32> to vector<1xi32>
        %squeeze3A_539 = vector.extract %slice3A_538[0] : i32 from vector<1xi32>
        %mul3A_540 = arith.constant 64 : i32
        %mul3A_541 = arith.muli %squeeze3A_539, %mul3A_540 : i32
        %mul3A_542 = arith.constant 64 : i32
        %mul3A_543 = arith.muli %select_n3A_537, %mul3A_542 : i32
        %add3A_544 = arith.constant 0 : i32
        %add3A_545 = arith.addi %mul3A_541, %add3A_544 : i32
        %get3A_546 = arith.constant 1 : i32
        %get3A_547 = arith.index_cast %get3A_546 : i32 to index
        %get3A_548 = arith.index_cast %add3A_497 : i32 to index
        %get3A_549 = arith.index_cast %add3A_545 : i32 to index
        %get3A_550 = tpu.vector_load %arg7[%get3A_547, %get3A_548, %get3A_549] {strides = array<i32>} : memref<2x208x128xf32, #tpu.memory_space<vmem>>, vector<1x1x16xf32>,
        %get3A_551 = vector.shape_cast %get3A_550 : vector<1x1x16xf32> to vector<16xf32>
        %add3A_552 = arith.constant 0 : i32
        %add3A_553 = arith.addi %mul3A_543, %add3A_552 : i32
        %swap3A_554 = arith.index_cast %select_n3A_521 : i32 to index
        %swap3A_555 = arith.index_cast %add3A_553 : i32 to index
        %swap3A_556 = tpu.vector_load %arg8[%swap3A_554, %swap3A_555] {strides = array<i32>} : memref<8x1664xf32, #tpu.memory_space<vmem>>, vector<1x16xf32>,
        %swap3A_557 = vector.shape_cast %swap3A_556 : vector<1x16xf32> to vector<16xf32>
        %swap3A_558 = vector.shape_cast %get3A_551 : vector<16xf32> to vector<1x16xf32>
        tpu.vector_store %arg8[%swap3A_554, %swap3A_555], %swap3A_558 {strides = array<i32>} : memref<8x1664xf32, #tpu.memory_space<vmem>>, vector<1x16xf32>,
        %add3A_559 = arith.constant 16 : i32
        %add3A_560 = arith.addi %mul3A_541, %add3A_559 : i32
        %get3A_561 = arith.constant 1 : i32
        %get3A_562 = arith.index_cast %get3A_561 : i32 to index
        %get3A_563 = arith.index_cast %add3A_497 : i32 to index
        %get3A_564 = arith.index_cast %add3A_560 : i32 to index
        %get3A_565 = tpu.vector_load %arg7[%get3A_562, %get3A_563, %get3A_564] {strides = array<i32>} : memref<2x208x128xf32, #tpu.memory_space<vmem>>, vector<1x1x16xf32>,
        %get3A_566 = vector.shape_cast %get3A_565 : vector<1x1x16xf32> to vector<16xf32>
        %add3A_567 = arith.constant 16 : i32
        %add3A_568 = arith.addi %mul3A_543, %add3A_567 : i32
        %swap3A_569 = arith.index_cast %select_n3A_521 : i32 to index
        %swap3A_570 = arith.index_cast %add3A_568 : i32 to index
        %swap3A_571 = tpu.vector_load %arg8[%swap3A_569, %swap3A_570] {strides = array<i32>} : memref<8x1664xf32, #tpu.memory_space<vmem>>, vector<1x16xf32>,
        %swap3A_572 = vector.shape_cast %swap3A_571 : vector<1x16xf32> to vector<16xf32>
        %swap3A_573 = vector.shape_cast %get3A_566 : vector<16xf32> to vector<1x16xf32>
        tpu.vector_store %arg8[%swap3A_569, %swap3A_570], %swap3A_573 {strides = array<i32>} : memref<8x1664xf32, #tpu.memory_space<vmem>>, vector<1x16xf32>,
        %add3A_574 = arith.constant 32 : i32
        %add3A_575 = arith.addi %mul3A_541, %add3A_574 : i32
        %get3A_576 = arith.constant 1 : i32
        %get3A_577 = arith.index_cast %get3A_576 : i32 to index
        %get3A_578 = arith.index_cast %add3A_497 : i32 to index
        %get3A_579 = arith.index_cast %add3A_575 : i32 to index
        %get3A_580 = tpu.vector_load %arg7[%get3A_577, %get3A_578, %get3A_579] {strides = array<i32>} : memref<2x208x128xf32, #tpu.memory_space<vmem>>, vector<1x1x16xf32>,
        %get3A_581 = vector.shape_cast %get3A_580 : vector<1x1x16xf32> to vector<16xf32>
        %add3A_582 = arith.constant 32 : i32
        %add3A_583 = arith.addi %mul3A_543, %add3A_582 : i32
        %swap3A_584 = arith.index_cast %select_n3A_521 : i32 to index
        %swap3A_585 = arith.index_cast %add3A_583 : i32 to index
        %swap3A_586 = tpu.vector_load %arg8[%swap3A_584, %swap3A_585] {strides = array<i32>} : memref<8x1664xf32, #tpu.memory_space<vmem>>, vector<1x16xf32>,
        %swap3A_587 = vector.shape_cast %swap3A_586 : vector<1x16xf32> to vector<16xf32>
        %swap3A_588 = vector.shape_cast %get3A_581 : vector<16xf32> to vector<1x16xf32>
        tpu.vector_store %arg8[%swap3A_584, %swap3A_585], %swap3A_588 {strides = array<i32>} : memref<8x1664xf32, #tpu.memory_space<vmem>>, vector<1x16xf32>,
        %add3A_589 = arith.constant 48 : i32
        %add3A_590 = arith.addi %mul3A_541, %add3A_589 : i32
        %get3A_591 = arith.constant 1 : i32
        %get3A_592 = arith.index_cast %get3A_591 : i32 to index
        %get3A_593 = arith.index_cast %add3A_497 : i32 to index
        %get3A_594 = arith.index_cast %add3A_590 : i32 to index
        %get3A_595 = tpu.vector_load %arg7[%get3A_592, %get3A_593, %get3A_594] {strides = array<i32>} : memref<2x208x128xf32, #tpu.memory_space<vmem>>, vector<1x1x16xf32>,
        %get3A_596 = vector.shape_cast %get3A_595 : vector<1x1x16xf32> to vector<16xf32>
        %add3A_597 = arith.constant 48 : i32
        %add3A_598 = arith.addi %mul3A_543, %add3A_597 : i32
        %swap3A_599 = arith.index_cast %select_n3A_521 : i32 to index
        %swap3A_600 = arith.index_cast %add3A_598 : i32 to index
        %swap3A_601 = tpu.vector_load %arg8[%swap3A_599, %swap3A_600] {strides = array<i32>} : memref<8x1664xf32, #tpu.memory_space<vmem>>, vector<1x16xf32>,
        %swap3A_602 = vector.shape_cast %swap3A_601 : vector<1x16xf32> to vector<16xf32>
        %swap3A_603 = vector.shape_cast %get3A_596 : vector<16xf32> to vector<1x16xf32>
        tpu.vector_store %arg8[%swap3A_599, %swap3A_600], %swap3A_603 {strides = array<i32>} : memref<8x1664xf32, #tpu.memory_space<vmem>>, vector<1x16xf32>,
        %mul3A_604 = arith.constant 16 : i32
        %mul3A_605 = arith.muli %scan3A_167, %mul3A_604 : i32
        %add3A_606 = arith.constant 4 : i32
        %add3A_607 = arith.addi %mul3A_605, %add3A_606 : i32
        %jit3A_608 = arith.constant 26 : i32
        %div3A_609 = arith.divsi %add3A_607, %jit3A_608 : i32
        %sign3A_610 = arith.constant 0 : i32
        %sign3A_611 = arith.cmpi sgt, %add3A_607, %sign3A_610 : i32
        %sign3A_612 = arith.extui %sign3A_611 : i1 to i32
        %sign3A_613 = arith.constant 0 : i32
        %sign3A_614 = arith.cmpi slt, %add3A_607, %sign3A_613 : i32
        %sign3A_615 = arith.extui %sign3A_614 : i1 to i32
        %sign3A_616 = arith.subi %sign3A_612, %sign3A_615 : i32
        %sign3A_617 = arith.constant 0 : i32
        %sign3A_618 = arith.cmpi sgt, %jit3A_608, %sign3A_617 : i32
        %sign3A_619 = arith.extui %sign3A_618 : i1 to i32
        %sign3A_620 = arith.constant 0 : i32
        %sign3A_621 = arith.cmpi slt, %jit3A_608, %sign3A_620 : i32
        %sign3A_622 = arith.extui %sign3A_621 : i1 to i32
        %sign3A_623 = arith.subi %sign3A_619, %sign3A_622 : i32
        %ne3A_624 = arith.cmpi ne, %sign3A_616, %sign3A_623 : i32
        %rem3A_625 = arith.remsi %add3A_607, %jit3A_608 : i32
        %ne3A_626 = arith.constant 0 : i32
        %ne3A_627 = arith.cmpi ne, %rem3A_625, %ne3A_626 : i32
        %and3A_628 = arith.andi %ne3A_624, %ne3A_627 : i1
        %sub3A_629 = arith.constant 1 : i32
        %sub3A_630 = arith.subi %div3A_609, %sub3A_629 : i32
        %select_n3A_631 = arith.select %and3A_628, %sub3A_630, %div3A_609 : i32
        %jit3A_632 = arith.constant 26 : i32
        %eq3A_633 = arith.constant 0 : i32
        %eq3A_634 = arith.cmpi eq, %jit3A_632, %eq3A_633 : i32
        %jit3A_635 = arith.constant 1 : i32
        %select_n3A_636 = arith.select %eq3A_634, %jit3A_635, %jit3A_632 : i32
        %rem3A_637 = arith.remsi %add3A_607, %select_n3A_636 : i32
        %ne3A_638 = arith.constant 0 : i32
        %ne3A_639 = arith.cmpi ne, %rem3A_637, %ne3A_638 : i32
        %lt3A_640 = arith.constant 0 : i32
        %lt3A_641 = arith.cmpi slt, %rem3A_637, %lt3A_640 : i32
        %lt3A_642 = arith.constant 0 : i32
        %lt3A_643 = arith.cmpi slt, %select_n3A_636, %lt3A_642 : i32
        %ne3A_644 = arith.xori %lt3A_641, %lt3A_643 : i1
        %and3A_645 = arith.andi %ne3A_644, %ne3A_639 : i1
        %add3A_646 = arith.addi %rem3A_637, %select_n3A_636 : i32
        %select_n3A_647 = arith.select %and3A_645, %add3A_646, %rem3A_637 : i32
        %slice3A_648 = vector.extract_strided_slice %and3A {offsets = [4], sizes = [1], strides = [1]} : vector<16xi32> to vector<1xi32>
        %squeeze3A_649 = vector.extract %slice3A_648[0] : i32 from vector<1xi32>
        %mul3A_650 = arith.constant 64 : i32
        %mul3A_651 = arith.muli %squeeze3A_649, %mul3A_650 : i32
        %mul3A_652 = arith.constant 64 : i32
        %mul3A_653 = arith.muli %select_n3A_647, %mul3A_652 : i32
        %add3A_654 = arith.constant 0 : i32
        %add3A_655 = arith.addi %mul3A_651, %add3A_654 : i32
        %get3A_656 = arith.constant 1 : i32
        %get3A_657 = arith.index_cast %get3A_656 : i32 to index
        %get3A_658 = arith.index_cast %add3A_607 : i32 to index
        %get3A_659 = arith.index_cast %add3A_655 : i32 to index
        %get3A_660 = tpu.vector_load %arg7[%get3A_657, %get3A_658, %get3A_659] {strides = array<i32>} : memref<2x208x128xf32, #tpu.memory_space<vmem>>, vector<1x1x16xf32>,
        %get3A_661 = vector.shape_cast %get3A_660 : vector<1x1x16xf32> to vector<16xf32>
        %add3A_662 = arith.constant 0 : i32
        %add3A_663 = arith.addi %mul3A_653, %add3A_662 : i32
        %swap3A_664 = arith.index_cast %select_n3A_631 : i32 to index
        %swap3A_665 = arith.index_cast %add3A_663 : i32 to index
        %swap3A_666 = tpu.vector_load %arg8[%swap3A_664, %swap3A_665] {strides = array<i32>} : memref<8x1664xf32, #tpu.memory_space<vmem>>, vector<1x16xf32>,
        %swap3A_667 = vector.shape_cast %swap3A_666 : vector<1x16xf32> to vector<16xf32>
        %swap3A_668 = vector.shape_cast %get3A_661 : vector<16xf32> to vector<1x16xf32>
        tpu.vector_store %arg8[%swap3A_664, %swap3A_665], %swap3A_668 {strides = array<i32>} : memref<8x1664xf32, #tpu.memory_space<vmem>>, vector<1x16xf32>,
        %add3A_669 = arith.constant 16 : i32
        %add3A_670 = arith.addi %mul3A_651, %add3A_669 : i32
        %get3A_671 = arith.constant 1 : i32
        %get3A_672 = arith.index_cast %get3A_671 : i32 to index
        %get3A_673 = arith.index_cast %add3A_607 : i32 to index
        %get3A_674 = arith.index_cast %add3A_670 : i32 to index
        %get3A_675 = tpu.vector_load %arg7[%get3A_672, %get3A_673, %get3A_674] {strides = array<i32>} : memref<2x208x128xf32, #tpu.memory_space<vmem>>, vector<1x1x16xf32>,
        %get3A_676 = vector.shape_cast %get3A_675 : vector<1x1x16xf32> to vector<16xf32>
        %add3A_677 = arith.constant 16 : i32
        %add3A_678 = arith.addi %mul3A_653, %add3A_677 : i32
        %swap3A_679 = arith.index_cast %select_n3A_631 : i32 to index
        %swap3A_680 = arith.index_cast %add3A_678 : i32 to index
        %swap3A_681 = tpu.vector_load %arg8[%swap3A_679, %swap3A_680] {strides = array<i32>} : memref<8x1664xf32, #tpu.memory_space<vmem>>, vector<1x16xf32>,
        %swap3A_682 = vector.shape_cast %swap3A_681 : vector<1x16xf32> to vector<16xf32>
        %swap3A_683 = vector.shape_cast %get3A_676 : vector<16xf32> to vector<1x16xf32>
        tpu.vector_store %arg8[%swap3A_679, %swap3A_680], %swap3A_683 {strides = array<i32>} : memref<8x1664xf32, #tpu.memory_space<vmem>>, vector<1x16xf32>,
        %add3A_684 = arith.constant 32 : i32
        %add3A_685 = arith.addi %mul3A_651, %add3A_684 : i32
        %get3A_686 = arith.constant 1 : i32
        %get3A_687 = arith.index_cast %get3A_686 : i32 to index
        %get3A_688 = arith.index_cast %add3A_607 : i32 to index
        %get3A_689 = arith.index_cast %add3A_685 : i32 to index
        %get3A_690 = tpu.vector_load %arg7[%get3A_687, %get3A_688, %get3A_689] {strides = array<i32>} : memref<2x208x128xf32, #tpu.memory_space<vmem>>, vector<1x1x16xf32>,
        %get3A_691 = vector.shape_cast %get3A_690 : vector<1x1x16xf32> to vector<16xf32>
        %add3A_692 = arith.constant 32 : i32
        %add3A_693 = arith.addi %mul3A_653, %add3A_692 : i32
        %swap3A_694 = arith.index_cast %select_n3A_631 : i32 to index
        %swap3A_695 = arith.index_cast %add3A_693 : i32 to index
        %swap3A_696 = tpu.vector_load %arg8[%swap3A_694, %swap3A_695] {strides = array<i32>} : memref<8x1664xf32, #tpu.memory_space<vmem>>, vector<1x16xf32>,
        %swap3A_697 = vector.shape_cast %swap3A_696 : vector<1x16xf32> to vector<16xf32>
        %swap3A_698 = vector.shape_cast %get3A_691 : vector<16xf32> to vector<1x16xf32>
        tpu.vector_store %arg8[%swap3A_694, %swap3A_695], %swap3A_698 {strides = array<i32>} : memref<8x1664xf32, #tpu.memory_space<vmem>>, vector<1x16xf32>,
        %add3A_699 = arith.constant 48 : i32
        %add3A_700 = arith.addi %mul3A_651, %add3A_699 : i32
        %get3A_701 = arith.constant 1 : i32
        %get3A_702 = arith.index_cast %get3A_701 : i32 to index
        %get3A_703 = arith.index_cast %add3A_607 : i32 to index
        %get3A_704 = arith.index_cast %add3A_700 : i32 to index
        %get3A_705 = tpu.vector_load %arg7[%get3A_702, %get3A_703, %get3A_704] {strides = array<i32>} : memref<2x208x128xf32, #tpu.memory_space<vmem>>, vector<1x1x16xf32>,
        %get3A_706 = vector.shape_cast %get3A_705 : vector<1x1x16xf32> to vector<16xf32>
        %add3A_707 = arith.constant 48 : i32
        %add3A_708 = arith.addi %mul3A_653, %add3A_707 : i32
        %swap3A_709 = arith.index_cast %select_n3A_631 : i32 to index
        %swap3A_710 = arith.index_cast %add3A_708 : i32 to index
        %swap3A_711 = tpu.vector_load %arg8[%swap3A_709, %swap3A_710] {strides = array<i32>} : memref<8x1664xf32, #tpu.memory_space<vmem>>, vector<1x16xf32>,
        %swap3A_712 = vector.shape_cast %swap3A_711 : vector<1x16xf32> to vector<16xf32>
        %swap3A_713 = vector.shape_cast %get3A_706 : vector<16xf32> to vector<1x16xf32>
        tpu.vector_store %arg8[%swap3A_709, %swap3A_710], %swap3A_713 {strides = array<i32>} : memref<8x1664xf32, #tpu.memory_space<vmem>>, vector<1x16xf32>,
        %mul3A_714 = arith.constant 16 : i32
        %mul3A_715 = arith.muli %scan3A_167, %mul3A_714 : i32
        %add3A_716 = arith.constant 5 : i32
        %add3A_717 = arith.addi %mul3A_715, %add3A_716 : i32
        %jit3A_718 = arith.constant 26 : i32
        %div3A_719 = arith.divsi %add3A_717, %jit3A_718 : i32
        %sign3A_720 = arith.constant 0 : i32
        %sign3A_721 = arith.cmpi sgt, %add3A_717, %sign3A_720 : i32
        %sign3A_722 = arith.extui %sign3A_721 : i1 to i32
        %sign3A_723 = arith.constant 0 : i32
        %sign3A_724 = arith.cmpi slt, %add3A_717, %sign3A_723 : i32
        %sign3A_725 = arith.extui %sign3A_724 : i1 to i32
        %sign3A_726 = arith.subi %sign3A_722, %sign3A_725 : i32
        %sign3A_727 = arith.constant 0 : i32
        %sign3A_728 = arith.cmpi sgt, %jit3A_718, %sign3A_727 : i32
        %sign3A_729 = arith.extui %sign3A_728 : i1 to i32
        %sign3A_730 = arith.constant 0 : i32
        %sign3A_731 = arith.cmpi slt, %jit3A_718, %sign3A_730 : i32
        %sign3A_732 = arith.extui %sign3A_731 : i1 to i32
        %sign3A_733 = arith.subi %sign3A_729, %sign3A_732 : i32
        %ne3A_734 = arith.cmpi ne, %sign3A_726, %sign3A_733 : i32
        %rem3A_735 = arith.remsi %add3A_717, %jit3A_718 : i32
        %ne3A_736 = arith.constant 0 : i32
        %ne3A_737 = arith.cmpi ne, %rem3A_735, %ne3A_736 : i32
        %and3A_738 = arith.andi %ne3A_734, %ne3A_737 : i1
        %sub3A_739 = arith.constant 1 : i32
        %sub3A_740 = arith.subi %div3A_719, %sub3A_739 : i32
        %select_n3A_741 = arith.select %and3A_738, %sub3A_740, %div3A_719 : i32
        %jit3A_742 = arith.constant 26 : i32
        %eq3A_743 = arith.constant 0 : i32
        %eq3A_744 = arith.cmpi eq, %jit3A_742, %eq3A_743 : i32
        %jit3A_745 = arith.constant 1 : i32
        %select_n3A_746 = arith.select %eq3A_744, %jit3A_745, %jit3A_742 : i32
        %rem3A_747 = arith.remsi %add3A_717, %select_n3A_746 : i32
        %ne3A_748 = arith.constant 0 : i32
        %ne3A_749 = arith.cmpi ne, %rem3A_747, %ne3A_748 : i32
        %lt3A_750 = arith.constant 0 : i32
        %lt3A_751 = arith.cmpi slt, %rem3A_747, %lt3A_750 : i32
        %lt3A_752 = arith.constant 0 : i32
        %lt3A_753 = arith.cmpi slt, %select_n3A_746, %lt3A_752 : i32
        %ne3A_754 = arith.xori %lt3A_751, %lt3A_753 : i1
        %and3A_755 = arith.andi %ne3A_754, %ne3A_749 : i1
        %add3A_756 = arith.addi %rem3A_747, %select_n3A_746 : i32
        %select_n3A_757 = arith.select %and3A_755, %add3A_756, %rem3A_747 : i32
        %slice3A_758 = vector.extract_strided_slice %and3A {offsets = [5], sizes = [1], strides = [1]} : vector<16xi32> to vector<1xi32>
        %squeeze3A_759 = vector.extract %slice3A_758[0] : i32 from vector<1xi32>
        %mul3A_760 = arith.constant 64 : i32
        %mul3A_761 = arith.muli %squeeze3A_759, %mul3A_760 : i32
        %mul3A_762 = arith.constant 64 : i32
        %mul3A_763 = arith.muli %select_n3A_757, %mul3A_762 : i32
        %add3A_764 = arith.constant 0 : i32
        %add3A_765 = arith.addi %mul3A_761, %add3A_764 : i32
        %get3A_766 = arith.constant 1 : i32
        %get3A_767 = arith.index_cast %get3A_766 : i32 to index
        %get3A_768 = arith.index_cast %add3A_717 : i32 to index
        %get3A_769 = arith.index_cast %add3A_765 : i32 to index
        %get3A_770 = tpu.vector_load %arg7[%get3A_767, %get3A_768, %get3A_769] {strides = array<i32>} : memref<2x208x128xf32, #tpu.memory_space<vmem>>, vector<1x1x16xf32>,
        %get3A_771 = vector.shape_cast %get3A_770 : vector<1x1x16xf32> to vector<16xf32>
        %add3A_772 = arith.constant 0 : i32
        %add3A_773 = arith.addi %mul3A_763, %add3A_772 : i32
        %swap3A_774 = arith.index_cast %select_n3A_741 : i32 to index
        %swap3A_775 = arith.index_cast %add3A_773 : i32 to index
        %swap3A_776 = tpu.vector_load %arg8[%swap3A_774, %swap3A_775] {strides = array<i32>} : memref<8x1664xf32, #tpu.memory_space<vmem>>, vector<1x16xf32>,
        %swap3A_777 = vector.shape_cast %swap3A_776 : vector<1x16xf32> to vector<16xf32>
        %swap3A_778 = vector.shape_cast %get3A_771 : vector<16xf32> to vector<1x16xf32>
        tpu.vector_store %arg8[%swap3A_774, %swap3A_775], %swap3A_778 {strides = array<i32>} : memref<8x1664xf32, #tpu.memory_space<vmem>>, vector<1x16xf32>,
        %add3A_779 = arith.constant 16 : i32
        %add3A_780 = arith.addi %mul3A_761, %add3A_779 : i32
        %get3A_781 = arith.constant 1 : i32
        %get3A_782 = arith.index_cast %get3A_781 : i32 to index
        %get3A_783 = arith.index_cast %add3A_717 : i32 to index
        %get3A_784 = arith.index_cast %add3A_780 : i32 to index
        %get3A_785 = tpu.vector_load %arg7[%get3A_782, %get3A_783, %get3A_784] {strides = array<i32>} : memref<2x208x128xf32, #tpu.memory_space<vmem>>, vector<1x1x16xf32>,
        %get3A_786 = vector.shape_cast %get3A_785 : vector<1x1x16xf32> to vector<16xf32>
        %add3A_787 = arith.constant 16 : i32
        %add3A_788 = arith.addi %mul3A_763, %add3A_787 : i32
        %swap3A_789 = arith.index_cast %select_n3A_741 : i32 to index
        %swap3A_790 = arith.index_cast %add3A_788 : i32 to index
        %swap3A_791 = tpu.vector_load %arg8[%swap3A_789, %swap3A_790] {strides = array<i32>} : memref<8x1664xf32, #tpu.memory_space<vmem>>, vector<1x16xf32>,
        %swap3A_792 = vector.shape_cast %swap3A_791 : vector<1x16xf32> to vector<16xf32>
        %swap3A_793 = vector.shape_cast %get3A_786 : vector<16xf32> to vector<1x16xf32>
        tpu.vector_store %arg8[%swap3A_789, %swap3A_790], %swap3A_793 {strides = array<i32>} : memref<8x1664xf32, #tpu.memory_space<vmem>>, vector<1x16xf32>,
        %add3A_794 = arith.constant 32 : i32
        %add3A_795 = arith.addi %mul3A_761, %add3A_794 : i32
        %get3A_796 = arith.constant 1 : i32
        %get3A_797 = arith.index_cast %get3A_796 : i32 to index
        %get3A_798 = arith.index_cast %add3A_717 : i32 to index
        %get3A_799 = arith.index_cast %add3A_795 : i32 to index
        %get3A_800 = tpu.vector_load %arg7[%get3A_797, %get3A_798, %get3A_799] {strides = array<i32>} : memref<2x208x128xf32, #tpu.memory_space<vmem>>, vector<1x1x16xf32>,
        %get3A_801 = vector.shape_cast %get3A_800 : vector<1x1x16xf32> to vector<16xf32>
        %add3A_802 = arith.constant 32 : i32
        %add3A_803 = arith.addi %mul3A_763, %add3A_802 : i32
        %swap3A_804 = arith.index_cast %select_n3A_741 : i32 to index
        %swap3A_805 = arith.index_cast %add3A_803 : i32 to index
        %swap3A_806 = tpu.vector_load %arg8[%swap3A_804, %swap3A_805] {strides = array<i32>} : memref<8x1664xf32, #tpu.memory_space<vmem>>, vector<1x16xf32>,
        %swap3A_807 = vector.shape_cast %swap3A_806 : vector<1x16xf32> to vector<16xf32>
        %swap3A_808 = vector.shape_cast %get3A_801 : vector<16xf32> to vector<1x16xf32>
        tpu.vector_store %arg8[%swap3A_804, %swap3A_805], %swap3A_808 {strides = array<i32>} : memref<8x1664xf32, #tpu.memory_space<vmem>>, vector<1x16xf32>,
        %add3A_809 = arith.constant 48 : i32
        %add3A_810 = arith.addi %mul3A_761, %add3A_809 : i32
        %get3A_811 = arith.constant 1 : i32
        %get3A_812 = arith.index_cast %get3A_811 : i32 to index
        %get3A_813 = arith.index_cast %add3A_717 : i32 to index
        %get3A_814 = arith.index_cast %add3A_810 : i32 to index
        %get3A_815 = tpu.vector_load %arg7[%get3A_812, %get3A_813, %get3A_814] {strides = array<i32>} : memref<2x208x128xf32, #tpu.memory_space<vmem>>, vector<1x1x16xf32>,
        %get3A_816 = vector.shape_cast %get3A_815 : vector<1x1x16xf32> to vector<16xf32>
        %add3A_817 = arith.constant 48 : i32
        %add3A_818 = arith.addi %mul3A_763, %add3A_817 : i32
        %swap3A_819 = arith.index_cast %select_n3A_741 : i32 to index
        %swap3A_820 = arith.index_cast %add3A_818 : i32 to index
        %swap3A_821 = tpu.vector_load %arg8[%swap3A_819, %swap3A_820] {strides = array<i32>} : memref<8x1664xf32, #tpu.memory_space<vmem>>, vector<1x16xf32>,
        %swap3A_822 = vector.shape_cast %swap3A_821 : vector<1x16xf32> to vector<16xf32>
        %swap3A_823 = vector.shape_cast %get3A_816 : vector<16xf32> to vector<1x16xf32>
        tpu.vector_store %arg8[%swap3A_819, %swap3A_820], %swap3A_823 {strides = array<i32>} : memref<8x1664xf32, #tpu.memory_space<vmem>>, vector<1x16xf32>,
        %mul3A_824 = arith.constant 16 : i32
        %mul3A_825 = arith.muli %scan3A_167, %mul3A_824 : i32
        %add3A_826 = arith.constant 6 : i32
        %add3A_827 = arith.addi %mul3A_825, %add3A_826 : i32
        %jit3A_828 = arith.constant 26 : i32
        %div3A_829 = arith.divsi %add3A_827, %jit3A_828 : i32
        %sign3A_830 = arith.constant 0 : i32
        %sign3A_831 = arith.cmpi sgt, %add3A_827, %sign3A_830 : i32
        %sign3A_832 = arith.extui %sign3A_831 : i1 to i32
        %sign3A_833 = arith.constant 0 : i32
        %sign3A_834 = arith.cmpi slt, %add3A_827, %sign3A_833 : i32
        %sign3A_835 = arith.extui %sign3A_834 : i1 to i32
        %sign3A_836 = arith.subi %sign3A_832, %sign3A_835 : i32
        %sign3A_837 = arith.constant 0 : i32
        %sign3A_838 = arith.cmpi sgt, %jit3A_828, %sign3A_837 : i32
        %sign3A_839 = arith.extui %sign3A_838 : i1 to i32
        %sign3A_840 = arith.constant 0 : i32
        %sign3A_841 = arith.cmpi slt, %jit3A_828, %sign3A_840 : i32
        %sign3A_842 = arith.extui %sign3A_841 : i1 to i32
        %sign3A_843 = arith.subi %sign3A_839, %sign3A_842 : i32
        %ne3A_844 = arith.cmpi ne, %sign3A_836, %sign3A_843 : i32
        %rem3A_845 = arith.remsi %add3A_827, %jit3A_828 : i32
        %ne3A_846 = arith.constant 0 : i32
        %ne3A_847 = arith.cmpi ne, %rem3A_845, %ne3A_846 : i32
        %and3A_848 = arith.andi %ne3A_844, %ne3A_847 : i1
        %sub3A_849 = arith.constant 1 : i32
        %sub3A_850 = arith.subi %div3A_829, %sub3A_849 : i32
        %select_n3A_851 = arith.select %and3A_848, %sub3A_850, %div3A_829 : i32
        %jit3A_852 = arith.constant 26 : i32
        %eq3A_853 = arith.constant 0 : i32
        %eq3A_854 = arith.cmpi eq, %jit3A_852, %eq3A_853 : i32
        %jit3A_855 = arith.constant 1 : i32
        %select_n3A_856 = arith.select %eq3A_854, %jit3A_855, %jit3A_852 : i32
        %rem3A_857 = arith.remsi %add3A_827, %select_n3A_856 : i32
        %ne3A_858 = arith.constant 0 : i32
        %ne3A_859 = arith.cmpi ne, %rem3A_857, %ne3A_858 : i32
        %lt3A_860 = arith.constant 0 : i32
        %lt3A_861 = arith.cmpi slt, %rem3A_857, %lt3A_860 : i32
        %lt3A_862 = arith.constant 0 : i32
        %lt3A_863 = arith.cmpi slt, %select_n3A_856, %lt3A_862 : i32
        %ne3A_864 = arith.xori %lt3A_861, %lt3A_863 : i1
        %and3A_865 = arith.andi %ne3A_864, %ne3A_859 : i1
        %add3A_866 = arith.addi %rem3A_857, %select_n3A_856 : i32
        %select_n3A_867 = arith.select %and3A_865, %add3A_866, %rem3A_857 : i32
        %slice3A_868 = vector.extract_strided_slice %and3A {offsets = [6], sizes = [1], strides = [1]} : vector<16xi32> to vector<1xi32>
        %squeeze3A_869 = vector.extract %slice3A_868[0] : i32 from vector<1xi32>
        %mul3A_870 = arith.constant 64 : i32
        %mul3A_871 = arith.muli %squeeze3A_869, %mul3A_870 : i32
        %mul3A_872 = arith.constant 64 : i32
        %mul3A_873 = arith.muli %select_n3A_867, %mul3A_872 : i32
        %add3A_874 = arith.constant 0 : i32
        %add3A_875 = arith.addi %mul3A_871, %add3A_874 : i32
        %get3A_876 = arith.constant 1 : i32
        %get3A_877 = arith.index_cast %get3A_876 : i32 to index
        %get3A_878 = arith.index_cast %add3A_827 : i32 to index
        %get3A_879 = arith.index_cast %add3A_875 : i32 to index
        %get3A_880 = tpu.vector_load %arg7[%get3A_877, %get3A_878, %get3A_879] {strides = array<i32>} : memref<2x208x128xf32, #tpu.memory_space<vmem>>, vector<1x1x16xf32>,
        %get3A_881 = vector.shape_cast %get3A_880 : vector<1x1x16xf32> to vector<16xf32>
        %add3A_882 = arith.constant 0 : i32
        %add3A_883 = arith.addi %mul3A_873, %add3A_882 : i32
        %swap3A_884 = arith.index_cast %select_n3A_851 : i32 to index
        %swap3A_885 = arith.index_cast %add3A_883 : i32 to index
        %swap3A_886 = tpu.vector_load %arg8[%swap3A_884, %swap3A_885] {strides = array<i32>} : memref<8x1664xf32, #tpu.memory_space<vmem>>, vector<1x16xf32>,
        %swap3A_887 = vector.shape_cast %swap3A_886 : vector<1x16xf32> to vector<16xf32>
        %swap3A_888 = vector.shape_cast %get3A_881 : vector<16xf32> to vector<1x16xf32>
        tpu.vector_store %arg8[%swap3A_884, %swap3A_885], %swap3A_888 {strides = array<i32>} : memref<8x1664xf32, #tpu.memory_space<vmem>>, vector<1x16xf32>,
        %add3A_889 = arith.constant 16 : i32
        %add3A_890 = arith.addi %mul3A_871, %add3A_889 : i32
        %get3A_891 = arith.constant 1 : i32
        %get3A_892 = arith.index_cast %get3A_891 : i32 to index
        %get3A_893 = arith.index_cast %add3A_827 : i32 to index
        %get3A_894 = arith.index_cast %add3A_890 : i32 to index
        %get3A_895 = tpu.vector_load %arg7[%get3A_892, %get3A_893, %get3A_894] {strides = array<i32>} : memref<2x208x128xf32, #tpu.memory_space<vmem>>, vector<1x1x16xf32>,
        %get3A_896 = vector.shape_cast %get3A_895 : vector<1x1x16xf32> to vector<16xf32>
        %add3A_897 = arith.constant 16 : i32
        %add3A_898 = arith.addi %mul3A_873, %add3A_897 : i32
        %swap3A_899 = arith.index_cast %select_n3A_851 : i32 to index
        %swap3A_900 = arith.index_cast %add3A_898 : i32 to index
        %swap3A_901 = tpu.vector_load %arg8[%swap3A_899, %swap3A_900] {strides = array<i32>} : memref<8x1664xf32, #tpu.memory_space<vmem>>, vector<1x16xf32>,
        %swap3A_902 = vector.shape_cast %swap3A_901 : vector<1x16xf32> to vector<16xf32>
        %swap3A_903 = vector.shape_cast %get3A_896 : vector<16xf32> to vector<1x16xf32>
        tpu.vector_store %arg8[%swap3A_899, %swap3A_900], %swap3A_903 {strides = array<i32>} : memref<8x1664xf32, #tpu.memory_space<vmem>>, vector<1x16xf32>,
        %add3A_904 = arith.constant 32 : i32
        %add3A_905 = arith.addi %mul3A_871, %add3A_904 : i32
        %get3A_906 = arith.constant 1 : i32
        %get3A_907 = arith.index_cast %get3A_906 : i32 to index
        %get3A_908 = arith.index_cast %add3A_827 : i32 to index
        %get3A_909 = arith.index_cast %add3A_905 : i32 to index
        %get3A_910 = tpu.vector_load %arg7[%get3A_907, %get3A_908, %get3A_909] {strides = array<i32>} : memref<2x208x128xf32, #tpu.memory_space<vmem>>, vector<1x1x16xf32>,
        %get3A_911 = vector.shape_cast %get3A_910 : vector<1x1x16xf32> to vector<16xf32>
        %add3A_912 = arith.constant 32 : i32
        %add3A_913 = arith.addi %mul3A_873, %add3A_912 : i32
        %swap3A_914 = arith.index_cast %select_n3A_851 : i32 to index
        %swap3A_915 = arith.index_cast %add3A_913 : i32 to index
        %swap3A_916 = tpu.vector_load %arg8[%swap3A_914, %swap3A_915] {strides = array<i32>} : memref<8x1664xf32, #tpu.memory_space<vmem>>, vector<1x16xf32>,
        %swap3A_917 = vector.shape_cast %swap3A_916 : vector<1x16xf32> to vector<16xf32>
        %swap3A_918 = vector.shape_cast %get3A_911 : vector<16xf32> to vector<1x16xf32>
        tpu.vector_store %arg8[%swap3A_914, %swap3A_915], %swap3A_918 {strides = array<i32>} : memref<8x1664xf32, #tpu.memory_space<vmem>>, vector<1x16xf32>,
        %add3A_919 = arith.constant 48 : i32
        %add3A_920 = arith.addi %mul3A_871, %add3A_919 : i32
        %get3A_921 = arith.constant 1 : i32
        %get3A_922 = arith.index_cast %get3A_921 : i32 to index
        %get3A_923 = arith.index_cast %add3A_827 : i32 to index
        %get3A_924 = arith.index_cast %add3A_920 : i32 to index
        %get3A_925 = tpu.vector_load %arg7[%get3A_922, %get3A_923, %get3A_924] {strides = array<i32>} : memref<2x208x128xf32, #tpu.memory_space<vmem>>, vector<1x1x16xf32>,
        %get3A_926 = vector.shape_cast %get3A_925 : vector<1x1x16xf32> to vector<16xf32>
        %add3A_927 = arith.constant 48 : i32
        %add3A_928 = arith.addi %mul3A_873, %add3A_927 : i32
        %swap3A_929 = arith.index_cast %select_n3A_851 : i32 to index
        %swap3A_930 = arith.index_cast %add3A_928 : i32 to index
        %swap3A_931 = tpu.vector_load %arg8[%swap3A_929, %swap3A_930] {strides = array<i32>} : memref<8x1664xf32, #tpu.memory_space<vmem>>, vector<1x16xf32>,
        %swap3A_932 = vector.shape_cast %swap3A_931 : vector<1x16xf32> to vector<16xf32>
        %swap3A_933 = vector.shape_cast %get3A_926 : vector<16xf32> to vector<1x16xf32>
        tpu.vector_store %arg8[%swap3A_929, %swap3A_930], %swap3A_933 {strides = array<i32>} : memref<8x1664xf32, #tpu.memory_space<vmem>>, vector<1x16xf32>,
        %mul3A_934 = arith.constant 16 : i32
        %mul3A_935 = arith.muli %scan3A_167, %mul3A_934 : i32
        %add3A_936 = arith.constant 7 : i32
        %add3A_937 = arith.addi %mul3A_935, %add3A_936 : i32
        %jit3A_938 = arith.constant 26 : i32
        %div3A_939 = arith.divsi %add3A_937, %jit3A_938 : i32
        %sign3A_940 = arith.constant 0 : i32
        %sign3A_941 = arith.cmpi sgt, %add3A_937, %sign3A_940 : i32
        %sign3A_942 = arith.extui %sign3A_941 : i1 to i32
        %sign3A_943 = arith.constant 0 : i32
        %sign3A_944 = arith.cmpi slt, %add3A_937, %sign3A_943 : i32
        %sign3A_945 = arith.extui %sign3A_944 : i1 to i32
        %sign3A_946 = arith.subi %sign3A_942, %sign3A_945 : i32
        %sign3A_947 = arith.constant 0 : i32
        %sign3A_948 = arith.cmpi sgt, %jit3A_938, %sign3A_947 : i32
        %sign3A_949 = arith.extui %sign3A_948 : i1 to i32
        %sign3A_950 = arith.constant 0 : i32
        %sign3A_951 = arith.cmpi slt, %jit3A_938, %sign3A_950 : i32
        %sign3A_952 = arith.extui %sign3A_951 : i1 to i32
        %sign3A_953 = arith.subi %sign3A_949, %sign3A_952 : i32
        %ne3A_954 = arith.cmpi ne, %sign3A_946, %sign3A_953 : i32
        %rem3A_955 = arith.remsi %add3A_937, %jit3A_938 : i32
        %ne3A_956 = arith.constant 0 : i32
        %ne3A_957 = arith.cmpi ne, %rem3A_955, %ne3A_956 : i32
        %and3A_958 = arith.andi %ne3A_954, %ne3A_957 : i1
        %sub3A_959 = arith.constant 1 : i32
        %sub3A_960 = arith.subi %div3A_939, %sub3A_959 : i32
        %select_n3A_961 = arith.select %and3A_958, %sub3A_960, %div3A_939 : i32
        %jit3A_962 = arith.constant 26 : i32
        %eq3A_963 = arith.constant 0 : i32
        %eq3A_964 = arith.cmpi eq, %jit3A_962, %eq3A_963 : i32
        %jit3A_965 = arith.constant 1 : i32
        %select_n3A_966 = arith.select %eq3A_964, %jit3A_965, %jit3A_962 : i32
        %rem3A_967 = arith.remsi %add3A_937, %select_n3A_966 : i32
        %ne3A_968 = arith.constant 0 : i32
        %ne3A_969 = arith.cmpi ne, %rem3A_967, %ne3A_968 : i32
        %lt3A_970 = arith.constant 0 : i32
        %lt3A_971 = arith.cmpi slt, %rem3A_967, %lt3A_970 : i32
        %lt3A_972 = arith.constant 0 : i32
        %lt3A_973 = arith.cmpi slt, %select_n3A_966, %lt3A_972 : i32
        %ne3A_974 = arith.xori %lt3A_971, %lt3A_973 : i1
        %and3A_975 = arith.andi %ne3A_974, %ne3A_969 : i1
        %add3A_976 = arith.addi %rem3A_967, %select_n3A_966 : i32
        %select_n3A_977 = arith.select %and3A_975, %add3A_976, %rem3A_967 : i32
        %slice3A_978 = vector.extract_strided_slice %and3A {offsets = [7], sizes = [1], strides = [1]} : vector<16xi32> to vector<1xi32>
        %squeeze3A_979 = vector.extract %slice3A_978[0] : i32 from vector<1xi32>
        %mul3A_980 = arith.constant 64 : i32
        %mul3A_981 = arith.muli %squeeze3A_979, %mul3A_980 : i32
        %mul3A_982 = arith.constant 64 : i32
        %mul3A_983 = arith.muli %select_n3A_977, %mul3A_982 : i32
        %add3A_984 = arith.constant 0 : i32
        %add3A_985 = arith.addi %mul3A_981, %add3A_984 : i32
        %get3A_986 = arith.constant 1 : i32
        %get3A_987 = arith.index_cast %get3A_986 : i32 to index
        %get3A_988 = arith.index_cast %add3A_937 : i32 to index
        %get3A_989 = arith.index_cast %add3A_985 : i32 to index
        %get3A_990 = tpu.vector_load %arg7[%get3A_987, %get3A_988, %get3A_989] {strides = array<i32>} : memref<2x208x128xf32, #tpu.memory_space<vmem>>, vector<1x1x16xf32>,
        %get3A_991 = vector.shape_cast %get3A_990 : vector<1x1x16xf32> to vector<16xf32>
        %add3A_992 = arith.constant 0 : i32
        %add3A_993 = arith.addi %mul3A_983, %add3A_992 : i32
        %swap3A_994 = arith.index_cast %select_n3A_961 : i32 to index
        %swap3A_995 = arith.index_cast %add3A_993 : i32 to index
        %swap3A_996 = tpu.vector_load %arg8[%swap3A_994, %swap3A_995] {strides = array<i32>} : memref<8x1664xf32, #tpu.memory_space<vmem>>, vector<1x16xf32>,
        %swap3A_997 = vector.shape_cast %swap3A_996 : vector<1x16xf32> to vector<16xf32>
        %swap3A_998 = vector.shape_cast %get3A_991 : vector<16xf32> to vector<1x16xf32>
        tpu.vector_store %arg8[%swap3A_994, %swap3A_995], %swap3A_998 {strides = array<i32>} : memref<8x1664xf32, #tpu.memory_space<vmem>>, vector<1x16xf32>,
        %add3A_999 = arith.constant 16 : i32
        %add3A_1000 = arith.addi %mul3A_981, %add3A_999 : i32
        %get3A_1001 = arith.constant 1 : i32
        %get3A_1002 = arith.index_cast %get3A_1001 : i32 to index
        %get3A_1003 = arith.index_cast %add3A_937 : i32 to index
        %get3A_1004 = arith.index_cast %add3A_1000 : i32 to index
        %get3A_1005 = tpu.vector_load %arg7[%get3A_1002, %get3A_1003, %get3A_1004] {strides = array<i32>} : memref<2x208x128xf32, #tpu.memory_space<vmem>>, vector<1x1x16xf32>,
        %get3A_1006 = vector.shape_cast %get3A_1005 : vector<1x1x16xf32> to vector<16xf32>
        %add3A_1007 = arith.constant 16 : i32
        %add3A_1008 = arith.addi %mul3A_983, %add3A_1007 : i32
        %swap3A_1009 = arith.index_cast %select_n3A_961 : i32 to index
        %swap3A_1010 = arith.index_cast %add3A_1008 : i32 to index
        %swap3A_1011 = tpu.vector_load %arg8[%swap3A_1009, %swap3A_1010] {strides = array<i32>} : memref<8x1664xf32, #tpu.memory_space<vmem>>, vector<1x16xf32>,
        %swap3A_1012 = vector.shape_cast %swap3A_1011 : vector<1x16xf32> to vector<16xf32>
        %swap3A_1013 = vector.shape_cast %get3A_1006 : vector<16xf32> to vector<1x16xf32>
        tpu.vector_store %arg8[%swap3A_1009, %swap3A_1010], %swap3A_1013 {strides = array<i32>} : memref<8x1664xf32, #tpu.memory_space<vmem>>, vector<1x16xf32>,
        %add3A_1014 = arith.constant 32 : i32
        %add3A_1015 = arith.addi %mul3A_981, %add3A_1014 : i32
        %get3A_1016 = arith.constant 1 : i32
        %get3A_1017 = arith.index_cast %get3A_1016 : i32 to index
        %get3A_1018 = arith.index_cast %add3A_937 : i32 to index
        %get3A_1019 = arith.index_cast %add3A_1015 : i32 to index
        %get3A_1020 = tpu.vector_load %arg7[%get3A_1017, %get3A_1018, %get3A_1019] {strides = array<i32>} : memref<2x208x128xf32, #tpu.memory_space<vmem>>, vector<1x1x16xf32>,
        %get3A_1021 = vector.shape_cast %get3A_1020 : vector<1x1x16xf32> to vector<16xf32>
        %add3A_1022 = arith.constant 32 : i32
        %add3A_1023 = arith.addi %mul3A_983, %add3A_1022 : i32
        %swap3A_1024 = arith.index_cast %select_n3A_961 : i32 to index
        %swap3A_1025 = arith.index_cast %add3A_1023 : i32 to index
        %swap3A_1026 = tpu.vector_load %arg8[%swap3A_1024, %swap3A_1025] {strides = array<i32>} : memref<8x1664xf32, #tpu.memory_space<vmem>>, vector<1x16xf32>,
        %swap3A_1027 = vector.shape_cast %swap3A_1026 : vector<1x16xf32> to vector<16xf32>
        %swap3A_1028 = vector.shape_cast %get3A_1021 : vector<16xf32> to vector<1x16xf32>
        tpu.vector_store %arg8[%swap3A_1024, %swap3A_1025], %swap3A_1028 {strides = array<i32>} : memref<8x1664xf32, #tpu.memory_space<vmem>>, vector<1x16xf32>,
        %add3A_1029 = arith.constant 48 : i32
        %add3A_1030 = arith.addi %mul3A_981, %add3A_1029 : i32
        %get3A_1031 = arith.constant 1 : i32
        %get3A_1032 = arith.index_cast %get3A_1031 : i32 to index
        %get3A_1033 = arith.index_cast %add3A_937 : i32 to index
        %get3A_1034 = arith.index_cast %add3A_1030 : i32 to index
        %get3A_1035 = tpu.vector_load %arg7[%get3A_1032, %get3A_1033, %get3A_1034] {strides = array<i32>} : memref<2x208x128xf32, #tpu.memory_space<vmem>>, vector<1x1x16xf32>,
        %get3A_1036 = vector.shape_cast %get3A_1035 : vector<1x1x16xf32> to vector<16xf32>
        %add3A_1037 = arith.constant 48 : i32
        %add3A_1038 = arith.addi %mul3A_983, %add3A_1037 : i32
        %swap3A_1039 = arith.index_cast %select_n3A_961 : i32 to index
        %swap3A_1040 = arith.index_cast %add3A_1038 : i32 to index
        %swap3A_1041 = tpu.vector_load %arg8[%swap3A_1039, %swap3A_1040] {strides = array<i32>} : memref<8x1664xf32, #tpu.memory_space<vmem>>, vector<1x16xf32>,
        %swap3A_1042 = vector.shape_cast %swap3A_1041 : vector<1x16xf32> to vector<16xf32>
        %swap3A_1043 = vector.shape_cast %get3A_1036 : vector<16xf32> to vector<1x16xf32>
        tpu.vector_store %arg8[%swap3A_1039, %swap3A_1040], %swap3A_1043 {strides = array<i32>} : memref<8x1664xf32, #tpu.memory_space<vmem>>, vector<1x16xf32>,
        %mul3A_1044 = arith.constant 16 : i32
        %mul3A_1045 = arith.muli %scan3A_167, %mul3A_1044 : i32
        %add3A_1046 = arith.constant 8 : i32
        %add3A_1047 = arith.addi %mul3A_1045, %add3A_1046 : i32
        %jit3A_1048 = arith.constant 26 : i32
        %div3A_1049 = arith.divsi %add3A_1047, %jit3A_1048 : i32
        %sign3A_1050 = arith.constant 0 : i32
        %sign3A_1051 = arith.cmpi sgt, %add3A_1047, %sign3A_1050 : i32
        %sign3A_1052 = arith.extui %sign3A_1051 : i1 to i32
        %sign3A_1053 = arith.constant 0 : i32
        %sign3A_1054 = arith.cmpi slt, %add3A_1047, %sign3A_1053 : i32
        %sign3A_1055 = arith.extui %sign3A_1054 : i1 to i32
        %sign3A_1056 = arith.subi %sign3A_1052, %sign3A_1055 : i32
        %sign3A_1057 = arith.constant 0 : i32
        %sign3A_1058 = arith.cmpi sgt, %jit3A_1048, %sign3A_1057 : i32
        %sign3A_1059 = arith.extui %sign3A_1058 : i1 to i32
        %sign3A_1060 = arith.constant 0 : i32
        %sign3A_1061 = arith.cmpi slt, %jit3A_1048, %sign3A_1060 : i32
        %sign3A_1062 = arith.extui %sign3A_1061 : i1 to i32
        %sign3A_1063 = arith.subi %sign3A_1059, %sign3A_1062 : i32
        %ne3A_1064 = arith.cmpi ne, %sign3A_1056, %sign3A_1063 : i32
        %rem3A_1065 = arith.remsi %add3A_1047, %jit3A_1048 : i32
        %ne3A_1066 = arith.constant 0 : i32
        %ne3A_1067 = arith.cmpi ne, %rem3A_1065, %ne3A_1066 : i32
        %and3A_1068 = arith.andi %ne3A_1064, %ne3A_1067 : i1
        %sub3A_1069 = arith.constant 1 : i32
        %sub3A_1070 = arith.subi %div3A_1049, %sub3A_1069 : i32
        %select_n3A_1071 = arith.select %and3A_1068, %sub3A_1070, %div3A_1049 : i32
        %jit3A_1072 = arith.constant 26 : i32
        %eq3A_1073 = arith.constant 0 : i32
        %eq3A_1074 = arith.cmpi eq, %jit3A_1072, %eq3A_1073 : i32
        %jit3A_1075 = arith.constant 1 : i32
        %select_n3A_1076 = arith.select %eq3A_1074, %jit3A_1075, %jit3A_1072 : i32
        %rem3A_1077 = arith.remsi %add3A_1047, %select_n3A_1076 : i32
        %ne3A_1078 = arith.constant 0 : i32
        %ne3A_1079 = arith.cmpi ne, %rem3A_1077, %ne3A_1078 : i32
        %lt3A_1080 = arith.constant 0 : i32
        %lt3A_1081 = arith.cmpi slt, %rem3A_1077, %lt3A_1080 : i32
        %lt3A_1082 = arith.constant 0 : i32
        %lt3A_1083 = arith.cmpi slt, %select_n3A_1076, %lt3A_1082 : i32
        %ne3A_1084 = arith.xori %lt3A_1081, %lt3A_1083 : i1
        %and3A_1085 = arith.andi %ne3A_1084, %ne3A_1079 : i1
        %add3A_1086 = arith.addi %rem3A_1077, %select_n3A_1076 : i32
        %select_n3A_1087 = arith.select %and3A_1085, %add3A_1086, %rem3A_1077 : i32
        %slice3A_1088 = vector.extract_strided_slice %and3A {offsets = [8], sizes = [1], strides = [1]} : vector<16xi32> to vector<1xi32>
        %squeeze3A_1089 = vector.extract %slice3A_1088[0] : i32 from vector<1xi32>
        %mul3A_1090 = arith.constant 64 : i32
        %mul3A_1091 = arith.muli %squeeze3A_1089, %mul3A_1090 : i32
        %mul3A_1092 = arith.constant 64 : i32
        %mul3A_1093 = arith.muli %select_n3A_1087, %mul3A_1092 : i32
        %add3A_1094 = arith.constant 0 : i32
        %add3A_1095 = arith.addi %mul3A_1091, %add3A_1094 : i32
        %get3A_1096 = arith.constant 1 : i32
        %get3A_1097 = arith.index_cast %get3A_1096 : i32 to index
        %get3A_1098 = arith.index_cast %add3A_1047 : i32 to index
        %get3A_1099 = arith.index_cast %add3A_1095 : i32 to index
        %get3A_1100 = tpu.vector_load %arg7[%get3A_1097, %get3A_1098, %get3A_1099] {strides = array<i32>} : memref<2x208x128xf32, #tpu.memory_space<vmem>>, vector<1x1x16xf32>,
        %get3A_1101 = vector.shape_cast %get3A_1100 : vector<1x1x16xf32> to vector<16xf32>
        %add3A_1102 = arith.constant 0 : i32
        %add3A_1103 = arith.addi %mul3A_1093, %add3A_1102 : i32
        %swap3A_1104 = arith.index_cast %select_n3A_1071 : i32 to index
        %swap3A_1105 = arith.index_cast %add3A_1103 : i32 to index
        %swap3A_1106 = tpu.vector_load %arg8[%swap3A_1104, %swap3A_1105] {strides = array<i32>} : memref<8x1664xf32, #tpu.memory_space<vmem>>, vector<1x16xf32>,
        %swap3A_1107 = vector.shape_cast %swap3A_1106 : vector<1x16xf32> to vector<16xf32>
        %swap3A_1108 = vector.shape_cast %get3A_1101 : vector<16xf32> to vector<1x16xf32>
        tpu.vector_store %arg8[%swap3A_1104, %swap3A_1105], %swap3A_1108 {strides = array<i32>} : memref<8x1664xf32, #tpu.memory_space<vmem>>, vector<1x16xf32>,
        %add3A_1109 = arith.constant 16 : i32
        %add3A_1110 = arith.addi %mul3A_1091, %add3A_1109 : i32
        %get3A_1111 = arith.constant 1 : i32
        %get3A_1112 = arith.index_cast %get3A_1111 : i32 to index
        %get3A_1113 = arith.index_cast %add3A_1047 : i32 to index
        %get3A_1114 = arith.index_cast %add3A_1110 : i32 to index
        %get3A_1115 = tpu.vector_load %arg7[%get3A_1112, %get3A_1113, %get3A_1114] {strides = array<i32>} : memref<2x208x128xf32, #tpu.memory_space<vmem>>, vector<1x1x16xf32>,
        %get3A_1116 = vector.shape_cast %get3A_1115 : vector<1x1x16xf32> to vector<16xf32>
        %add3A_1117 = arith.constant 16 : i32
        %add3A_1118 = arith.addi %mul3A_1093, %add3A_1117 : i32
        %swap3A_1119 = arith.index_cast %select_n3A_1071 : i32 to index
        %swap3A_1120 = arith.index_cast %add3A_1118 : i32 to index
        %swap3A_1121 = tpu.vector_load %arg8[%swap3A_1119, %swap3A_1120] {strides = array<i32>} : memref<8x1664xf32, #tpu.memory_space<vmem>>, vector<1x16xf32>,
        %swap3A_1122 = vector.shape_cast %swap3A_1121 : vector<1x16xf32> to vector<16xf32>
        %swap3A_1123 = vector.shape_cast %get3A_1116 : vector<16xf32> to vector<1x16xf32>
        tpu.vector_store %arg8[%swap3A_1119, %swap3A_1120], %swap3A_1123 {strides = array<i32>} : memref<8x1664xf32, #tpu.memory_space<vmem>>, vector<1x16xf32>,
        %add3A_1124 = arith.constant 32 : i32
        %add3A_1125 = arith.addi %mul3A_1091, %add3A_1124 : i32
        %get3A_1126 = arith.constant 1 : i32
        %get3A_1127 = arith.index_cast %get3A_1126 : i32 to index
        %get3A_1128 = arith.index_cast %add3A_1047 : i32 to index
        %get3A_1129 = arith.index_cast %add3A_1125 : i32 to index
        %get3A_1130 = tpu.vector_load %arg7[%get3A_1127, %get3A_1128, %get3A_1129] {strides = array<i32>} : memref<2x208x128xf32, #tpu.memory_space<vmem>>, vector<1x1x16xf32>,
        %get3A_1131 = vector.shape_cast %get3A_1130 : vector<1x1x16xf32> to vector<16xf32>
        %add3A_1132 = arith.constant 32 : i32
        %add3A_1133 = arith.addi %mul3A_1093, %add3A_1132 : i32
        %swap3A_1134 = arith.index_cast %select_n3A_1071 : i32 to index
        %swap3A_1135 = arith.index_cast %add3A_1133 : i32 to index
        %swap3A_1136 = tpu.vector_load %arg8[%swap3A_1134, %swap3A_1135] {strides = array<i32>} : memref<8x1664xf32, #tpu.memory_space<vmem>>, vector<1x16xf32>,
        %swap3A_1137 = vector.shape_cast %swap3A_1136 : vector<1x16xf32> to vector<16xf32>
        %swap3A_1138 = vector.shape_cast %get3A_1131 : vector<16xf32> to vector<1x16xf32>
        tpu.vector_store %arg8[%swap3A_1134, %swap3A_1135], %swap3A_1138 {strides = array<i32>} : memref<8x1664xf32, #tpu.memory_space<vmem>>, vector<1x16xf32>,
        %add3A_1139 = arith.constant 48 : i32
        %add3A_1140 = arith.addi %mul3A_1091, %add3A_1139 : i32
        %get3A_1141 = arith.constant 1 : i32
        %get3A_1142 = arith.index_cast %get3A_1141 : i32 to index
        %get3A_1143 = arith.index_cast %add3A_1047 : i32 to index
        %get3A_1144 = arith.index_cast %add3A_1140 : i32 to index
        %get3A_1145 = tpu.vector_load %arg7[%get3A_1142, %get3A_1143, %get3A_1144] {strides = array<i32>} : memref<2x208x128xf32, #tpu.memory_space<vmem>>, vector<1x1x16xf32>,
        %get3A_1146 = vector.shape_cast %get3A_1145 : vector<1x1x16xf32> to vector<16xf32>
        %add3A_1147 = arith.constant 48 : i32
        %add3A_1148 = arith.addi %mul3A_1093, %add3A_1147 : i32
        %swap3A_1149 = arith.index_cast %select_n3A_1071 : i32 to index
        %swap3A_1150 = arith.index_cast %add3A_1148 : i32 to index
        %swap3A_1151 = tpu.vector_load %arg8[%swap3A_1149, %swap3A_1150] {strides = array<i32>} : memref<8x1664xf32, #tpu.memory_space<vmem>>, vector<1x16xf32>,
        %swap3A_1152 = vector.shape_cast %swap3A_1151 : vector<1x16xf32> to vector<16xf32>
        %swap3A_1153 = vector.shape_cast %get3A_1146 : vector<16xf32> to vector<1x16xf32>
        tpu.vector_store %arg8[%swap3A_1149, %swap3A_1150], %swap3A_1153 {strides = array<i32>} : memref<8x1664xf32, #tpu.memory_space<vmem>>, vector<1x16xf32>,
        %mul3A_1154 = arith.constant 16 : i32
        %mul3A_1155 = arith.muli %scan3A_167, %mul3A_1154 : i32
        %add3A_1156 = arith.constant 9 : i32
        %add3A_1157 = arith.addi %mul3A_1155, %add3A_1156 : i32
        %jit3A_1158 = arith.constant 26 : i32
        %div3A_1159 = arith.divsi %add3A_1157, %jit3A_1158 : i32
        %sign3A_1160 = arith.constant 0 : i32
        %sign3A_1161 = arith.cmpi sgt, %add3A_1157, %sign3A_1160 : i32
        %sign3A_1162 = arith.extui %sign3A_1161 : i1 to i32
        %sign3A_1163 = arith.constant 0 : i32
        %sign3A_1164 = arith.cmpi slt, %add3A_1157, %sign3A_1163 : i32
        %sign3A_1165 = arith.extui %sign3A_1164 : i1 to i32
        %sign3A_1166 = arith.subi %sign3A_1162, %sign3A_1165 : i32
        %sign3A_1167 = arith.constant 0 : i32
        %sign3A_1168 = arith.cmpi sgt, %jit3A_1158, %sign3A_1167 : i32
        %sign3A_1169 = arith.extui %sign3A_1168 : i1 to i32
        %sign3A_1170 = arith.constant 0 : i32
        %sign3A_1171 = arith.cmpi slt, %jit3A_1158, %sign3A_1170 : i32
        %sign3A_1172 = arith.extui %sign3A_1171 : i1 to i32
        %sign3A_1173 = arith.subi %sign3A_1169, %sign3A_1172 : i32
        %ne3A_1174 = arith.cmpi ne, %sign3A_1166, %sign3A_1173 : i32
        %rem3A_1175 = arith.remsi %add3A_1157, %jit3A_1158 : i32
        %ne3A_1176 = arith.constant 0 : i32
        %ne3A_1177 = arith.cmpi ne, %rem3A_1175, %ne3A_1176 : i32
        %and3A_1178 = arith.andi %ne3A_1174, %ne3A_1177 : i1
        %sub3A_1179 = arith.constant 1 : i32
        %sub3A_1180 = arith.subi %div3A_1159, %sub3A_1179 : i32
        %select_n3A_1181 = arith.select %and3A_1178, %sub3A_1180, %div3A_1159 : i32
        %jit3A_1182 = arith.constant 26 : i32
        %eq3A_1183 = arith.constant 0 : i32
        %eq3A_1184 = arith.cmpi eq, %jit3A_1182, %eq3A_1183 : i32
        %jit3A_1185 = arith.constant 1 : i32
        %select_n3A_1186 = arith.select %eq3A_1184, %jit3A_1185, %jit3A_1182 : i32
        %rem3A_1187 = arith.remsi %add3A_1157, %select_n3A_1186 : i32
        %ne3A_1188 = arith.constant 0 : i32
        %ne3A_1189 = arith.cmpi ne, %rem3A_1187, %ne3A_1188 : i32
        %lt3A_1190 = arith.constant 0 : i32
        %lt3A_1191 = arith.cmpi slt, %rem3A_1187, %lt3A_1190 : i32
        %lt3A_1192 = arith.constant 0 : i32
        %lt3A_1193 = arith.cmpi slt, %select_n3A_1186, %lt3A_1192 : i32
        %ne3A_1194 = arith.xori %lt3A_1191, %lt3A_1193 : i1
        %and3A_1195 = arith.andi %ne3A_1194, %ne3A_1189 : i1
        %add3A_1196 = arith.addi %rem3A_1187, %select_n3A_1186 : i32
        %select_n3A_1197 = arith.select %and3A_1195, %add3A_1196, %rem3A_1187 : i32
        %slice3A_1198 = vector.extract_strided_slice %and3A {offsets = [9], sizes = [1], strides = [1]} : vector<16xi32> to vector<1xi32>
        %squeeze3A_1199 = vector.extract %slice3A_1198[0] : i32 from vector<1xi32>
        %mul3A_1200 = arith.constant 64 : i32
        %mul3A_1201 = arith.muli %squeeze3A_1199, %mul3A_1200 : i32
        %mul3A_1202 = arith.constant 64 : i32
        %mul3A_1203 = arith.muli %select_n3A_1197, %mul3A_1202 : i32
        %add3A_1204 = arith.constant 0 : i32
        %add3A_1205 = arith.addi %mul3A_1201, %add3A_1204 : i32
        %get3A_1206 = arith.constant 1 : i32
        %get3A_1207 = arith.index_cast %get3A_1206 : i32 to index
        %get3A_1208 = arith.index_cast %add3A_1157 : i32 to index
        %get3A_1209 = arith.index_cast %add3A_1205 : i32 to index
        %get3A_1210 = tpu.vector_load %arg7[%get3A_1207, %get3A_1208, %get3A_1209] {strides = array<i32>} : memref<2x208x128xf32, #tpu.memory_space<vmem>>, vector<1x1x16xf32>,
        %get3A_1211 = vector.shape_cast %get3A_1210 : vector<1x1x16xf32> to vector<16xf32>
        %add3A_1212 = arith.constant 0 : i32
        %add3A_1213 = arith.addi %mul3A_1203, %add3A_1212 : i32
        %swap3A_1214 = arith.index_cast %select_n3A_1181 : i32 to index
        %swap3A_1215 = arith.index_cast %add3A_1213 : i32 to index
        %swap3A_1216 = tpu.vector_load %arg8[%swap3A_1214, %swap3A_1215] {strides = array<i32>} : memref<8x1664xf32, #tpu.memory_space<vmem>>, vector<1x16xf32>,
        %swap3A_1217 = vector.shape_cast %swap3A_1216 : vector<1x16xf32> to vector<16xf32>
        %swap3A_1218 = vector.shape_cast %get3A_1211 : vector<16xf32> to vector<1x16xf32>
        tpu.vector_store %arg8[%swap3A_1214, %swap3A_1215], %swap3A_1218 {strides = array<i32>} : memref<8x1664xf32, #tpu.memory_space<vmem>>, vector<1x16xf32>,
        %add3A_1219 = arith.constant 16 : i32
        %add3A_1220 = arith.addi %mul3A_1201, %add3A_1219 : i32
        %get3A_1221 = arith.constant 1 : i32
        %get3A_1222 = arith.index_cast %get3A_1221 : i32 to index
        %get3A_1223 = arith.index_cast %add3A_1157 : i32 to index
        %get3A_1224 = arith.index_cast %add3A_1220 : i32 to index
        %get3A_1225 = tpu.vector_load %arg7[%get3A_1222, %get3A_1223, %get3A_1224] {strides = array<i32>} : memref<2x208x128xf32, #tpu.memory_space<vmem>>, vector<1x1x16xf32>,
        %get3A_1226 = vector.shape_cast %get3A_1225 : vector<1x1x16xf32> to vector<16xf32>
        %add3A_1227 = arith.constant 16 : i32
        %add3A_1228 = arith.addi %mul3A_1203, %add3A_1227 : i32
        %swap3A_1229 = arith.index_cast %select_n3A_1181 : i32 to index
        %swap3A_1230 = arith.index_cast %add3A_1228 : i32 to index
        %swap3A_1231 = tpu.vector_load %arg8[%swap3A_1229, %swap3A_1230] {strides = array<i32>} : memref<8x1664xf32, #tpu.memory_space<vmem>>, vector<1x16xf32>,
        %swap3A_1232 = vector.shape_cast %swap3A_1231 : vector<1x16xf32> to vector<16xf32>
        %swap3A_1233 = vector.shape_cast %get3A_1226 : vector<16xf32> to vector<1x16xf32>
        tpu.vector_store %arg8[%swap3A_1229, %swap3A_1230], %swap3A_1233 {strides = array<i32>} : memref<8x1664xf32, #tpu.memory_space<vmem>>, vector<1x16xf32>,
        %add3A_1234 = arith.constant 32 : i32
        %add3A_1235 = arith.addi %mul3A_1201, %add3A_1234 : i32
        %get3A_1236 = arith.constant 1 : i32
        %get3A_1237 = arith.index_cast %get3A_1236 : i32 to index
        %get3A_1238 = arith.index_cast %add3A_1157 : i32 to index
        %get3A_1239 = arith.index_cast %add3A_1235 : i32 to index
        %get3A_1240 = tpu.vector_load %arg7[%get3A_1237, %get3A_1238, %get3A_1239] {strides = array<i32>} : memref<2x208x128xf32, #tpu.memory_space<vmem>>, vector<1x1x16xf32>,
        %get3A_1241 = vector.shape_cast %get3A_1240 : vector<1x1x16xf32> to vector<16xf32>
        %add3A_1242 = arith.constant 32 : i32
        %add3A_1243 = arith.addi %mul3A_1203, %add3A_1242 : i32
        %swap3A_1244 = arith.index_cast %select_n3A_1181 : i32 to index
        %swap3A_1245 = arith.index_cast %add3A_1243 : i32 to index
        %swap3A_1246 = tpu.vector_load %arg8[%swap3A_1244, %swap3A_1245] {strides = array<i32>} : memref<8x1664xf32, #tpu.memory_space<vmem>>, vector<1x16xf32>,
        %swap3A_1247 = vector.shape_cast %swap3A_1246 : vector<1x16xf32> to vector<16xf32>
        %swap3A_1248 = vector.shape_cast %get3A_1241 : vector<16xf32> to vector<1x16xf32>
        tpu.vector_store %arg8[%swap3A_1244, %swap3A_1245], %swap3A_1248 {strides = array<i32>} : memref<8x1664xf32, #tpu.memory_space<vmem>>, vector<1x16xf32>,
        %add3A_1249 = arith.constant 48 : i32
        %add3A_1250 = arith.addi %mul3A_1201, %add3A_1249 : i32
        %get3A_1251 = arith.constant 1 : i32
        %get3A_1252 = arith.index_cast %get3A_1251 : i32 to index
        %get3A_1253 = arith.index_cast %add3A_1157 : i32 to index
        %get3A_1254 = arith.index_cast %add3A_1250 : i32 to index
        %get3A_1255 = tpu.vector_load %arg7[%get3A_1252, %get3A_1253, %get3A_1254] {strides = array<i32>} : memref<2x208x128xf32, #tpu.memory_space<vmem>>, vector<1x1x16xf32>,
        %get3A_1256 = vector.shape_cast %get3A_1255 : vector<1x1x16xf32> to vector<16xf32>
        %add3A_1257 = arith.constant 48 : i32
        %add3A_1258 = arith.addi %mul3A_1203, %add3A_1257 : i32
        %swap3A_1259 = arith.index_cast %select_n3A_1181 : i32 to index
        %swap3A_1260 = arith.index_cast %add3A_1258 : i32 to index
        %swap3A_1261 = tpu.vector_load %arg8[%swap3A_1259, %swap3A_1260] {strides = array<i32>} : memref<8x1664xf32, #tpu.memory_space<vmem>>, vector<1x16xf32>,
        %swap3A_1262 = vector.shape_cast %swap3A_1261 : vector<1x16xf32> to vector<16xf32>
        %swap3A_1263 = vector.shape_cast %get3A_1256 : vector<16xf32> to vector<1x16xf32>
        tpu.vector_store %arg8[%swap3A_1259, %swap3A_1260], %swap3A_1263 {strides = array<i32>} : memref<8x1664xf32, #tpu.memory_space<vmem>>, vector<1x16xf32>,
        %mul3A_1264 = arith.constant 16 : i32
        %mul3A_1265 = arith.muli %scan3A_167, %mul3A_1264 : i32
        %add3A_1266 = arith.constant 10 : i32
        %add3A_1267 = arith.addi %mul3A_1265, %add3A_1266 : i32
        %jit3A_1268 = arith.constant 26 : i32
        %div3A_1269 = arith.divsi %add3A_1267, %jit3A_1268 : i32
        %sign3A_1270 = arith.constant 0 : i32
        %sign3A_1271 = arith.cmpi sgt, %add3A_1267, %sign3A_1270 : i32
        %sign3A_1272 = arith.extui %sign3A_1271 : i1 to i32
        %sign3A_1273 = arith.constant 0 : i32
        %sign3A_1274 = arith.cmpi slt, %add3A_1267, %sign3A_1273 : i32
        %sign3A_1275 = arith.extui %sign3A_1274 : i1 to i32
        %sign3A_1276 = arith.subi %sign3A_1272, %sign3A_1275 : i32
        %sign3A_1277 = arith.constant 0 : i32
        %sign3A_1278 = arith.cmpi sgt, %jit3A_1268, %sign3A_1277 : i32
        %sign3A_1279 = arith.extui %sign3A_1278 : i1 to i32
        %sign3A_1280 = arith.constant 0 : i32
        %sign3A_1281 = arith.cmpi slt, %jit3A_1268, %sign3A_1280 : i32
        %sign3A_1282 = arith.extui %sign3A_1281 : i1 to i32
        %sign3A_1283 = arith.subi %sign3A_1279, %sign3A_1282 : i32
        %ne3A_1284 = arith.cmpi ne, %sign3A_1276, %sign3A_1283 : i32
        %rem3A_1285 = arith.remsi %add3A_1267, %jit3A_1268 : i32
        %ne3A_1286 = arith.constant 0 : i32
        %ne3A_1287 = arith.cmpi ne, %rem3A_1285, %ne3A_1286 : i32
        %and3A_1288 = arith.andi %ne3A_1284, %ne3A_1287 : i1
        %sub3A_1289 = arith.constant 1 : i32
        %sub3A_1290 = arith.subi %div3A_1269, %sub3A_1289 : i32
        %select_n3A_1291 = arith.select %and3A_1288, %sub3A_1290, %div3A_1269 : i32
        %jit3A_1292 = arith.constant 26 : i32
        %eq3A_1293 = arith.constant 0 : i32
        %eq3A_1294 = arith.cmpi eq, %jit3A_1292, %eq3A_1293 : i32
        %jit3A_1295 = arith.constant 1 : i32
        %select_n3A_1296 = arith.select %eq3A_1294, %jit3A_1295, %jit3A_1292 : i32
        %rem3A_1297 = arith.remsi %add3A_1267, %select_n3A_1296 : i32
        %ne3A_1298 = arith.constant 0 : i32
        %ne3A_1299 = arith.cmpi ne, %rem3A_1297, %ne3A_1298 : i32
        %lt3A_1300 = arith.constant 0 : i32
        %lt3A_1301 = arith.cmpi slt, %rem3A_1297, %lt3A_1300 : i32
        %lt3A_1302 = arith.constant 0 : i32
        %lt3A_1303 = arith.cmpi slt, %select_n3A_1296, %lt3A_1302 : i32
        %ne3A_1304 = arith.xori %lt3A_1301, %lt3A_1303 : i1
        %and3A_1305 = arith.andi %ne3A_1304, %ne3A_1299 : i1
        %add3A_1306 = arith.addi %rem3A_1297, %select_n3A_1296 : i32
        %select_n3A_1307 = arith.select %and3A_1305, %add3A_1306, %rem3A_1297 : i32
        %slice3A_1308 = vector.extract_strided_slice %and3A {offsets = [10], sizes = [1], strides = [1]} : vector<16xi32> to vector<1xi32>
        %squeeze3A_1309 = vector.extract %slice3A_1308[0] : i32 from vector<1xi32>
        %mul3A_1310 = arith.constant 64 : i32
        %mul3A_1311 = arith.muli %squeeze3A_1309, %mul3A_1310 : i32
        %mul3A_1312 = arith.constant 64 : i32
        %mul3A_1313 = arith.muli %select_n3A_1307, %mul3A_1312 : i32
        %add3A_1314 = arith.constant 0 : i32
        %add3A_1315 = arith.addi %mul3A_1311, %add3A_1314 : i32
        %get3A_1316 = arith.constant 1 : i32
        %get3A_1317 = arith.index_cast %get3A_1316 : i32 to index
        %get3A_1318 = arith.index_cast %add3A_1267 : i32 to index
        %get3A_1319 = arith.index_cast %add3A_1315 : i32 to index
        %get3A_1320 = tpu.vector_load %arg7[%get3A_1317, %get3A_1318, %get3A_1319] {strides = array<i32>} : memref<2x208x128xf32, #tpu.memory_space<vmem>>, vector<1x1x16xf32>,
        %get3A_1321 = vector.shape_cast %get3A_1320 : vector<1x1x16xf32> to vector<16xf32>
        %add3A_1322 = arith.constant 0 : i32
        %add3A_1323 = arith.addi %mul3A_1313, %add3A_1322 : i32
        %swap3A_1324 = arith.index_cast %select_n3A_1291 : i32 to index
        %swap3A_1325 = arith.index_cast %add3A_1323 : i32 to index
        %swap3A_1326 = tpu.vector_load %arg8[%swap3A_1324, %swap3A_1325] {strides = array<i32>} : memref<8x1664xf32, #tpu.memory_space<vmem>>, vector<1x16xf32>,
        %swap3A_1327 = vector.shape_cast %swap3A_1326 : vector<1x16xf32> to vector<16xf32>
        %swap3A_1328 = vector.shape_cast %get3A_1321 : vector<16xf32> to vector<1x16xf32>
        tpu.vector_store %arg8[%swap3A_1324, %swap3A_1325], %swap3A_1328 {strides = array<i32>} : memref<8x1664xf32, #tpu.memory_space<vmem>>, vector<1x16xf32>,
        %add3A_1329 = arith.constant 16 : i32
        %add3A_1330 = arith.addi %mul3A_1311, %add3A_1329 : i32
        %get3A_1331 = arith.constant 1 : i32
        %get3A_1332 = arith.index_cast %get3A_1331 : i32 to index
        %get3A_1333 = arith.index_cast %add3A_1267 : i32 to index
        %get3A_1334 = arith.index_cast %add3A_1330 : i32 to index
        %get3A_1335 = tpu.vector_load %arg7[%get3A_1332, %get3A_1333, %get3A_1334] {strides = array<i32>} : memref<2x208x128xf32, #tpu.memory_space<vmem>>, vector<1x1x16xf32>,
        %get3A_1336 = vector.shape_cast %get3A_1335 : vector<1x1x16xf32> to vector<16xf32>
        %add3A_1337 = arith.constant 16 : i32
        %add3A_1338 = arith.addi %mul3A_1313, %add3A_1337 : i32
        %swap3A_1339 = arith.index_cast %select_n3A_1291 : i32 to index
        %swap3A_1340 = arith.index_cast %add3A_1338 : i32 to index
        %swap3A_1341 = tpu.vector_load %arg8[%swap3A_1339, %swap3A_1340] {strides = array<i32>} : memref<8x1664xf32, #tpu.memory_space<vmem>>, vector<1x16xf32>,
        %swap3A_1342 = vector.shape_cast %swap3A_1341 : vector<1x16xf32> to vector<16xf32>
        %swap3A_1343 = vector.shape_cast %get3A_1336 : vector<16xf32> to vector<1x16xf32>
        tpu.vector_store %arg8[%swap3A_1339, %swap3A_1340], %swap3A_1343 {strides = array<i32>} : memref<8x1664xf32, #tpu.memory_space<vmem>>, vector<1x16xf32>,
        %add3A_1344 = arith.constant 32 : i32
        %add3A_1345 = arith.addi %mul3A_1311, %add3A_1344 : i32
        %get3A_1346 = arith.constant 1 : i32
        %get3A_1347 = arith.index_cast %get3A_1346 : i32 to index
        %get3A_1348 = arith.index_cast %add3A_1267 : i32 to index
        %get3A_1349 = arith.index_cast %add3A_1345 : i32 to index
        %get3A_1350 = tpu.vector_load %arg7[%get3A_1347, %get3A_1348, %get3A_1349] {strides = array<i32>} : memref<2x208x128xf32, #tpu.memory_space<vmem>>, vector<1x1x16xf32>,
        %get3A_1351 = vector.shape_cast %get3A_1350 : vector<1x1x16xf32> to vector<16xf32>
        %add3A_1352 = arith.constant 32 : i32
        %add3A_1353 = arith.addi %mul3A_1313, %add3A_1352 : i32
        %swap3A_1354 = arith.index_cast %select_n3A_1291 : i32 to index
        %swap3A_1355 = arith.index_cast %add3A_1353 : i32 to index
        %swap3A_1356 = tpu.vector_load %arg8[%swap3A_1354, %swap3A_1355] {strides = array<i32>} : memref<8x1664xf32, #tpu.memory_space<vmem>>, vector<1x16xf32>,
        %swap3A_1357 = vector.shape_cast %swap3A_1356 : vector<1x16xf32> to vector<16xf32>
        %swap3A_1358 = vector.shape_cast %get3A_1351 : vector<16xf32> to vector<1x16xf32>
        tpu.vector_store %arg8[%swap3A_1354, %swap3A_1355], %swap3A_1358 {strides = array<i32>} : memref<8x1664xf32, #tpu.memory_space<vmem>>, vector<1x16xf32>,
        %add3A_1359 = arith.constant 48 : i32
        %add3A_1360 = arith.addi %mul3A_1311, %add3A_1359 : i32
        %get3A_1361 = arith.constant 1 : i32
        %get3A_1362 = arith.index_cast %get3A_1361 : i32 to index
        %get3A_1363 = arith.index_cast %add3A_1267 : i32 to index
        %get3A_1364 = arith.index_cast %add3A_1360 : i32 to index
        %get3A_1365 = tpu.vector_load %arg7[%get3A_1362, %get3A_1363, %get3A_1364] {strides = array<i32>} : memref<2x208x128xf32, #tpu.memory_space<vmem>>, vector<1x1x16xf32>,
        %get3A_1366 = vector.shape_cast %get3A_1365 : vector<1x1x16xf32> to vector<16xf32>
        %add3A_1367 = arith.constant 48 : i32
        %add3A_1368 = arith.addi %mul3A_1313, %add3A_1367 : i32
        %swap3A_1369 = arith.index_cast %select_n3A_1291 : i32 to index
        %swap3A_1370 = arith.index_cast %add3A_1368 : i32 to index
        %swap3A_1371 = tpu.vector_load %arg8[%swap3A_1369, %swap3A_1370] {strides = array<i32>} : memref<8x1664xf32, #tpu.memory_space<vmem>>, vector<1x16xf32>,
        %swap3A_1372 = vector.shape_cast %swap3A_1371 : vector<1x16xf32> to vector<16xf32>
        %swap3A_1373 = vector.shape_cast %get3A_1366 : vector<16xf32> to vector<1x16xf32>
        tpu.vector_store %arg8[%swap3A_1369, %swap3A_1370], %swap3A_1373 {strides = array<i32>} : memref<8x1664xf32, #tpu.memory_space<vmem>>, vector<1x16xf32>,
        %mul3A_1374 = arith.constant 16 : i32
        %mul3A_1375 = arith.muli %scan3A_167, %mul3A_1374 : i32
        %add3A_1376 = arith.constant 11 : i32
        %add3A_1377 = arith.addi %mul3A_1375, %add3A_1376 : i32
        %jit3A_1378 = arith.constant 26 : i32
        %div3A_1379 = arith.divsi %add3A_1377, %jit3A_1378 : i32
        %sign3A_1380 = arith.constant 0 : i32
        %sign3A_1381 = arith.cmpi sgt, %add3A_1377, %sign3A_1380 : i32
        %sign3A_1382 = arith.extui %sign3A_1381 : i1 to i32
        %sign3A_1383 = arith.constant 0 : i32
        %sign3A_1384 = arith.cmpi slt, %add3A_1377, %sign3A_1383 : i32
        %sign3A_1385 = arith.extui %sign3A_1384 : i1 to i32
        %sign3A_1386 = arith.subi %sign3A_1382, %sign3A_1385 : i32
        %sign3A_1387 = arith.constant 0 : i32
        %sign3A_1388 = arith.cmpi sgt, %jit3A_1378, %sign3A_1387 : i32
        %sign3A_1389 = arith.extui %sign3A_1388 : i1 to i32
        %sign3A_1390 = arith.constant 0 : i32
        %sign3A_1391 = arith.cmpi slt, %jit3A_1378, %sign3A_1390 : i32
        %sign3A_1392 = arith.extui %sign3A_1391 : i1 to i32
        %sign3A_1393 = arith.subi %sign3A_1389, %sign3A_1392 : i32
        %ne3A_1394 = arith.cmpi ne, %sign3A_1386, %sign3A_1393 : i32
        %rem3A_1395 = arith.remsi %add3A_1377, %jit3A_1378 : i32
        %ne3A_1396 = arith.constant 0 : i32
        %ne3A_1397 = arith.cmpi ne, %rem3A_1395, %ne3A_1396 : i32
        %and3A_1398 = arith.andi %ne3A_1394, %ne3A_1397 : i1
        %sub3A_1399 = arith.constant 1 : i32
        %sub3A_1400 = arith.subi %div3A_1379, %sub3A_1399 : i32
        %select_n3A_1401 = arith.select %and3A_1398, %sub3A_1400, %div3A_1379 : i32
        %jit3A_1402 = arith.constant 26 : i32
        %eq3A_1403 = arith.constant 0 : i32
        %eq3A_1404 = arith.cmpi eq, %jit3A_1402, %eq3A_1403 : i32
        %jit3A_1405 = arith.constant 1 : i32
        %select_n3A_1406 = arith.select %eq3A_1404, %jit3A_1405, %jit3A_1402 : i32
        %rem3A_1407 = arith.remsi %add3A_1377, %select_n3A_1406 : i32
        %ne3A_1408 = arith.constant 0 : i32
        %ne3A_1409 = arith.cmpi ne, %rem3A_1407, %ne3A_1408 : i32
        %lt3A_1410 = arith.constant 0 : i32
        %lt3A_1411 = arith.cmpi slt, %rem3A_1407, %lt3A_1410 : i32
        %lt3A_1412 = arith.constant 0 : i32
        %lt3A_1413 = arith.cmpi slt, %select_n3A_1406, %lt3A_1412 : i32
        %ne3A_1414 = arith.xori %lt3A_1411, %lt3A_1413 : i1
        %and3A_1415 = arith.andi %ne3A_1414, %ne3A_1409 : i1
        %add3A_1416 = arith.addi %rem3A_1407, %select_n3A_1406 : i32
        %select_n3A_1417 = arith.select %and3A_1415, %add3A_1416, %rem3A_1407 : i32
        %slice3A_1418 = vector.extract_strided_slice %and3A {offsets = [11], sizes = [1], strides = [1]} : vector<16xi32> to vector<1xi32>
        %squeeze3A_1419 = vector.extract %slice3A_1418[0] : i32 from vector<1xi32>
        %mul3A_1420 = arith.constant 64 : i32
        %mul3A_1421 = arith.muli %squeeze3A_1419, %mul3A_1420 : i32
        %mul3A_1422 = arith.constant 64 : i32
        %mul3A_1423 = arith.muli %select_n3A_1417, %mul3A_1422 : i32
        %add3A_1424 = arith.constant 0 : i32
        %add3A_1425 = arith.addi %mul3A_1421, %add3A_1424 : i32
        %get3A_1426 = arith.constant 1 : i32
        %get3A_1427 = arith.index_cast %get3A_1426 : i32 to index
        %get3A_1428 = arith.index_cast %add3A_1377 : i32 to index
        %get3A_1429 = arith.index_cast %add3A_1425 : i32 to index
        %get3A_1430 = tpu.vector_load %arg7[%get3A_1427, %get3A_1428, %get3A_1429] {strides = array<i32>} : memref<2x208x128xf32, #tpu.memory_space<vmem>>, vector<1x1x16xf32>,
        %get3A_1431 = vector.shape_cast %get3A_1430 : vector<1x1x16xf32> to vector<16xf32>
        %add3A_1432 = arith.constant 0 : i32
        %add3A_1433 = arith.addi %mul3A_1423, %add3A_1432 : i32
        %swap3A_1434 = arith.index_cast %select_n3A_1401 : i32 to index
        %swap3A_1435 = arith.index_cast %add3A_1433 : i32 to index
        %swap3A_1436 = tpu.vector_load %arg8[%swap3A_1434, %swap3A_1435] {strides = array<i32>} : memref<8x1664xf32, #tpu.memory_space<vmem>>, vector<1x16xf32>,
        %swap3A_1437 = vector.shape_cast %swap3A_1436 : vector<1x16xf32> to vector<16xf32>
        %swap3A_1438 = vector.shape_cast %get3A_1431 : vector<16xf32> to vector<1x16xf32>
        tpu.vector_store %arg8[%swap3A_1434, %swap3A_1435], %swap3A_1438 {strides = array<i32>} : memref<8x1664xf32, #tpu.memory_space<vmem>>, vector<1x16xf32>,
        %add3A_1439 = arith.constant 16 : i32
        %add3A_1440 = arith.addi %mul3A_1421, %add3A_1439 : i32
        %get3A_1441 = arith.constant 1 : i32
        %get3A_1442 = arith.index_cast %get3A_1441 : i32 to index
        %get3A_1443 = arith.index_cast %add3A_1377 : i32 to index
        %get3A_1444 = arith.index_cast %add3A_1440 : i32 to index
        %get3A_1445 = tpu.vector_load %arg7[%get3A_1442, %get3A_1443, %get3A_1444] {strides = array<i32>} : memref<2x208x128xf32, #tpu.memory_space<vmem>>, vector<1x1x16xf32>,
        %get3A_1446 = vector.shape_cast %get3A_1445 : vector<1x1x16xf32> to vector<16xf32>
        %add3A_1447 = arith.constant 16 : i32
        %add3A_1448 = arith.addi %mul3A_1423, %add3A_1447 : i32
        %swap3A_1449 = arith.index_cast %select_n3A_1401 : i32 to index
        %swap3A_1450 = arith.index_cast %add3A_1448 : i32 to index
        %swap3A_1451 = tpu.vector_load %arg8[%swap3A_1449, %swap3A_1450] {strides = array<i32>} : memref<8x1664xf32, #tpu.memory_space<vmem>>, vector<1x16xf32>,
        %swap3A_1452 = vector.shape_cast %swap3A_1451 : vector<1x16xf32> to vector<16xf32>
        %swap3A_1453 = vector.shape_cast %get3A_1446 : vector<16xf32> to vector<1x16xf32>
        tpu.vector_store %arg8[%swap3A_1449, %swap3A_1450], %swap3A_1453 {strides = array<i32>} : memref<8x1664xf32, #tpu.memory_space<vmem>>, vector<1x16xf32>,
        %add3A_1454 = arith.constant 32 : i32
        %add3A_1455 = arith.addi %mul3A_1421, %add3A_1454 : i32
        %get3A_1456 = arith.constant 1 : i32
        %get3A_1457 = arith.index_cast %get3A_1456 : i32 to index
        %get3A_1458 = arith.index_cast %add3A_1377 : i32 to index
        %get3A_1459 = arith.index_cast %add3A_1455 : i32 to index
        %get3A_1460 = tpu.vector_load %arg7[%get3A_1457, %get3A_1458, %get3A_1459] {strides = array<i32>} : memref<2x208x128xf32, #tpu.memory_space<vmem>>, vector<1x1x16xf32>,
        %get3A_1461 = vector.shape_cast %get3A_1460 : vector<1x1x16xf32> to vector<16xf32>
        %add3A_1462 = arith.constant 32 : i32
        %add3A_1463 = arith.addi %mul3A_1423, %add3A_1462 : i32
        %swap3A_1464 = arith.index_cast %select_n3A_1401 : i32 to index
        %swap3A_1465 = arith.index_cast %add3A_1463 : i32 to index
        %swap3A_1466 = tpu.vector_load %arg8[%swap3A_1464, %swap3A_1465] {strides = array<i32>} : memref<8x1664xf32, #tpu.memory_space<vmem>>, vector<1x16xf32>,
        %swap3A_1467 = vector.shape_cast %swap3A_1466 : vector<1x16xf32> to vector<16xf32>
        %swap3A_1468 = vector.shape_cast %get3A_1461 : vector<16xf32> to vector<1x16xf32>
        tpu.vector_store %arg8[%swap3A_1464, %swap3A_1465], %swap3A_1468 {strides = array<i32>} : memref<8x1664xf32, #tpu.memory_space<vmem>>, vector<1x16xf32>,
        %add3A_1469 = arith.constant 48 : i32
        %add3A_1470 = arith.addi %mul3A_1421, %add3A_1469 : i32
        %get3A_1471 = arith.constant 1 : i32
        %get3A_1472 = arith.index_cast %get3A_1471 : i32 to index
        %get3A_1473 = arith.index_cast %add3A_1377 : i32 to index
        %get3A_1474 = arith.index_cast %add3A_1470 : i32 to index
        %get3A_1475 = tpu.vector_load %arg7[%get3A_1472, %get3A_1473, %get3A_1474] {strides = array<i32>} : memref<2x208x128xf32, #tpu.memory_space<vmem>>, vector<1x1x16xf32>,
        %get3A_1476 = vector.shape_cast %get3A_1475 : vector<1x1x16xf32> to vector<16xf32>
        %add3A_1477 = arith.constant 48 : i32
        %add3A_1478 = arith.addi %mul3A_1423, %add3A_1477 : i32
        %swap3A_1479 = arith.index_cast %select_n3A_1401 : i32 to index
        %swap3A_1480 = arith.index_cast %add3A_1478 : i32 to index
        %swap3A_1481 = tpu.vector_load %arg8[%swap3A_1479, %swap3A_1480] {strides = array<i32>} : memref<8x1664xf32, #tpu.memory_space<vmem>>, vector<1x16xf32>,
        %swap3A_1482 = vector.shape_cast %swap3A_1481 : vector<1x16xf32> to vector<16xf32>
        %swap3A_1483 = vector.shape_cast %get3A_1476 : vector<16xf32> to vector<1x16xf32>
        tpu.vector_store %arg8[%swap3A_1479, %swap3A_1480], %swap3A_1483 {strides = array<i32>} : memref<8x1664xf32, #tpu.memory_space<vmem>>, vector<1x16xf32>,
        %mul3A_1484 = arith.constant 16 : i32
        %mul3A_1485 = arith.muli %scan3A_167, %mul3A_1484 : i32
        %add3A_1486 = arith.constant 12 : i32
        %add3A_1487 = arith.addi %mul3A_1485, %add3A_1486 : i32
        %jit3A_1488 = arith.constant 26 : i32
        %div3A_1489 = arith.divsi %add3A_1487, %jit3A_1488 : i32
        %sign3A_1490 = arith.constant 0 : i32
        %sign3A_1491 = arith.cmpi sgt, %add3A_1487, %sign3A_1490 : i32
        %sign3A_1492 = arith.extui %sign3A_1491 : i1 to i32
        %sign3A_1493 = arith.constant 0 : i32
        %sign3A_1494 = arith.cmpi slt, %add3A_1487, %sign3A_1493 : i32
        %sign3A_1495 = arith.extui %sign3A_1494 : i1 to i32
        %sign3A_1496 = arith.subi %sign3A_1492, %sign3A_1495 : i32
        %sign3A_1497 = arith.constant 0 : i32
        %sign3A_1498 = arith.cmpi sgt, %jit3A_1488, %sign3A_1497 : i32
        %sign3A_1499 = arith.extui %sign3A_1498 : i1 to i32
        %sign3A_1500 = arith.constant 0 : i32
        %sign3A_1501 = arith.cmpi slt, %jit3A_1488, %sign3A_1500 : i32
        %sign3A_1502 = arith.extui %sign3A_1501 : i1 to i32
        %sign3A_1503 = arith.subi %sign3A_1499, %sign3A_1502 : i32
        %ne3A_1504 = arith.cmpi ne, %sign3A_1496, %sign3A_1503 : i32
        %rem3A_1505 = arith.remsi %add3A_1487, %jit3A_1488 : i32
        %ne3A_1506 = arith.constant 0 : i32
        %ne3A_1507 = arith.cmpi ne, %rem3A_1505, %ne3A_1506 : i32
        %and3A_1508 = arith.andi %ne3A_1504, %ne3A_1507 : i1
        %sub3A_1509 = arith.constant 1 : i32
        %sub3A_1510 = arith.subi %div3A_1489, %sub3A_1509 : i32
        %select_n3A_1511 = arith.select %and3A_1508, %sub3A_1510, %div3A_1489 : i32
        %jit3A_1512 = arith.constant 26 : i32
        %eq3A_1513 = arith.constant 0 : i32
        %eq3A_1514 = arith.cmpi eq, %jit3A_1512, %eq3A_1513 : i32
        %jit3A_1515 = arith.constant 1 : i32
        %select_n3A_1516 = arith.select %eq3A_1514, %jit3A_1515, %jit3A_1512 : i32
        %rem3A_1517 = arith.remsi %add3A_1487, %select_n3A_1516 : i32
        %ne3A_1518 = arith.constant 0 : i32
        %ne3A_1519 = arith.cmpi ne, %rem3A_1517, %ne3A_1518 : i32
        %lt3A_1520 = arith.constant 0 : i32
        %lt3A_1521 = arith.cmpi slt, %rem3A_1517, %lt3A_1520 : i32
        %lt3A_1522 = arith.constant 0 : i32
        %lt3A_1523 = arith.cmpi slt, %select_n3A_1516, %lt3A_1522 : i32
        %ne3A_1524 = arith.xori %lt3A_1521, %lt3A_1523 : i1
        %and3A_1525 = arith.andi %ne3A_1524, %ne3A_1519 : i1
        %add3A_1526 = arith.addi %rem3A_1517, %select_n3A_1516 : i32
        %select_n3A_1527 = arith.select %and3A_1525, %add3A_1526, %rem3A_1517 : i32
        %slice3A_1528 = vector.extract_strided_slice %and3A {offsets = [12], sizes = [1], strides = [1]} : vector<16xi32> to vector<1xi32>
        %squeeze3A_1529 = vector.extract %slice3A_1528[0] : i32 from vector<1xi32>
        %mul3A_1530 = arith.constant 64 : i32
        %mul3A_1531 = arith.muli %squeeze3A_1529, %mul3A_1530 : i32
        %mul3A_1532 = arith.constant 64 : i32
        %mul3A_1533 = arith.muli %select_n3A_1527, %mul3A_1532 : i32
        %add3A_1534 = arith.constant 0 : i32
        %add3A_1535 = arith.addi %mul3A_1531, %add3A_1534 : i32
        %get3A_1536 = arith.constant 1 : i32
        %get3A_1537 = arith.index_cast %get3A_1536 : i32 to index
        %get3A_1538 = arith.index_cast %add3A_1487 : i32 to index
        %get3A_1539 = arith.index_cast %add3A_1535 : i32 to index
        %get3A_1540 = tpu.vector_load %arg7[%get3A_1537, %get3A_1538, %get3A_1539] {strides = array<i32>} : memref<2x208x128xf32, #tpu.memory_space<vmem>>, vector<1x1x16xf32>,
        %get3A_1541 = vector.shape_cast %get3A_1540 : vector<1x1x16xf32> to vector<16xf32>
        %add3A_1542 = arith.constant 0 : i32
        %add3A_1543 = arith.addi %mul3A_1533, %add3A_1542 : i32
        %swap3A_1544 = arith.index_cast %select_n3A_1511 : i32 to index
        %swap3A_1545 = arith.index_cast %add3A_1543 : i32 to index
        %swap3A_1546 = tpu.vector_load %arg8[%swap3A_1544, %swap3A_1545] {strides = array<i32>} : memref<8x1664xf32, #tpu.memory_space<vmem>>, vector<1x16xf32>,
        %swap3A_1547 = vector.shape_cast %swap3A_1546 : vector<1x16xf32> to vector<16xf32>
        %swap3A_1548 = vector.shape_cast %get3A_1541 : vector<16xf32> to vector<1x16xf32>
        tpu.vector_store %arg8[%swap3A_1544, %swap3A_1545], %swap3A_1548 {strides = array<i32>} : memref<8x1664xf32, #tpu.memory_space<vmem>>, vector<1x16xf32>,
        %add3A_1549 = arith.constant 16 : i32
        %add3A_1550 = arith.addi %mul3A_1531, %add3A_1549 : i32
        %get3A_1551 = arith.constant 1 : i32
        %get3A_1552 = arith.index_cast %get3A_1551 : i32 to index
        %get3A_1553 = arith.index_cast %add3A_1487 : i32 to index
        %get3A_1554 = arith.index_cast %add3A_1550 : i32 to index
        %get3A_1555 = tpu.vector_load %arg7[%get3A_1552, %get3A_1553, %get3A_1554] {strides = array<i32>} : memref<2x208x128xf32, #tpu.memory_space<vmem>>, vector<1x1x16xf32>,
        %get3A_1556 = vector.shape_cast %get3A_1555 : vector<1x1x16xf32> to vector<16xf32>
        %add3A_1557 = arith.constant 16 : i32
        %add3A_1558 = arith.addi %mul3A_1533, %add3A_1557 : i32
        %swap3A_1559 = arith.index_cast %select_n3A_1511 : i32 to index
        %swap3A_1560 = arith.index_cast %add3A_1558 : i32 to index
        %swap3A_1561 = tpu.vector_load %arg8[%swap3A_1559, %swap3A_1560] {strides = array<i32>} : memref<8x1664xf32, #tpu.memory_space<vmem>>, vector<1x16xf32>,
        %swap3A_1562 = vector.shape_cast %swap3A_1561 : vector<1x16xf32> to vector<16xf32>
        %swap3A_1563 = vector.shape_cast %get3A_1556 : vector<16xf32> to vector<1x16xf32>
        tpu.vector_store %arg8[%swap3A_1559, %swap3A_1560], %swap3A_1563 {strides = array<i32>} : memref<8x1664xf32, #tpu.memory_space<vmem>>, vector<1x16xf32>,
        %add3A_1564 = arith.constant 32 : i32
        %add3A_1565 = arith.addi %mul3A_1531, %add3A_1564 : i32
        %get3A_1566 = arith.constant 1 : i32
        %get3A_1567 = arith.index_cast %get3A_1566 : i32 to index
        %get3A_1568 = arith.index_cast %add3A_1487 : i32 to index
        %get3A_1569 = arith.index_cast %add3A_1565 : i32 to index
        %get3A_1570 = tpu.vector_load %arg7[%get3A_1567, %get3A_1568, %get3A_1569] {strides = array<i32>} : memref<2x208x128xf32, #tpu.memory_space<vmem>>, vector<1x1x16xf32>,
        %get3A_1571 = vector.shape_cast %get3A_1570 : vector<1x1x16xf32> to vector<16xf32>
        %add3A_1572 = arith.constant 32 : i32
        %add3A_1573 = arith.addi %mul3A_1533, %add3A_1572 : i32
        %swap3A_1574 = arith.index_cast %select_n3A_1511 : i32 to index
        %swap3A_1575 = arith.index_cast %add3A_1573 : i32 to index
        %swap3A_1576 = tpu.vector_load %arg8[%swap3A_1574, %swap3A_1575] {strides = array<i32>} : memref<8x1664xf32, #tpu.memory_space<vmem>>, vector<1x16xf32>,
        %swap3A_1577 = vector.shape_cast %swap3A_1576 : vector<1x16xf32> to vector<16xf32>
        %swap3A_1578 = vector.shape_cast %get3A_1571 : vector<16xf32> to vector<1x16xf32>
        tpu.vector_store %arg8[%swap3A_1574, %swap3A_1575], %swap3A_1578 {strides = array<i32>} : memref<8x1664xf32, #tpu.memory_space<vmem>>, vector<1x16xf32>,
        %add3A_1579 = arith.constant 48 : i32
        %add3A_1580 = arith.addi %mul3A_1531, %add3A_1579 : i32
        %get3A_1581 = arith.constant 1 : i32
        %get3A_1582 = arith.index_cast %get3A_1581 : i32 to index
        %get3A_1583 = arith.index_cast %add3A_1487 : i32 to index
        %get3A_1584 = arith.index_cast %add3A_1580 : i32 to index
        %get3A_1585 = tpu.vector_load %arg7[%get3A_1582, %get3A_1583, %get3A_1584] {strides = array<i32>} : memref<2x208x128xf32, #tpu.memory_space<vmem>>, vector<1x1x16xf32>,
        %get3A_1586 = vector.shape_cast %get3A_1585 : vector<1x1x16xf32> to vector<16xf32>
        %add3A_1587 = arith.constant 48 : i32
        %add3A_1588 = arith.addi %mul3A_1533, %add3A_1587 : i32
        %swap3A_1589 = arith.index_cast %select_n3A_1511 : i32 to index
        %swap3A_1590 = arith.index_cast %add3A_1588 : i32 to index
        %swap3A_1591 = tpu.vector_load %arg8[%swap3A_1589, %swap3A_1590] {strides = array<i32>} : memref<8x1664xf32, #tpu.memory_space<vmem>>, vector<1x16xf32>,
        %swap3A_1592 = vector.shape_cast %swap3A_1591 : vector<1x16xf32> to vector<16xf32>
        %swap3A_1593 = vector.shape_cast %get3A_1586 : vector<16xf32> to vector<1x16xf32>
        tpu.vector_store %arg8[%swap3A_1589, %swap3A_1590], %swap3A_1593 {strides = array<i32>} : memref<8x1664xf32, #tpu.memory_space<vmem>>, vector<1x16xf32>,
        %mul3A_1594 = arith.constant 16 : i32
        %mul3A_1595 = arith.muli %scan3A_167, %mul3A_1594 : i32
        %add3A_1596 = arith.constant 13 : i32
        %add3A_1597 = arith.addi %mul3A_1595, %add3A_1596 : i32
        %jit3A_1598 = arith.constant 26 : i32
        %div3A_1599 = arith.divsi %add3A_1597, %jit3A_1598 : i32
        %sign3A_1600 = arith.constant 0 : i32
        %sign3A_1601 = arith.cmpi sgt, %add3A_1597, %sign3A_1600 : i32
        %sign3A_1602 = arith.extui %sign3A_1601 : i1 to i32
        %sign3A_1603 = arith.constant 0 : i32
        %sign3A_1604 = arith.cmpi slt, %add3A_1597, %sign3A_1603 : i32
        %sign3A_1605 = arith.extui %sign3A_1604 : i1 to i32
        %sign3A_1606 = arith.subi %sign3A_1602, %sign3A_1605 : i32
        %sign3A_1607 = arith.constant 0 : i32
        %sign3A_1608 = arith.cmpi sgt, %jit3A_1598, %sign3A_1607 : i32
        %sign3A_1609 = arith.extui %sign3A_1608 : i1 to i32
        %sign3A_1610 = arith.constant 0 : i32
        %sign3A_1611 = arith.cmpi slt, %jit3A_1598, %sign3A_1610 : i32
        %sign3A_1612 = arith.extui %sign3A_1611 : i1 to i32
        %sign3A_1613 = arith.subi %sign3A_1609, %sign3A_1612 : i32
        %ne3A_1614 = arith.cmpi ne, %sign3A_1606, %sign3A_1613 : i32
        %rem3A_1615 = arith.remsi %add3A_1597, %jit3A_1598 : i32
        %ne3A_1616 = arith.constant 0 : i32
        %ne3A_1617 = arith.cmpi ne, %rem3A_1615, %ne3A_1616 : i32
        %and3A_1618 = arith.andi %ne3A_1614, %ne3A_1617 : i1
        %sub3A_1619 = arith.constant 1 : i32
        %sub3A_1620 = arith.subi %div3A_1599, %sub3A_1619 : i32
        %select_n3A_1621 = arith.select %and3A_1618, %sub3A_1620, %div3A_1599 : i32
        %jit3A_1622 = arith.constant 26 : i32
        %eq3A_1623 = arith.constant 0 : i32
        %eq3A_1624 = arith.cmpi eq, %jit3A_1622, %eq3A_1623 : i32
        %jit3A_1625 = arith.constant 1 : i32
        %select_n3A_1626 = arith.select %eq3A_1624, %jit3A_1625, %jit3A_1622 : i32
        %rem3A_1627 = arith.remsi %add3A_1597, %select_n3A_1626 : i32
        %ne3A_1628 = arith.constant 0 : i32
        %ne3A_1629 = arith.cmpi ne, %rem3A_1627, %ne3A_1628 : i32
        %lt3A_1630 = arith.constant 0 : i32
        %lt3A_1631 = arith.cmpi slt, %rem3A_1627, %lt3A_1630 : i32
        %lt3A_1632 = arith.constant 0 : i32
        %lt3A_1633 = arith.cmpi slt, %select_n3A_1626, %lt3A_1632 : i32
        %ne3A_1634 = arith.xori %lt3A_1631, %lt3A_1633 : i1
        %and3A_1635 = arith.andi %ne3A_1634, %ne3A_1629 : i1
        %add3A_1636 = arith.addi %rem3A_1627, %select_n3A_1626 : i32
        %select_n3A_1637 = arith.select %and3A_1635, %add3A_1636, %rem3A_1627 : i32
        %slice3A_1638 = vector.extract_strided_slice %and3A {offsets = [13], sizes = [1], strides = [1]} : vector<16xi32> to vector<1xi32>
        %squeeze3A_1639 = vector.extract %slice3A_1638[0] : i32 from vector<1xi32>
        %mul3A_1640 = arith.constant 64 : i32
        %mul3A_1641 = arith.muli %squeeze3A_1639, %mul3A_1640 : i32
        %mul3A_1642 = arith.constant 64 : i32
        %mul3A_1643 = arith.muli %select_n3A_1637, %mul3A_1642 : i32
        %add3A_1644 = arith.constant 0 : i32
        %add3A_1645 = arith.addi %mul3A_1641, %add3A_1644 : i32
        %get3A_1646 = arith.constant 1 : i32
        %get3A_1647 = arith.index_cast %get3A_1646 : i32 to index
        %get3A_1648 = arith.index_cast %add3A_1597 : i32 to index
        %get3A_1649 = arith.index_cast %add3A_1645 : i32 to index
        %get3A_1650 = tpu.vector_load %arg7[%get3A_1647, %get3A_1648, %get3A_1649] {strides = array<i32>} : memref<2x208x128xf32, #tpu.memory_space<vmem>>, vector<1x1x16xf32>,
        %get3A_1651 = vector.shape_cast %get3A_1650 : vector<1x1x16xf32> to vector<16xf32>
        %add3A_1652 = arith.constant 0 : i32
        %add3A_1653 = arith.addi %mul3A_1643, %add3A_1652 : i32
        %swap3A_1654 = arith.index_cast %select_n3A_1621 : i32 to index
        %swap3A_1655 = arith.index_cast %add3A_1653 : i32 to index
        %swap3A_1656 = tpu.vector_load %arg8[%swap3A_1654, %swap3A_1655] {strides = array<i32>} : memref<8x1664xf32, #tpu.memory_space<vmem>>, vector<1x16xf32>,
        %swap3A_1657 = vector.shape_cast %swap3A_1656 : vector<1x16xf32> to vector<16xf32>
        %swap3A_1658 = vector.shape_cast %get3A_1651 : vector<16xf32> to vector<1x16xf32>
        tpu.vector_store %arg8[%swap3A_1654, %swap3A_1655], %swap3A_1658 {strides = array<i32>} : memref<8x1664xf32, #tpu.memory_space<vmem>>, vector<1x16xf32>,
        %add3A_1659 = arith.constant 16 : i32
        %add3A_1660 = arith.addi %mul3A_1641, %add3A_1659 : i32
        %get3A_1661 = arith.constant 1 : i32
        %get3A_1662 = arith.index_cast %get3A_1661 : i32 to index
        %get3A_1663 = arith.index_cast %add3A_1597 : i32 to index
        %get3A_1664 = arith.index_cast %add3A_1660 : i32 to index
        %get3A_1665 = tpu.vector_load %arg7[%get3A_1662, %get3A_1663, %get3A_1664] {strides = array<i32>} : memref<2x208x128xf32, #tpu.memory_space<vmem>>, vector<1x1x16xf32>,
        %get3A_1666 = vector.shape_cast %get3A_1665 : vector<1x1x16xf32> to vector<16xf32>
        %add3A_1667 = arith.constant 16 : i32
        %add3A_1668 = arith.addi %mul3A_1643, %add3A_1667 : i32
        %swap3A_1669 = arith.index_cast %select_n3A_1621 : i32 to index
        %swap3A_1670 = arith.index_cast %add3A_1668 : i32 to index
        %swap3A_1671 = tpu.vector_load %arg8[%swap3A_1669, %swap3A_1670] {strides = array<i32>} : memref<8x1664xf32, #tpu.memory_space<vmem>>, vector<1x16xf32>,
        %swap3A_1672 = vector.shape_cast %swap3A_1671 : vector<1x16xf32> to vector<16xf32>
        %swap3A_1673 = vector.shape_cast %get3A_1666 : vector<16xf32> to vector<1x16xf32>
        tpu.vector_store %arg8[%swap3A_1669, %swap3A_1670], %swap3A_1673 {strides = array<i32>} : memref<8x1664xf32, #tpu.memory_space<vmem>>, vector<1x16xf32>,
        %add3A_1674 = arith.constant 32 : i32
        %add3A_1675 = arith.addi %mul3A_1641, %add3A_1674 : i32
        %get3A_1676 = arith.constant 1 : i32
        %get3A_1677 = arith.index_cast %get3A_1676 : i32 to index
        %get3A_1678 = arith.index_cast %add3A_1597 : i32 to index
        %get3A_1679 = arith.index_cast %add3A_1675 : i32 to index
        %get3A_1680 = tpu.vector_load %arg7[%get3A_1677, %get3A_1678, %get3A_1679] {strides = array<i32>} : memref<2x208x128xf32, #tpu.memory_space<vmem>>, vector<1x1x16xf32>,
        %get3A_1681 = vector.shape_cast %get3A_1680 : vector<1x1x16xf32> to vector<16xf32>
        %add3A_1682 = arith.constant 32 : i32
        %add3A_1683 = arith.addi %mul3A_1643, %add3A_1682 : i32
        %swap3A_1684 = arith.index_cast %select_n3A_1621 : i32 to index
        %swap3A_1685 = arith.index_cast %add3A_1683 : i32 to index
        %swap3A_1686 = tpu.vector_load %arg8[%swap3A_1684, %swap3A_1685] {strides = array<i32>} : memref<8x1664xf32, #tpu.memory_space<vmem>>, vector<1x16xf32>,
        %swap3A_1687 = vector.shape_cast %swap3A_1686 : vector<1x16xf32> to vector<16xf32>
        %swap3A_1688 = vector.shape_cast %get3A_1681 : vector<16xf32> to vector<1x16xf32>
        tpu.vector_store %arg8[%swap3A_1684, %swap3A_1685], %swap3A_1688 {strides = array<i32>} : memref<8x1664xf32, #tpu.memory_space<vmem>>, vector<1x16xf32>,
        %add3A_1689 = arith.constant 48 : i32
        %add3A_1690 = arith.addi %mul3A_1641, %add3A_1689 : i32
        %get3A_1691 = arith.constant 1 : i32
        %get3A_1692 = arith.index_cast %get3A_1691 : i32 to index
        %get3A_1693 = arith.index_cast %add3A_1597 : i32 to index
        %get3A_1694 = arith.index_cast %add3A_1690 : i32 to index
        %get3A_1695 = tpu.vector_load %arg7[%get3A_1692, %get3A_1693, %get3A_1694] {strides = array<i32>} : memref<2x208x128xf32, #tpu.memory_space<vmem>>, vector<1x1x16xf32>,
        %get3A_1696 = vector.shape_cast %get3A_1695 : vector<1x1x16xf32> to vector<16xf32>
        %add3A_1697 = arith.constant 48 : i32
        %add3A_1698 = arith.addi %mul3A_1643, %add3A_1697 : i32
        %swap3A_1699 = arith.index_cast %select_n3A_1621 : i32 to index
        %swap3A_1700 = arith.index_cast %add3A_1698 : i32 to index
        %swap3A_1701 = tpu.vector_load %arg8[%swap3A_1699, %swap3A_1700] {strides = array<i32>} : memref<8x1664xf32, #tpu.memory_space<vmem>>, vector<1x16xf32>,
        %swap3A_1702 = vector.shape_cast %swap3A_1701 : vector<1x16xf32> to vector<16xf32>
        %swap3A_1703 = vector.shape_cast %get3A_1696 : vector<16xf32> to vector<1x16xf32>
        tpu.vector_store %arg8[%swap3A_1699, %swap3A_1700], %swap3A_1703 {strides = array<i32>} : memref<8x1664xf32, #tpu.memory_space<vmem>>, vector<1x16xf32>,
        %mul3A_1704 = arith.constant 16 : i32
        %mul3A_1705 = arith.muli %scan3A_167, %mul3A_1704 : i32
        %add3A_1706 = arith.constant 14 : i32
        %add3A_1707 = arith.addi %mul3A_1705, %add3A_1706 : i32
        %jit3A_1708 = arith.constant 26 : i32
        %div3A_1709 = arith.divsi %add3A_1707, %jit3A_1708 : i32
        %sign3A_1710 = arith.constant 0 : i32
        %sign3A_1711 = arith.cmpi sgt, %add3A_1707, %sign3A_1710 : i32
        %sign3A_1712 = arith.extui %sign3A_1711 : i1 to i32
        %sign3A_1713 = arith.constant 0 : i32
        %sign3A_1714 = arith.cmpi slt, %add3A_1707, %sign3A_1713 : i32
        %sign3A_1715 = arith.extui %sign3A_1714 : i1 to i32
        %sign3A_1716 = arith.subi %sign3A_1712, %sign3A_1715 : i32
        %sign3A_1717 = arith.constant 0 : i32
        %sign3A_1718 = arith.cmpi sgt, %jit3A_1708, %sign3A_1717 : i32
        %sign3A_1719 = arith.extui %sign3A_1718 : i1 to i32
        %sign3A_1720 = arith.constant 0 : i32
        %sign3A_1721 = arith.cmpi slt, %jit3A_1708, %sign3A_1720 : i32
        %sign3A_1722 = arith.extui %sign3A_1721 : i1 to i32
        %sign3A_1723 = arith.subi %sign3A_1719, %sign3A_1722 : i32
        %ne3A_1724 = arith.cmpi ne, %sign3A_1716, %sign3A_1723 : i32
        %rem3A_1725 = arith.remsi %add3A_1707, %jit3A_1708 : i32
        %ne3A_1726 = arith.constant 0 : i32
        %ne3A_1727 = arith.cmpi ne, %rem3A_1725, %ne3A_1726 : i32
        %and3A_1728 = arith.andi %ne3A_1724, %ne3A_1727 : i1
        %sub3A_1729 = arith.constant 1 : i32
        %sub3A_1730 = arith.subi %div3A_1709, %sub3A_1729 : i32
        %select_n3A_1731 = arith.select %and3A_1728, %sub3A_1730, %div3A_1709 : i32
        %jit3A_1732 = arith.constant 26 : i32
        %eq3A_1733 = arith.constant 0 : i32
        %eq3A_1734 = arith.cmpi eq, %jit3A_1732, %eq3A_1733 : i32
        %jit3A_1735 = arith.constant 1 : i32
        %select_n3A_1736 = arith.select %eq3A_1734, %jit3A_1735, %jit3A_1732 : i32
        %rem3A_1737 = arith.remsi %add3A_1707, %select_n3A_1736 : i32
        %ne3A_1738 = arith.constant 0 : i32
        %ne3A_1739 = arith.cmpi ne, %rem3A_1737, %ne3A_1738 : i32
        %lt3A_1740 = arith.constant 0 : i32
        %lt3A_1741 = arith.cmpi slt, %rem3A_1737, %lt3A_1740 : i32
        %lt3A_1742 = arith.constant 0 : i32
        %lt3A_1743 = arith.cmpi slt, %select_n3A_1736, %lt3A_1742 : i32
        %ne3A_1744 = arith.xori %lt3A_1741, %lt3A_1743 : i1
        %and3A_1745 = arith.andi %ne3A_1744, %ne3A_1739 : i1
        %add3A_1746 = arith.addi %rem3A_1737, %select_n3A_1736 : i32
        %select_n3A_1747 = arith.select %and3A_1745, %add3A_1746, %rem3A_1737 : i32
        %slice3A_1748 = vector.extract_strided_slice %and3A {offsets = [14], sizes = [1], strides = [1]} : vector<16xi32> to vector<1xi32>
        %squeeze3A_1749 = vector.extract %slice3A_1748[0] : i32 from vector<1xi32>
        %mul3A_1750 = arith.constant 64 : i32
        %mul3A_1751 = arith.muli %squeeze3A_1749, %mul3A_1750 : i32
        %mul3A_1752 = arith.constant 64 : i32
        %mul3A_1753 = arith.muli %select_n3A_1747, %mul3A_1752 : i32
        %add3A_1754 = arith.constant 0 : i32
        %add3A_1755 = arith.addi %mul3A_1751, %add3A_1754 : i32
        %get3A_1756 = arith.constant 1 : i32
        %get3A_1757 = arith.index_cast %get3A_1756 : i32 to index
        %get3A_1758 = arith.index_cast %add3A_1707 : i32 to index
        %get3A_1759 = arith.index_cast %add3A_1755 : i32 to index
        %get3A_1760 = tpu.vector_load %arg7[%get3A_1757, %get3A_1758, %get3A_1759] {strides = array<i32>} : memref<2x208x128xf32, #tpu.memory_space<vmem>>, vector<1x1x16xf32>,
        %get3A_1761 = vector.shape_cast %get3A_1760 : vector<1x1x16xf32> to vector<16xf32>
        %add3A_1762 = arith.constant 0 : i32
        %add3A_1763 = arith.addi %mul3A_1753, %add3A_1762 : i32
        %swap3A_1764 = arith.index_cast %select_n3A_1731 : i32 to index
        %swap3A_1765 = arith.index_cast %add3A_1763 : i32 to index
        %swap3A_1766 = tpu.vector_load %arg8[%swap3A_1764, %swap3A_1765] {strides = array<i32>} : memref<8x1664xf32, #tpu.memory_space<vmem>>, vector<1x16xf32>,
        %swap3A_1767 = vector.shape_cast %swap3A_1766 : vector<1x16xf32> to vector<16xf32>
        %swap3A_1768 = vector.shape_cast %get3A_1761 : vector<16xf32> to vector<1x16xf32>
        tpu.vector_store %arg8[%swap3A_1764, %swap3A_1765], %swap3A_1768 {strides = array<i32>} : memref<8x1664xf32, #tpu.memory_space<vmem>>, vector<1x16xf32>,
        %add3A_1769 = arith.constant 16 : i32
        %add3A_1770 = arith.addi %mul3A_1751, %add3A_1769 : i32
        %get3A_1771 = arith.constant 1 : i32
        %get3A_1772 = arith.index_cast %get3A_1771 : i32 to index
        %get3A_1773 = arith.index_cast %add3A_1707 : i32 to index
        %get3A_1774 = arith.index_cast %add3A_1770 : i32 to index
        %get3A_1775 = tpu.vector_load %arg7[%get3A_1772, %get3A_1773, %get3A_1774] {strides = array<i32>} : memref<2x208x128xf32, #tpu.memory_space<vmem>>, vector<1x1x16xf32>,
        %get3A_1776 = vector.shape_cast %get3A_1775 : vector<1x1x16xf32> to vector<16xf32>
        %add3A_1777 = arith.constant 16 : i32
        %add3A_1778 = arith.addi %mul3A_1753, %add3A_1777 : i32
        %swap3A_1779 = arith.index_cast %select_n3A_1731 : i32 to index
        %swap3A_1780 = arith.index_cast %add3A_1778 : i32 to index
        %swap3A_1781 = tpu.vector_load %arg8[%swap3A_1779, %swap3A_1780] {strides = array<i32>} : memref<8x1664xf32, #tpu.memory_space<vmem>>, vector<1x16xf32>,
        %swap3A_1782 = vector.shape_cast %swap3A_1781 : vector<1x16xf32> to vector<16xf32>
        %swap3A_1783 = vector.shape_cast %get3A_1776 : vector<16xf32> to vector<1x16xf32>
        tpu.vector_store %arg8[%swap3A_1779, %swap3A_1780], %swap3A_1783 {strides = array<i32>} : memref<8x1664xf32, #tpu.memory_space<vmem>>, vector<1x16xf32>,
        %add3A_1784 = arith.constant 32 : i32
        %add3A_1785 = arith.addi %mul3A_1751, %add3A_1784 : i32
        %get3A_1786 = arith.constant 1 : i32
        %get3A_1787 = arith.index_cast %get3A_1786 : i32 to index
        %get3A_1788 = arith.index_cast %add3A_1707 : i32 to index
        %get3A_1789 = arith.index_cast %add3A_1785 : i32 to index
        %get3A_1790 = tpu.vector_load %arg7[%get3A_1787, %get3A_1788, %get3A_1789] {strides = array<i32>} : memref<2x208x128xf32, #tpu.memory_space<vmem>>, vector<1x1x16xf32>,
        %get3A_1791 = vector.shape_cast %get3A_1790 : vector<1x1x16xf32> to vector<16xf32>
        %add3A_1792 = arith.constant 32 : i32
        %add3A_1793 = arith.addi %mul3A_1753, %add3A_1792 : i32
        %swap3A_1794 = arith.index_cast %select_n3A_1731 : i32 to index
        %swap3A_1795 = arith.index_cast %add3A_1793 : i32 to index
        %swap3A_1796 = tpu.vector_load %arg8[%swap3A_1794, %swap3A_1795] {strides = array<i32>} : memref<8x1664xf32, #tpu.memory_space<vmem>>, vector<1x16xf32>,
        %swap3A_1797 = vector.shape_cast %swap3A_1796 : vector<1x16xf32> to vector<16xf32>
        %swap3A_1798 = vector.shape_cast %get3A_1791 : vector<16xf32> to vector<1x16xf32>
        tpu.vector_store %arg8[%swap3A_1794, %swap3A_1795], %swap3A_1798 {strides = array<i32>} : memref<8x1664xf32, #tpu.memory_space<vmem>>, vector<1x16xf32>,
        %add3A_1799 = arith.constant 48 : i32
        %add3A_1800 = arith.addi %mul3A_1751, %add3A_1799 : i32
        %get3A_1801 = arith.constant 1 : i32
        %get3A_1802 = arith.index_cast %get3A_1801 : i32 to index
        %get3A_1803 = arith.index_cast %add3A_1707 : i32 to index
        %get3A_1804 = arith.index_cast %add3A_1800 : i32 to index
        %get3A_1805 = tpu.vector_load %arg7[%get3A_1802, %get3A_1803, %get3A_1804] {strides = array<i32>} : memref<2x208x128xf32, #tpu.memory_space<vmem>>, vector<1x1x16xf32>,
        %get3A_1806 = vector.shape_cast %get3A_1805 : vector<1x1x16xf32> to vector<16xf32>
        %add3A_1807 = arith.constant 48 : i32
        %add3A_1808 = arith.addi %mul3A_1753, %add3A_1807 : i32
        %swap3A_1809 = arith.index_cast %select_n3A_1731 : i32 to index
        %swap3A_1810 = arith.index_cast %add3A_1808 : i32 to index
        %swap3A_1811 = tpu.vector_load %arg8[%swap3A_1809, %swap3A_1810] {strides = array<i32>} : memref<8x1664xf32, #tpu.memory_space<vmem>>, vector<1x16xf32>,
        %swap3A_1812 = vector.shape_cast %swap3A_1811 : vector<1x16xf32> to vector<16xf32>
        %swap3A_1813 = vector.shape_cast %get3A_1806 : vector<16xf32> to vector<1x16xf32>
        tpu.vector_store %arg8[%swap3A_1809, %swap3A_1810], %swap3A_1813 {strides = array<i32>} : memref<8x1664xf32, #tpu.memory_space<vmem>>, vector<1x16xf32>,
        %mul3A_1814 = arith.constant 16 : i32
        %mul3A_1815 = arith.muli %scan3A_167, %mul3A_1814 : i32
        %add3A_1816 = arith.constant 15 : i32
        %add3A_1817 = arith.addi %mul3A_1815, %add3A_1816 : i32
        %jit3A_1818 = arith.constant 26 : i32
        %div3A_1819 = arith.divsi %add3A_1817, %jit3A_1818 : i32
        %sign3A_1820 = arith.constant 0 : i32
        %sign3A_1821 = arith.cmpi sgt, %add3A_1817, %sign3A_1820 : i32
        %sign3A_1822 = arith.extui %sign3A_1821 : i1 to i32
        %sign3A_1823 = arith.constant 0 : i32
        %sign3A_1824 = arith.cmpi slt, %add3A_1817, %sign3A_1823 : i32
        %sign3A_1825 = arith.extui %sign3A_1824 : i1 to i32
        %sign3A_1826 = arith.subi %sign3A_1822, %sign3A_1825 : i32
        %sign3A_1827 = arith.constant 0 : i32
        %sign3A_1828 = arith.cmpi sgt, %jit3A_1818, %sign3A_1827 : i32
        %sign3A_1829 = arith.extui %sign3A_1828 : i1 to i32
        %sign3A_1830 = arith.constant 0 : i32
        %sign3A_1831 = arith.cmpi slt, %jit3A_1818, %sign3A_1830 : i32
        %sign3A_1832 = arith.extui %sign3A_1831 : i1 to i32
        %sign3A_1833 = arith.subi %sign3A_1829, %sign3A_1832 : i32
        %ne3A_1834 = arith.cmpi ne, %sign3A_1826, %sign3A_1833 : i32
        %rem3A_1835 = arith.remsi %add3A_1817, %jit3A_1818 : i32
        %ne3A_1836 = arith.constant 0 : i32
        %ne3A_1837 = arith.cmpi ne, %rem3A_1835, %ne3A_1836 : i32
        %and3A_1838 = arith.andi %ne3A_1834, %ne3A_1837 : i1
        %sub3A_1839 = arith.constant 1 : i32
        %sub3A_1840 = arith.subi %div3A_1819, %sub3A_1839 : i32
        %select_n3A_1841 = arith.select %and3A_1838, %sub3A_1840, %div3A_1819 : i32
        %jit3A_1842 = arith.constant 26 : i32
        %eq3A_1843 = arith.constant 0 : i32
        %eq3A_1844 = arith.cmpi eq, %jit3A_1842, %eq3A_1843 : i32
        %jit3A_1845 = arith.constant 1 : i32
        %select_n3A_1846 = arith.select %eq3A_1844, %jit3A_1845, %jit3A_1842 : i32
        %rem3A_1847 = arith.remsi %add3A_1817, %select_n3A_1846 : i32
        %ne3A_1848 = arith.constant 0 : i32
        %ne3A_1849 = arith.cmpi ne, %rem3A_1847, %ne3A_1848 : i32
        %lt3A_1850 = arith.constant 0 : i32
        %lt3A_1851 = arith.cmpi slt, %rem3A_1847, %lt3A_1850 : i32
        %lt3A_1852 = arith.constant 0 : i32
        %lt3A_1853 = arith.cmpi slt, %select_n3A_1846, %lt3A_1852 : i32
        %ne3A_1854 = arith.xori %lt3A_1851, %lt3A_1853 : i1
        %and3A_1855 = arith.andi %ne3A_1854, %ne3A_1849 : i1
        %add3A_1856 = arith.addi %rem3A_1847, %select_n3A_1846 : i32
        %select_n3A_1857 = arith.select %and3A_1855, %add3A_1856, %rem3A_1847 : i32
        %slice3A_1858 = vector.extract_strided_slice %and3A {offsets = [15], sizes = [1], strides = [1]} : vector<16xi32> to vector<1xi32>
        %squeeze3A_1859 = vector.extract %slice3A_1858[0] : i32 from vector<1xi32>
        %mul3A_1860 = arith.constant 64 : i32
        %mul3A_1861 = arith.muli %squeeze3A_1859, %mul3A_1860 : i32
        %mul3A_1862 = arith.constant 64 : i32
        %mul3A_1863 = arith.muli %select_n3A_1857, %mul3A_1862 : i32
        %add3A_1864 = arith.constant 0 : i32
        %add3A_1865 = arith.addi %mul3A_1861, %add3A_1864 : i32
        %get3A_1866 = arith.constant 1 : i32
        %get3A_1867 = arith.index_cast %get3A_1866 : i32 to index
        %get3A_1868 = arith.index_cast %add3A_1817 : i32 to index
        %get3A_1869 = arith.index_cast %add3A_1865 : i32 to index
        %get3A_1870 = tpu.vector_load %arg7[%get3A_1867, %get3A_1868, %get3A_1869] {strides = array<i32>} : memref<2x208x128xf32, #tpu.memory_space<vmem>>, vector<1x1x16xf32>,
        %get3A_1871 = vector.shape_cast %get3A_1870 : vector<1x1x16xf32> to vector<16xf32>
        %add3A_1872 = arith.constant 0 : i32
        %add3A_1873 = arith.addi %mul3A_1863, %add3A_1872 : i32
        %swap3A_1874 = arith.index_cast %select_n3A_1841 : i32 to index
        %swap3A_1875 = arith.index_cast %add3A_1873 : i32 to index
        %swap3A_1876 = tpu.vector_load %arg8[%swap3A_1874, %swap3A_1875] {strides = array<i32>} : memref<8x1664xf32, #tpu.memory_space<vmem>>, vector<1x16xf32>,
        %swap3A_1877 = vector.shape_cast %swap3A_1876 : vector<1x16xf32> to vector<16xf32>
        %swap3A_1878 = vector.shape_cast %get3A_1871 : vector<16xf32> to vector<1x16xf32>
        tpu.vector_store %arg8[%swap3A_1874, %swap3A_1875], %swap3A_1878 {strides = array<i32>} : memref<8x1664xf32, #tpu.memory_space<vmem>>, vector<1x16xf32>,
        %add3A_1879 = arith.constant 16 : i32
        %add3A_1880 = arith.addi %mul3A_1861, %add3A_1879 : i32
        %get3A_1881 = arith.constant 1 : i32
        %get3A_1882 = arith.index_cast %get3A_1881 : i32 to index
        %get3A_1883 = arith.index_cast %add3A_1817 : i32 to index
        %get3A_1884 = arith.index_cast %add3A_1880 : i32 to index
        %get3A_1885 = tpu.vector_load %arg7[%get3A_1882, %get3A_1883, %get3A_1884] {strides = array<i32>} : memref<2x208x128xf32, #tpu.memory_space<vmem>>, vector<1x1x16xf32>,
        %get3A_1886 = vector.shape_cast %get3A_1885 : vector<1x1x16xf32> to vector<16xf32>
        %add3A_1887 = arith.constant 16 : i32
        %add3A_1888 = arith.addi %mul3A_1863, %add3A_1887 : i32
        %swap3A_1889 = arith.index_cast %select_n3A_1841 : i32 to index
        %swap3A_1890 = arith.index_cast %add3A_1888 : i32 to index
        %swap3A_1891 = tpu.vector_load %arg8[%swap3A_1889, %swap3A_1890] {strides = array<i32>} : memref<8x1664xf32, #tpu.memory_space<vmem>>, vector<1x16xf32>,
        %swap3A_1892 = vector.shape_cast %swap3A_1891 : vector<1x16xf32> to vector<16xf32>
        %swap3A_1893 = vector.shape_cast %get3A_1886 : vector<16xf32> to vector<1x16xf32>
        tpu.vector_store %arg8[%swap3A_1889, %swap3A_1890], %swap3A_1893 {strides = array<i32>} : memref<8x1664xf32, #tpu.memory_space<vmem>>, vector<1x16xf32>,
        %add3A_1894 = arith.constant 32 : i32
        %add3A_1895 = arith.addi %mul3A_1861, %add3A_1894 : i32
        %get3A_1896 = arith.constant 1 : i32
        %get3A_1897 = arith.index_cast %get3A_1896 : i32 to index
        %get3A_1898 = arith.index_cast %add3A_1817 : i32 to index
        %get3A_1899 = arith.index_cast %add3A_1895 : i32 to index
        %get3A_1900 = tpu.vector_load %arg7[%get3A_1897, %get3A_1898, %get3A_1899] {strides = array<i32>} : memref<2x208x128xf32, #tpu.memory_space<vmem>>, vector<1x1x16xf32>,
        %get3A_1901 = vector.shape_cast %get3A_1900 : vector<1x1x16xf32> to vector<16xf32>
        %add3A_1902 = arith.constant 32 : i32
        %add3A_1903 = arith.addi %mul3A_1863, %add3A_1902 : i32
        %swap3A_1904 = arith.index_cast %select_n3A_1841 : i32 to index
        %swap3A_1905 = arith.index_cast %add3A_1903 : i32 to index
        %swap3A_1906 = tpu.vector_load %arg8[%swap3A_1904, %swap3A_1905] {strides = array<i32>} : memref<8x1664xf32, #tpu.memory_space<vmem>>, vector<1x16xf32>,
        %swap3A_1907 = vector.shape_cast %swap3A_1906 : vector<1x16xf32> to vector<16xf32>
        %swap3A_1908 = vector.shape_cast %get3A_1901 : vector<16xf32> to vector<1x16xf32>
        tpu.vector_store %arg8[%swap3A_1904, %swap3A_1905], %swap3A_1908 {strides = array<i32>} : memref<8x1664xf32, #tpu.memory_space<vmem>>, vector<1x16xf32>,
        %add3A_1909 = arith.constant 48 : i32
        %add3A_1910 = arith.addi %mul3A_1861, %add3A_1909 : i32
        %get3A_1911 = arith.constant 1 : i32
        %get3A_1912 = arith.index_cast %get3A_1911 : i32 to index
        %get3A_1913 = arith.index_cast %add3A_1817 : i32 to index
        %get3A_1914 = arith.index_cast %add3A_1910 : i32 to index
        %get3A_1915 = tpu.vector_load %arg7[%get3A_1912, %get3A_1913, %get3A_1914] {strides = array<i32>} : memref<2x208x128xf32, #tpu.memory_space<vmem>>, vector<1x1x16xf32>,
        %get3A_1916 = vector.shape_cast %get3A_1915 : vector<1x1x16xf32> to vector<16xf32>
        %add3A_1917 = arith.constant 48 : i32
        %add3A_1918 = arith.addi %mul3A_1863, %add3A_1917 : i32
        %swap3A_1919 = arith.index_cast %select_n3A_1841 : i32 to index
        %swap3A_1920 = arith.index_cast %add3A_1918 : i32 to index
        %swap3A_1921 = tpu.vector_load %arg8[%swap3A_1919, %swap3A_1920] {strides = array<i32>} : memref<8x1664xf32, #tpu.memory_space<vmem>>, vector<1x16xf32>,
        %swap3A_1922 = vector.shape_cast %swap3A_1921 : vector<1x16xf32> to vector<16xf32>
        %swap3A_1923 = vector.shape_cast %get3A_1916 : vector<16xf32> to vector<1x16xf32>
        tpu.vector_store %arg8[%swap3A_1919, %swap3A_1920], %swap3A_1923 {strides = array<i32>} : memref<8x1664xf32, #tpu.memory_space<vmem>>, vector<1x16xf32>,
      }
      %scan3A_156 = arith.constant 13 : i32
      %mul3A_157 = arith.constant 8 : i32
      %mul3A_158 = arith.muli %add3A_118, %mul3A_157 : i32
      %add3A_159 = arith.addi %mul3A_2, %mul3A_158 : i32
      "tpu.region"() ({
        %run_scoped3A = tpu.sem_alloc : memref<!tpu.dma_semaphore, #tpu.memory_space<semaphore_mem>>
        %dma_start3A_167 = arith.constant 0 : i32
        %dma_start3A_168 = tpu.memref_slice %arg4[%add3A_159, %dma_start3A_167] : memref<16384x1664xf32, #tpu.memory_space<hbm>> -> memref<8x1664xf32, #tpu.memory_space<hbm>>
        %dma_start3A_169 = arith.constant 0 : i32
        %dma_start3A_170 = tpu.memref_slice %arg4[%add3A_159, %dma_start3A_169] : memref<16384x1664xf32, #tpu.memory_space<hbm>> -> memref<8x1664xf32, #tpu.memory_space<hbm>>
        tpu.enqueue_dma source(%arg8 : memref<8x1664xf32, #tpu.memory_space<vmem>>) target(%dma_start3A_170 : memref<8x1664xf32, #tpu.memory_space<hbm>>) target_semaphore(%run_scoped3A : memref<!tpu.dma_semaphore, #tpu.memory_space<semaphore_mem>>)
        %dma_wait3A_171 = arith.constant 0 : i32
        %dma_wait3A_172 = tpu.memref_slice %arg4[%add3A_159, %dma_wait3A_171] : memref<16384x1664xf32, #tpu.memory_space<hbm>> -> memref<8x1664xf32, #tpu.memory_space<hbm>>
        %dma_wait3A_173 = arith.constant 0 : i32
        %dma_wait3A_174 = tpu.memref_slice %arg4[%add3A_159, %dma_wait3A_173] : memref<16384x1664xf32, #tpu.memory_space<hbm>> -> memref<8x1664xf32, #tpu.memory_space<hbm>>
        tpu.wait_dma2 semaphore(%run_scoped3A : memref<!tpu.dma_semaphore, #tpu.memory_space<semaphore_mem>>) src(%arg8 : memref<8x1664xf32, #tpu.memory_space<vmem>>) dst(%dma_wait3A_174 : memref<8x1664xf32, #tpu.memory_space<hbm>>)
        tpu.yield
      }) : () -> ()
      %add3A_160 = arith.constant 2 : i32
      %add3A_161 = arith.addi %add3A_118, %add3A_160 : i32
      %lt3A_162 = arith.constant 64 : i32
      %lt3A_163 = arith.cmpi slt, %add3A_161, %lt3A_162 : i32
      %convert_element_type3A_164 = arith.extui %lt3A_163 : i1 to i32
      %cond3A_165 = arith.constant 0 : i32
      %cond3A_166 = arith.cmpi ne, %convert_element_type3A_164, %cond3A_165 : i32
      scf.if %cond3A_166 {
        %add3A_167 = arith.constant 2 : i32
        %add3A_168 = arith.addi %add3A_118, %add3A_167 : i32
        %mul3A_169 = arith.constant 256 : i32
        %mul3A_170 = arith.muli %add3A_168, %mul3A_169 : i32
        %add3A_171 = arith.constant 0 : i32
        %add3A_172 = arith.addi %mul3A_170, %add3A_171 : i32
        %dma_start3A_173 = arith.constant 1 : i32
        %dma_start3A_174 = arith.constant 0 : i32
        %dma_start3A_175 = arith.constant 0 : i32
        %dma_start3A_176 = tpu.memref_slice %arg7[%dma_start3A_173, %dma_start3A_174, %dma_start3A_175] : memref<2x208x128xf32, #tpu.memory_space<vmem>> -> memref<1x208x128xf32, #tpu.memory_space<vmem>>
        %dma_start3A_177 = tpu.memref_squeeze %dma_start3A_176 : memref<1x208x128xf32, #tpu.memory_space<vmem>> -> memref<208x128xf32, #tpu.memory_space<vmem>>
        %dma_start3A_178 = arith.constant 0 : i32
        %dma_start3A_179 = arith.constant 0 : i32
        %dma_start3A_180 = tpu.memref_slice %dma_start3A_177[%dma_start3A_178, %dma_start3A_179] : memref<208x128xf32, #tpu.memory_space<vmem>> -> memref<128x128xf32, #tpu.memory_space<vmem>>
        %dma_start3A_181 = tpu.memref_slice %arg6[%add3A_172] : memref<16384xi32, #tpu.memory_space<vmem>> -> memref<128xi32, #tpu.memory_space<vmem>>
        %dma_start3A_182 = arith.constant 0 : i32
        %dma_start3A_183 = arith.constant 0 : i32
        %dma_start3A_184 = tpu.memref_slice %arg3[%dma_start3A_182, %dma_start3A_183] : memref<500000x128xf32, #tpu.memory_space<hbm>> -> memref<500000x128xf32, #tpu.memory_space<hbm>>
        tpu.enqueue_indirect_dma source(%dma_start3A_184 : memref<500000x128xf32, #tpu.memory_space<hbm>>) target(%dma_start3A_180 : memref<128x128xf32, #tpu.memory_space<vmem>>) offsets(%dma_start3A_181 : memref<128xi32, #tpu.memory_space<vmem>>) semaphore(%arg10 : memref<!tpu.dma_semaphore, #tpu.memory_space<semaphore_mem>>)
        %mul3A_185 = arith.constant 256 : i32
        %mul3A_186 = arith.muli %add3A_168, %mul3A_185 : i32
        %add3A_187 = arith.constant 128 : i32
        %add3A_188 = arith.addi %mul3A_186, %add3A_187 : i32
        %dma_start3A_189 = arith.constant 1 : i32
        %dma_start3A_190 = arith.constant 0 : i32
        %dma_start3A_191 = arith.constant 0 : i32
        %dma_start3A_192 = tpu.memref_slice %arg7[%dma_start3A_189, %dma_start3A_190, %dma_start3A_191] : memref<2x208x128xf32, #tpu.memory_space<vmem>> -> memref<1x208x128xf32, #tpu.memory_space<vmem>>
        %dma_start3A_193 = tpu.memref_squeeze %dma_start3A_192 : memref<1x208x128xf32, #tpu.memory_space<vmem>> -> memref<208x128xf32, #tpu.memory_space<vmem>>
        %dma_start3A_194 = arith.constant 128 : i32
        %dma_start3A_195 = arith.constant 0 : i32
        %dma_start3A_196 = tpu.memref_slice %dma_start3A_193[%dma_start3A_194, %dma_start3A_195] : memref<208x128xf32, #tpu.memory_space<vmem>> -> memref<80x128xf32, #tpu.memory_space<vmem>>
        %dma_start3A_197 = tpu.memref_slice %arg6[%add3A_188] : memref<16384xi32, #tpu.memory_space<vmem>> -> memref<80xi32, #tpu.memory_space<vmem>>
        %dma_start3A_198 = arith.constant 0 : i32
        %dma_start3A_199 = arith.constant 0 : i32
        %dma_start3A_200 = tpu.memref_slice %arg3[%dma_start3A_198, %dma_start3A_199] : memref<500000x128xf32, #tpu.memory_space<hbm>> -> memref<500000x128xf32, #tpu.memory_space<hbm>>
        tpu.enqueue_indirect_dma source(%dma_start3A_200 : memref<500000x128xf32, #tpu.memory_space<hbm>>) target(%dma_start3A_196 : memref<80x128xf32, #tpu.memory_space<vmem>>) offsets(%dma_start3A_197 : memref<80xi32, #tpu.memory_space<vmem>>) semaphore(%arg10 : memref<!tpu.dma_semaphore, #tpu.memory_space<semaphore_mem>>)
      } else {
      }
    }
    %scan3A_67 = arith.constant 32 : i32
    return
  }
}

</mosaic_0001>

<sc_bundles>
// kernel: kernel.3.cloned.1.call-start
scs
__scs_entry_jumppad:
0x0: {  	(pc) =	sbr.rel $0x88, $3  }
0x1: {  	(tag) =	ssettag $0x0;
	lr =	simm.s32 $0x1  }
0x2: {  	[smem:$0x3F9F] =	sst lr;
	_ =	strace $0xD0000000  }
0x3: {  	_ = 	snop  }
0x4: {  	_ = 	snop  }
0x5: {  	_ = 	snop  }
0x6: {  	_ = 	snop  }
0x7: {  	_ = 	snop  }
__scs_overlays_trampoline_lowered:
0x8: {  	[smem:$0x3FAE] =	sst s0  }
0x9: {  	[smem:$0x3FAF] =	sst s1  }
0xa: {  	[smem:$0x3FB0] =	sst s2  }
0xb: {  	[smem:$0x3FB1] =	sst s3  }
0xc: {  	[smem:$0x3FB2] =	sst s4  }
0xd: {  	[smem:$0x3FB3] =	sst s5  }
0xe: {  	[smem:$0x3FB4] =	sst s6  }
0xf: {  	[smem:$0x3FB5] =	sst s7  }
0x10: {  	[smem:$0x3FB6] =	sst s8  }
0x11: {  	[smem:$0x3FB7] =	sst s9;
	s0 =	simm.s32 @!p0 $0x0  }
0x12: {  	s1 =	sld [smem:$0x3F9D];
	s0 =	simm.s32 @p0 $0x1  }
0x13: {  	[smem:$0x3FB8] =	sst s0;
	s0 =	simm.s32 @!p1 $0x0  }
0x14: {  	s2 =	sld [smem:$0x3F9C];
	s0 =	simm.s32 @p1 $0x1  }
0x15: {  	[smem:$0x3FB9] =	sst s0;
	s0 =	simm.s32 @!p2 $0x0  }
0x16: {  	s3 =	sld [smem:$0x3FDB];
	s0 =	simm.s32 @p2 $0x1  }
0x17: {  	s4 =	simm.s32 $0x1BF5;
	[smem:$0x3FBB] =	sst s0  }
0x18: {  	s0 =	sld [smem:$0x3F9E];
	_ =	swait.ge [sflag:s4], $0x0  }
0x19: {  	s7 =	sld [smem:$0x3F9F]  }
0x1a: {  	s8 =	sadd.s32 $0xFFFFE003, lr  }
0x1b: {  	s9 =	sadd.s32 $0xFFFFFEF7, lr;
	s5 =	simm.s32 $0xFFFFFFFF;
	p2 =	slt.u32 s8, $0xFFFFF086  }
0x1c: {  	p1 =	slt.u32 s9, $0xF7A;
	s5 =	simm.s32 @!p2 $0x0  }
0x1d: {  	s5 =	simm.s32 @p1 $0x1;
	p0 =	seq.s32 s7, s2  }
0x1e: {  	s7 =	smul.u32 @!p0 $0xF7A, s2;
	p2 =	seq.s32 @!p0 s5, $0x0  }
0x1f: {  	s9 =	smul.u32 $0xF7A, s1;
	s8 =	simm.s32 @!p0 $0x1BF5;
	p2 =	por !p2, p0  }
0x20: {  	[sflag:s8] =	ssyncset.s32 @!p0 $0xFFFFF086;
	s6 =	sadd.s32 @!p0 s3, s7;
	s7 =	simm.s32 @!p0 $0x108  }
0x21: {  	s3 =	sadd.s32 s3, s9;
	s6 =	sadd.s32 @!p0 $0x88, s6;
	s7 =	simm.s32 @p2 $0x1082  }
0x22: {  	[simem:s7], [sflag:s8] =	dma.local @!p0 [hbm:s6], $0xF7A  }
0x23: {  	s9 =	sor.u32 $0xD0000000, s2;
	s6 =	simm.s32 $0x108;
	_ =	swait.ge @!p0 [sflag:s8], $0x0  }
0x24: {  	s3 =	sadd.s32 $0x88, s3;
	s6 =	simm.s32 @!p1 $0x1082;
	[sflag:s4] =	ssyncset.s32 $0xFFFFF086  }
0x25: {  	[simem:s6], [sflag:s4] =	dma.local [hbm:s3], $0xF7A  }
0x26: {  	[smem:$0x3F9F] =	sst s1;
	(tag) =	ssettag s2;
	_ =	strace s9  }
0x27: {  	s1 =	sld [smem:$0x3FAF]  }
0x28: {  	s2 =	sld [smem:$0x3FB0]  }
0x29: {  	s4 =	sld [smem:$0x3FB2]  }
0x2a: {  	p0 =	seq.s32 s5, $0x0;
	s5 =	sld [smem:$0x3FB3]  }
0x2b: {  	s6 =	sld [smem:$0x3FB4]  }
0x2c: {  	s7 =	sld [smem:$0x3FB5]  }
0x2d: {  	s3 =	simm.s32 $0x108;
	s8 =	sld [smem:$0x3FB6]  }
0x2e: {  	s3 =	simm.s32 @!p0 $0x1082;
	s9 =	sld [smem:$0x3FB7]  }
0x2f: {  	lr =	sadd.s32 s0, s3;
	s0 =	sld [smem:$0x3FAE]  }
0x30: {  	s3 =	sld [smem:$0x3FB1]  }
0x31: {  	[smem:$0x3FBA] =	sst s10  }
0x32: {  	s10 =	sld [smem:$0x3FB8];
	_ =	sdelay $0x3  }
0x33: {  	p0 =	seq.s32 s10, $0x1;
	s10 =	sld [smem:$0x3FBA];
	_ =	sdelay $0x3  }
0x34: {  	[smem:$0x3FBA] =	sst s10  }
0x35: {  	s10 =	sld [smem:$0x3FB9];
	_ =	sdelay $0x3  }
0x36: {  	p1 =	seq.s32 s10, $0x1;
	s10 =	sld [smem:$0x3FBA];
	_ =	sdelay $0x3  }
0x37: {  	[smem:$0x3FBA] =	sst s10  }
0x38: {  	s10 =	sld [smem:$0x3FBB]  }
0x39: {  	_ = 	snop;
	(pc) =	sbr.ind lr, $3  }
0x3a: {  	_ = 	snop  }
0x3b: {  	_ = 	snop  }
0x3c: {  	p2 =	seq.s32 s10, $0x1;
	s10 =	sld [smem:$0x3FBA]  }
0x3d: {  	_ =	shalt  }
0x3e: {  	_ =	shalt  }
0x3f: {  	_ =	shalt  }
0x40: {  	_ =	shalt  }
0x41: {  	_ =	shalt  }
0x42: {  	_ =	shalt  }
0x43: {  	_ =	shalt  }
0x44: {  	_ =	shalt  }
0x45: {  	_ =	shalt  }
0x46: {  	_ =	shalt  }
0x47: {  	_ =	shalt  }
0x48: {  	_ =	shalt  }
0x49: {  	_ =	shalt  }
0x4a: {  	_ =	shalt  }
0x4b: {  	_ =	shalt  }
0x4c: {  	_ =	shalt  }
0x4d: {  	_ =	shalt  }
0x4e: {  	_ =	shalt  }
0x4f: {  	_ =	shalt  }
0x50: {  	_ =	shalt  }
0x51: {  	_ =	shalt  }
0x52: {  	_ =	shalt  }
0x53: {  	_ =	shalt  }
0x54: {  	_ =	shalt  }
0x55: {  	_ =	shalt  }
0x56: {  	_ =	shalt  }
0x57: {  	_ =	shalt  }
0x58: {  	_ =	shalt  }
0x59: {  	_ =	shalt  }
0x5a: {  	_ =	shalt  }
0x5b: {  	_ =	shalt  }
0x5c: {  	_ =	shalt  }
0x5d: {  	_ =	shalt  }
0x5e: {  	_ =	shalt  }
0x5f: {  	_ =	shalt  }
0x60: {  	_ =	shalt  }
0x61: {  	_ =	shalt  }
0x62: {  	_ =	shalt  }
0x63: {  	_ =	shalt  }
0x64: {  	_ =	shalt  }
0x65: {  	_ =	shalt  }
0x66: {  	_ =	shalt  }
0x67: {  	_ =	shalt  }
0x68: {  	_ =	shalt  }
0x69: {  	_ =	shalt  }
0x6a: {  	_ =	shalt  }
0x6b: {  	_ =	shalt  }
0x6c: {  	_ =	shalt  }
0x6d: {  	_ =	shalt  }
0x6e: {  	_ =	shalt  }
0x6f: {  	_ =	shalt  }
0x70: {  	_ =	shalt  }
0x71: {  	_ =	shalt  }
0x72: {  	_ =	shalt  }
0x73: {  	_ =	shalt  }
0x74: {  	_ =	shalt  }
0x75: {  	_ =	shalt  }
0x76: {  	_ =	shalt  }
0x77: {  	_ =	shalt  }
0x78: {  	_ =	shalt  }
0x79: {  	_ =	shalt  }
0x7a: {  	_ =	shalt  }
0x7b: {  	_ =	shalt  }
0x7c: {  	_ =	shalt  }
0x7d: {  	_ =	shalt  }
0x7e: {  	_ =	shalt  }
0x7f: {  	_ =	shalt  }
0x80: {  	_ =	shalt  }
0x81: {  	_ =	shalt  }
0x82: {  	_ =	shalt  }
0x83: {  	_ =	shalt  }
0x84: {  	_ =	shalt  }
0x85: {  	_ =	shalt  }
0x86: {  	_ =	shalt  }
0x87: {  	_ =	shalt  }
.Lfunc_end0:
.L_simem_size_0:
called_computation_lowered:
.L_overlay_start_0:
0x88: {  	s2 =	sld [smem:$0x3FD9]  }
0x89: {  	s3 =	sld [smem:$0x3FFE];
	_ =	sdelay $0x1  }
0x8a: {  	s1 =	srdreg.scid  }
0x8b: {  	s0 =	sand.u32 $0x1, s1  }
0x8c: {  	s17 =	sshll.u32 s0, $0xA;
	s2 =	sadd.s32 s3, s2  }
0x8d: {  	s2 =	sadd.s32 s2, s17  }
0x8e: {  	[smem:$0x3FC6] =	sst s2  }
0x8f: {  	_ = 	snop  }
0x90: {  	s2 =	sld [smem:$0x3FD0];
	(tm) =	ssettm $0x1  }
0x91: {  	s18 =	sld [smem:$0x3FFB];
	_ =	sdelay $0x3  }
0x92: {  	_ =	strace s18  }
0x93: {  	s3 =	sld [smem:$0x3FFC];
	_ =	sdelay $0x3  }
0x94: {  	_ =	strace s3  }
0x95: {  	s3 =	sld [smem:$0x3FFD];
	_ =	sdelay $0x3  }
0x96: {  	_ =	strace s3  }
0x97: {  	_ =	strace $0x8FFFFFFF  }
0x98: {  	s19 =	sld [smem:$0x3FDB];
	_ =	sdelay $0x1  }
0x99: {  	s4 =	simm.s32 $_scs_section_size  }
0x9a: {  	s5 =	simm.s32 $_size__tile_overlayer_lowered;
	s6 =	simm.s32 $_tile_overlayer_lowered  }
0x9b: {  	s22 =	simm.s32 $0x1BFF;
	s21 =	sshll.u32 s6, $0x1;
	s3 =	sadd.s32 s4, s19  }
0x9c: {  	s7 =	simm.s32 $0x0;
	s20 =	sshll.u32 s5, $0x1;
	s5 =	sadd.s32 s21, s3  }
0x9d: {  	[timem:s7], [sflag:s22] =	dma.local [hbm:s5], s20  }
0x9e: {  	_ =	swait.ge [sflag:s22], s20  }
0x9f: {  	s4 =	ssub.s32 $0x0, s20;
	[sflag:s22] =	ssyncset.done $0x0  }
0xa0: {  	[sflag:s22] =	ssyncadd.s32 s4;
	_ =	sdelay $0x1  }
0xa1: {  	s23 =	simm.s32 $0x1B8B  }
0xa2: {  	_ =	swait.ge [sflag:s23], $0x1  }
0xa3: {  	[sflag:s23] =	ssyncset.done $0x0  }
0xa4: {  	s25 =	simm.s32 $0x1B8E;
	s24 =	sld [smem:$0x3FFE];
	[sflag:s23] =	ssyncadd.s32 $0xFFFFFFFF  }
0xa5: {  	s26 =	simm.s32 $execute0_lowered;
	[smem:$0x3FD2] =	sst s25  }
0xa6: {  	s5 =	sshll.u32 s26, $0x1;
	_ =	strace $0x80000046;
	[dreg:$0x1] =	wrdreg $0xFFFFFFFF  }
0xa7: {  	s28 =	simm.s32 $_size_execute0_lowered;
	s3 =	sadd.s32 s3, s5;
	[dreg:$0x0] =	wrdreg $0x0  }
0xa8: {  	s5 =	sshll.u32 s28, $0x1;
	[dreg:$0x2] =	wrdreg s3  }
0xa9: {  	[dreg:$0x3] =	wrdreg s5  }
0xaa: {  	[dreg:$0x4] =	wrdreg $0xC0  }
0xab: {  	_ =	task [dreg:s7], $0x5FFFF  }
0xac: {  	[dreg:$0x1] =	wrdreg $0xFFFFFFFF  }
0xad: {  	[dreg:$0x0] =	wrdreg $0x60  }
0xae: {  	[dreg:$0x2] =	wrdreg s24  }
0xaf: {  	[dreg:$0x3] =	wrdreg s2  }
0xb0: {  	[dreg:$0x4] =	wrdreg $0x9  }
0xb1: {  	_ =	task.clear_ibuf [dreg:s7], $0x5FFFF;
	_ =	strace $0x90000046  }
0xb2: {  	s29 =	simm.s32 $0x9;
	_ =	strace $0x80000048  }
0xb3: {  	_ =	swait.ge [sflag:s29], $0x1  }
0xb4: {  	[sflag:s29] =	ssyncadd.s32 $0xFFFFFFFF  }
0xb5: {  	_ =	strace $0x90000048  }
0xb6: {  	_ =	sfence  }
0xb7: {  	s30 =	sld [smem:$0x0];
	_ =	sdelay $0x2  }
0xb8: {  	s31 =	sshll.u32 s1, $0xD;
	s1 =	sshrl.u32 s1, $0x2  }
0xb9: {  	s3 =	sand.u32 $0x4000, s31;
	s1 =	sadd.s32 s1, s30  }
0xba: {  	s0 =	sor.u32 s3, s0;
	s1 =	sshll.u32 s1, $0x11  }
0xbb: {  	s0 =	sor.u32 s1, s0  }
0xbc: {  	s0 =	sadd.s32 $0x8F2B, s0  }
0xbd: {  	[sflag:s0] =	ssyncadd.remote.s32 $0x1  }
0xbe: {  	_ =	sfence.sel $0xFFFF  }
0xbf: {  	[dreg:$0x0] =	wrdreg $0xFFFFFFFF;
	(pc) =	sbr.abs _section_cstart, $3  }
0xc0: {  	[dreg:$0x1] =	wrdreg $0xFFFFFFFF  }
0xc1: {  	_ =	task.clear_ibuf [dreg:s7], $0x2FFFF;
	_ =	strace $0x9FFFFFFF  }
0xc2: {  	(tm) =	ssettm $0x7FFFFFFF  }
0xc3: {  	_ =	shalt  }
tec
execute0_lowered:
.L_overlay_start_1:
0x0: {  	(tag) =	ssettag $0x1  }
0x1: {  	s4 =	rddreg [dreg:$0x0]  }
0x2: {  	s1 =	srdreg.scid;
	s0 =	stileid.u32  }
0x3: {  	s2 =	rddreg [dreg:$0x1];
	s3 =	simm.s32 $0x0;
	s9 =	simm.s32 $0x80  }
0x4: {  	s12 =	simm.s32 $0x50;
	s13 =	simm.s32 $0x3480;
	s14 =	simm.s32 $0xB400  }
0x5: {  	s15 =	simm.s32 $0x3500;
	s16 =	simm.s32 $0xDC00;
	s17 =	simm.s32 $0x3580  }
0x6: {  	s18 =	simm.s32 $0x11C00;
	s19 =	simm.s32 $0x1;
	s20 =	simm.s32 $0x14400  }
0x7: {  	s21 =	simm.s32 $0x2;
	s5 =	sand.u32 $0x1, s1;
	s6 =	sshll.u32 s0, $0x1  }
.Ltmp0:
0x8: {  	s6 =	sor.u32 s5, s6;
	s5 =	ssub.s32 $0x2, s5;
	(pc) =	sbr.rel .LBB2_1-.Ltmp0, $4  }
0x9: {  	[smem:$0x7FF] =	sst s3;
	s7 =	smul.u32 $0x680, s6;
	s8 =	sshrl.u32 s5, $0x1  }
0xa: {  	s22 =	simm.s32 $0x0;
	_ =	strace $0x80000047;
	s8 =	ssub.s32 s5, s8  }
0xb: {  	s5 =	sshll.u32 s6, $0x6;
	s7 =	sadd.s32 s7, s4;
	s4 =	sadd.s32 $0xF42A00, s4  }
0xc: {  	s6 =	sadd.s32 $0x600, s7;
	s7 =	smax.u32 s8, $0x1;
	s8 =	simm.s32 $0x3  }
.LBB2_10:
0xd: {  	s22 =	sadd.s32 $0x1, s22  }
0xe: {  	p0 =	sne.s32 s22, s7  }
.Ltmp1:
0xf: {  	_ = 	snop;
	(pc) =	sbr.rel @!p0 .LBB2_11-.Ltmp1, $1  }
0x10: {  	_ =	sdelay $0x3  }
.LBB2_1:
0x11: {  	[tilespmem:s3], [sflag:$0x3] =	stream.linear.gather [hbm4b:s6+s3], $0x3400, $0x38;
	[tilespmem:$0x17800] =	vst v63  }
0x12: {  	_ =	swait.ge [sflag:s8], $0x3400  }
0x13: {  	[sflag:s8] =	ssyncset.done $0x0  }
0x14: {  	s24 =	simm.s32 $0x0;
	[sflag:s8] =	ssyncadd.s32 $0xFFFFCC00  }
0x15: {  	v0 =	vld [tilespmem:s24+$0x0];
	_ =	sdelay $0x4  }
0x16: {  	s23 =	simm.s32 $0x3460;
	v0 =	vshrl.u32 v0, $0x1  }
0x17: {  	[tilespmem:s23+$0xFFFFFFA0] =	vst v0  }
0x18: {  	v0 =	vld [tilespmem:s24+$0x10];
	_ =	sdelay $0x4  }
0x19: {  	v0 =	vshrl.u32 v0, $0x1  }
0x1a: {  	[tilespmem:s23+$0xFFFFFFB0] =	vst v0  }
0x1b: {  	v0 =	vld [tilespmem:s24+$0x20];
	_ =	sdelay $0x4  }
0x1c: {  	v0 =	vshrl.u32 v0, $0x1  }
0x1d: {  	[tilespmem:s23+$0xFFFFFFC0] =	vst v0  }
0x1e: {  	v0 =	vld [tilespmem:s24+$0x30];
	_ =	sdelay $0x4  }
0x1f: {  	v0 =	vshrl.u32 v0, $0x1  }
0x20: {  	[tilespmem:s23+$0xFFFFFFD0] =	vst v0  }
0x21: {  	v0 =	vld [tilespmem:s24+$0x40];
	_ =	sdelay $0x4  }
0x22: {  	v0 =	vshrl.u32 v0, $0x1  }
0x23: {  	[tilespmem:s23+$0xFFFFFFE0] =	vst v0  }
0x24: {  	v0 =	vld [tilespmem:s24+$0x50];
	_ =	sdelay $0x4  }
0x25: {  	v0 =	vshrl.u32 v0, $0x1  }
0x26: {  	[tilespmem:s23+$0xFFFFFFF0] =	vst v0  }
0x27: {  	v0 =	vld [tilespmem:s24+$0x60];
	_ =	sdelay $0x4  }
0x28: {  	v0 =	vshrl.u32 v0, $0x1  }
0x29: {  	[tilespmem:s23+$0x0] =	vst v0  }
0x2a: {  	v0 =	vld [tilespmem:s24+$0x70];
	_ =	sdelay $0x4  }
0x2b: {  	v0 =	vshrl.u32 v0, $0x1  }
0x2c: {  	[tilespmem:s23+$0x10] =	vst v0  }
0x2d: {  	v0 =	vld [tilespmem:s24+$0x80];
	_ =	sdelay $0x4  }
0x2e: {  	v0 =	vshrl.u32 v0, $0x1  }
0x2f: {  	[tilespmem:s23+$0x20] =	vst v0  }
0x30: {  	v0 =	vld [tilespmem:s24+$0x90];
	_ =	sdelay $0x4  }
0x31: {  	v0 =	vshrl.u32 v0, $0x1  }
0x32: {  	[tilespmem:s23+$0x30] =	vst v0  }
0x33: {  	v0 =	vld [tilespmem:s24+$0xA0];
	_ =	sdelay $0x4  }
0x34: {  	v0 =	vshrl.u32 v0, $0x1  }
0x35: {  	[tilespmem:s23+$0x40] =	vst v0  }
0x36: {  	v0 =	vld [tilespmem:s24+$0xB0];
	_ =	sdelay $0x4  }
0x37: {  	v0 =	vshrl.u32 v0, $0x1  }
0x38: {  	[tilespmem:s23+$0x50] =	vst v0  }
0x39: {  	v0 =	vld [tilespmem:s24+$0xC0];
	_ =	sdelay $0x4  }
0x3a: {  	v0 =	vshrl.u32 v0, $0x1  }
0x3b: {  	s25 =	simm.s32 $0x680;
	s24 =	simm.s32 $0xD0;
	[tilespmem:s23+$0x60] =	vst v0  }
.LBB2_2:
0x3c: {  	p0 =	sne.s32 s25, $0xCCC0;
	v0 =	vld [tilespmem:s24+$0x0];
	_ =	sdelay $0x4  }
0x3d: {  	s23 =	sadd.s32 $0x100, s23;
	v0 =	vshrl.u32 v0, $0x1  }
0x3e: {  	[tilespmem:s23+$0xFFFFFFA0] =	vst v0  }
0x3f: {  	v0 =	vld [tilespmem:s24+$0x10];
	_ =	sdelay $0x4  }
0x40: {  	v0 =	vshrl.u32 v0, $0x1  }
0x41: {  	[tilespmem:s23+$0xFFFFFFB0] =	vst v0  }
0x42: {  	v0 =	vld [tilespmem:s24+$0x20];
	_ =	sdelay $0x4  }
0x43: {  	v0 =	vshrl.u32 v0, $0x1  }
0x44: {  	[tilespmem:s23+$0xFFFFFFC0] =	vst v0  }
0x45: {  	v0 =	vld [tilespmem:s24+$0x30];
	_ =	sdelay $0x4  }
0x46: {  	v0 =	vshrl.u32 v0, $0x1  }
0x47: {  	[tilespmem:s23+$0xFFFFFFD0] =	vst v0  }
0x48: {  	v0 =	vld [tilespmem:s24+$0x40];
	_ =	sdelay $0x4  }
0x49: {  	v0 =	vshrl.u32 v0, $0x1  }
0x4a: {  	[tilespmem:s23+$0xFFFFFFE0] =	vst v0  }
0x4b: {  	v0 =	vld [tilespmem:s24+$0x50];
	_ =	sdelay $0x4  }
0x4c: {  	v0 =	vshrl.u32 v0, $0x1  }
0x4d: {  	[tilespmem:s23+$0xFFFFFFF0] =	vst v0  }
0x4e: {  	v0 =	vld [tilespmem:s24+$0x60];
	_ =	sdelay $0x4  }
0x4f: {  	v0 =	vshrl.u32 v0, $0x1  }
0x50: {  	[tilespmem:s23+$0x0] =	vst v0  }
0x51: {  	v0 =	vld [tilespmem:s24+$0x70];
	_ =	sdelay $0x4  }
0x52: {  	v0 =	vshrl.u32 v0, $0x1  }
0x53: {  	[tilespmem:s23+$0x10] =	vst v0  }
0x54: {  	v0 =	vld [tilespmem:s24+$0x80];
	_ =	sdelay $0x4  }
0x55: {  	v0 =	vshrl.u32 v0, $0x1  }
0x56: {  	[tilespmem:s23+$0x20] =	vst v0  }
0x57: {  	v0 =	vld [tilespmem:s24+$0x90];
	_ =	sdelay $0x4  }
0x58: {  	v0 =	vshrl.u32 v0, $0x1  }
0x59: {  	[tilespmem:s23+$0x30] =	vst v0  }
0x5a: {  	v0 =	vld [tilespmem:s24+$0xA0];
	_ =	sdelay $0x4  }
0x5b: {  	v0 =	vshrl.u32 v0, $0x1  }
0x5c: {  	[tilespmem:s23+$0x40] =	vst v0  }
0x5d: {  	v0 =	vld [tilespmem:s24+$0xB0];
	_ =	sdelay $0x4  }
0x5e: {  	v0 =	vshrl.u32 v0, $0x1  }
0x5f: {  	[tilespmem:s23+$0x50] =	vst v0  }
0x60: {  	v0 =	vld [tilespmem:s24+$0xC0];
	_ =	sdelay $0x1  }
.Ltmp2:
0x61: {  	(pc) =	sbr.rel @p0 .LBB2_2-.Ltmp2, $3  }
0x62: {  	_ =	sdelay $0x1  }
0x63: {  	v0 =	vshrl.u32 v0, $0x1  }
0x64: {  	s24 =	sshra.s32 s25, $0x2;
	s25 =	sadd.s32 $0x340, s25;
	[tilespmem:s23+$0x60] =	vst v0  }
0x65: {  	v0 =	vld [tilespmem:s24+$0x0];
	_ =	sdelay $0x4  }
0x66: {  	s23 =	sadd.s32 $0x100, s23;
	v0 =	vshrl.u32 v0, $0x1  }
0x67: {  	[tilespmem:s23+$0xFFFFFFA0] =	vst v0  }
0x68: {  	v0 =	vld [tilespmem:s24+$0x10];
	_ =	sdelay $0x4  }
0x69: {  	v0 =	vshrl.u32 v0, $0x1  }
0x6a: {  	[tilespmem:s23+$0xFFFFFFB0] =	vst v0  }
0x6b: {  	v0 =	vld [tilespmem:s24+$0x20];
	_ =	sdelay $0x4  }
0x6c: {  	v0 =	vshrl.u32 v0, $0x1  }
0x6d: {  	[tilespmem:s23+$0xFFFFFFC0] =	vst v0  }
0x6e: {  	v0 =	vld [tilespmem:s24+$0x30];
	_ =	sdelay $0x4  }
0x6f: {  	v0 =	vshrl.u32 v0, $0x1  }
0x70: {  	[tilespmem:s23+$0xFFFFFFD0] =	vst v0  }
0x71: {  	v0 =	vld [tilespmem:s24+$0x40];
	_ =	sdelay $0x4  }
0x72: {  	v0 =	vshrl.u32 v0, $0x1  }
0x73: {  	[tilespmem:s23+$0xFFFFFFE0] =	vst v0  }
0x74: {  	v0 =	vld [tilespmem:s24+$0x50];
	_ =	sdelay $0x4  }
0x75: {  	v0 =	vshrl.u32 v0, $0x1  }
0x76: {  	[tilespmem:s23+$0xFFFFFFF0] =	vst v0  }
0x77: {  	v0 =	vld [tilespmem:s24+$0x60];
	_ =	sdelay $0x4  }
0x78: {  	v0 =	vshrl.u32 v0, $0x1  }
0x79: {  	[tilespmem:s23+$0x0] =	vst v0  }
0x7a: {  	v0 =	vld [tilespmem:s24+$0x70];
	_ =	sdelay $0x4  }
0x7b: {  	v0 =	vshrl.u32 v0, $0x1  }
0x7c: {  	[tilespmem:s23+$0x10] =	vst v0  }
0x7d: {  	v0 =	vld [tilespmem:s24+$0x80];
	_ =	sdelay $0x4  }
0x7e: {  	v0 =	vshrl.u32 v0, $0x1  }
0x7f: {  	[tilespmem:s23+$0x20] =	vst v0  }
0x80: {  	v0 =	vld [tilespmem:s24+$0x90];
	_ =	sdelay $0x4  }
0x81: {  	v0 =	vshrl.u32 v0, $0x1  }
0x82: {  	[tilespmem:s23+$0x30] =	vst v0  }
0x83: {  	v0 =	vld [tilespmem:s24+$0xA0];
	_ =	sdelay $0x4  }
0x84: {  	v0 =	vshrl.u32 v0, $0x1  }
0x85: {  	[tilespmem:s23+$0x40] =	vst v0  }
0x86: {  	v0 =	vld [tilespmem:s24+$0xB0];
	_ =	sdelay $0x4  }
0x87: {  	v0 =	vshrl.u32 v0, $0x1  }
0x88: {  	[tilespmem:s23+$0x50] =	vst v0  }
0x89: {  	v0 =	vld [tilespmem:s24+$0xC0];
	_ =	sdelay $0x4  }
0x8a: {  	v0 =	vshrl.u32 v0, $0x1  }
0x8b: {  	s0 =	simm.s32 $0x3400;
	s1 =	simm.s32 $0x7400;
	[tilespmem:s23+$0x60] =	vst v0  }
0x8c: {  	[tilespmem:s1], [sflag:$0x1] =	stream.indirect.gather [hbm4b:s4+s9], $0x80, s0, s9, $0xb8;
	[tilespmem:$0x17800] =	vst v63  }
0x8d: {  	_ = 	snop  }
0x8e: {  	[tilespmem:s14], [sflag:$0x1] =	stream.indirect.gather [hbm4b:s4+s12], $0x80, s13, s12, $0xb8;
	[tilespmem:$0x17800] =	vst v63  }
0x8f: {  	_ = 	snop  }
0x90: {  	[tilespmem:s16], [sflag:$0x2] =	stream.indirect.gather [hbm4b:s4+s9], $0x80, s15, s9, $0xb8;
	[tilespmem:$0x17800] =	vst v63  }
0x91: {  	s25 =	simm.s32 $0x0;
	s24 =	simm.s32 $0xD0;
	s23 =	simm.s32 $0x0  }
0x92: {  	[tilespmem:s18], [sflag:$0x2] =	stream.indirect.gather [hbm4b:s4+s12], $0x80, s17, s12, $0xb8;
	[tilespmem:$0x17800] =	vst v63  }
.LBB2_4:
0x93: {  	_ =	swait.ge [sflag:s19], $0x4000  }
0x94: {  	[sflag:s19] =	ssyncset.done $0x0  }
0x95: {  	[sflag:s19] =	ssyncadd.s32 $0xFFFFC000  }
0x96: {  	_ =	swait.ge [sflag:s19], $0x2800  }
0x97: {  	s26 =	smov.u32 s23;
	[sflag:s19] =	ssyncset.done $0x0  }
0x98: {  	s28 =	simm.s32 $0x0;
	s29 =	simm.s32 $0x0;
	[sflag:s19] =	ssyncadd.s32 $0xFFFFD800  }
.LBB2_5:
0x99: {  	v0 =	vld [tilespmem:s26+$0x0];
	_ =	sdelay $0x4  }
0x9a: {  	v0 =	vand.u32 $0x1, v0  }
0x9b: {  	s30 =	sshra.s32 s29, $0x2;
	v0 =	vshll.u32 v0, $0x6  }
0x9c: {  	v0 =	vadd.s32 s30, v0  }
0x9d: {  	(v2sf) =	vpush v0, $0x0;
	_ =	sdelay $0x9  }
0x9e: {  	s11 =	sand.u32 $0xFF, s28  }
0x9f: {  	s30 =	smul.u32 $0x4F, s11;
	_ =	sdelay $0x1  }
0xa0: {  	s31 =	sshrl.u32 s30, $0xB  }
0xa1: {  	s1 =	sshrl.u32 s30, $0xE;
	s31 =	smul.u32 $0x1A, s31  }
0xa2: {  	s1 =	smul.u32 $0xD000, s1;
	s0 =	spop (v2sf)  }
0xa3: {  	s31 =	ssub.s32 s28, s31;
	v1 =	vld [tilespmem:s0+$0x7400]  }
0xa4: {  	s1 =	sshrl.u32 s1, $0x2;
	s31 =	sand.u32 $0xFF, s31  }
0xa5: {  	s30 =	sshrl.u32 s30, $0x4;
	s1 =	sadd.s32 $0x14400, s1;
	s31 =	sshll.u32 s31, $0x9  }
0xa6: {  	s10 =	sand.u32 $0x380, s30;
	s31 =	sadd.s32 s31, s1  }
0xa7: {  	s31 =	sadd.s32 s10, s31  }
0xa8: {  	[tilespmem:s31+$0x0] =	vst v1  }
0xa9: {  	v1 =	vld [tilespmem:s0+$0x7410];
	_ =	sdelay $0x1  }
0xaa: {  	(v2sf) =	vpush v0, $0x1;
	_ =	sdelay $0x2  }
0xab: {  	[tilespmem:s31+$0x10] =	vst v1  }
0xac: {  	v1 =	vld [tilespmem:s0+$0x7420];
	_ =	sdelay $0x4  }
0xad: {  	s30 =	smul.u32 $0x4F, s28;
	[tilespmem:s31+$0x20] =	vst v1  }
0xae: {  	v1 =	vld [tilespmem:s0+$0x7430]  }
0xaf: {  	s11 =	sadd.s32 $0x4F, s30  }
0xb0: {  	s0 =	sshrl.u32 s11, $0xB  }
0xb1: {  	s0 =	smul.u32 $0x1A, s0;
	_ =	sdelay $0x1  }
0xb2: {  	s11 =	spop (v2sf);
	s0 =	ssub.s32 s28, s0;
	[tilespmem:s31+$0x30] =	vst v1  }
0xb3: {  	s0 =	sshll.u32 s0, $0x9;
	v1 =	vld [tilespmem:s11+$0x7480]  }
0xb4: {  	s0 =	sadd.s32 $0x200, s0  }
0xb5: {  	s0 =	sand.u32 $0x3C00, s0  }
0xb6: {  	s0 =	sadd.s32 s0, s1  }
0xb7: {  	s0 =	sor.u32 s10, s0  }
0xb8: {  	[tilespmem:s0+$0x40] =	vst v1  }
0xb9: {  	v1 =	vld [tilespmem:s11+$0x7490];
	_ =	sdelay $0x1  }
0xba: {  	(v2sf) =	vpush v0, $0x2;
	_ =	sdelay $0x2  }
0xbb: {  	[tilespmem:s0+$0x50] =	vst v1  }
0xbc: {  	v1 =	vld [tilespmem:s11+$0x74A0];
	_ =	sdelay $0x4  }
0xbd: {  	[tilespmem:s0+$0x60] =	vst v1  }
0xbe: {  	s1 =	sadd.s32 $0x9E, s30;
	v1 =	vld [tilespmem:s11+$0x74B0]  }
0xbf: {  	s31 =	sshrl.u32 s1, $0xB  }
0xc0: {  	s10 =	sand.u32 $0x1F, s31  }
0xc1: {  	s11 =	smul.u32 $0x1A, s10;
	_ =	sdelay $0x1  }
0xc2: {  	s10 =	sshrl.u32 s10, $0x3;
	[tilespmem:s0+$0x70] =	vst v1;
	s0 =	ssub.s32 s28, s11;
	s11 =	spop (v2sf)  }
0xc3: {  	s10 =	smul.u32 $0xD000, s10;
	s0 =	sadd.s32 $0x2, s0;
	v1 =	vld [tilespmem:s11+$0x7500]  }
0xc4: {  	s0 =	sand.u32 $0xFF, s0  }
0xc5: {  	s1 =	sshrl.u32 s1, $0x4;
	s10 =	sshrl.u32 s10, $0x2;
	s0 =	sshll.u32 s0, $0x9  }
0xc6: {  	s1 =	sand.u32 $0x380, s1;
	s0 =	sadd.s32 s0, s10  }
0xc7: {  	s0 =	sadd.s32 s1, s0  }
0xc8: {  	[tilespmem:s0+$0x14400] =	vst v1  }
0xc9: {  	v1 =	vld [tilespmem:s11+$0x7510];
	_ =	sdelay $0x1  }
0xca: {  	(v2sf) =	vpush v0, $0x3;
	_ =	sdelay $0x1  }
0xcb: {  	s0 =	sadd.s32 $0x14400, s0  }
0xcc: {  	[tilespmem:s0+$0x10] =	vst v1  }
0xcd: {  	v1 =	vld [tilespmem:s11+$0x7520];
	_ =	sdelay $0x4  }
0xce: {  	[tilespmem:s0+$0x20] =	vst v1  }
0xcf: {  	s1 =	sadd.s32 $0xED, s30;
	v1 =	vld [tilespmem:s11+$0x7530]  }
0xd0: {  	s31 =	sshrl.u32 s1, $0xB  }
0xd1: {  	s10 =	smul.u32 $0x1A, s31  }
0xd2: {  	s11 =	sshrl.u32 s1, $0xE  }
0xd3: {  	s10 =	ssub.s32 s28, s10;
	s31 =	sand.u32 $0x3, s11  }
0xd4: {  	s10 =	sshll.u32 s10, $0x9;
	s11 =	spop (v2sf);
	s31 =	smul.u32 $0xD000, s31;
	[tilespmem:s0+$0x30] =	vst v1  }
0xd5: {  	s0 =	sadd.s32 $0x600, s10;
	v1 =	vld [tilespmem:s11+$0x7580]  }
0xd6: {  	s1 =	sshrl.u32 s1, $0x4;
	s31 =	sshrl.u32 s31, $0x2;
	s0 =	sand.u32 $0x3C00, s0  }
0xd7: {  	s1 =	sand.u32 $0x380, s1;
	s0 =	sadd.s32 s0, s31  }
0xd8: {  	s0 =	sor.u32 s1, s0  }
0xd9: {  	s0 =	sadd.s32 $0x14400, s0  }
0xda: {  	[tilespmem:s0+$0x40] =	vst v1  }
0xdb: {  	v1 =	vld [tilespmem:s11+$0x7590];
	_ =	sdelay $0x1  }
0xdc: {  	(v2sf) =	vpush v0, $0x4;
	_ =	sdelay $0x2  }
0xdd: {  	[tilespmem:s0+$0x50] =	vst v1  }
0xde: {  	v1 =	vld [tilespmem:s11+$0x75A0];
	_ =	sdelay $0x4  }
0xdf: {  	[tilespmem:s0+$0x60] =	vst v1  }
0xe0: {  	s1 =	sadd.s32 $0x13C, s30;
	v1 =	vld [tilespmem:s11+$0x75B0]  }
0xe1: {  	s31 =	sshrl.u32 s1, $0xB  }
0xe2: {  	s10 =	sand.u32 $0x1F, s31  }
0xe3: {  	s11 =	smul.u32 $0x1A, s10;
	_ =	sdelay $0x1  }
0xe4: {  	s10 =	sshrl.u32 s10, $0x3;
	[tilespmem:s0+$0x70] =	vst v1;
	s0 =	ssub.s32 s28, s11;
	s11 =	spop (v2sf)  }
0xe5: {  	s10 =	smul.u32 $0xD000, s10;
	s0 =	sadd.s32 $0x4, s0;
	v1 =	vld [tilespmem:s11+$0x7600]  }
0xe6: {  	s0 =	sand.u32 $0xFF, s0  }
0xe7: {  	s1 =	sshrl.u32 s1, $0x4;
	s10 =	sshrl.u32 s10, $0x2;
	s0 =	sshll.u32 s0, $0x9  }
0xe8: {  	s1 =	sand.u32 $0x380, s1;
	s0 =	sadd.s32 s0, s10  }
0xe9: {  	s0 =	sadd.s32 s1, s0  }
0xea: {  	[tilespmem:s0+$0x14400] =	vst v1  }
0xeb: {  	v1 =	vld [tilespmem:s11+$0x7610];
	_ =	sdelay $0x1  }
0xec: {  	(v2sf) =	vpush v0, $0x5;
	_ =	sdelay $0x1  }
0xed: {  	s0 =	sadd.s32 $0x14400, s0  }
0xee: {  	[tilespmem:s0+$0x10] =	vst v1  }
0xef: {  	v1 =	vld [tilespmem:s11+$0x7620];
	_ =	sdelay $0x4  }
0xf0: {  	[tilespmem:s0+$0x20] =	vst v1  }
0xf1: {  	s1 =	sadd.s32 $0x18B, s30;
	v1 =	vld [tilespmem:s11+$0x7630]  }
0xf2: {  	s31 =	sshrl.u32 s1, $0xB  }
0xf3: {  	s10 =	smul.u32 $0x1A, s31  }
0xf4: {  	s11 =	sshrl.u32 s1, $0xE  }
0xf5: {  	s10 =	ssub.s32 s28, s10;
	s31 =	sand.u32 $0x3, s11  }
0xf6: {  	s10 =	sshll.u32 s10, $0x9;
	s11 =	spop (v2sf);
	s31 =	smul.u32 $0xD000, s31;
	[tilespmem:s0+$0x30] =	vst v1  }
0xf7: {  	s0 =	sadd.s32 $0xA00, s10;
	v1 =	vld [tilespmem:s11+$0x7680]  }
0xf8: {  	s1 =	sshrl.u32 s1, $0x4;
	s31 =	sshrl.u32 s31, $0x2;
	s0 =	sand.u32 $0x3C00, s0  }
0xf9: {  	s1 =	sand.u32 $0x380, s1;
	s0 =	sadd.s32 s0, s31  }
0xfa: {  	s0 =	sor.u32 s1, s0  }
0xfb: {  	s0 =	sadd.s32 $0x14400, s0  }
0xfc: {  	[tilespmem:s0+$0x40] =	vst v1  }
0xfd: {  	v1 =	vld [tilespmem:s11+$0x7690];
	_ =	sdelay $0x1  }
0xfe: {  	(v2sf) =	vpush v0, $0x6;
	_ =	sdelay $0x2  }
0xff: {  	[tilespmem:s0+$0x50] =	vst v1  }
0x100: {  	v1 =	vld [tilespmem:s11+$0x76A0];
	_ =	sdelay $0x4  }
0x101: {  	[tilespmem:s0+$0x60] =	vst v1  }
0x102: {  	s1 =	sadd.s32 $0x1DA, s30;
	v1 =	vld [tilespmem:s11+$0x76B0]  }
0x103: {  	s31 =	sshrl.u32 s1, $0xB  }
0x104: {  	s10 =	sand.u32 $0x1F, s31  }
0x105: {  	s11 =	smul.u32 $0x1A, s10;
	_ =	sdelay $0x1  }
0x106: {  	s10 =	sshrl.u32 s10, $0x3;
	[tilespmem:s0+$0x70] =	vst v1;
	s0 =	ssub.s32 s28, s11;
	s11 =	spop (v2sf)  }
0x107: {  	s10 =	smul.u32 $0xD000, s10;
	s0 =	sadd.s32 $0x6, s0;
	v1 =	vld [tilespmem:s11+$0x7700]  }
0x108: {  	s0 =	sand.u32 $0xFF, s0  }
0x109: {  	s1 =	sshrl.u32 s1, $0x4;
	s10 =	sshrl.u32 s10, $0x2;
	s0 =	sshll.u32 s0, $0x9  }
0x10a: {  	s1 =	sand.u32 $0x380, s1;
	s0 =	sadd.s32 s0, s10  }
0x10b: {  	s0 =	sadd.s32 s1, s0  }
0x10c: {  	[tilespmem:s0+$0x14400] =	vst v1  }
0x10d: {  	v1 =	vld [tilespmem:s11+$0x7710];
	_ =	sdelay $0x1  }
0x10e: {  	(v2sf) =	vpush v0, $0x7;
	_ =	sdelay $0x1  }
0x10f: {  	s0 =	sadd.s32 $0x14400, s0  }
0x110: {  	[tilespmem:s0+$0x10] =	vst v1  }
0x111: {  	v1 =	vld [tilespmem:s11+$0x7720];
	_ =	sdelay $0x4  }
0x112: {  	[tilespmem:s0+$0x20] =	vst v1  }
0x113: {  	s1 =	sadd.s32 $0x229, s30;
	v1 =	vld [tilespmem:s11+$0x7730]  }
0x114: {  	s31 =	sshrl.u32 s1, $0xB  }
0x115: {  	s10 =	smul.u32 $0x1A, s31  }
0x116: {  	s11 =	sshrl.u32 s1, $0xE  }
0x117: {  	s10 =	ssub.s32 s28, s10;
	s31 =	sand.u32 $0x3, s11  }
0x118: {  	s10 =	sshll.u32 s10, $0x9;
	s11 =	spop (v2sf);
	s31 =	smul.u32 $0xD000, s31;
	[tilespmem:s0+$0x30] =	vst v1  }
0x119: {  	s0 =	sadd.s32 $0xE00, s10;
	v1 =	vld [tilespmem:s11+$0x7780]  }
0x11a: {  	s1 =	sshrl.u32 s1, $0x4;
	s31 =	sshrl.u32 s31, $0x2;
	s0 =	sand.u32 $0x3C00, s0  }
0x11b: {  	s1 =	sand.u32 $0x380, s1;
	s0 =	sadd.s32 s0, s31  }
0x11c: {  	s0 =	sor.u32 s1, s0  }
0x11d: {  	s0 =	sadd.s32 $0x14400, s0  }
0x11e: {  	[tilespmem:s0+$0x40] =	vst v1  }
0x11f: {  	v1 =	vld [tilespmem:s11+$0x7790];
	_ =	sdelay $0x1  }
0x120: {  	(v2sf) =	vpush v0, $0x8;
	_ =	sdelay $0x2  }
0x121: {  	[tilespmem:s0+$0x50] =	vst v1  }
0x122: {  	v1 =	vld [tilespmem:s11+$0x77A0];
	_ =	sdelay $0x4  }
0x123: {  	[tilespmem:s0+$0x60] =	vst v1  }
0x124: {  	s1 =	sadd.s32 $0x278, s30;
	v1 =	vld [tilespmem:s11+$0x77B0]  }
0x125: {  	s31 =	sshrl.u32 s1, $0xB  }
0x126: {  	s10 =	sand.u32 $0x1F, s31  }
0x127: {  	s11 =	smul.u32 $0x1A, s10;
	_ =	sdelay $0x1  }
0x128: {  	s10 =	sshrl.u32 s10, $0x3;
	[tilespmem:s0+$0x70] =	vst v1;
	s0 =	ssub.s32 s28, s11;
	s11 =	spop (v2sf)  }
0x129: {  	s10 =	smul.u32 $0xD000, s10;
	s0 =	sadd.s32 $0x8, s0;
	v1 =	vld [tilespmem:s11+$0x7800]  }
0x12a: {  	s0 =	sand.u32 $0xFF, s0  }
0x12b: {  	s1 =	sshrl.u32 s1, $0x4;
	s10 =	sshrl.u32 s10, $0x2;
	s0 =	sshll.u32 s0, $0x9  }
0x12c: {  	s1 =	sand.u32 $0x380, s1;
	s0 =	sadd.s32 s0, s10  }
0x12d: {  	s0 =	sadd.s32 s1, s0  }
0x12e: {  	[tilespmem:s0+$0x14400] =	vst v1  }
0x12f: {  	v1 =	vld [tilespmem:s11+$0x7810];
	_ =	sdelay $0x1  }
0x130: {  	(v2sf) =	vpush v0, $0x9;
	_ =	sdelay $0x1  }
0x131: {  	s0 =	sadd.s32 $0x14400, s0  }
0x132: {  	[tilespmem:s0+$0x10] =	vst v1  }
0x133: {  	v1 =	vld [tilespmem:s11+$0x7820];
	_ =	sdelay $0x4  }
0x134: {  	[tilespmem:s0+$0x20] =	vst v1  }
0x135: {  	s1 =	sadd.s32 $0x2C7, s30;
	v1 =	vld [tilespmem:s11+$0x7830]  }
0x136: {  	s31 =	sshrl.u32 s1, $0xB  }
0x137: {  	s10 =	smul.u32 $0x1A, s31  }
0x138: {  	s11 =	sshrl.u32 s1, $0xE  }
0x139: {  	s10 =	ssub.s32 s28, s10;
	s31 =	sand.u32 $0x3, s11  }
0x13a: {  	s10 =	sshll.u32 s10, $0x9;
	s11 =	spop (v2sf);
	s31 =	smul.u32 $0xD000, s31;
	[tilespmem:s0+$0x30] =	vst v1  }
0x13b: {  	s0 =	sadd.s32 $0x1200, s10;
	v1 =	vld [tilespmem:s11+$0x7880]  }
0x13c: {  	s1 =	sshrl.u32 s1, $0x4;
	s31 =	sshrl.u32 s31, $0x2;
	s0 =	sand.u32 $0x3C00, s0  }
0x13d: {  	s1 =	sand.u32 $0x380, s1;
	s0 =	sadd.s32 s0, s31  }
0x13e: {  	s0 =	sor.u32 s1, s0  }
0x13f: {  	s0 =	sadd.s32 $0x14400, s0  }
0x140: {  	[tilespmem:s0+$0x40] =	vst v1  }
0x141: {  	v1 =	vld [tilespmem:s11+$0x7890];
	_ =	sdelay $0x1  }
0x142: {  	(v2sf) =	vpush v0, $0xA;
	_ =	sdelay $0x2  }
0x143: {  	[tilespmem:s0+$0x50] =	vst v1  }
0x144: {  	v1 =	vld [tilespmem:s11+$0x78A0];
	_ =	sdelay $0x4  }
0x145: {  	[tilespmem:s0+$0x60] =	vst v1  }
0x146: {  	s1 =	sadd.s32 $0x316, s30;
	v1 =	vld [tilespmem:s11+$0x78B0]  }
0x147: {  	s31 =	sshrl.u32 s1, $0xB  }
0x148: {  	s10 =	sand.u32 $0x1F, s31  }
0x149: {  	s11 =	smul.u32 $0x1A, s10;
	_ =	sdelay $0x1  }
0x14a: {  	s10 =	sshrl.u32 s10, $0x3;
	[tilespmem:s0+$0x70] =	vst v1;
	s0 =	ssub.s32 s28, s11;
	s11 =	spop (v2sf)  }
0x14b: {  	s10 =	smul.u32 $0xD000, s10;
	s0 =	sadd.s32 $0xA, s0;
	v1 =	vld [tilespmem:s11+$0x7900]  }
0x14c: {  	s0 =	sand.u32 $0xFF, s0  }
0x14d: {  	s1 =	sshrl.u32 s1, $0x4;
	s10 =	sshrl.u32 s10, $0x2;
	s0 =	sshll.u32 s0, $0x9  }
0x14e: {  	s1 =	sand.u32 $0x380, s1;
	s0 =	sadd.s32 s0, s10  }
0x14f: {  	s0 =	sadd.s32 s1, s0  }
0x150: {  	[tilespmem:s0+$0x14400] =	vst v1  }
0x151: {  	v1 =	vld [tilespmem:s11+$0x7910];
	_ =	sdelay $0x1  }
0x152: {  	(v2sf) =	vpush v0, $0xB;
	_ =	sdelay $0x1  }
0x153: {  	s0 =	sadd.s32 $0x14400, s0  }
0x154: {  	[tilespmem:s0+$0x10] =	vst v1  }
0x155: {  	v1 =	vld [tilespmem:s11+$0x7920];
	_ =	sdelay $0x4  }
0x156: {  	[tilespmem:s0+$0x20] =	vst v1  }
0x157: {  	s1 =	sadd.s32 $0x365, s30;
	v1 =	vld [tilespmem:s11+$0x7930]  }
0x158: {  	s31 =	sshrl.u32 s1, $0xB  }
0x159: {  	s10 =	smul.u32 $0x1A, s31  }
0x15a: {  	s11 =	sshrl.u32 s1, $0xE  }
0x15b: {  	s10 =	ssub.s32 s28, s10;
	s31 =	sand.u32 $0x3, s11  }
0x15c: {  	s10 =	sshll.u32 s10, $0x9;
	s11 =	spop (v2sf);
	s31 =	smul.u32 $0xD000, s31;
	[tilespmem:s0+$0x30] =	vst v1  }
0x15d: {  	s0 =	sadd.s32 $0x1600, s10;
	v1 =	vld [tilespmem:s11+$0x7980]  }
0x15e: {  	s1 =	sshrl.u32 s1, $0x4;
	s31 =	sshrl.u32 s31, $0x2;
	s0 =	sand.u32 $0x3C00, s0  }
0x15f: {  	s1 =	sand.u32 $0x380, s1;
	s0 =	sadd.s32 s0, s31  }
0x160: {  	s0 =	sor.u32 s1, s0  }
0x161: {  	s0 =	sadd.s32 $0x14400, s0  }
0x162: {  	[tilespmem:s0+$0x40] =	vst v1  }
0x163: {  	v1 =	vld [tilespmem:s11+$0x7990];
	_ =	sdelay $0x1  }
0x164: {  	(v2sf) =	vpush v0, $0xC;
	_ =	sdelay $0x2  }
0x165: {  	[tilespmem:s0+$0x50] =	vst v1  }
0x166: {  	v1 =	vld [tilespmem:s11+$0x79A0];
	_ =	sdelay $0x4  }
0x167: {  	[tilespmem:s0+$0x60] =	vst v1  }
0x168: {  	s1 =	sadd.s32 $0x3B4, s30;
	v1 =	vld [tilespmem:s11+$0x79B0]  }
0x169: {  	s31 =	sshrl.u32 s1, $0xB  }
0x16a: {  	s10 =	sand.u32 $0x1F, s31  }
0x16b: {  	s11 =	smul.u32 $0x1A, s10;
	_ =	sdelay $0x1  }
0x16c: {  	s10 =	sshrl.u32 s10, $0x3;
	[tilespmem:s0+$0x70] =	vst v1;
	s0 =	ssub.s32 s28, s11;
	s11 =	spop (v2sf)  }
0x16d: {  	s10 =	smul.u32 $0xD000, s10;
	s0 =	sadd.s32 $0xC, s0;
	v1 =	vld [tilespmem:s11+$0x7A00]  }
0x16e: {  	s0 =	sand.u32 $0xFF, s0  }
0x16f: {  	s1 =	sshrl.u32 s1, $0x4;
	s10 =	sshrl.u32 s10, $0x2;
	s0 =	sshll.u32 s0, $0x9  }
0x170: {  	s1 =	sand.u32 $0x380, s1;
	s0 =	sadd.s32 s0, s10  }
0x171: {  	s0 =	sadd.s32 s1, s0  }
0x172: {  	[tilespmem:s0+$0x14400] =	vst v1  }
0x173: {  	v1 =	vld [tilespmem:s11+$0x7A10];
	_ =	sdelay $0x1  }
0x174: {  	(v2sf) =	vpush v0, $0xD;
	_ =	sdelay $0x1  }
0x175: {  	s0 =	sadd.s32 $0x14400, s0  }
0x176: {  	[tilespmem:s0+$0x10] =	vst v1  }
0x177: {  	v1 =	vld [tilespmem:s11+$0x7A20];
	_ =	sdelay $0x4  }
0x178: {  	[tilespmem:s0+$0x20] =	vst v1  }
0x179: {  	s1 =	sadd.s32 $0x403, s30;
	v1 =	vld [tilespmem:s11+$0x7A30]  }
0x17a: {  	s31 =	sshrl.u32 s1, $0xB  }
0x17b: {  	s10 =	smul.u32 $0x1A, s31  }
0x17c: {  	s11 =	sshrl.u32 s1, $0xE  }
0x17d: {  	s10 =	ssub.s32 s28, s10;
	s31 =	sand.u32 $0x3, s11  }
0x17e: {  	s10 =	sshll.u32 s10, $0x9;
	s11 =	spop (v2sf);
	s31 =	smul.u32 $0xD000, s31;
	[tilespmem:s0+$0x30] =	vst v1  }
0x17f: {  	s0 =	sadd.s32 $0x1A00, s10;
	v1 =	vld [tilespmem:s11+$0x7A80]  }
0x180: {  	s1 =	sshrl.u32 s1, $0x4;
	s31 =	sshrl.u32 s31, $0x2;
	s0 =	sand.u32 $0x3C00, s0  }
0x181: {  	s1 =	sand.u32 $0x380, s1;
	s0 =	sadd.s32 s0, s31  }
0x182: {  	s0 =	sor.u32 s1, s0  }
0x183: {  	s0 =	sadd.s32 $0x14400, s0  }
0x184: {  	[tilespmem:s0+$0x40] =	vst v1  }
0x185: {  	v1 =	vld [tilespmem:s11+$0x7A90];
	_ =	sdelay $0x1  }
0x186: {  	(v2sf) =	vpush v0, $0xE;
	_ =	sdelay $0x2  }
0x187: {  	[tilespmem:s0+$0x50] =	vst v1  }
0x188: {  	v1 =	vld [tilespmem:s11+$0x7AA0];
	_ =	sdelay $0x4  }
0x189: {  	[tilespmem:s0+$0x60] =	vst v1  }
0x18a: {  	s1 =	sadd.s32 $0x452, s30;
	v1 =	vld [tilespmem:s11+$0x7AB0]  }
0x18b: {  	s31 =	sshrl.u32 s1, $0xB  }
0x18c: {  	s10 =	sand.u32 $0x1F, s31  }
0x18d: {  	s11 =	smul.u32 $0x1A, s10;
	_ =	sdelay $0x1  }
0x18e: {  	s10 =	sshrl.u32 s10, $0x3;
	[tilespmem:s0+$0x70] =	vst v1;
	s0 =	ssub.s32 s28, s11;
	s11 =	spop (v2sf)  }
0x18f: {  	s10 =	smul.u32 $0xD000, s10;
	s0 =	sadd.s32 $0xE, s0;
	v1 =	vld [tilespmem:s11+$0x7B00]  }
0x190: {  	s0 =	sand.u32 $0xFF, s0  }
0x191: {  	s1 =	sshrl.u32 s1, $0x4;
	s10 =	sshrl.u32 s10, $0x2;
	s0 =	sshll.u32 s0, $0x9  }
0x192: {  	s1 =	sand.u32 $0x380, s1;
	s0 =	sadd.s32 s0, s10  }
0x193: {  	s0 =	sadd.s32 s1, s0  }
0x194: {  	[tilespmem:s0+$0x14400] =	vst v1  }
0x195: {  	v1 =	vld [tilespmem:s11+$0x7B10];
	_ =	sdelay $0x1  }
0x196: {  	(v2sf) =	vpush v0, $0xF;
	_ =	sdelay $0x1  }
0x197: {  	s0 =	sadd.s32 $0x14400, s0  }
0x198: {  	[tilespmem:s0+$0x10] =	vst v1  }
0x199: {  	v63 =	vld [tilespmem:s11+$0x7B20];
	_ =	sdelay $0x4  }
0x19a: {  	[tilespmem:s0+$0x20] =	vst v63  }
0x19b: {  	s1 =	sadd.s32 $0x4A1, s30;
	v0 =	vld [tilespmem:s11+$0x7B30]  }
0x19c: {  	s31 =	sshrl.u32 s1, $0xB  }
0x19d: {  	s10 =	smul.u32 $0x1A, s31  }
0x19e: {  	s30 =	sshrl.u32 s1, $0xE  }
0x19f: {  	s30 =	sand.u32 $0x3, s30;
	s10 =	ssub.s32 s28, s10  }
0x1a0: {  	s30 =	smul.u32 $0xD000, s30;
	s31 =	spop (v2sf);
	s11 =	sshll.u32 s10, $0x9;
	[tilespmem:s0+$0x30] =	vst v0  }
0x1a1: {  	s0 =	sadd.s32 $0x1E00, s11;
	v0 =	vld [tilespmem:s31+$0x7B80]  }
0x1a2: {  	s1 =	sshrl.u32 s1, $0x4;
	s30 =	sshrl.u32 s30, $0x2;
	s0 =	sand.u32 $0x3C00, s0  }
0x1a3: {  	s1 =	sand.u32 $0x380, s1;
	s0 =	sadd.s32 s0, s30  }
0x1a4: {  	s0 =	sor.u32 s1, s0  }
0x1a5: {  	s0 =	sadd.s32 $0x14400, s0  }
0x1a6: {  	[tilespmem:s0+$0x40] =	vst v0  }
0x1a7: {  	v0 =	vld [tilespmem:s31+$0x7B90];
	_ =	sdelay $0x4  }
0x1a8: {  	[tilespmem:s0+$0x50] =	vst v0  }
0x1a9: {  	v0 =	vld [tilespmem:s31+$0x7BA0];
	_ =	sdelay $0x4  }
0x1aa: {  	[tilespmem:s0+$0x60] =	vst v0  }
0x1ab: {  	p0 =	sne.s32 s29, $0x18000;
	v0 =	vld [tilespmem:s31+$0x7BB0]  }
.Ltmp3:
0x1ac: {  	_ = 	snop;
	(pc) =	sbr.rel @p0 .LBB2_5-.Ltmp3, $2  }
0x1ad: {  	_ =	sdelay $0x2  }
0x1ae: {  	s26 =	sadd.s32 $0x10, s26;
	s29 =	sadd.s32 $0x2000, s29;
	s28 =	sadd.s32 $0x10, s28;
	[tilespmem:s0+$0x70] =	vst v0  }
0x1af: {  	s0 =	sshll.u32 s25, $0x1  }
0x1b0: {  	s1 =	sadd.s32 s5, s0  }
0x1b1: {  	s1 =	smul.u32 $0x680, s1;
	_ =	sdelay $0x1  }
0x1b2: {  	p0 =	seq.s32 s25, $0x1F;
	s1 =	sadd.s32 s2, s1  }
0x1b3: {  	[hbm4b:s1+s3] =	stream.linear.scatter [tilespmem:s20], [sflag:$0x3], $0x3400, $0x38;
	[tilespmem:$0x17800] =	vst v63  }
0x1b4: {  	s1 =	sshll.u32 @!p0 s25, $0x9;
	_ =	swait.ge [sflag:s8], $0x3400  }
0x1b5: {  	s26 =	simm.s32 @!p0 $0x80;
	s1 =	sand.u32 @!p0 $0x3FFFFE00, s1;
	[sflag:s8] =	ssyncset.done $0x0  }
0x1b6: {  	s28 =	simm.s32 @!p0 $0x7400;
	s10 =	sadd.s32 @!p0 $0x3600, s1;
	[sflag:s8] =	ssyncadd.s32 $0xFFFFCC00  }
0x1b7: {  	[tilespmem:s28], [sflag:$0x1] =	stream.indirect.gather @!p0 [hbm4b:s4+s26], $0x80, s10, s26, $0xb8;
	[tilespmem:$0x17800] =	vst v63  }
0x1b8: {  	s1 =	sadd.s32 @!p0 $0x3680, s1;
	s10 =	simm.s32 @!p0 $0x50;
	s26 =	simm.s32 @!p0 $0xB400  }
0x1b9: {  	[tilespmem:s26], [sflag:$0x1] =	stream.indirect.gather @!p0 [hbm4b:s4+s10], $0x80, s1, s10, $0xb8;
	[tilespmem:$0x17800] =	vst v63  }
0x1ba: {  	_ =	swait.ge [sflag:s21], $0x4000  }
0x1bb: {  	[sflag:s21] =	ssyncset.done $0x0  }
0x1bc: {  	[sflag:s21] =	ssyncadd.s32 $0xFFFFC000  }
0x1bd: {  	_ =	swait.ge [sflag:s21], $0x2800  }
0x1be: {  	s29 =	smov.u32 s24;
	s30 =	simm.s32 $0x0;
	[sflag:s21] =	ssyncset.done $0x0  }
0x1bf: {  	s28 =	simm.s32 $0x0;
	s26 =	sor.u32 $0x1, s0;
	[sflag:s21] =	ssyncadd.s32 $0xFFFFD800  }
.LBB2_7:
0x1c0: {  	v0 =	vld [tilespmem:s29+$0x0];
	_ =	sdelay $0x4  }
0x1c1: {  	v0 =	vand.u32 $0x1, v0  }
0x1c2: {  	s0 =	sshra.s32 s30, $0x2;
	v0 =	vshll.u32 v0, $0x6  }
0x1c3: {  	v0 =	vadd.s32 s0, v0  }
0x1c4: {  	(v2sf) =	vpush v0, $0x0;
	_ =	sdelay $0x9  }
0x1c5: {  	s10 =	sand.u32 $0xFF, s28  }
0x1c6: {  	s0 =	smul.u32 $0x4F, s10;
	_ =	sdelay $0x1  }
0x1c7: {  	s1 =	sshrl.u32 s0, $0xB  }
0x1c8: {  	s10 =	sshrl.u32 s0, $0xE;
	s1 =	smul.u32 $0x1A, s1  }
0x1c9: {  	s10 =	smul.u32 $0xD000, s10;
	s11 =	spop (v2sf)  }
0x1ca: {  	s1 =	ssub.s32 s28, s1;
	v1 =	vld [tilespmem:s11+$0xDC00]  }
0x1cb: {  	s10 =	sshrl.u32 s10, $0x2;
	s1 =	sand.u32 $0xFF, s1  }
0x1cc: {  	s0 =	sshrl.u32 s0, $0x4;
	s10 =	sadd.s32 $0x14400, s10;
	s1 =	sshll.u32 s1, $0x9  }
0x1cd: {  	s0 =	sand.u32 $0x380, s0;
	s1 =	sadd.s32 s1, s10  }
0x1ce: {  	s1 =	sadd.s32 s0, s1  }
0x1cf: {  	[tilespmem:s1+$0x0] =	vst v1  }
0x1d0: {  	v1 =	vld [tilespmem:s11+$0xDC10];
	_ =	sdelay $0x1  }
0x1d1: {  	(v2sf) =	vpush v0, $0x1;
	_ =	sdelay $0x2  }
0x1d2: {  	[tilespmem:s1+$0x10] =	vst v1  }
0x1d3: {  	v1 =	vld [tilespmem:s11+$0xDC20];
	_ =	sdelay $0x4  }
0x1d4: {  	s31 =	smul.u32 $0x4F, s28;
	[tilespmem:s1+$0x20] =	vst v1  }
0x1d5: {  	v1 =	vld [tilespmem:s11+$0xDC30]  }
0x1d6: {  	s11 =	sadd.s32 $0x4F, s31  }
0x1d7: {  	s11 =	sshrl.u32 s11, $0xB  }
0x1d8: {  	s11 =	smul.u32 $0x1A, s11;
	_ =	sdelay $0x1  }
0x1d9: {  	[tilespmem:s1+$0x30] =	vst v1;
	s1 =	ssub.s32 s28, s11;
	s11 =	spop (v2sf)  }
0x1da: {  	s1 =	sshll.u32 s1, $0x9;
	v1 =	vld [tilespmem:s11+$0xDC80]  }
0x1db: {  	s1 =	sadd.s32 $0x200, s1  }
0x1dc: {  	s1 =	sand.u32 $0x3C00, s1  }
0x1dd: {  	s1 =	sadd.s32 s1, s10  }
0x1de: {  	s0 =	sor.u32 s0, s1  }
0x1df: {  	[tilespmem:s0+$0x40] =	vst v1  }
0x1e0: {  	v1 =	vld [tilespmem:s11+$0xDC90];
	_ =	sdelay $0x1  }
0x1e1: {  	(v2sf) =	vpush v0, $0x2;
	_ =	sdelay $0x2  }
0x1e2: {  	[tilespmem:s0+$0x50] =	vst v1  }
0x1e3: {  	v1 =	vld [tilespmem:s11+$0xDCA0];
	_ =	sdelay $0x4  }
0x1e4: {  	[tilespmem:s0+$0x60] =	vst v1  }
0x1e5: {  	s1 =	sadd.s32 $0x9E, s31;
	v1 =	vld [tilespmem:s11+$0xDCB0]  }
0x1e6: {  	s11 =	sshrl.u32 s1, $0xB  }
0x1e7: {  	s10 =	sand.u32 $0x1F, s11  }
0x1e8: {  	s11 =	smul.u32 $0x1A, s10;
	_ =	sdelay $0x1  }
0x1e9: {  	s10 =	sshrl.u32 s10, $0x3;
	[tilespmem:s0+$0x70] =	vst v1;
	s0 =	ssub.s32 s28, s11;
	s11 =	spop (v2sf)  }
0x1ea: {  	s10 =	smul.u32 $0xD000, s10;
	s0 =	sadd.s32 $0x2, s0;
	v1 =	vld [tilespmem:s11+$0xDD00]  }
0x1eb: {  	s0 =	sand.u32 $0xFF, s0  }
0x1ec: {  	s1 =	sshrl.u32 s1, $0x4;
	s10 =	sshrl.u32 s10, $0x2;
	s0 =	sshll.u32 s0, $0x9  }
0x1ed: {  	s1 =	sand.u32 $0x380, s1;
	s0 =	sadd.s32 s0, s10  }
0x1ee: {  	s0 =	sadd.s32 s1, s0  }
0x1ef: {  	[tilespmem:s0+$0x14400] =	vst v1  }
0x1f0: {  	v1 =	vld [tilespmem:s11+$0xDD10];
	_ =	sdelay $0x1  }
0x1f1: {  	(v2sf) =	vpush v0, $0x3;
	_ =	sdelay $0x1  }
0x1f2: {  	s0 =	sadd.s32 $0x14400, s0  }
0x1f3: {  	[tilespmem:s0+$0x10] =	vst v1  }
0x1f4: {  	v1 =	vld [tilespmem:s11+$0xDD20];
	_ =	sdelay $0x4  }
0x1f5: {  	[tilespmem:s0+$0x20] =	vst v1  }
0x1f6: {  	s1 =	sadd.s32 $0xED, s31;
	v1 =	vld [tilespmem:s11+$0xDD30]  }
0x1f7: {  	s11 =	sshrl.u32 s1, $0xB  }
0x1f8: {  	s10 =	smul.u32 $0x1A, s11  }
0x1f9: {  	s11 =	sshrl.u32 s1, $0xE  }
0x1fa: {  	s11 =	sand.u32 $0x3, s11;
	s10 =	ssub.s32 s28, s10  }
0x1fb: {  	s11 =	smul.u32 $0xD000, s11;
	[tilespmem:s0+$0x30] =	vst v1;
	s0 =	sshll.u32 s10, $0x9;
	s10 =	spop (v2sf)  }
0x1fc: {  	s0 =	sadd.s32 $0x600, s0;
	v1 =	vld [tilespmem:s10+$0xDD80]  }
0x1fd: {  	s1 =	sshrl.u32 s1, $0x4;
	s11 =	sshrl.u32 s11, $0x2;
	s0 =	sand.u32 $0x3C00, s0  }
0x1fe: {  	s1 =	sand.u32 $0x380, s1;
	s0 =	sadd.s32 s0, s11  }
0x1ff: {  	s0 =	sor.u32 s1, s0  }
0x200: {  	s0 =	sadd.s32 $0x14400, s0  }
0x201: {  	[tilespmem:s0+$0x40] =	vst v1  }
0x202: {  	v1 =	vld [tilespmem:s10+$0xDD90];
	_ =	sdelay $0x1  }
0x203: {  	(v2sf) =	vpush v0, $0x4;
	_ =	sdelay $0x2  }
0x204: {  	[tilespmem:s0+$0x50] =	vst v1  }
0x205: {  	v1 =	vld [tilespmem:s10+$0xDDA0];
	_ =	sdelay $0x4  }
0x206: {  	[tilespmem:s0+$0x60] =	vst v1  }
0x207: {  	s1 =	sadd.s32 $0x13C, s31;
	v1 =	vld [tilespmem:s10+$0xDDB0]  }
0x208: {  	s11 =	sshrl.u32 s1, $0xB  }
0x209: {  	s10 =	sand.u32 $0x1F, s11  }
0x20a: {  	s11 =	smul.u32 $0x1A, s10;
	_ =	sdelay $0x1  }
0x20b: {  	s10 =	sshrl.u32 s10, $0x3;
	[tilespmem:s0+$0x70] =	vst v1;
	s0 =	ssub.s32 s28, s11;
	s11 =	spop (v2sf)  }
0x20c: {  	s10 =	smul.u32 $0xD000, s10;
	s0 =	sadd.s32 $0x4, s0;
	v1 =	vld [tilespmem:s11+$0xDE00]  }
0x20d: {  	s0 =	sand.u32 $0xFF, s0  }
0x20e: {  	s1 =	sshrl.u32 s1, $0x4;
	s10 =	sshrl.u32 s10, $0x2;
	s0 =	sshll.u32 s0, $0x9  }
0x20f: {  	s1 =	sand.u32 $0x380, s1;
	s0 =	sadd.s32 s0, s10  }
0x210: {  	s0 =	sadd.s32 s1, s0  }
0x211: {  	[tilespmem:s0+$0x14400] =	vst v1  }
0x212: {  	v1 =	vld [tilespmem:s11+$0xDE10];
	_ =	sdelay $0x1  }
0x213: {  	(v2sf) =	vpush v0, $0x5;
	_ =	sdelay $0x1  }
0x214: {  	s0 =	sadd.s32 $0x14400, s0  }
0x215: {  	[tilespmem:s0+$0x10] =	vst v1  }
0x216: {  	v1 =	vld [tilespmem:s11+$0xDE20];
	_ =	sdelay $0x4  }
0x217: {  	[tilespmem:s0+$0x20] =	vst v1  }
0x218: {  	s1 =	sadd.s32 $0x18B, s31;
	v1 =	vld [tilespmem:s11+$0xDE30]  }
0x219: {  	s11 =	sshrl.u32 s1, $0xB  }
0x21a: {  	s10 =	smul.u32 $0x1A, s11  }
0x21b: {  	s11 =	sshrl.u32 s1, $0xE  }
0x21c: {  	s11 =	sand.u32 $0x3, s11;
	s10 =	ssub.s32 s28, s10  }
0x21d: {  	s11 =	smul.u32 $0xD000, s11;
	[tilespmem:s0+$0x30] =	vst v1;
	s0 =	sshll.u32 s10, $0x9;
	s10 =	spop (v2sf)  }
0x21e: {  	s0 =	sadd.s32 $0xA00, s0;
	v1 =	vld [tilespmem:s10+$0xDE80]  }
0x21f: {  	s1 =	sshrl.u32 s1, $0x4;
	s11 =	sshrl.u32 s11, $0x2;
	s0 =	sand.u32 $0x3C00, s0  }
0x220: {  	s1 =	sand.u32 $0x380, s1;
	s0 =	sadd.s32 s0, s11  }
0x221: {  	s0 =	sor.u32 s1, s0  }
0x222: {  	s0 =	sadd.s32 $0x14400, s0  }
0x223: {  	[tilespmem:s0+$0x40] =	vst v1  }
0x224: {  	v1 =	vld [tilespmem:s10+$0xDE90];
	_ =	sdelay $0x1  }
0x225: {  	(v2sf) =	vpush v0, $0x6;
	_ =	sdelay $0x2  }
0x226: {  	[tilespmem:s0+$0x50] =	vst v1  }
0x227: {  	v1 =	vld [tilespmem:s10+$0xDEA0];
	_ =	sdelay $0x4  }
0x228: {  	[tilespmem:s0+$0x60] =	vst v1  }
0x229: {  	s1 =	sadd.s32 $0x1DA, s31;
	v1 =	vld [tilespmem:s10+$0xDEB0]  }
0x22a: {  	s11 =	sshrl.u32 s1, $0xB  }
0x22b: {  	s10 =	sand.u32 $0x1F, s11  }
0x22c: {  	s11 =	smul.u32 $0x1A, s10;
	_ =	sdelay $0x1  }
0x22d: {  	s10 =	sshrl.u32 s10, $0x3;
	[tilespmem:s0+$0x70] =	vst v1;
	s0 =	ssub.s32 s28, s11;
	s11 =	spop (v2sf)  }
0x22e: {  	s10 =	smul.u32 $0xD000, s10;
	s0 =	sadd.s32 $0x6, s0;
	v1 =	vld [tilespmem:s11+$0xDF00]  }
0x22f: {  	s0 =	sand.u32 $0xFF, s0  }
0x230: {  	s1 =	sshrl.u32 s1, $0x4;
	s10 =	sshrl.u32 s10, $0x2;
	s0 =	sshll.u32 s0, $0x9  }
0x231: {  	s1 =	sand.u32 $0x380, s1;
	s0 =	sadd.s32 s0, s10  }
0x232: {  	s0 =	sadd.s32 s1, s0  }
0x233: {  	[tilespmem:s0+$0x14400] =	vst v1  }
0x234: {  	v1 =	vld [tilespmem:s11+$0xDF10];
	_ =	sdelay $0x1  }
0x235: {  	(v2sf) =	vpush v0, $0x7;
	_ =	sdelay $0x1  }
0x236: {  	s0 =	sadd.s32 $0x14400, s0  }
0x237: {  	[tilespmem:s0+$0x10] =	vst v1  }
0x238: {  	v1 =	vld [tilespmem:s11+$0xDF20];
	_ =	sdelay $0x4  }
0x239: {  	[tilespmem:s0+$0x20] =	vst v1  }
0x23a: {  	s1 =	sadd.s32 $0x229, s31;
	v1 =	vld [tilespmem:s11+$0xDF30]  }
0x23b: {  	s11 =	sshrl.u32 s1, $0xB  }
0x23c: {  	s10 =	smul.u32 $0x1A, s11  }
0x23d: {  	s11 =	sshrl.u32 s1, $0xE  }
0x23e: {  	s11 =	sand.u32 $0x3, s11;
	s10 =	ssub.s32 s28, s10  }
0x23f: {  	s11 =	smul.u32 $0xD000, s11;
	[tilespmem:s0+$0x30] =	vst v1;
	s0 =	sshll.u32 s10, $0x9;
	s10 =	spop (v2sf)  }
0x240: {  	s0 =	sadd.s32 $0xE00, s0;
	v1 =	vld [tilespmem:s10+$0xDF80]  }
0x241: {  	s1 =	sshrl.u32 s1, $0x4;
	s11 =	sshrl.u32 s11, $0x2;
	s0 =	sand.u32 $0x3C00, s0  }
0x242: {  	s1 =	sand.u32 $0x380, s1;
	s0 =	sadd.s32 s0, s11  }
0x243: {  	s0 =	sor.u32 s1, s0  }
0x244: {  	s0 =	sadd.s32 $0x14400, s0  }
0x245: {  	[tilespmem:s0+$0x40] =	vst v1  }
0x246: {  	v1 =	vld [tilespmem:s10+$0xDF90];
	_ =	sdelay $0x1  }
0x247: {  	(v2sf) =	vpush v0, $0x8;
	_ =	sdelay $0x2  }
0x248: {  	[tilespmem:s0+$0x50] =	vst v1  }
0x249: {  	v1 =	vld [tilespmem:s10+$0xDFA0];
	_ =	sdelay $0x4  }
0x24a: {  	[tilespmem:s0+$0x60] =	vst v1  }
0x24b: {  	s1 =	sadd.s32 $0x278, s31;
	v1 =	vld [tilespmem:s10+$0xDFB0]  }
0x24c: {  	s11 =	sshrl.u32 s1, $0xB  }
0x24d: {  	s10 =	sand.u32 $0x1F, s11  }
0x24e: {  	s11 =	smul.u32 $0x1A, s10;
	_ =	sdelay $0x1  }
0x24f: {  	s10 =	sshrl.u32 s10, $0x3;
	[tilespmem:s0+$0x70] =	vst v1;
	s0 =	ssub.s32 s28, s11;
	s11 =	spop (v2sf)  }
0x250: {  	s10 =	smul.u32 $0xD000, s10;
	s0 =	sadd.s32 $0x8, s0;
	v1 =	vld [tilespmem:s11+$0xE000]  }
0x251: {  	s0 =	sand.u32 $0xFF, s0  }
0x252: {  	s1 =	sshrl.u32 s1, $0x4;
	s10 =	sshrl.u32 s10, $0x2;
	s0 =	sshll.u32 s0, $0x9  }
0x253: {  	s1 =	sand.u32 $0x380, s1;
	s0 =	sadd.s32 s0, s10  }
0x254: {  	s0 =	sadd.s32 s1, s0  }
0x255: {  	[tilespmem:s0+$0x14400] =	vst v1  }
0x256: {  	v1 =	vld [tilespmem:s11+$0xE010];
	_ =	sdelay $0x1  }
0x257: {  	(v2sf) =	vpush v0, $0x9;
	_ =	sdelay $0x1  }
0x258: {  	s0 =	sadd.s32 $0x14400, s0  }
0x259: {  	[tilespmem:s0+$0x10] =	vst v1  }
0x25a: {  	v1 =	vld [tilespmem:s11+$0xE020];
	_ =	sdelay $0x4  }
0x25b: {  	[tilespmem:s0+$0x20] =	vst v1  }
0x25c: {  	s1 =	sadd.s32 $0x2C7, s31;
	v1 =	vld [tilespmem:s11+$0xE030]  }
0x25d: {  	s11 =	sshrl.u32 s1, $0xB  }
0x25e: {  	s10 =	smul.u32 $0x1A, s11  }
0x25f: {  	s11 =	sshrl.u32 s1, $0xE  }
0x260: {  	s11 =	sand.u32 $0x3, s11;
	s10 =	ssub.s32 s28, s10  }
0x261: {  	s11 =	smul.u32 $0xD000, s11;
	[tilespmem:s0+$0x30] =	vst v1;
	s0 =	sshll.u32 s10, $0x9;
	s10 =	spop (v2sf)  }
0x262: {  	s0 =	sadd.s32 $0x1200, s0;
	v1 =	vld [tilespmem:s10+$0xE080]  }
0x263: {  	s1 =	sshrl.u32 s1, $0x4;
	s11 =	sshrl.u32 s11, $0x2;
	s0 =	sand.u32 $0x3C00, s0  }
0x264: {  	s1 =	sand.u32 $0x380, s1;
	s0 =	sadd.s32 s0, s11  }
0x265: {  	s0 =	sor.u32 s1, s0  }
0x266: {  	s0 =	sadd.s32 $0x14400, s0  }
0x267: {  	[tilespmem:s0+$0x40] =	vst v1  }
0x268: {  	v1 =	vld [tilespmem:s10+$0xE090];
	_ =	sdelay $0x1  }
0x269: {  	(v2sf) =	vpush v0, $0xA;
	_ =	sdelay $0x2  }
0x26a: {  	[tilespmem:s0+$0x50] =	vst v1  }
0x26b: {  	v1 =	vld [tilespmem:s10+$0xE0A0];
	_ =	sdelay $0x4  }
0x26c: {  	[tilespmem:s0+$0x60] =	vst v1  }
0x26d: {  	s1 =	sadd.s32 $0x316, s31;
	v1 =	vld [tilespmem:s10+$0xE0B0]  }
0x26e: {  	s11 =	sshrl.u32 s1, $0xB  }
0x26f: {  	s10 =	sand.u32 $0x1F, s11  }
0x270: {  	s11 =	smul.u32 $0x1A, s10;
	_ =	sdelay $0x1  }
0x271: {  	s10 =	sshrl.u32 s10, $0x3;
	[tilespmem:s0+$0x70] =	vst v1;
	s0 =	ssub.s32 s28, s11;
	s11 =	spop (v2sf)  }
0x272: {  	s10 =	smul.u32 $0xD000, s10;
	s0 =	sadd.s32 $0xA, s0;
	v1 =	vld [tilespmem:s11+$0xE100]  }
0x273: {  	s0 =	sand.u32 $0xFF, s0  }
0x274: {  	s1 =	sshrl.u32 s1, $0x4;
	s10 =	sshrl.u32 s10, $0x2;
	s0 =	sshll.u32 s0, $0x9  }
0x275: {  	s1 =	sand.u32 $0x380, s1;
	s0 =	sadd.s32 s0, s10  }
0x276: {  	s0 =	sadd.s32 s1, s0  }
0x277: {  	[tilespmem:s0+$0x14400] =	vst v1  }
0x278: {  	v1 =	vld [tilespmem:s11+$0xE110];
	_ =	sdelay $0x1  }
0x279: {  	(v2sf) =	vpush v0, $0xB;
	_ =	sdelay $0x1  }
0x27a: {  	s0 =	sadd.s32 $0x14400, s0  }
0x27b: {  	[tilespmem:s0+$0x10] =	vst v1  }
0x27c: {  	v1 =	vld [tilespmem:s11+$0xE120];
	_ =	sdelay $0x4  }
0x27d: {  	[tilespmem:s0+$0x20] =	vst v1  }
0x27e: {  	s1 =	sadd.s32 $0x365, s31;
	v1 =	vld [tilespmem:s11+$0xE130]  }
0x27f: {  	s11 =	sshrl.u32 s1, $0xB  }
0x280: {  	s10 =	smul.u32 $0x1A, s11  }
0x281: {  	s11 =	sshrl.u32 s1, $0xE  }
0x282: {  	s11 =	sand.u32 $0x3, s11;
	s10 =	ssub.s32 s28, s10  }
0x283: {  	s11 =	smul.u32 $0xD000, s11;
	[tilespmem:s0+$0x30] =	vst v1;
	s0 =	sshll.u32 s10, $0x9;
	s10 =	spop (v2sf)  }
0x284: {  	s0 =	sadd.s32 $0x1600, s0;
	v1 =	vld [tilespmem:s10+$0xE180]  }
0x285: {  	s1 =	sshrl.u32 s1, $0x4;
	s11 =	sshrl.u32 s11, $0x2;
	s0 =	sand.u32 $0x3C00, s0  }
0x286: {  	s1 =	sand.u32 $0x380, s1;
	s0 =	sadd.s32 s0, s11  }
0x287: {  	s0 =	sor.u32 s1, s0  }
0x288: {  	s0 =	sadd.s32 $0x14400, s0  }
0x289: {  	[tilespmem:s0+$0x40] =	vst v1  }
0x28a: {  	v1 =	vld [tilespmem:s10+$0xE190];
	_ =	sdelay $0x1  }
0x28b: {  	(v2sf) =	vpush v0, $0xC;
	_ =	sdelay $0x2  }
0x28c: {  	[tilespmem:s0+$0x50] =	vst v1  }
0x28d: {  	v1 =	vld [tilespmem:s10+$0xE1A0];
	_ =	sdelay $0x4  }
0x28e: {  	[tilespmem:s0+$0x60] =	vst v1  }
0x28f: {  	s1 =	sadd.s32 $0x3B4, s31;
	v1 =	vld [tilespmem:s10+$0xE1B0]  }
0x290: {  	s11 =	sshrl.u32 s1, $0xB  }
0x291: {  	s10 =	sand.u32 $0x1F, s11  }
0x292: {  	s11 =	smul.u32 $0x1A, s10;
	_ =	sdelay $0x1  }
0x293: {  	s10 =	sshrl.u32 s10, $0x3;
	[tilespmem:s0+$0x70] =	vst v1;
	s0 =	ssub.s32 s28, s11;
	s11 =	spop (v2sf)  }
0x294: {  	s10 =	smul.u32 $0xD000, s10;
	s0 =	sadd.s32 $0xC, s0;
	v1 =	vld [tilespmem:s11+$0xE200]  }
0x295: {  	s0 =	sand.u32 $0xFF, s0  }
0x296: {  	s1 =	sshrl.u32 s1, $0x4;
	s10 =	sshrl.u32 s10, $0x2;
	s0 =	sshll.u32 s0, $0x9  }
0x297: {  	s1 =	sand.u32 $0x380, s1;
	s0 =	sadd.s32 s0, s10  }
0x298: {  	s0 =	sadd.s32 s1, s0  }
0x299: {  	[tilespmem:s0+$0x14400] =	vst v1  }
0x29a: {  	v1 =	vld [tilespmem:s11+$0xE210];
	_ =	sdelay $0x1  }
0x29b: {  	(v2sf) =	vpush v0, $0xD;
	_ =	sdelay $0x1  }
0x29c: {  	s0 =	sadd.s32 $0x14400, s0  }
0x29d: {  	[tilespmem:s0+$0x10] =	vst v1  }
0x29e: {  	v1 =	vld [tilespmem:s11+$0xE220];
	_ =	sdelay $0x4  }
0x29f: {  	[tilespmem:s0+$0x20] =	vst v1  }
0x2a0: {  	s1 =	sadd.s32 $0x403, s31;
	v1 =	vld [tilespmem:s11+$0xE230]  }
0x2a1: {  	s11 =	sshrl.u32 s1, $0xB  }
0x2a2: {  	s10 =	smul.u32 $0x1A, s11  }
0x2a3: {  	s11 =	sshrl.u32 s1, $0xE  }
0x2a4: {  	s11 =	sand.u32 $0x3, s11;
	s10 =	ssub.s32 s28, s10  }
0x2a5: {  	s11 =	smul.u32 $0xD000, s11;
	[tilespmem:s0+$0x30] =	vst v1;
	s0 =	sshll.u32 s10, $0x9;
	s10 =	spop (v2sf)  }
0x2a6: {  	s0 =	sadd.s32 $0x1A00, s0;
	v1 =	vld [tilespmem:s10+$0xE280]  }
0x2a7: {  	s1 =	sshrl.u32 s1, $0x4;
	s11 =	sshrl.u32 s11, $0x2;
	s0 =	sand.u32 $0x3C00, s0  }
0x2a8: {  	s1 =	sand.u32 $0x380, s1;
	s0 =	sadd.s32 s0, s11  }
0x2a9: {  	s0 =	sor.u32 s1, s0  }
0x2aa: {  	s0 =	sadd.s32 $0x14400, s0  }
0x2ab: {  	[tilespmem:s0+$0x40] =	vst v1  }
0x2ac: {  	v1 =	vld [tilespmem:s10+$0xE290];
	_ =	sdelay $0x1  }
0x2ad: {  	(v2sf) =	vpush v0, $0xE;
	_ =	sdelay $0x2  }
0x2ae: {  	[tilespmem:s0+$0x50] =	vst v1  }
0x2af: {  	v1 =	vld [tilespmem:s10+$0xE2A0];
	_ =	sdelay $0x4  }
0x2b0: {  	[tilespmem:s0+$0x60] =	vst v1  }
0x2b1: {  	s1 =	sadd.s32 $0x452, s31;
	v1 =	vld [tilespmem:s10+$0xE2B0]  }
0x2b2: {  	s11 =	sshrl.u32 s1, $0xB  }
0x2b3: {  	s10 =	sand.u32 $0x1F, s11  }
0x2b4: {  	s11 =	smul.u32 $0x1A, s10;
	_ =	sdelay $0x1  }
0x2b5: {  	s10 =	sshrl.u32 s10, $0x3;
	[tilespmem:s0+$0x70] =	vst v1;
	s0 =	ssub.s32 s28, s11;
	s11 =	spop (v2sf)  }
0x2b6: {  	s10 =	smul.u32 $0xD000, s10;
	s0 =	sadd.s32 $0xE, s0;
	v1 =	vld [tilespmem:s11+$0xE300]  }
0x2b7: {  	s0 =	sand.u32 $0xFF, s0  }
0x2b8: {  	s1 =	sshrl.u32 s1, $0x4;
	s10 =	sshrl.u32 s10, $0x2;
	s0 =	sshll.u32 s0, $0x9  }
0x2b9: {  	s1 =	sand.u32 $0x380, s1;
	s0 =	sadd.s32 s0, s10  }
0x2ba: {  	s0 =	sadd.s32 s1, s0  }
0x2bb: {  	[tilespmem:s0+$0x14400] =	vst v1  }
0x2bc: {  	v1 =	vld [tilespmem:s11+$0xE310];
	_ =	sdelay $0x1  }
0x2bd: {  	(v2sf) =	vpush v0, $0xF;
	_ =	sdelay $0x1  }
0x2be: {  	s0 =	sadd.s32 $0x14400, s0  }
0x2bf: {  	[tilespmem:s0+$0x10] =	vst v1  }
0x2c0: {  	v63 =	vld [tilespmem:s11+$0xE320];
	_ =	sdelay $0x4  }
0x2c1: {  	[tilespmem:s0+$0x20] =	vst v63  }
0x2c2: {  	s1 =	sadd.s32 $0x4A1, s31;
	v0 =	vld [tilespmem:s11+$0xE330]  }
0x2c3: {  	s11 =	sshrl.u32 s1, $0xB  }
0x2c4: {  	s10 =	smul.u32 $0x1A, s11  }
0x2c5: {  	s31 =	sshrl.u32 s1, $0xE  }
0x2c6: {  	s11 =	sand.u32 $0x3, s31;
	s10 =	ssub.s32 s28, s10  }
0x2c7: {  	s31 =	spop (v2sf);
	s11 =	smul.u32 $0xD000, s11;
	s10 =	sshll.u32 s10, $0x9;
	[tilespmem:s0+$0x30] =	vst v0  }
0x2c8: {  	s0 =	sadd.s32 $0x1E00, s10;
	v0 =	vld [tilespmem:s31+$0xE380]  }
0x2c9: {  	s1 =	sshrl.u32 s1, $0x4;
	s11 =	sshrl.u32 s11, $0x2;
	s0 =	sand.u32 $0x3C00, s0  }
0x2ca: {  	s1 =	sand.u32 $0x380, s1;
	s0 =	sadd.s32 s0, s11  }
0x2cb: {  	s0 =	sor.u32 s1, s0  }
0x2cc: {  	s0 =	sadd.s32 $0x14400, s0  }
0x2cd: {  	[tilespmem:s0+$0x40] =	vst v0  }
0x2ce: {  	v0 =	vld [tilespmem:s31+$0xE390];
	_ =	sdelay $0x4  }
0x2cf: {  	[tilespmem:s0+$0x50] =	vst v0  }
0x2d0: {  	v0 =	vld [tilespmem:s31+$0xE3A0];
	_ =	sdelay $0x4  }
0x2d1: {  	[tilespmem:s0+$0x60] =	vst v0  }
0x2d2: {  	p1 =	sne.s32 s30, $0x18000;
	v0 =	vld [tilespmem:s31+$0xE3B0]  }
.Ltmp4:
0x2d3: {  	_ = 	snop;
	(pc) =	sbr.rel @p1 .LBB2_7-.Ltmp4, $2  }
0x2d4: {  	_ =	sdelay $0x2  }
0x2d5: {  	s29 =	sadd.s32 $0x10, s29;
	s30 =	sadd.s32 $0x2000, s30;
	s28 =	sadd.s32 $0x10, s28;
	[tilespmem:s0+$0x70] =	vst v0  }
0x2d6: {  	s0 =	sadd.s32 s5, s26  }
0x2d7: {  	s0 =	smul.u32 $0x680, s0;
	_ =	sdelay $0x1  }
.Ltmp5:
0x2d8: {  	s0 =	sadd.s32 s2, s0;
	(pc) =	sbr.rel @p0 .LBB2_10-.Ltmp5, $4  }
0x2d9: {  	[hbm4b:s0+s3] =	stream.linear.scatter [tilespmem:s20], [sflag:$0x3], $0x3400, $0x38;
	[tilespmem:$0x17800] =	vst v63  }
0x2da: {  	_ =	swait.ge [sflag:s8], $0x3400  }
0x2db: {  	[sflag:s8] =	ssyncset.done $0x0  }
0x2dc: {  	[sflag:s8] =	ssyncadd.s32 $0xFFFFCC00  }
0x2dd: {  	s0 =	sshll.u32 s25, $0x9  }
.Ltmp6:
0x2de: {  	s0 =	sand.u32 $0x3FFFFE00, s0;
	(pc) =	sbr.rel .LBB2_4-.Ltmp6, $4  }
0x2df: {  	s25 =	sadd.s32 $0x1, s25;
	s1 =	sadd.s32 $0x3700, s0  }
0x2e0: {  	[tilespmem:s16], [sflag:$0x2] =	stream.indirect.gather [hbm4b:s4+s9], $0x80, s1, s9, $0xb8;
	[tilespmem:$0x17800] =	vst v63  }
0x2e1: {  	s23 =	sadd.s32 $0x1A0, s23;
	s24 =	sadd.s32 $0x1A0, s24;
	s0 =	sadd.s32 $0x3780, s0  }
0x2e2: {  	[tilespmem:s18], [sflag:$0x2] =	stream.indirect.gather [hbm4b:s4+s12], $0x80, s0, s12, $0xb8;
	[tilespmem:$0x17800] =	vst v63  }
.LBB2_11:
0x2e3: {  	_ =	sfence.sel $0x180000  }
0x2e4: {  	[bflag:$0x0] =	sbarrier.arrive $0xFFFF  }
0x2e5: {  	_ =	strace $0x90000047  }
0x2e6: {  	s0 =	stileid.u32;
	[bflag:$0x2] =	sbarrier.arrive $0xFFFF  }
0x2e7: {  	p0 =	sne.s32 s0, $0x0;
	s0 =	rddreg [dreg:$0x2]  }
0x2e8: {  	s0 =	sadd.s32 @!p0 $0x100000, s0  }
0x2e9: {  	[sflag:s0] =	ssyncadd.tile.s32 @!p0 $0x1;
	_ =	shalt  }
.Lfunc_end2:
_tile_overlayer_lowered:
.L_overlay_start_2:
0x2ea: {  	(tag) =	ssettag $0x2  }
0x2eb: {  	s0 =	rddreg [dreg:$0x0];
	s2 =	stileid.u32  }
0x2ec: {  	s1 =	rddreg [dreg:$0x1];
	p0 =	sne.s32 s2, $0x0  }
0x2ed: {  	s3 =	rddreg [dreg:$0x2];
	[bflag:$0x3] =	sbarrier.arrive $0xFFFF;
	s2 =	simm.s32 @!p0 $0x1C03  }
0x2ee: {  	[timem:s3], [sflag:s2] =	dma.local @!p0 [hbm:s0], s1  }
0x2ef: {  	s0 =	simm.s32 @!p0 $0x3  }
0x2f0: {  	_ =	swait.ge @!p0 [sflag:s0], s1  }
0x2f1: {  	s1 =	ssub.s32 @!p0 $0x0, s1;
	[sflag:s0] =	ssyncset.done @!p0 $0x0  }
0x2f2: {  	[sflag:s0] =	ssyncadd.s32 @!p0 s1  }
0x2f3: {  	[bflag:$0x3] =	sbarrier.arrive $0xFFFF  }
0x2f4: {  	_ =	shalt  }

</sc_bundles>
